<compile_context>
chip_gen: v7x
topology: tpu7x:2x2x1
jax: 0.10.2.dev20260603
libtpu: 0.0.44.dev20260713+nightly
codegen_flags: <defaults>
</compile_context>

<pallas_src>
import functools

import jax
import jax.numpy as jnp
from jax import lax
from jax.experimental import pallas as pl
from jax.experimental.pallas import tpu as pltpu
from jax.experimental.pallas import tpu_sc as plsc

N = 10000
E = 320000
D = 128
F1, F2, F3 = 64, 32, 16
T = 16
BN = 16
NC = 2
NT = 16
CH = 128
K = 160
RPT = 632
NP = NT * RPT
_RING = {F1: (5, 3), F2: (8, 4), F3: (8, 4)}
BLK = 2000
NB = N // BLK

_mesh = plsc.VectorSubcoreMesh(core_axis_name="c", subcore_axis_name="s")


@functools.lru_cache(maxsize=None)
def _sc_scatter(F):
    NBUF, GAH = _RING[F]

    @functools.partial(
        pl.kernel,
        out_type=jax.ShapeDtypeStruct((NC * NP, F), jnp.float32),
        mesh=_mesh,
        compiler_params=pltpu.CompilerParams(use_tc_tiling_on_sc=False),
        scratch_types=[
            pltpu.VMEM_SHARED((NP, F), jnp.float32),
            pltpu.VMEM((K, CH), jnp.int32),
            pltpu.VMEM((K, CH), jnp.int32),
            pltpu.VMEM((NBUF, CH, F), jnp.float32),
            pltpu.SemaphoreType.DMA,
            pltpu.SemaphoreType.DMA,
        ],
    )
    def body(src_hbm, dst_hbm, hs_hbm, zeros_hbm, out_hbm, acc_sh, svm, dvm,
             rows, gsem, ssem):
        c = lax.axis_index("c")
        t = lax.axis_index("s")
        r0 = t * RPT
        pltpu.sync_copy(zeros_hbm.at[pl.ds(r0, RPT)], acc_sh.at[pl.ds(r0, RPT)])
        eb = (c * NT + t) * K
        pltpu.sync_copy(src_hbm.at[pl.ds(eb, K)], svm)
        pltpu.sync_copy(dst_hbm.at[pl.ds(eb, K)], dvm)
        plsc.subcore_barrier()

        for b in range(GAH):
            pltpu.async_copy(hs_hbm.at[svm.at[b]], rows.at[b], gsem)

        def outer(kk, carry):
            for j in range(NBUF):
                k = kk * NBUF + j
                pltpu.make_async_copy(hs_hbm.at[svm.at[k]], rows.at[j],
                                      gsem).wait()
                pltpu.async_copy(rows.at[j], acc_sh.at[dvm.at[k]], ssem,
                                 add=True)

                @pl.when(k >= NBUF - GAH)
                def _():
                    pltpu.make_async_copy(rows.at[j], acc_sh.at[dvm.at[k]],
                                          ssem).wait()

                @pl.when(k + GAH < K)
                def _():
                    pltpu.async_copy(hs_hbm.at[svm.at[k + GAH]],
                                     rows.at[(j + GAH) % NBUF], gsem)
            return carry

        lax.fori_loop(0, K // NBUF, outer, 0)
        for j in range(NBUF - GAH):
            pltpu.make_async_copy(rows.at[j], acc_sh.at[dvm.at[j]],
                                  ssem).wait()
        plsc.subcore_barrier()
        pltpu.sync_copy(acc_sh.at[pl.ds(r0, RPT)],
                        out_hbm.at[pl.ds(c * NP + r0, RPT)])

    return body


@functools.partial(
    pl.kernel,
    out_type=jax.ShapeDtypeStruct((NC * NP, 16), jnp.float32),
    mesh=_mesh,
    compiler_params=pltpu.CompilerParams(use_tc_tiling_on_sc=False),
    scratch_types=[
        pltpu.VMEM_SHARED((NP, 16), jnp.float32),
        pltpu.VMEM((K, CH), jnp.int32),
        pltpu.VMEM((CH, 16), jnp.float32),
    ],
)
def _sc_degree(dst_hbm, zeros_hbm, ones_hbm, out_hbm, acc_sh, dvm, ones_v):
    c = lax.axis_index("c")
    t = lax.axis_index("s")
    r0 = t * RPT
    pltpu.sync_copy(zeros_hbm.at[pl.ds(r0, RPT)], acc_sh.at[pl.ds(r0, RPT)])
    pltpu.sync_copy(ones_hbm, ones_v)
    pltpu.sync_copy(dst_hbm.at[pl.ds((c * NT + t) * K, K)], dvm)
    plsc.subcore_barrier()

    def chunk(k, carry):
        pltpu.sync_copy(ones_v, acc_sh.at[dvm.at[k]], add=True)
        return carry

    lax.fori_loop(0, K, chunk, 0)
    plsc.subcore_barrier()
    pltpu.sync_copy(acc_sh.at[pl.ds(r0, RPT)],
                    out_hbm.at[pl.ds(c * NP + r0, RPT)])


def _tc_matmul1(x_all, W1):

    def body(x_ref, w_ref, h_ref):
        h_ref[...] = jnp.dot(x_ref[...], w_ref[...],
                             preferred_element_type=jnp.float32)

    return pl.pallas_call(
        body,
        grid=(NC, NB),
        in_specs=[
            pl.BlockSpec((None, BLK, D), lambda g, i: (g, i, 0)),
            pl.BlockSpec((D, F1), lambda g, i: (0, 0)),
        ],
        out_specs=pl.BlockSpec((None, BLK, F1), lambda g, i: (g, i, 0)),
        out_shape=jax.ShapeDtypeStruct((NC, N, F1), jnp.float32),
    )(x_all, W1)


def _tc_prep(h1, deg_hist):

    def body(h_ref, dh_ref, dinv_ref, hs_ref):
        deg = dh_ref[:, 0:1] + 1.0
        dinv = lax.rsqrt(jnp.maximum(deg, 1e-12))
        hs_ref[...] = h_ref[...] * dinv
        dinv_ref[...] = dinv

    return pl.pallas_call(
        body,
        grid=(NC, NB),
        in_specs=[
            pl.BlockSpec((None, BLK, F1), lambda g, i: (g, i, 0)),
            pl.BlockSpec((None, BLK, 16), lambda g, i: (g, i, 0)),
        ],
        out_specs=[
            pl.BlockSpec((None, BLK, 1), lambda g, i: (g, i, 0)),
            pl.BlockSpec((None, BLK, F1), lambda g, i: (g, i, 0)),
        ],
        out_shape=[
            jax.ShapeDtypeStruct((NC, N, 1), jnp.float32),
            jax.ShapeDtypeStruct((NC, N, F1), jnp.float32),
        ],
    )(h1, deg_hist)


def _tc_layer(acc, hs, dinv, b, W, Fl, Fn):

    def body(a_ref, h_ref, d_ref, b_ref, w_ref, o_ref):
        dv = d_ref[...]
        a = dv * (a_ref[...] + h_ref[...]) + b_ref[...]
        o = jnp.maximum(a, 0.0)
        o_ref[...] = jnp.dot(
            o, w_ref[...], preferred_element_type=jnp.float32) * dv

    return pl.pallas_call(
        body,
        grid=(NC, NB),
        in_specs=[
            pl.BlockSpec((None, BLK, Fl), lambda g, i: (g, i, 0)),
            pl.BlockSpec((None, BLK, Fl), lambda g, i: (g, i, 0)),
            pl.BlockSpec((None, BLK, 1), lambda g, i: (g, i, 0)),
            pl.BlockSpec((1, Fl), lambda g, i: (0, 0)),
            pl.BlockSpec((Fl, Fn), lambda g, i: (0, 0)),
        ],
        out_specs=pl.BlockSpec((None, BLK, Fn), lambda g, i: (g, i, 0)),
        out_shape=jax.ShapeDtypeStruct((NC, N, Fn), jnp.float32),
    )(acc, hs, dinv, b.reshape(1, Fl), W)


def _tc_head(acc, hs, dinv, b3, Wa, WtT, WblockT, bt, Wfc, bfc, Wsc, bsc):

    def body(acc_ref, hs_ref, d_ref, b3_ref, wa_ref, wt_ref, wb_ref, bt_ref,
             wfc_ref, bfc_ref, wsc_ref, bsc_ref, o_ref):
        ps = []
        for g in range(NC):
            ag = (d_ref[g] * (acc_ref[g, 0:N, :] + hs_ref[g])
                  + b3_ref[...])
            mean = jnp.sum(ag, axis=0, keepdims=True) * (1.0 / N)
            tg = jnp.tanh(jnp.dot(mean, wa_ref[...],
                                  preferred_element_type=jnp.float32))
            coefs = jax.nn.sigmoid(jnp.sum(ag * tg, axis=1, keepdims=True))
            ps.append(jnp.sum(coefs * ag, axis=0, keepdims=True))
        p1, p2 = ps
        slices = []
        for t in range(T):
            v = jnp.dot(p1, wt_ref[t], preferred_element_type=jnp.float32)
            slices.append(jnp.sum(v * p2, axis=1, keepdims=True))
        scoring = jnp.concatenate(slices, axis=1)
        combined = jnp.concatenate([p1, p2], axis=1)
        block = jnp.dot(combined, wb_ref[...],
                        preferred_element_type=jnp.float32)
        s = jnp.maximum(scoring + block + bt_ref[...], 0.0)
        s = jnp.maximum(
            jnp.dot(s, wfc_ref[...], preferred_element_type=jnp.float32)
            + bfc_ref[...], 0.0)
        o_ref[...] = jax.nn.sigmoid(
            jnp.dot(s, wsc_ref[...], preferred_element_type=jnp.float32)
            + bsc_ref[...])

    return pl.pallas_call(
        body,
        out_shape=jax.ShapeDtypeStruct((1, 1), jnp.float32),
    )(acc, hs, dinv, b3.reshape(1, F3), Wa, WtT, WblockT, bt.reshape(1, T),
      Wfc, bfc.reshape(1, BN), Wsc, bsc.reshape(1, 1))


def kernel(x1, edge_index1, batch1, x2, edge_index2, batch2,
           W1, b1, W2, b2, W3, b3, Wa, Wt, Wblock, bt, Wfc, bfc, Wsc, bsc):
    del batch1, batch2
    pad = NT * K * CH - E
    i32 = jnp.int32
    zp = jnp.zeros((pad,), i32)
    s1 = jnp.concatenate([edge_index1[0], zp])
    s2 = jnp.concatenate([edge_index2[0], zp]) + N
    src_all = jnp.concatenate([s1, s2]).reshape(NC * NT * K, CH)
    dp = jnp.full((pad,), N, i32)
    d1 = jnp.concatenate([edge_index1[1], dp])
    d2 = jnp.concatenate([edge_index2[1], dp])
    dst_all = jnp.concatenate([d1, d2]).reshape(NC * NT * K, CH)
    x_all = jnp.stack([x1, x2])

    f32 = jnp.float32
    z16 = jnp.zeros((NP, 16), f32)
    z32 = jnp.zeros((NP, F2), f32)
    z64 = jnp.zeros((NP, F1), f32)
    ones16 = jnp.ones((CH, 16), f32)

    deg_hist = _sc_degree(dst_all, z16, ones16).reshape(NC, NP, 16)
    h1 = _tc_matmul1(x_all, W1)
    dinv, hs1 = _tc_prep(h1, deg_hist)
    acc1 = _sc_scatter(F1)(src_all, dst_all, hs1.reshape(NC * N, F1),
                           z64).reshape(NC, NP, F1)
    hs2 = _tc_layer(acc1, hs1, dinv, b1, W2, F1, F2)
    acc2 = _sc_scatter(F2)(src_all, dst_all, hs2.reshape(NC * N, F2),
                           z32).reshape(NC, NP, F2)
    hs3 = _tc_layer(acc2, hs2, dinv, b2, W3, F2, F3)
    acc3 = _sc_scatter(F3)(src_all, dst_all, hs3.reshape(NC * N, F3),
                           z16).reshape(NC, NP, F3)
    score = _tc_head(acc3, hs3, dinv, b3, Wa, jnp.transpose(Wt, (2, 0, 1)),
                     jnp.transpose(Wblock), bt, Wfc, bfc, Wsc, bsc)
    return score.reshape(-1)

# --- scband reference (transcript-rebuilt; emitter-appended) ---
"""Pipeline reference for scband-sim-gnn-68865505624176 (READ-ONLY COPY).

The authoritative reference and input builder live on the scoring server;
editing this copy changes nothing except your own understanding.
"""

import jax, jax.numpy as jnp
import numpy as np

N1 = 10000; E1 = 320000; N2 = 10000; E2 = 320000
D = 128; F1 = 64; F2 = 32; F3 = 16; T = 16; BN = 16
NUM_GRAPHS = 1

def setup_inputs(seed: int = 0):
    key = jax.random.key(seed)
    ks = jax.random.split(key, 24)
    inp = {}
    inp["x1"] = jax.random.normal(ks[0], (N1, D), dtype=jnp.float32)
    inp["edge_index1"] = jax.random.randint(ks[1], (2, E1), 0, N1, dtype=jnp.int32)
    inp["batch1"] = jnp.zeros((N1,), dtype=jnp.int32)
    inp["x2"] = jax.random.normal(ks[2], (N2, D), dtype=jnp.float32)
    inp["edge_index2"] = jax.random.randint(ks[3], (2, E2), 0, N2, dtype=jnp.int32)
    inp["batch2"] = jnp.zeros((N2,), dtype=jnp.int32)
    inp["W1"] = jax.random.normal(ks[4], (D, F1), dtype=jnp.float32) * 0.05
    inp["b1"] = jnp.zeros((F1,), dtype=jnp.float32)
    inp["W2"] = jax.random.normal(ks[5], (F1, F2), dtype=jnp.float32) * 0.05
    inp["b2"] = jnp.zeros((F2,), dtype=jnp.float32)
    inp["W3"] = jax.random.normal(ks[6], (F2, F3), dtype=jnp.float32) * 0.05
    inp["b3"] = jnp.zeros((F3,), dtype=jnp.float32)
    inp["Wa"] = jax.random.normal(ks[7], (F3, F3), dtype=jnp.float32) * 0.05
    inp["Wt"] = jax.random.normal(ks[8], (F3, F3, T), dtype=jnp.float32) * 0.05
    inp["Wblock"] = jax.random.normal(ks[9], (T, 2 * F3), dtype=jnp.float32) * 0.05
    inp["bt"] = jnp.zeros((T,), dtype=jnp.float32)
    inp["Wfc"] = jax.random.normal(ks[10], (T, BN), dtype=jnp.float32) * 0.05
    inp["bfc"] = jnp.zeros((BN,), dtype=jnp.float32)
    inp["Wsc"] = jax.random.normal(ks[11], (BN, 1), dtype=jnp.float32) * 0.05
    inp["bsc"] = jnp.zeros((1,), dtype=jnp.float32)
    return inp

def _gcn(x, ei, W, b):
    n = x.shape[0]
    loop = jnp.arange(n, dtype=ei.dtype)
    src = jnp.concatenate([ei[0], loop])
    dst = jnp.concatenate([ei[1], loop])
    h = x @ W
    deg = jnp.zeros((n,), dtype=x.dtype).at[dst].add(1.0)
    dinv = jax.lax.rsqrt(jnp.maximum(deg, 1e-12))
    norm = dinv[src] * dinv[dst]
    out = jnp.zeros((n, h.shape[1]), dtype=x.dtype).at[dst].add(h[src] * norm[:, None])
    return out + b

def reference(x1, edge_index1, batch1, x2, edge_index2, batch2,
              W1, b1, W2, b2, W3, b3, Wa, Wt, Wblock, bt, Wfc, bfc, Wsc, bsc):
    def conv_pass(x, ei):
        h = jax.nn.relu(_gcn(x, ei, W1, b1))
        h = jax.nn.relu(_gcn(h, ei, W2, b2))
        return _gcn(h, ei, W3, b3)

    def attention(h, batch):
        ones = jnp.ones((h.shape[0],), dtype=h.dtype)
        counts = jax.ops.segment_sum(ones, batch, num_segments=NUM_GRAPHS)
        mean = jax.ops.segment_sum(h, batch, num_segments=NUM_GRAPHS) / counts[:, None]
        tg = jnp.tanh(mean @ Wa)
        coefs = jax.nn.sigmoid(jnp.sum(h * tg[batch], axis=1))
        return jax.ops.segment_sum(coefs[:, None] * h, batch, num_segments=NUM_GRAPHS)

    a1 = conv_pass(x1, edge_index1)
    a2 = conv_pass(x2, edge_index2)
    p1 = attention(a1, batch1)
    p2 = attention(a2, batch2)
    B = p1.shape[0]
    scoring = (p1 @ Wt.reshape(F3, F3 * T)).reshape(B, F3, T).transpose(0, 2, 1)
    scoring = jnp.matmul(scoring, p2[:, :, None]).reshape(B, T)
    combined = jnp.concatenate([p1, p2], axis=1)
    block = (Wblock @ combined.T).T
    scores = jax.nn.relu(scoring + block + bt)
    scores = jax.nn.relu(scores @ Wfc + bfc)
    score = jax.nn.sigmoid(scores @ Wsc + bsc).reshape(-1)
    return score

if __name__ == "__main__":
    import jax
    _d = setup_inputs()
    print(jax.jit(kernel)(*tuple(_d.values())))

</pallas_src>

<mosaic_0001>
#map = affine_map<(d0, d1) -> (0, 0)>
module attributes {stable_mosaic.version = 14 : i64} {
  func.func @body(%arg0: i32, %arg1: i32, %arg2: memref<5120x128xi32, #tpu.memory_space<hbm>>, %arg3: memref<5120x128xi32, #tpu.memory_space<hbm>>, %arg4: memref<20000x16xf32, #tpu.memory_space<hbm>>, %arg5: memref<10112x16xf32, #tpu.memory_space<hbm>>, %arg6: memref<20224x16xf32, #tpu.memory_space<hbm>>, %arg7: memref<10112x16xf32, #tpu.memory_space<vmem_shared>>, %arg8: memref<160x128xi32, #tpu.memory_space<vmem>>, %arg9: memref<160x128xi32, #tpu.memory_space<vmem>>, %arg10: memref<8x128x16xf32, #tpu.memory_space<vmem>>, %arg11: memref<!tpu.dma_semaphore, #tpu.memory_space<semaphore_mem>>, %arg12: memref<!tpu.dma_semaphore, #tpu.memory_space<semaphore_mem>>) attributes {dimension_semantics = [#tpu.dimension_semantics<core_parallel>, #tpu.dimension_semantics<subcore_parallel>], iteration_bounds = array<i64: 2, 16>, scalar_prefetch = 0 : i64, scratch_operands = 6 : i64, tpu.core_type = #tpu.core_type<sc_vector_subcore>, window_params = [{transform_indices = #map}, {transform_indices = #map}, {transform_indices = #map}, {transform_indices = #map}, {transform_indices = #map}]} {
    %mul3A = arith.constant 632 : i32
    %mul3A_0 = arith.muli %arg1, %mul3A : i32
    "tpu.region"() ({
      %run_scoped3A = tpu.sem_alloc : memref<!tpu.dma_semaphore, #tpu.memory_space<semaphore_mem>>
      %dma_start3A_108 = arith.constant 0 : i32
      %dma_start3A_109 = tpu.memref_slice %arg7[%mul3A_0, %dma_start3A_108] : memref<10112x16xf32, #tpu.memory_space<vmem_shared>> -> memref<632x16xf32, #tpu.memory_space<vmem_shared>>
      %dma_start3A_110 = arith.constant 0 : i32
      %dma_start3A_111 = tpu.memref_slice %arg5[%mul3A_0, %dma_start3A_110] : memref<10112x16xf32, #tpu.memory_space<hbm>> -> memref<632x16xf32, #tpu.memory_space<hbm>>
      tpu.enqueue_dma source(%dma_start3A_111 : memref<632x16xf32, #tpu.memory_space<hbm>>) target(%dma_start3A_109 : memref<632x16xf32, #tpu.memory_space<vmem_shared>>) target_semaphore(%run_scoped3A : memref<!tpu.dma_semaphore, #tpu.memory_space<semaphore_mem>>)
      %dma_wait3A_112 = arith.constant 0 : i32
      %dma_wait3A_113 = tpu.memref_slice %arg7[%mul3A_0, %dma_wait3A_112] : memref<10112x16xf32, #tpu.memory_space<vmem_shared>> -> memref<632x16xf32, #tpu.memory_space<vmem_shared>>
      %dma_wait3A_114 = arith.constant 0 : i32
      %dma_wait3A_115 = tpu.memref_slice %arg5[%mul3A_0, %dma_wait3A_114] : memref<10112x16xf32, #tpu.memory_space<hbm>> -> memref<632x16xf32, #tpu.memory_space<hbm>>
      tpu.wait_dma2 semaphore(%run_scoped3A : memref<!tpu.dma_semaphore, #tpu.memory_space<semaphore_mem>>) src(%dma_wait3A_115 : memref<632x16xf32, #tpu.memory_space<hbm>>) dst(%dma_wait3A_113 : memref<632x16xf32, #tpu.memory_space<vmem_shared>>)
      tpu.yield
    }) : () -> ()
    %mul3A_1 = arith.constant 16 : i32
    %mul3A_2 = arith.muli %arg0, %mul3A_1 : i32
    %add3A = arith.addi %mul3A_2, %arg1 : i32
    %mul3A_3 = arith.constant 160 : i32
    %mul3A_4 = arith.muli %add3A, %mul3A_3 : i32
    "tpu.region"() ({
      %run_scoped3A = tpu.sem_alloc : memref<!tpu.dma_semaphore, #tpu.memory_space<semaphore_mem>>
      %dma_start3A_108 = arith.constant 0 : i32
      %dma_start3A_109 = tpu.memref_slice %arg2[%mul3A_4, %dma_start3A_108] : memref<5120x128xi32, #tpu.memory_space<hbm>> -> memref<160x128xi32, #tpu.memory_space<hbm>>
      %dma_start3A_110 = arith.constant 0 : i32
      %dma_start3A_111 = tpu.memref_slice %arg2[%mul3A_4, %dma_start3A_110] : memref<5120x128xi32, #tpu.memory_space<hbm>> -> memref<160x128xi32, #tpu.memory_space<hbm>>
      tpu.enqueue_dma source(%dma_start3A_111 : memref<160x128xi32, #tpu.memory_space<hbm>>) target(%arg8 : memref<160x128xi32, #tpu.memory_space<vmem>>) target_semaphore(%run_scoped3A : memref<!tpu.dma_semaphore, #tpu.memory_space<semaphore_mem>>)
      %dma_wait3A_112 = arith.constant 0 : i32
      %dma_wait3A_113 = tpu.memref_slice %arg2[%mul3A_4, %dma_wait3A_112] : memref<5120x128xi32, #tpu.memory_space<hbm>> -> memref<160x128xi32, #tpu.memory_space<hbm>>
      %dma_wait3A_114 = arith.constant 0 : i32
      %dma_wait3A_115 = tpu.memref_slice %arg2[%mul3A_4, %dma_wait3A_114] : memref<5120x128xi32, #tpu.memory_space<hbm>> -> memref<160x128xi32, #tpu.memory_space<hbm>>
      tpu.wait_dma2 semaphore(%run_scoped3A : memref<!tpu.dma_semaphore, #tpu.memory_space<semaphore_mem>>) src(%dma_wait3A_115 : memref<160x128xi32, #tpu.memory_space<hbm>>) dst(%arg8 : memref<160x128xi32, #tpu.memory_space<vmem>>)
      tpu.yield
    }) : () -> ()
    "tpu.region"() ({
      %run_scoped3A = tpu.sem_alloc : memref<!tpu.dma_semaphore, #tpu.memory_space<semaphore_mem>>
      %dma_start3A_108 = arith.constant 0 : i32
      %dma_start3A_109 = tpu.memref_slice %arg3[%mul3A_4, %dma_start3A_108] : memref<5120x128xi32, #tpu.memory_space<hbm>> -> memref<160x128xi32, #tpu.memory_space<hbm>>
      %dma_start3A_110 = arith.constant 0 : i32
      %dma_start3A_111 = tpu.memref_slice %arg3[%mul3A_4, %dma_start3A_110] : memref<5120x128xi32, #tpu.memory_space<hbm>> -> memref<160x128xi32, #tpu.memory_space<hbm>>
      tpu.enqueue_dma source(%dma_start3A_111 : memref<160x128xi32, #tpu.memory_space<hbm>>) target(%arg9 : memref<160x128xi32, #tpu.memory_space<vmem>>) target_semaphore(%run_scoped3A : memref<!tpu.dma_semaphore, #tpu.memory_space<semaphore_mem>>)
      %dma_wait3A_112 = arith.constant 0 : i32
      %dma_wait3A_113 = tpu.memref_slice %arg3[%mul3A_4, %dma_wait3A_112] : memref<5120x128xi32, #tpu.memory_space<hbm>> -> memref<160x128xi32, #tpu.memory_space<hbm>>
      %dma_wait3A_114 = arith.constant 0 : i32
      %dma_wait3A_115 = tpu.memref_slice %arg3[%mul3A_4, %dma_wait3A_114] : memref<5120x128xi32, #tpu.memory_space<hbm>> -> memref<160x128xi32, #tpu.memory_space<hbm>>
      tpu.wait_dma2 semaphore(%run_scoped3A : memref<!tpu.dma_semaphore, #tpu.memory_space<semaphore_mem>>) src(%dma_wait3A_115 : memref<160x128xi32, #tpu.memory_space<hbm>>) dst(%arg9 : memref<160x128xi32, #tpu.memory_space<vmem>>)
      tpu.yield
    }) : () -> ()
    %barrier3A = arith.constant 0 : index
    tpu.barrier barrier_id(%barrier3A)
    %dma_start3A = arith.constant 0 : i32
    %dma_start3A_5 = arith.constant 0 : i32
    %dma_start3A_6 = arith.constant 0 : i32
    %dma_start3A_7 = arith.constant 0 : i32
    %dma_start3A_8 = tpu.memref_slice %arg10[%dma_start3A_5, %dma_start3A_6, %dma_start3A_7] : memref<8x128x16xf32, #tpu.memory_space<vmem>> -> memref<1x128x16xf32, #tpu.memory_space<vmem>>
    %dma_start3A_9 = tpu.memref_squeeze %dma_start3A_8 : memref<1x128x16xf32, #tpu.memory_space<vmem>> -> memref<128x16xf32, #tpu.memory_space<vmem>>
    %dma_start3A_10 = arith.constant 0 : i32
    %dma_start3A_11 = tpu.memref_slice %arg8[%dma_start3A, %dma_start3A_10] : memref<160x128xi32, #tpu.memory_space<vmem>> -> memref<1x128xi32, #tpu.memory_space<vmem>>
    %dma_start3A_12 = tpu.memref_squeeze %dma_start3A_11 : memref<1x128xi32, #tpu.memory_space<vmem>> -> memref<128xi32, #tpu.memory_space<vmem>>
    %dma_start3A_13 = arith.constant 0 : i32
    %dma_start3A_14 = arith.constant 0 : i32
    %dma_start3A_15 = tpu.memref_slice %arg4[%dma_start3A_13, %dma_start3A_14] : memref<20000x16xf32, #tpu.memory_space<hbm>> -> memref<20000x16xf32, #tpu.memory_space<hbm>>
    tpu.enqueue_indirect_dma source(%dma_start3A_15 : memref<20000x16xf32, #tpu.memory_space<hbm>>) target(%dma_start3A_9 : memref<128x16xf32, #tpu.memory_space<vmem>>) offsets(%dma_start3A_12 : memref<128xi32, #tpu.memory_space<vmem>>) semaphore(%arg11 : memref<!tpu.dma_semaphore, #tpu.memory_space<semaphore_mem>>)
    %dma_start3A_16 = arith.constant 1 : i32
    %dma_start3A_17 = arith.constant 1 : i32
    %dma_start3A_18 = arith.constant 0 : i32
    %dma_start3A_19 = arith.constant 0 : i32
    %dma_start3A_20 = tpu.memref_slice %arg10[%dma_start3A_17, %dma_start3A_18, %dma_start3A_19] : memref<8x128x16xf32, #tpu.memory_space<vmem>> -> memref<1x128x16xf32, #tpu.memory_space<vmem>>
    %dma_start3A_21 = tpu.memref_squeeze %dma_start3A_20 : memref<1x128x16xf32, #tpu.memory_space<vmem>> -> memref<128x16xf32, #tpu.memory_space<vmem>>
    %dma_start3A_22 = arith.constant 0 : i32
    %dma_start3A_23 = tpu.memref_slice %arg8[%dma_start3A_16, %dma_start3A_22] : memref<160x128xi32, #tpu.memory_space<vmem>> -> memref<1x128xi32, #tpu.memory_space<vmem>>
    %dma_start3A_24 = tpu.memref_squeeze %dma_start3A_23 : memref<1x128xi32, #tpu.memory_space<vmem>> -> memref<128xi32, #tpu.memory_space<vmem>>
    %dma_start3A_25 = arith.constant 0 : i32
    %dma_start3A_26 = arith.constant 0 : i32
    %dma_start3A_27 = tpu.memref_slice %arg4[%dma_start3A_25, %dma_start3A_26] : memref<20000x16xf32, #tpu.memory_space<hbm>> -> memref<20000x16xf32, #tpu.memory_space<hbm>>
    tpu.enqueue_indirect_dma source(%dma_start3A_27 : memref<20000x16xf32, #tpu.memory_space<hbm>>) target(%dma_start3A_21 : memref<128x16xf32, #tpu.memory_space<vmem>>) offsets(%dma_start3A_24 : memref<128xi32, #tpu.memory_space<vmem>>) semaphore(%arg11 : memref<!tpu.dma_semaphore, #tpu.memory_space<semaphore_mem>>)
    %dma_start3A_28 = arith.constant 2 : i32
    %dma_start3A_29 = arith.constant 2 : i32
    %dma_start3A_30 = arith.constant 0 : i32
    %dma_start3A_31 = arith.constant 0 : i32
    %dma_start3A_32 = tpu.memref_slice %arg10[%dma_start3A_29, %dma_start3A_30, %dma_start3A_31] : memref<8x128x16xf32, #tpu.memory_space<vmem>> -> memref<1x128x16xf32, #tpu.memory_space<vmem>>
    %dma_start3A_33 = tpu.memref_squeeze %dma_start3A_32 : memref<1x128x16xf32, #tpu.memory_space<vmem>> -> memref<128x16xf32, #tpu.memory_space<vmem>>
    %dma_start3A_34 = arith.constant 0 : i32
    %dma_start3A_35 = tpu.memref_slice %arg8[%dma_start3A_28, %dma_start3A_34] : memref<160x128xi32, #tpu.memory_space<vmem>> -> memref<1x128xi32, #tpu.memory_space<vmem>>
    %dma_start3A_36 = tpu.memref_squeeze %dma_start3A_35 : memref<1x128xi32, #tpu.memory_space<vmem>> -> memref<128xi32, #tpu.memory_space<vmem>>
    %dma_start3A_37 = arith.constant 0 : i32
    %dma_start3A_38 = arith.constant 0 : i32
    %dma_start3A_39 = tpu.memref_slice %arg4[%dma_start3A_37, %dma_start3A_38] : memref<20000x16xf32, #tpu.memory_space<hbm>> -> memref<20000x16xf32, #tpu.memory_space<hbm>>
    tpu.enqueue_indirect_dma source(%dma_start3A_39 : memref<20000x16xf32, #tpu.memory_space<hbm>>) target(%dma_start3A_33 : memref<128x16xf32, #tpu.memory_space<vmem>>) offsets(%dma_start3A_36 : memref<128xi32, #tpu.memory_space<vmem>>) semaphore(%arg11 : memref<!tpu.dma_semaphore, #tpu.memory_space<semaphore_mem>>)
    %dma_start3A_40 = arith.constant 3 : i32
    %dma_start3A_41 = arith.constant 3 : i32
    %dma_start3A_42 = arith.constant 0 : i32
    %dma_start3A_43 = arith.constant 0 : i32
    %dma_start3A_44 = tpu.memref_slice %arg10[%dma_start3A_41, %dma_start3A_42, %dma_start3A_43] : memref<8x128x16xf32, #tpu.memory_space<vmem>> -> memref<1x128x16xf32, #tpu.memory_space<vmem>>
    %dma_start3A_45 = tpu.memref_squeeze %dma_start3A_44 : memref<1x128x16xf32, #tpu.memory_space<vmem>> -> memref<128x16xf32, #tpu.memory_space<vmem>>
    %dma_start3A_46 = arith.constant 0 : i32
    %dma_start3A_47 = tpu.memref_slice %arg8[%dma_start3A_40, %dma_start3A_46] : memref<160x128xi32, #tpu.memory_space<vmem>> -> memref<1x128xi32, #tpu.memory_space<vmem>>
    %dma_start3A_48 = tpu.memref_squeeze %dma_start3A_47 : memref<1x128xi32, #tpu.memory_space<vmem>> -> memref<128xi32, #tpu.memory_space<vmem>>
    %dma_start3A_49 = arith.constant 0 : i32
    %dma_start3A_50 = arith.constant 0 : i32
    %dma_start3A_51 = tpu.memref_slice %arg4[%dma_start3A_49, %dma_start3A_50] : memref<20000x16xf32, #tpu.memory_space<hbm>> -> memref<20000x16xf32, #tpu.memory_space<hbm>>
    tpu.enqueue_indirect_dma source(%dma_start3A_51 : memref<20000x16xf32, #tpu.memory_space<hbm>>) target(%dma_start3A_45 : memref<128x16xf32, #tpu.memory_space<vmem>>) offsets(%dma_start3A_48 : memref<128xi32, #tpu.memory_space<vmem>>) semaphore(%arg11 : memref<!tpu.dma_semaphore, #tpu.memory_space<semaphore_mem>>)
    %scan3A = arith.constant 0 : i32
    %scan3A_52 = arith.constant 0 : i32
    %scan3A_53 = arith.constant 20 : i32
    %scan3A_54 = arith.addi %scan3A_52, %scan3A_53 : i32
    %scan3A_55 = arith.constant 1 : i32
    scf.for %scan3A_108 = %scan3A_52 to %scan3A_54 step %scan3A_55  : i32 {
      %mul3A_109 = arith.constant 8 : i32
      %mul3A_110 = arith.muli %scan3A_108, %mul3A_109 : i32
      %add3A_111 = arith.constant 0 : i32
      %add3A_112 = arith.addi %mul3A_110, %add3A_111 : i32
      %dma_wait3A_113 = arith.constant 0 : i32
      %dma_wait3A_114 = arith.constant 0 : i32
      %dma_wait3A_115 = arith.constant 0 : i32
      %dma_wait3A_116 = tpu.memref_slice %arg10[%dma_wait3A_113, %dma_wait3A_114, %dma_wait3A_115] : memref<8x128x16xf32, #tpu.memory_space<vmem>> -> memref<1x128x16xf32, #tpu.memory_space<vmem>>
      %dma_wait3A_117 = tpu.memref_squeeze %dma_wait3A_116 : memref<1x128x16xf32, #tpu.memory_space<vmem>> -> memref<128x16xf32, #tpu.memory_space<vmem>>
      %dma_wait3A_118 = arith.constant 0 : i32
      %dma_wait3A_119 = tpu.memref_slice %arg8[%add3A_112, %dma_wait3A_118] : memref<160x128xi32, #tpu.memory_space<vmem>> -> memref<1x128xi32, #tpu.memory_space<vmem>>
      %dma_wait3A_120 = tpu.memref_squeeze %dma_wait3A_119 : memref<1x128xi32, #tpu.memory_space<vmem>> -> memref<128xi32, #tpu.memory_space<vmem>>
      %dma_wait3A_121 = arith.constant 0 : i32
      %dma_wait3A_122 = arith.constant 0 : i32
      %dma_wait3A_123 = tpu.memref_slice %arg4[%dma_wait3A_121, %dma_wait3A_122] : memref<20000x16xf32, #tpu.memory_space<hbm>> -> memref<20000x16xf32, #tpu.memory_space<hbm>>
      tpu.wait_indirect_dma semaphore(%arg11 : memref<!tpu.dma_semaphore, #tpu.memory_space<semaphore_mem>>) src(%dma_wait3A_123 : memref<20000x16xf32, #tpu.memory_space<hbm>>) dst(%dma_wait3A_117 : memref<128x16xf32, #tpu.memory_space<vmem>>)
      %dma_start3A_124 = arith.constant 0 : i32
      %dma_start3A_125 = arith.constant 0 : i32
      %dma_start3A_126 = arith.constant 0 : i32
      %dma_start3A_127 = tpu.memref_slice %arg10[%dma_start3A_124, %dma_start3A_125, %dma_start3A_126] : memref<8x128x16xf32, #tpu.memory_space<vmem>> -> memref<1x128x16xf32, #tpu.memory_space<vmem>>
      %dma_start3A_128 = tpu.memref_squeeze %dma_start3A_127 : memref<1x128x16xf32, #tpu.memory_space<vmem>> -> memref<128x16xf32, #tpu.memory_space<vmem>>
      %dma_start3A_129 = arith.constant 0 : i32
      %dma_start3A_130 = tpu.memref_slice %arg9[%add3A_112, %dma_start3A_129] : memref<160x128xi32, #tpu.memory_space<vmem>> -> memref<1x128xi32, #tpu.memory_space<vmem>>
      %dma_start3A_131 = tpu.memref_squeeze %dma_start3A_130 : memref<1x128xi32, #tpu.memory_space<vmem>> -> memref<128xi32, #tpu.memory_space<vmem>>
      %dma_start3A_132 = arith.constant 0 : i32
      %dma_start3A_133 = arith.constant 0 : i32
      %dma_start3A_134 = tpu.memref_slice %arg7[%dma_start3A_132, %dma_start3A_133] : memref<10112x16xf32, #tpu.memory_space<vmem_shared>> -> memref<10112x16xf32, #tpu.memory_space<vmem_shared>>
      tpu.enqueue_indirect_dma source(%dma_start3A_128 : memref<128x16xf32, #tpu.memory_space<vmem>>) target(%dma_start3A_134 : memref<10112x16xf32, #tpu.memory_space<vmem_shared>>) offsets(%dma_start3A_131 : memref<128xi32, #tpu.memory_space<vmem>>) semaphore(%arg12 : memref<!tpu.dma_semaphore, #tpu.memory_space<semaphore_mem>>) {add = true}
      %ge3A = arith.constant 4 : i32
      %ge3A_135 = arith.cmpi sge, %add3A_112, %ge3A : i32
      %convert_element_type3A = arith.extui %ge3A_135 : i1 to i32
      %cond3A = arith.constant 0 : i32
      %cond3A_136 = arith.cmpi ne, %convert_element_type3A, %cond3A : i32
      scf.if %cond3A_136 {
        %dma_wait3A_409 = arith.constant 0 : i32
        %dma_wait3A_410 = arith.constant 0 : i32
        %dma_wait3A_411 = arith.constant 0 : i32
        %dma_wait3A_412 = tpu.memref_slice %arg10[%dma_wait3A_409, %dma_wait3A_410, %dma_wait3A_411] : memref<8x128x16xf32, #tpu.memory_space<vmem>> -> memref<1x128x16xf32, #tpu.memory_space<vmem>>
        %dma_wait3A_413 = tpu.memref_squeeze %dma_wait3A_412 : memref<1x128x16xf32, #tpu.memory_space<vmem>> -> memref<128x16xf32, #tpu.memory_space<vmem>>
        %dma_wait3A_414 = arith.constant 0 : i32
        %dma_wait3A_415 = tpu.memref_slice %arg9[%add3A_112, %dma_wait3A_414] : memref<160x128xi32, #tpu.memory_space<vmem>> -> memref<1x128xi32, #tpu.memory_space<vmem>>
        %dma_wait3A_416 = tpu.memref_squeeze %dma_wait3A_415 : memref<1x128xi32, #tpu.memory_space<vmem>> -> memref<128xi32, #tpu.memory_space<vmem>>
        %dma_wait3A_417 = arith.constant 0 : i32
        %dma_wait3A_418 = arith.constant 0 : i32
        %dma_wait3A_419 = tpu.memref_slice %arg7[%dma_wait3A_417, %dma_wait3A_418] : memref<10112x16xf32, #tpu.memory_space<vmem_shared>> -> memref<10112x16xf32, #tpu.memory_space<vmem_shared>>
        tpu.wait_indirect_dma semaphore(%arg12 : memref<!tpu.dma_semaphore, #tpu.memory_space<semaphore_mem>>) src(%dma_wait3A_413 : memref<128x16xf32, #tpu.memory_space<vmem>>) dst(%dma_wait3A_419 : memref<10112x16xf32, #tpu.memory_space<vmem_shared>>)
      } else {
      }
      %add3A_137 = arith.constant 4 : i32
      %add3A_138 = arith.addi %add3A_112, %add3A_137 : i32
      %lt3A = arith.constant 160 : i32
      %lt3A_139 = arith.cmpi slt, %add3A_138, %lt3A : i32
      %convert_element_type3A_140 = arith.extui %lt3A_139 : i1 to i32
      %cond3A_141 = arith.constant 0 : i32
      %cond3A_142 = arith.cmpi ne, %convert_element_type3A_140, %cond3A_141 : i32
      scf.if %cond3A_142 {
        %add3A_409 = arith.constant 4 : i32
        %add3A_410 = arith.addi %add3A_112, %add3A_409 : i32
        %dma_start3A_411 = arith.constant 4 : i32
        %dma_start3A_412 = arith.constant 0 : i32
        %dma_start3A_413 = arith.constant 0 : i32
        %dma_start3A_414 = tpu.memref_slice %arg10[%dma_start3A_411, %dma_start3A_412, %dma_start3A_413] : memref<8x128x16xf32, #tpu.memory_space<vmem>> -> memref<1x128x16xf32, #tpu.memory_space<vmem>>
        %dma_start3A_415 = tpu.memref_squeeze %dma_start3A_414 : memref<1x128x16xf32, #tpu.memory_space<vmem>> -> memref<128x16xf32, #tpu.memory_space<vmem>>
        %dma_start3A_416 = arith.constant 0 : i32
        %dma_start3A_417 = tpu.memref_slice %arg8[%add3A_410, %dma_start3A_416] : memref<160x128xi32, #tpu.memory_space<vmem>> -> memref<1x128xi32, #tpu.memory_space<vmem>>
        %dma_start3A_418 = tpu.memref_squeeze %dma_start3A_417 : memref<1x128xi32, #tpu.memory_space<vmem>> -> memref<128xi32, #tpu.memory_space<vmem>>
        %dma_start3A_419 = arith.constant 0 : i32
        %dma_start3A_420 = arith.constant 0 : i32
        %dma_start3A_421 = tpu.memref_slice %arg4[%dma_start3A_419, %dma_start3A_420] : memref<20000x16xf32, #tpu.memory_space<hbm>> -> memref<20000x16xf32, #tpu.memory_space<hbm>>
        tpu.enqueue_indirect_dma source(%dma_start3A_421 : memref<20000x16xf32, #tpu.memory_space<hbm>>) target(%dma_start3A_415 : memref<128x16xf32, #tpu.memory_space<vmem>>) offsets(%dma_start3A_418 : memref<128xi32, #tpu.memory_space<vmem>>) semaphore(%arg11 : memref<!tpu.dma_semaphore, #tpu.memory_space<semaphore_mem>>)
      } else {
      }
      %mul3A_143 = arith.constant 8 : i32
      %mul3A_144 = arith.muli %scan3A_108, %mul3A_143 : i32
      %add3A_145 = arith.constant 1 : i32
      %add3A_146 = arith.addi %mul3A_144, %add3A_145 : i32
      %dma_wait3A_147 = arith.constant 1 : i32
      %dma_wait3A_148 = arith.constant 0 : i32
      %dma_wait3A_149 = arith.constant 0 : i32
      %dma_wait3A_150 = tpu.memref_slice %arg10[%dma_wait3A_147, %dma_wait3A_148, %dma_wait3A_149] : memref<8x128x16xf32, #tpu.memory_space<vmem>> -> memref<1x128x16xf32, #tpu.memory_space<vmem>>
      %dma_wait3A_151 = tpu.memref_squeeze %dma_wait3A_150 : memref<1x128x16xf32, #tpu.memory_space<vmem>> -> memref<128x16xf32, #tpu.memory_space<vmem>>
      %dma_wait3A_152 = arith.constant 0 : i32
      %dma_wait3A_153 = tpu.memref_slice %arg8[%add3A_146, %dma_wait3A_152] : memref<160x128xi32, #tpu.memory_space<vmem>> -> memref<1x128xi32, #tpu.memory_space<vmem>>
      %dma_wait3A_154 = tpu.memref_squeeze %dma_wait3A_153 : memref<1x128xi32, #tpu.memory_space<vmem>> -> memref<128xi32, #tpu.memory_space<vmem>>
      %dma_wait3A_155 = arith.constant 0 : i32
      %dma_wait3A_156 = arith.constant 0 : i32
      %dma_wait3A_157 = tpu.memref_slice %arg4[%dma_wait3A_155, %dma_wait3A_156] : memref<20000x16xf32, #tpu.memory_space<hbm>> -> memref<20000x16xf32, #tpu.memory_space<hbm>>
      tpu.wait_indirect_dma semaphore(%arg11 : memref<!tpu.dma_semaphore, #tpu.memory_space<semaphore_mem>>) src(%dma_wait3A_157 : memref<20000x16xf32, #tpu.memory_space<hbm>>) dst(%dma_wait3A_151 : memref<128x16xf32, #tpu.memory_space<vmem>>)
      %dma_start3A_158 = arith.constant 1 : i32
      %dma_start3A_159 = arith.constant 0 : i32
      %dma_start3A_160 = arith.constant 0 : i32
      %dma_start3A_161 = tpu.memref_slice %arg10[%dma_start3A_158, %dma_start3A_159, %dma_start3A_160] : memref<8x128x16xf32, #tpu.memory_space<vmem>> -> memref<1x128x16xf32, #tpu.memory_space<vmem>>
      %dma_start3A_162 = tpu.memref_squeeze %dma_start3A_161 : memref<1x128x16xf32, #tpu.memory_space<vmem>> -> memref<128x16xf32, #tpu.memory_space<vmem>>
      %dma_start3A_163 = arith.constant 0 : i32
      %dma_start3A_164 = tpu.memref_slice %arg9[%add3A_146, %dma_start3A_163] : memref<160x128xi32, #tpu.memory_space<vmem>> -> memref<1x128xi32, #tpu.memory_space<vmem>>
      %dma_start3A_165 = tpu.memref_squeeze %dma_start3A_164 : memref<1x128xi32, #tpu.memory_space<vmem>> -> memref<128xi32, #tpu.memory_space<vmem>>
      %dma_start3A_166 = arith.constant 0 : i32
      %dma_start3A_167 = arith.constant 0 : i32
      %dma_start3A_168 = tpu.memref_slice %arg7[%dma_start3A_166, %dma_start3A_167] : memref<10112x16xf32, #tpu.memory_space<vmem_shared>> -> memref<10112x16xf32, #tpu.memory_space<vmem_shared>>
      tpu.enqueue_indirect_dma source(%dma_start3A_162 : memref<128x16xf32, #tpu.memory_space<vmem>>) target(%dma_start3A_168 : memref<10112x16xf32, #tpu.memory_space<vmem_shared>>) offsets(%dma_start3A_165 : memref<128xi32, #tpu.memory_space<vmem>>) semaphore(%arg12 : memref<!tpu.dma_semaphore, #tpu.memory_space<semaphore_mem>>) {add = true}
      %ge3A_169 = arith.constant 4 : i32
      %ge3A_170 = arith.cmpi sge, %add3A_146, %ge3A_169 : i32
      %convert_element_type3A_171 = arith.extui %ge3A_170 : i1 to i32
      %cond3A_172 = arith.constant 0 : i32
      %cond3A_173 = arith.cmpi ne, %convert_element_type3A_171, %cond3A_172 : i32
      scf.if %cond3A_173 {
        %dma_wait3A_409 = arith.constant 1 : i32
        %dma_wait3A_410 = arith.constant 0 : i32
        %dma_wait3A_411 = arith.constant 0 : i32
        %dma_wait3A_412 = tpu.memref_slice %arg10[%dma_wait3A_409, %dma_wait3A_410, %dma_wait3A_411] : memref<8x128x16xf32, #tpu.memory_space<vmem>> -> memref<1x128x16xf32, #tpu.memory_space<vmem>>
        %dma_wait3A_413 = tpu.memref_squeeze %dma_wait3A_412 : memref<1x128x16xf32, #tpu.memory_space<vmem>> -> memref<128x16xf32, #tpu.memory_space<vmem>>
        %dma_wait3A_414 = arith.constant 0 : i32
        %dma_wait3A_415 = tpu.memref_slice %arg9[%add3A_146, %dma_wait3A_414] : memref<160x128xi32, #tpu.memory_space<vmem>> -> memref<1x128xi32, #tpu.memory_space<vmem>>
        %dma_wait3A_416 = tpu.memref_squeeze %dma_wait3A_415 : memref<1x128xi32, #tpu.memory_space<vmem>> -> memref<128xi32, #tpu.memory_space<vmem>>
        %dma_wait3A_417 = arith.constant 0 : i32
        %dma_wait3A_418 = arith.constant 0 : i32
        %dma_wait3A_419 = tpu.memref_slice %arg7[%dma_wait3A_417, %dma_wait3A_418] : memref<10112x16xf32, #tpu.memory_space<vmem_shared>> -> memref<10112x16xf32, #tpu.memory_space<vmem_shared>>
        tpu.wait_indirect_dma semaphore(%arg12 : memref<!tpu.dma_semaphore, #tpu.memory_space<semaphore_mem>>) src(%dma_wait3A_413 : memref<128x16xf32, #tpu.memory_space<vmem>>) dst(%dma_wait3A_419 : memref<10112x16xf32, #tpu.memory_space<vmem_shared>>)
      } else {
      }
      %add3A_174 = arith.constant 4 : i32
      %add3A_175 = arith.addi %add3A_146, %add3A_174 : i32
      %lt3A_176 = arith.constant 160 : i32
      %lt3A_177 = arith.cmpi slt, %add3A_175, %lt3A_176 : i32
      %convert_element_type3A_178 = arith.extui %lt3A_177 : i1 to i32
      %cond3A_179 = arith.constant 0 : i32
      %cond3A_180 = arith.cmpi ne, %convert_element_type3A_178, %cond3A_179 : i32
      scf.if %cond3A_180 {
        %add3A_409 = arith.constant 4 : i32
        %add3A_410 = arith.addi %add3A_146, %add3A_409 : i32
        %dma_start3A_411 = arith.constant 5 : i32
        %dma_start3A_412 = arith.constant 0 : i32
        %dma_start3A_413 = arith.constant 0 : i32
        %dma_start3A_414 = tpu.memref_slice %arg10[%dma_start3A_411, %dma_start3A_412, %dma_start3A_413] : memref<8x128x16xf32, #tpu.memory_space<vmem>> -> memref<1x128x16xf32, #tpu.memory_space<vmem>>
        %dma_start3A_415 = tpu.memref_squeeze %dma_start3A_414 : memref<1x128x16xf32, #tpu.memory_space<vmem>> -> memref<128x16xf32, #tpu.memory_space<vmem>>
        %dma_start3A_416 = arith.constant 0 : i32
        %dma_start3A_417 = tpu.memref_slice %arg8[%add3A_410, %dma_start3A_416] : memref<160x128xi32, #tpu.memory_space<vmem>> -> memref<1x128xi32, #tpu.memory_space<vmem>>
        %dma_start3A_418 = tpu.memref_squeeze %dma_start3A_417 : memref<1x128xi32, #tpu.memory_space<vmem>> -> memref<128xi32, #tpu.memory_space<vmem>>
        %dma_start3A_419 = arith.constant 0 : i32
        %dma_start3A_420 = arith.constant 0 : i32
        %dma_start3A_421 = tpu.memref_slice %arg4[%dma_start3A_419, %dma_start3A_420] : memref<20000x16xf32, #tpu.memory_space<hbm>> -> memref<20000x16xf32, #tpu.memory_space<hbm>>
        tpu.enqueue_indirect_dma source(%dma_start3A_421 : memref<20000x16xf32, #tpu.memory_space<hbm>>) target(%dma_start3A_415 : memref<128x16xf32, #tpu.memory_space<vmem>>) offsets(%dma_start3A_418 : memref<128xi32, #tpu.memory_space<vmem>>) semaphore(%arg11 : memref<!tpu.dma_semaphore, #tpu.memory_space<semaphore_mem>>)
      } else {
      }
      %mul3A_181 = arith.constant 8 : i32
      %mul3A_182 = arith.muli %scan3A_108, %mul3A_181 : i32
      %add3A_183 = arith.constant 2 : i32
      %add3A_184 = arith.addi %mul3A_182, %add3A_183 : i32
      %dma_wait3A_185 = arith.constant 2 : i32
      %dma_wait3A_186 = arith.constant 0 : i32
      %dma_wait3A_187 = arith.constant 0 : i32
      %dma_wait3A_188 = tpu.memref_slice %arg10[%dma_wait3A_185, %dma_wait3A_186, %dma_wait3A_187] : memref<8x128x16xf32, #tpu.memory_space<vmem>> -> memref<1x128x16xf32, #tpu.memory_space<vmem>>
      %dma_wait3A_189 = tpu.memref_squeeze %dma_wait3A_188 : memref<1x128x16xf32, #tpu.memory_space<vmem>> -> memref<128x16xf32, #tpu.memory_space<vmem>>
      %dma_wait3A_190 = arith.constant 0 : i32
      %dma_wait3A_191 = tpu.memref_slice %arg8[%add3A_184, %dma_wait3A_190] : memref<160x128xi32, #tpu.memory_space<vmem>> -> memref<1x128xi32, #tpu.memory_space<vmem>>
      %dma_wait3A_192 = tpu.memref_squeeze %dma_wait3A_191 : memref<1x128xi32, #tpu.memory_space<vmem>> -> memref<128xi32, #tpu.memory_space<vmem>>
      %dma_wait3A_193 = arith.constant 0 : i32
      %dma_wait3A_194 = arith.constant 0 : i32
      %dma_wait3A_195 = tpu.memref_slice %arg4[%dma_wait3A_193, %dma_wait3A_194] : memref<20000x16xf32, #tpu.memory_space<hbm>> -> memref<20000x16xf32, #tpu.memory_space<hbm>>
      tpu.wait_indirect_dma semaphore(%arg11 : memref<!tpu.dma_semaphore, #tpu.memory_space<semaphore_mem>>) src(%dma_wait3A_195 : memref<20000x16xf32, #tpu.memory_space<hbm>>) dst(%dma_wait3A_189 : memref<128x16xf32, #tpu.memory_space<vmem>>)
      %dma_start3A_196 = arith.constant 2 : i32
      %dma_start3A_197 = arith.constant 0 : i32
      %dma_start3A_198 = arith.constant 0 : i32
      %dma_start3A_199 = tpu.memref_slice %arg10[%dma_start3A_196, %dma_start3A_197, %dma_start3A_198] : memref<8x128x16xf32, #tpu.memory_space<vmem>> -> memref<1x128x16xf32, #tpu.memory_space<vmem>>
      %dma_start3A_200 = tpu.memref_squeeze %dma_start3A_199 : memref<1x128x16xf32, #tpu.memory_space<vmem>> -> memref<128x16xf32, #tpu.memory_space<vmem>>
      %dma_start3A_201 = arith.constant 0 : i32
      %dma_start3A_202 = tpu.memref_slice %arg9[%add3A_184, %dma_start3A_201] : memref<160x128xi32, #tpu.memory_space<vmem>> -> memref<1x128xi32, #tpu.memory_space<vmem>>
      %dma_start3A_203 = tpu.memref_squeeze %dma_start3A_202 : memref<1x128xi32, #tpu.memory_space<vmem>> -> memref<128xi32, #tpu.memory_space<vmem>>
      %dma_start3A_204 = arith.constant 0 : i32
      %dma_start3A_205 = arith.constant 0 : i32
      %dma_start3A_206 = tpu.memref_slice %arg7[%dma_start3A_204, %dma_start3A_205] : memref<10112x16xf32, #tpu.memory_space<vmem_shared>> -> memref<10112x16xf32, #tpu.memory_space<vmem_shared>>
      tpu.enqueue_indirect_dma source(%dma_start3A_200 : memref<128x16xf32, #tpu.memory_space<vmem>>) target(%dma_start3A_206 : memref<10112x16xf32, #tpu.memory_space<vmem_shared>>) offsets(%dma_start3A_203 : memref<128xi32, #tpu.memory_space<vmem>>) semaphore(%arg12 : memref<!tpu.dma_semaphore, #tpu.memory_space<semaphore_mem>>) {add = true}
      %ge3A_207 = arith.constant 4 : i32
      %ge3A_208 = arith.cmpi sge, %add3A_184, %ge3A_207 : i32
      %convert_element_type3A_209 = arith.extui %ge3A_208 : i1 to i32
      %cond3A_210 = arith.constant 0 : i32
      %cond3A_211 = arith.cmpi ne, %convert_element_type3A_209, %cond3A_210 : i32
      scf.if %cond3A_211 {
        %dma_wait3A_409 = arith.constant 2 : i32
        %dma_wait3A_410 = arith.constant 0 : i32
        %dma_wait3A_411 = arith.constant 0 : i32
        %dma_wait3A_412 = tpu.memref_slice %arg10[%dma_wait3A_409, %dma_wait3A_410, %dma_wait3A_411] : memref<8x128x16xf32, #tpu.memory_space<vmem>> -> memref<1x128x16xf32, #tpu.memory_space<vmem>>
        %dma_wait3A_413 = tpu.memref_squeeze %dma_wait3A_412 : memref<1x128x16xf32, #tpu.memory_space<vmem>> -> memref<128x16xf32, #tpu.memory_space<vmem>>
        %dma_wait3A_414 = arith.constant 0 : i32
        %dma_wait3A_415 = tpu.memref_slice %arg9[%add3A_184, %dma_wait3A_414] : memref<160x128xi32, #tpu.memory_space<vmem>> -> memref<1x128xi32, #tpu.memory_space<vmem>>
        %dma_wait3A_416 = tpu.memref_squeeze %dma_wait3A_415 : memref<1x128xi32, #tpu.memory_space<vmem>> -> memref<128xi32, #tpu.memory_space<vmem>>
        %dma_wait3A_417 = arith.constant 0 : i32
        %dma_wait3A_418 = arith.constant 0 : i32
        %dma_wait3A_419 = tpu.memref_slice %arg7[%dma_wait3A_417, %dma_wait3A_418] : memref<10112x16xf32, #tpu.memory_space<vmem_shared>> -> memref<10112x16xf32, #tpu.memory_space<vmem_shared>>
        tpu.wait_indirect_dma semaphore(%arg12 : memref<!tpu.dma_semaphore, #tpu.memory_space<semaphore_mem>>) src(%dma_wait3A_413 : memref<128x16xf32, #tpu.memory_space<vmem>>) dst(%dma_wait3A_419 : memref<10112x16xf32, #tpu.memory_space<vmem_shared>>)
      } else {
      }
      %add3A_212 = arith.constant 4 : i32
      %add3A_213 = arith.addi %add3A_184, %add3A_212 : i32
      %lt3A_214 = arith.constant 160 : i32
      %lt3A_215 = arith.cmpi slt, %add3A_213, %lt3A_214 : i32
      %convert_element_type3A_216 = arith.extui %lt3A_215 : i1 to i32
      %cond3A_217 = arith.constant 0 : i32
      %cond3A_218 = arith.cmpi ne, %convert_element_type3A_216, %cond3A_217 : i32
      scf.if %cond3A_218 {
        %add3A_409 = arith.constant 4 : i32
        %add3A_410 = arith.addi %add3A_184, %add3A_409 : i32
        %dma_start3A_411 = arith.constant 6 : i32
        %dma_start3A_412 = arith.constant 0 : i32
        %dma_start3A_413 = arith.constant 0 : i32
        %dma_start3A_414 = tpu.memref_slice %arg10[%dma_start3A_411, %dma_start3A_412, %dma_start3A_413] : memref<8x128x16xf32, #tpu.memory_space<vmem>> -> memref<1x128x16xf32, #tpu.memory_space<vmem>>
        %dma_start3A_415 = tpu.memref_squeeze %dma_start3A_414 : memref<1x128x16xf32, #tpu.memory_space<vmem>> -> memref<128x16xf32, #tpu.memory_space<vmem>>
        %dma_start3A_416 = arith.constant 0 : i32
        %dma_start3A_417 = tpu.memref_slice %arg8[%add3A_410, %dma_start3A_416] : memref<160x128xi32, #tpu.memory_space<vmem>> -> memref<1x128xi32, #tpu.memory_space<vmem>>
        %dma_start3A_418 = tpu.memref_squeeze %dma_start3A_417 : memref<1x128xi32, #tpu.memory_space<vmem>> -> memref<128xi32, #tpu.memory_space<vmem>>
        %dma_start3A_419 = arith.constant 0 : i32
        %dma_start3A_420 = arith.constant 0 : i32
        %dma_start3A_421 = tpu.memref_slice %arg4[%dma_start3A_419, %dma_start3A_420] : memref<20000x16xf32, #tpu.memory_space<hbm>> -> memref<20000x16xf32, #tpu.memory_space<hbm>>
        tpu.enqueue_indirect_dma source(%dma_start3A_421 : memref<20000x16xf32, #tpu.memory_space<hbm>>) target(%dma_start3A_415 : memref<128x16xf32, #tpu.memory_space<vmem>>) offsets(%dma_start3A_418 : memref<128xi32, #tpu.memory_space<vmem>>) semaphore(%arg11 : memref<!tpu.dma_semaphore, #tpu.memory_space<semaphore_mem>>)
      } else {
      }
      %mul3A_219 = arith.constant 8 : i32
      %mul3A_220 = arith.muli %scan3A_108, %mul3A_219 : i32
      %add3A_221 = arith.constant 3 : i32
      %add3A_222 = arith.addi %mul3A_220, %add3A_221 : i32
      %dma_wait3A_223 = arith.constant 3 : i32
      %dma_wait3A_224 = arith.constant 0 : i32
      %dma_wait3A_225 = arith.constant 0 : i32
      %dma_wait3A_226 = tpu.memref_slice %arg10[%dma_wait3A_223, %dma_wait3A_224, %dma_wait3A_225] : memref<8x128x16xf32, #tpu.memory_space<vmem>> -> memref<1x128x16xf32, #tpu.memory_space<vmem>>
      %dma_wait3A_227 = tpu.memref_squeeze %dma_wait3A_226 : memref<1x128x16xf32, #tpu.memory_space<vmem>> -> memref<128x16xf32, #tpu.memory_space<vmem>>
      %dma_wait3A_228 = arith.constant 0 : i32
      %dma_wait3A_229 = tpu.memref_slice %arg8[%add3A_222, %dma_wait3A_228] : memref<160x128xi32, #tpu.memory_space<vmem>> -> memref<1x128xi32, #tpu.memory_space<vmem>>
      %dma_wait3A_230 = tpu.memref_squeeze %dma_wait3A_229 : memref<1x128xi32, #tpu.memory_space<vmem>> -> memref<128xi32, #tpu.memory_space<vmem>>
      %dma_wait3A_231 = arith.constant 0 : i32
      %dma_wait3A_232 = arith.constant 0 : i32
      %dma_wait3A_233 = tpu.memref_slice %arg4[%dma_wait3A_231, %dma_wait3A_232] : memref<20000x16xf32, #tpu.memory_space<hbm>> -> memref<20000x16xf32, #tpu.memory_space<hbm>>
      tpu.wait_indirect_dma semaphore(%arg11 : memref<!tpu.dma_semaphore, #tpu.memory_space<semaphore_mem>>) src(%dma_wait3A_233 : memref<20000x16xf32, #tpu.memory_space<hbm>>) dst(%dma_wait3A_227 : memref<128x16xf32, #tpu.memory_space<vmem>>)
      %dma_start3A_234 = arith.constant 3 : i32
      %dma_start3A_235 = arith.constant 0 : i32
      %dma_start3A_236 = arith.constant 0 : i32
      %dma_start3A_237 = tpu.memref_slice %arg10[%dma_start3A_234, %dma_start3A_235, %dma_start3A_236] : memref<8x128x16xf32, #tpu.memory_space<vmem>> -> memref<1x128x16xf32, #tpu.memory_space<vmem>>
      %dma_start3A_238 = tpu.memref_squeeze %dma_start3A_237 : memref<1x128x16xf32, #tpu.memory_space<vmem>> -> memref<128x16xf32, #tpu.memory_space<vmem>>
      %dma_start3A_239 = arith.constant 0 : i32
      %dma_start3A_240 = tpu.memref_slice %arg9[%add3A_222, %dma_start3A_239] : memref<160x128xi32, #tpu.memory_space<vmem>> -> memref<1x128xi32, #tpu.memory_space<vmem>>
      %dma_start3A_241 = tpu.memref_squeeze %dma_start3A_240 : memref<1x128xi32, #tpu.memory_space<vmem>> -> memref<128xi32, #tpu.memory_space<vmem>>
      %dma_start3A_242 = arith.constant 0 : i32
      %dma_start3A_243 = arith.constant 0 : i32
      %dma_start3A_244 = tpu.memref_slice %arg7[%dma_start3A_242, %dma_start3A_243] : memref<10112x16xf32, #tpu.memory_space<vmem_shared>> -> memref<10112x16xf32, #tpu.memory_space<vmem_shared>>
      tpu.enqueue_indirect_dma source(%dma_start3A_238 : memref<128x16xf32, #tpu.memory_space<vmem>>) target(%dma_start3A_244 : memref<10112x16xf32, #tpu.memory_space<vmem_shared>>) offsets(%dma_start3A_241 : memref<128xi32, #tpu.memory_space<vmem>>) semaphore(%arg12 : memref<!tpu.dma_semaphore, #tpu.memory_space<semaphore_mem>>) {add = true}
      %ge3A_245 = arith.constant 4 : i32
      %ge3A_246 = arith.cmpi sge, %add3A_222, %ge3A_245 : i32
      %convert_element_type3A_247 = arith.extui %ge3A_246 : i1 to i32
      %cond3A_248 = arith.constant 0 : i32
      %cond3A_249 = arith.cmpi ne, %convert_element_type3A_247, %cond3A_248 : i32
      scf.if %cond3A_249 {
        %dma_wait3A_409 = arith.constant 3 : i32
        %dma_wait3A_410 = arith.constant 0 : i32
        %dma_wait3A_411 = arith.constant 0 : i32
        %dma_wait3A_412 = tpu.memref_slice %arg10[%dma_wait3A_409, %dma_wait3A_410, %dma_wait3A_411] : memref<8x128x16xf32, #tpu.memory_space<vmem>> -> memref<1x128x16xf32, #tpu.memory_space<vmem>>
        %dma_wait3A_413 = tpu.memref_squeeze %dma_wait3A_412 : memref<1x128x16xf32, #tpu.memory_space<vmem>> -> memref<128x16xf32, #tpu.memory_space<vmem>>
        %dma_wait3A_414 = arith.constant 0 : i32
        %dma_wait3A_415 = tpu.memref_slice %arg9[%add3A_222, %dma_wait3A_414] : memref<160x128xi32, #tpu.memory_space<vmem>> -> memref<1x128xi32, #tpu.memory_space<vmem>>
        %dma_wait3A_416 = tpu.memref_squeeze %dma_wait3A_415 : memref<1x128xi32, #tpu.memory_space<vmem>> -> memref<128xi32, #tpu.memory_space<vmem>>
        %dma_wait3A_417 = arith.constant 0 : i32
        %dma_wait3A_418 = arith.constant 0 : i32
        %dma_wait3A_419 = tpu.memref_slice %arg7[%dma_wait3A_417, %dma_wait3A_418] : memref<10112x16xf32, #tpu.memory_space<vmem_shared>> -> memref<10112x16xf32, #tpu.memory_space<vmem_shared>>
        tpu.wait_indirect_dma semaphore(%arg12 : memref<!tpu.dma_semaphore, #tpu.memory_space<semaphore_mem>>) src(%dma_wait3A_413 : memref<128x16xf32, #tpu.memory_space<vmem>>) dst(%dma_wait3A_419 : memref<10112x16xf32, #tpu.memory_space<vmem_shared>>)
      } else {
      }
      %add3A_250 = arith.constant 4 : i32
      %add3A_251 = arith.addi %add3A_222, %add3A_250 : i32
      %lt3A_252 = arith.constant 160 : i32
      %lt3A_253 = arith.cmpi slt, %add3A_251, %lt3A_252 : i32
      %convert_element_type3A_254 = arith.extui %lt3A_253 : i1 to i32
      %cond3A_255 = arith.constant 0 : i32
      %cond3A_256 = arith.cmpi ne, %convert_element_type3A_254, %cond3A_255 : i32
      scf.if %cond3A_256 {
        %add3A_409 = arith.constant 4 : i32
        %add3A_410 = arith.addi %add3A_222, %add3A_409 : i32
        %dma_start3A_411 = arith.constant 7 : i32
        %dma_start3A_412 = arith.constant 0 : i32
        %dma_start3A_413 = arith.constant 0 : i32
        %dma_start3A_414 = tpu.memref_slice %arg10[%dma_start3A_411, %dma_start3A_412, %dma_start3A_413] : memref<8x128x16xf32, #tpu.memory_space<vmem>> -> memref<1x128x16xf32, #tpu.memory_space<vmem>>
        %dma_start3A_415 = tpu.memref_squeeze %dma_start3A_414 : memref<1x128x16xf32, #tpu.memory_space<vmem>> -> memref<128x16xf32, #tpu.memory_space<vmem>>
        %dma_start3A_416 = arith.constant 0 : i32
        %dma_start3A_417 = tpu.memref_slice %arg8[%add3A_410, %dma_start3A_416] : memref<160x128xi32, #tpu.memory_space<vmem>> -> memref<1x128xi32, #tpu.memory_space<vmem>>
        %dma_start3A_418 = tpu.memref_squeeze %dma_start3A_417 : memref<1x128xi32, #tpu.memory_space<vmem>> -> memref<128xi32, #tpu.memory_space<vmem>>
        %dma_start3A_419 = arith.constant 0 : i32
        %dma_start3A_420 = arith.constant 0 : i32
        %dma_start3A_421 = tpu.memref_slice %arg4[%dma_start3A_419, %dma_start3A_420] : memref<20000x16xf32, #tpu.memory_space<hbm>> -> memref<20000x16xf32, #tpu.memory_space<hbm>>
        tpu.enqueue_indirect_dma source(%dma_start3A_421 : memref<20000x16xf32, #tpu.memory_space<hbm>>) target(%dma_start3A_415 : memref<128x16xf32, #tpu.memory_space<vmem>>) offsets(%dma_start3A_418 : memref<128xi32, #tpu.memory_space<vmem>>) semaphore(%arg11 : memref<!tpu.dma_semaphore, #tpu.memory_space<semaphore_mem>>)
      } else {
      }
      %mul3A_257 = arith.constant 8 : i32
      %mul3A_258 = arith.muli %scan3A_108, %mul3A_257 : i32
      %add3A_259 = arith.constant 4 : i32
      %add3A_260 = arith.addi %mul3A_258, %add3A_259 : i32
      %dma_wait3A_261 = arith.constant 4 : i32
      %dma_wait3A_262 = arith.constant 0 : i32
      %dma_wait3A_263 = arith.constant 0 : i32
      %dma_wait3A_264 = tpu.memref_slice %arg10[%dma_wait3A_261, %dma_wait3A_262, %dma_wait3A_263] : memref<8x128x16xf32, #tpu.memory_space<vmem>> -> memref<1x128x16xf32, #tpu.memory_space<vmem>>
      %dma_wait3A_265 = tpu.memref_squeeze %dma_wait3A_264 : memref<1x128x16xf32, #tpu.memory_space<vmem>> -> memref<128x16xf32, #tpu.memory_space<vmem>>
      %dma_wait3A_266 = arith.constant 0 : i32
      %dma_wait3A_267 = tpu.memref_slice %arg8[%add3A_260, %dma_wait3A_266] : memref<160x128xi32, #tpu.memory_space<vmem>> -> memref<1x128xi32, #tpu.memory_space<vmem>>
      %dma_wait3A_268 = tpu.memref_squeeze %dma_wait3A_267 : memref<1x128xi32, #tpu.memory_space<vmem>> -> memref<128xi32, #tpu.memory_space<vmem>>
      %dma_wait3A_269 = arith.constant 0 : i32
      %dma_wait3A_270 = arith.constant 0 : i32
      %dma_wait3A_271 = tpu.memref_slice %arg4[%dma_wait3A_269, %dma_wait3A_270] : memref<20000x16xf32, #tpu.memory_space<hbm>> -> memref<20000x16xf32, #tpu.memory_space<hbm>>
      tpu.wait_indirect_dma semaphore(%arg11 : memref<!tpu.dma_semaphore, #tpu.memory_space<semaphore_mem>>) src(%dma_wait3A_271 : memref<20000x16xf32, #tpu.memory_space<hbm>>) dst(%dma_wait3A_265 : memref<128x16xf32, #tpu.memory_space<vmem>>)
      %dma_start3A_272 = arith.constant 4 : i32
      %dma_start3A_273 = arith.constant 0 : i32
      %dma_start3A_274 = arith.constant 0 : i32
      %dma_start3A_275 = tpu.memref_slice %arg10[%dma_start3A_272, %dma_start3A_273, %dma_start3A_274] : memref<8x128x16xf32, #tpu.memory_space<vmem>> -> memref<1x128x16xf32, #tpu.memory_space<vmem>>
      %dma_start3A_276 = tpu.memref_squeeze %dma_start3A_275 : memref<1x128x16xf32, #tpu.memory_space<vmem>> -> memref<128x16xf32, #tpu.memory_space<vmem>>
      %dma_start3A_277 = arith.constant 0 : i32
      %dma_start3A_278 = tpu.memref_slice %arg9[%add3A_260, %dma_start3A_277] : memref<160x128xi32, #tpu.memory_space<vmem>> -> memref<1x128xi32, #tpu.memory_space<vmem>>
      %dma_start3A_279 = tpu.memref_squeeze %dma_start3A_278 : memref<1x128xi32, #tpu.memory_space<vmem>> -> memref<128xi32, #tpu.memory_space<vmem>>
      %dma_start3A_280 = arith.constant 0 : i32
      %dma_start3A_281 = arith.constant 0 : i32
      %dma_start3A_282 = tpu.memref_slice %arg7[%dma_start3A_280, %dma_start3A_281] : memref<10112x16xf32, #tpu.memory_space<vmem_shared>> -> memref<10112x16xf32, #tpu.memory_space<vmem_shared>>
      tpu.enqueue_indirect_dma source(%dma_start3A_276 : memref<128x16xf32, #tpu.memory_space<vmem>>) target(%dma_start3A_282 : memref<10112x16xf32, #tpu.memory_space<vmem_shared>>) offsets(%dma_start3A_279 : memref<128xi32, #tpu.memory_space<vmem>>) semaphore(%arg12 : memref<!tpu.dma_semaphore, #tpu.memory_space<semaphore_mem>>) {add = true}
      %ge3A_283 = arith.constant 4 : i32
      %ge3A_284 = arith.cmpi sge, %add3A_260, %ge3A_283 : i32
      %convert_element_type3A_285 = arith.extui %ge3A_284 : i1 to i32
      %cond3A_286 = arith.constant 0 : i32
      %cond3A_287 = arith.cmpi ne, %convert_element_type3A_285, %cond3A_286 : i32
      scf.if %cond3A_287 {
        %dma_wait3A_409 = arith.constant 4 : i32
        %dma_wait3A_410 = arith.constant 0 : i32
        %dma_wait3A_411 = arith.constant 0 : i32
        %dma_wait3A_412 = tpu.memref_slice %arg10[%dma_wait3A_409, %dma_wait3A_410, %dma_wait3A_411] : memref<8x128x16xf32, #tpu.memory_space<vmem>> -> memref<1x128x16xf32, #tpu.memory_space<vmem>>
        %dma_wait3A_413 = tpu.memref_squeeze %dma_wait3A_412 : memref<1x128x16xf32, #tpu.memory_space<vmem>> -> memref<128x16xf32, #tpu.memory_space<vmem>>
        %dma_wait3A_414 = arith.constant 0 : i32
        %dma_wait3A_415 = tpu.memref_slice %arg9[%add3A_260, %dma_wait3A_414] : memref<160x128xi32, #tpu.memory_space<vmem>> -> memref<1x128xi32, #tpu.memory_space<vmem>>
        %dma_wait3A_416 = tpu.memref_squeeze %dma_wait3A_415 : memref<1x128xi32, #tpu.memory_space<vmem>> -> memref<128xi32, #tpu.memory_space<vmem>>
        %dma_wait3A_417 = arith.constant 0 : i32
        %dma_wait3A_418 = arith.constant 0 : i32
        %dma_wait3A_419 = tpu.memref_slice %arg7[%dma_wait3A_417, %dma_wait3A_418] : memref<10112x16xf32, #tpu.memory_space<vmem_shared>> -> memref<10112x16xf32, #tpu.memory_space<vmem_shared>>
        tpu.wait_indirect_dma semaphore(%arg12 : memref<!tpu.dma_semaphore, #tpu.memory_space<semaphore_mem>>) src(%dma_wait3A_413 : memref<128x16xf32, #tpu.memory_space<vmem>>) dst(%dma_wait3A_419 : memref<10112x16xf32, #tpu.memory_space<vmem_shared>>)
      } else {
      }
      %add3A_288 = arith.constant 4 : i32
      %add3A_289 = arith.addi %add3A_260, %add3A_288 : i32
      %lt3A_290 = arith.constant 160 : i32
      %lt3A_291 = arith.cmpi slt, %add3A_289, %lt3A_290 : i32
      %convert_element_type3A_292 = arith.extui %lt3A_291 : i1 to i32
      %cond3A_293 = arith.constant 0 : i32
      %cond3A_294 = arith.cmpi ne, %convert_element_type3A_292, %cond3A_293 : i32
      scf.if %cond3A_294 {
        %add3A_409 = arith.constant 4 : i32
        %add3A_410 = arith.addi %add3A_260, %add3A_409 : i32
        %dma_start3A_411 = arith.constant 0 : i32
        %dma_start3A_412 = arith.constant 0 : i32
        %dma_start3A_413 = arith.constant 0 : i32
        %dma_start3A_414 = tpu.memref_slice %arg10[%dma_start3A_411, %dma_start3A_412, %dma_start3A_413] : memref<8x128x16xf32, #tpu.memory_space<vmem>> -> memref<1x128x16xf32, #tpu.memory_space<vmem>>
        %dma_start3A_415 = tpu.memref_squeeze %dma_start3A_414 : memref<1x128x16xf32, #tpu.memory_space<vmem>> -> memref<128x16xf32, #tpu.memory_space<vmem>>
        %dma_start3A_416 = arith.constant 0 : i32
        %dma_start3A_417 = tpu.memref_slice %arg8[%add3A_410, %dma_start3A_416] : memref<160x128xi32, #tpu.memory_space<vmem>> -> memref<1x128xi32, #tpu.memory_space<vmem>>
        %dma_start3A_418 = tpu.memref_squeeze %dma_start3A_417 : memref<1x128xi32, #tpu.memory_space<vmem>> -> memref<128xi32, #tpu.memory_space<vmem>>
        %dma_start3A_419 = arith.constant 0 : i32
        %dma_start3A_420 = arith.constant 0 : i32
        %dma_start3A_421 = tpu.memref_slice %arg4[%dma_start3A_419, %dma_start3A_420] : memref<20000x16xf32, #tpu.memory_space<hbm>> -> memref<20000x16xf32, #tpu.memory_space<hbm>>
        tpu.enqueue_indirect_dma source(%dma_start3A_421 : memref<20000x16xf32, #tpu.memory_space<hbm>>) target(%dma_start3A_415 : memref<128x16xf32, #tpu.memory_space<vmem>>) offsets(%dma_start3A_418 : memref<128xi32, #tpu.memory_space<vmem>>) semaphore(%arg11 : memref<!tpu.dma_semaphore, #tpu.memory_space<semaphore_mem>>)
      } else {
      }
      %mul3A_295 = arith.constant 8 : i32
      %mul3A_296 = arith.muli %scan3A_108, %mul3A_295 : i32
      %add3A_297 = arith.constant 5 : i32
      %add3A_298 = arith.addi %mul3A_296, %add3A_297 : i32
      %dma_wait3A_299 = arith.constant 5 : i32
      %dma_wait3A_300 = arith.constant 0 : i32
      %dma_wait3A_301 = arith.constant 0 : i32
      %dma_wait3A_302 = tpu.memref_slice %arg10[%dma_wait3A_299, %dma_wait3A_300, %dma_wait3A_301] : memref<8x128x16xf32, #tpu.memory_space<vmem>> -> memref<1x128x16xf32, #tpu.memory_space<vmem>>
      %dma_wait3A_303 = tpu.memref_squeeze %dma_wait3A_302 : memref<1x128x16xf32, #tpu.memory_space<vmem>> -> memref<128x16xf32, #tpu.memory_space<vmem>>
      %dma_wait3A_304 = arith.constant 0 : i32
      %dma_wait3A_305 = tpu.memref_slice %arg8[%add3A_298, %dma_wait3A_304] : memref<160x128xi32, #tpu.memory_space<vmem>> -> memref<1x128xi32, #tpu.memory_space<vmem>>
      %dma_wait3A_306 = tpu.memref_squeeze %dma_wait3A_305 : memref<1x128xi32, #tpu.memory_space<vmem>> -> memref<128xi32, #tpu.memory_space<vmem>>
      %dma_wait3A_307 = arith.constant 0 : i32
      %dma_wait3A_308 = arith.constant 0 : i32
      %dma_wait3A_309 = tpu.memref_slice %arg4[%dma_wait3A_307, %dma_wait3A_308] : memref<20000x16xf32, #tpu.memory_space<hbm>> -> memref<20000x16xf32, #tpu.memory_space<hbm>>
      tpu.wait_indirect_dma semaphore(%arg11 : memref<!tpu.dma_semaphore, #tpu.memory_space<semaphore_mem>>) src(%dma_wait3A_309 : memref<20000x16xf32, #tpu.memory_space<hbm>>) dst(%dma_wait3A_303 : memref<128x16xf32, #tpu.memory_space<vmem>>)
      %dma_start3A_310 = arith.constant 5 : i32
      %dma_start3A_311 = arith.constant 0 : i32
      %dma_start3A_312 = arith.constant 0 : i32
      %dma_start3A_313 = tpu.memref_slice %arg10[%dma_start3A_310, %dma_start3A_311, %dma_start3A_312] : memref<8x128x16xf32, #tpu.memory_space<vmem>> -> memref<1x128x16xf32, #tpu.memory_space<vmem>>
      %dma_start3A_314 = tpu.memref_squeeze %dma_start3A_313 : memref<1x128x16xf32, #tpu.memory_space<vmem>> -> memref<128x16xf32, #tpu.memory_space<vmem>>
      %dma_start3A_315 = arith.constant 0 : i32
      %dma_start3A_316 = tpu.memref_slice %arg9[%add3A_298, %dma_start3A_315] : memref<160x128xi32, #tpu.memory_space<vmem>> -> memref<1x128xi32, #tpu.memory_space<vmem>>
      %dma_start3A_317 = tpu.memref_squeeze %dma_start3A_316 : memref<1x128xi32, #tpu.memory_space<vmem>> -> memref<128xi32, #tpu.memory_space<vmem>>
      %dma_start3A_318 = arith.constant 0 : i32
      %dma_start3A_319 = arith.constant 0 : i32
      %dma_start3A_320 = tpu.memref_slice %arg7[%dma_start3A_318, %dma_start3A_319] : memref<10112x16xf32, #tpu.memory_space<vmem_shared>> -> memref<10112x16xf32, #tpu.memory_space<vmem_shared>>
      tpu.enqueue_indirect_dma source(%dma_start3A_314 : memref<128x16xf32, #tpu.memory_space<vmem>>) target(%dma_start3A_320 : memref<10112x16xf32, #tpu.memory_space<vmem_shared>>) offsets(%dma_start3A_317 : memref<128xi32, #tpu.memory_space<vmem>>) semaphore(%arg12 : memref<!tpu.dma_semaphore, #tpu.memory_space<semaphore_mem>>) {add = true}
      %ge3A_321 = arith.constant 4 : i32
      %ge3A_322 = arith.cmpi sge, %add3A_298, %ge3A_321 : i32
      %convert_element_type3A_323 = arith.extui %ge3A_322 : i1 to i32
      %cond3A_324 = arith.constant 0 : i32
      %cond3A_325 = arith.cmpi ne, %convert_element_type3A_323, %cond3A_324 : i32
      scf.if %cond3A_325 {
        %dma_wait3A_409 = arith.constant 5 : i32
        %dma_wait3A_410 = arith.constant 0 : i32
        %dma_wait3A_411 = arith.constant 0 : i32
        %dma_wait3A_412 = tpu.memref_slice %arg10[%dma_wait3A_409, %dma_wait3A_410, %dma_wait3A_411] : memref<8x128x16xf32, #tpu.memory_space<vmem>> -> memref<1x128x16xf32, #tpu.memory_space<vmem>>
        %dma_wait3A_413 = tpu.memref_squeeze %dma_wait3A_412 : memref<1x128x16xf32, #tpu.memory_space<vmem>> -> memref<128x16xf32, #tpu.memory_space<vmem>>
        %dma_wait3A_414 = arith.constant 0 : i32
        %dma_wait3A_415 = tpu.memref_slice %arg9[%add3A_298, %dma_wait3A_414] : memref<160x128xi32, #tpu.memory_space<vmem>> -> memref<1x128xi32, #tpu.memory_space<vmem>>
        %dma_wait3A_416 = tpu.memref_squeeze %dma_wait3A_415 : memref<1x128xi32, #tpu.memory_space<vmem>> -> memref<128xi32, #tpu.memory_space<vmem>>
        %dma_wait3A_417 = arith.constant 0 : i32
        %dma_wait3A_418 = arith.constant 0 : i32
        %dma_wait3A_419 = tpu.memref_slice %arg7[%dma_wait3A_417, %dma_wait3A_418] : memref<10112x16xf32, #tpu.memory_space<vmem_shared>> -> memref<10112x16xf32, #tpu.memory_space<vmem_shared>>
        tpu.wait_indirect_dma semaphore(%arg12 : memref<!tpu.dma_semaphore, #tpu.memory_space<semaphore_mem>>) src(%dma_wait3A_413 : memref<128x16xf32, #tpu.memory_space<vmem>>) dst(%dma_wait3A_419 : memref<10112x16xf32, #tpu.memory_space<vmem_shared>>)
      } else {
      }
      %add3A_326 = arith.constant 4 : i32
      %add3A_327 = arith.addi %add3A_298, %add3A_326 : i32
      %lt3A_328 = arith.constant 160 : i32
      %lt3A_329 = arith.cmpi slt, %add3A_327, %lt3A_328 : i32
      %convert_element_type3A_330 = arith.extui %lt3A_329 : i1 to i32
      %cond3A_331 = arith.constant 0 : i32
      %cond3A_332 = arith.cmpi ne, %convert_element_type3A_330, %cond3A_331 : i32
      scf.if %cond3A_332 {
        %add3A_409 = arith.constant 4 : i32
        %add3A_410 = arith.addi %add3A_298, %add3A_409 : i32
        %dma_start3A_411 = arith.constant 1 : i32
        %dma_start3A_412 = arith.constant 0 : i32
        %dma_start3A_413 = arith.constant 0 : i32
        %dma_start3A_414 = tpu.memref_slice %arg10[%dma_start3A_411, %dma_start3A_412, %dma_start3A_413] : memref<8x128x16xf32, #tpu.memory_space<vmem>> -> memref<1x128x16xf32, #tpu.memory_space<vmem>>
        %dma_start3A_415 = tpu.memref_squeeze %dma_start3A_414 : memref<1x128x16xf32, #tpu.memory_space<vmem>> -> memref<128x16xf32, #tpu.memory_space<vmem>>
        %dma_start3A_416 = arith.constant 0 : i32
        %dma_start3A_417 = tpu.memref_slice %arg8[%add3A_410, %dma_start3A_416] : memref<160x128xi32, #tpu.memory_space<vmem>> -> memref<1x128xi32, #tpu.memory_space<vmem>>
        %dma_start3A_418 = tpu.memref_squeeze %dma_start3A_417 : memref<1x128xi32, #tpu.memory_space<vmem>> -> memref<128xi32, #tpu.memory_space<vmem>>
        %dma_start3A_419 = arith.constant 0 : i32
        %dma_start3A_420 = arith.constant 0 : i32
        %dma_start3A_421 = tpu.memref_slice %arg4[%dma_start3A_419, %dma_start3A_420] : memref<20000x16xf32, #tpu.memory_space<hbm>> -> memref<20000x16xf32, #tpu.memory_space<hbm>>
        tpu.enqueue_indirect_dma source(%dma_start3A_421 : memref<20000x16xf32, #tpu.memory_space<hbm>>) target(%dma_start3A_415 : memref<128x16xf32, #tpu.memory_space<vmem>>) offsets(%dma_start3A_418 : memref<128xi32, #tpu.memory_space<vmem>>) semaphore(%arg11 : memref<!tpu.dma_semaphore, #tpu.memory_space<semaphore_mem>>)
      } else {
      }
      %mul3A_333 = arith.constant 8 : i32
      %mul3A_334 = arith.muli %scan3A_108, %mul3A_333 : i32
      %add3A_335 = arith.constant 6 : i32
      %add3A_336 = arith.addi %mul3A_334, %add3A_335 : i32
      %dma_wait3A_337 = arith.constant 6 : i32
      %dma_wait3A_338 = arith.constant 0 : i32
      %dma_wait3A_339 = arith.constant 0 : i32
      %dma_wait3A_340 = tpu.memref_slice %arg10[%dma_wait3A_337, %dma_wait3A_338, %dma_wait3A_339] : memref<8x128x16xf32, #tpu.memory_space<vmem>> -> memref<1x128x16xf32, #tpu.memory_space<vmem>>
      %dma_wait3A_341 = tpu.memref_squeeze %dma_wait3A_340 : memref<1x128x16xf32, #tpu.memory_space<vmem>> -> memref<128x16xf32, #tpu.memory_space<vmem>>
      %dma_wait3A_342 = arith.constant 0 : i32
      %dma_wait3A_343 = tpu.memref_slice %arg8[%add3A_336, %dma_wait3A_342] : memref<160x128xi32, #tpu.memory_space<vmem>> -> memref<1x128xi32, #tpu.memory_space<vmem>>
      %dma_wait3A_344 = tpu.memref_squeeze %dma_wait3A_343 : memref<1x128xi32, #tpu.memory_space<vmem>> -> memref<128xi32, #tpu.memory_space<vmem>>
      %dma_wait3A_345 = arith.constant 0 : i32
      %dma_wait3A_346 = arith.constant 0 : i32
      %dma_wait3A_347 = tpu.memref_slice %arg4[%dma_wait3A_345, %dma_wait3A_346] : memref<20000x16xf32, #tpu.memory_space<hbm>> -> memref<20000x16xf32, #tpu.memory_space<hbm>>
      tpu.wait_indirect_dma semaphore(%arg11 : memref<!tpu.dma_semaphore, #tpu.memory_space<semaphore_mem>>) src(%dma_wait3A_347 : memref<20000x16xf32, #tpu.memory_space<hbm>>) dst(%dma_wait3A_341 : memref<128x16xf32, #tpu.memory_space<vmem>>)
      %dma_start3A_348 = arith.constant 6 : i32
      %dma_start3A_349 = arith.constant 0 : i32
      %dma_start3A_350 = arith.constant 0 : i32
      %dma_start3A_351 = tpu.memref_slice %arg10[%dma_start3A_348, %dma_start3A_349, %dma_start3A_350] : memref<8x128x16xf32, #tpu.memory_space<vmem>> -> memref<1x128x16xf32, #tpu.memory_space<vmem>>
      %dma_start3A_352 = tpu.memref_squeeze %dma_start3A_351 : memref<1x128x16xf32, #tpu.memory_space<vmem>> -> memref<128x16xf32, #tpu.memory_space<vmem>>
      %dma_start3A_353 = arith.constant 0 : i32
      %dma_start3A_354 = tpu.memref_slice %arg9[%add3A_336, %dma_start3A_353] : memref<160x128xi32, #tpu.memory_space<vmem>> -> memref<1x128xi32, #tpu.memory_space<vmem>>
      %dma_start3A_355 = tpu.memref_squeeze %dma_start3A_354 : memref<1x128xi32, #tpu.memory_space<vmem>> -> memref<128xi32, #tpu.memory_space<vmem>>
      %dma_start3A_356 = arith.constant 0 : i32
      %dma_start3A_357 = arith.constant 0 : i32
      %dma_start3A_358 = tpu.memref_slice %arg7[%dma_start3A_356, %dma_start3A_357] : memref<10112x16xf32, #tpu.memory_space<vmem_shared>> -> memref<10112x16xf32, #tpu.memory_space<vmem_shared>>
      tpu.enqueue_indirect_dma source(%dma_start3A_352 : memref<128x16xf32, #tpu.memory_space<vmem>>) target(%dma_start3A_358 : memref<10112x16xf32, #tpu.memory_space<vmem_shared>>) offsets(%dma_start3A_355 : memref<128xi32, #tpu.memory_space<vmem>>) semaphore(%arg12 : memref<!tpu.dma_semaphore, #tpu.memory_space<semaphore_mem>>) {add = true}
      %ge3A_359 = arith.constant 4 : i32
      %ge3A_360 = arith.cmpi sge, %add3A_336, %ge3A_359 : i32
      %convert_element_type3A_361 = arith.extui %ge3A_360 : i1 to i32
      %cond3A_362 = arith.constant 0 : i32
      %cond3A_363 = arith.cmpi ne, %convert_element_type3A_361, %cond3A_362 : i32
      scf.if %cond3A_363 {
        %dma_wait3A_409 = arith.constant 6 : i32
        %dma_wait3A_410 = arith.constant 0 : i32
        %dma_wait3A_411 = arith.constant 0 : i32
        %dma_wait3A_412 = tpu.memref_slice %arg10[%dma_wait3A_409, %dma_wait3A_410, %dma_wait3A_411] : memref<8x128x16xf32, #tpu.memory_space<vmem>> -> memref<1x128x16xf32, #tpu.memory_space<vmem>>
        %dma_wait3A_413 = tpu.memref_squeeze %dma_wait3A_412 : memref<1x128x16xf32, #tpu.memory_space<vmem>> -> memref<128x16xf32, #tpu.memory_space<vmem>>
        %dma_wait3A_414 = arith.constant 0 : i32
        %dma_wait3A_415 = tpu.memref_slice %arg9[%add3A_336, %dma_wait3A_414] : memref<160x128xi32, #tpu.memory_space<vmem>> -> memref<1x128xi32, #tpu.memory_space<vmem>>
        %dma_wait3A_416 = tpu.memref_squeeze %dma_wait3A_415 : memref<1x128xi32, #tpu.memory_space<vmem>> -> memref<128xi32, #tpu.memory_space<vmem>>
        %dma_wait3A_417 = arith.constant 0 : i32
        %dma_wait3A_418 = arith.constant 0 : i32
        %dma_wait3A_419 = tpu.memref_slice %arg7[%dma_wait3A_417, %dma_wait3A_418] : memref<10112x16xf32, #tpu.memory_space<vmem_shared>> -> memref<10112x16xf32, #tpu.memory_space<vmem_shared>>
        tpu.wait_indirect_dma semaphore(%arg12 : memref<!tpu.dma_semaphore, #tpu.memory_space<semaphore_mem>>) src(%dma_wait3A_413 : memref<128x16xf32, #tpu.memory_space<vmem>>) dst(%dma_wait3A_419 : memref<10112x16xf32, #tpu.memory_space<vmem_shared>>)
      } else {
      }
      %add3A_364 = arith.constant 4 : i32
      %add3A_365 = arith.addi %add3A_336, %add3A_364 : i32
      %lt3A_366 = arith.constant 160 : i32
      %lt3A_367 = arith.cmpi slt, %add3A_365, %lt3A_366 : i32
      %convert_element_type3A_368 = arith.extui %lt3A_367 : i1 to i32
      %cond3A_369 = arith.constant 0 : i32
      %cond3A_370 = arith.cmpi ne, %convert_element_type3A_368, %cond3A_369 : i32
      scf.if %cond3A_370 {
        %add3A_409 = arith.constant 4 : i32
        %add3A_410 = arith.addi %add3A_336, %add3A_409 : i32
        %dma_start3A_411 = arith.constant 2 : i32
        %dma_start3A_412 = arith.constant 0 : i32
        %dma_start3A_413 = arith.constant 0 : i32
        %dma_start3A_414 = tpu.memref_slice %arg10[%dma_start3A_411, %dma_start3A_412, %dma_start3A_413] : memref<8x128x16xf32, #tpu.memory_space<vmem>> -> memref<1x128x16xf32, #tpu.memory_space<vmem>>
        %dma_start3A_415 = tpu.memref_squeeze %dma_start3A_414 : memref<1x128x16xf32, #tpu.memory_space<vmem>> -> memref<128x16xf32, #tpu.memory_space<vmem>>
        %dma_start3A_416 = arith.constant 0 : i32
        %dma_start3A_417 = tpu.memref_slice %arg8[%add3A_410, %dma_start3A_416] : memref<160x128xi32, #tpu.memory_space<vmem>> -> memref<1x128xi32, #tpu.memory_space<vmem>>
        %dma_start3A_418 = tpu.memref_squeeze %dma_start3A_417 : memref<1x128xi32, #tpu.memory_space<vmem>> -> memref<128xi32, #tpu.memory_space<vmem>>
        %dma_start3A_419 = arith.constant 0 : i32
        %dma_start3A_420 = arith.constant 0 : i32
        %dma_start3A_421 = tpu.memref_slice %arg4[%dma_start3A_419, %dma_start3A_420] : memref<20000x16xf32, #tpu.memory_space<hbm>> -> memref<20000x16xf32, #tpu.memory_space<hbm>>
        tpu.enqueue_indirect_dma source(%dma_start3A_421 : memref<20000x16xf32, #tpu.memory_space<hbm>>) target(%dma_start3A_415 : memref<128x16xf32, #tpu.memory_space<vmem>>) offsets(%dma_start3A_418 : memref<128xi32, #tpu.memory_space<vmem>>) semaphore(%arg11 : memref<!tpu.dma_semaphore, #tpu.memory_space<semaphore_mem>>)
      } else {
      }
      %mul3A_371 = arith.constant 8 : i32
      %mul3A_372 = arith.muli %scan3A_108, %mul3A_371 : i32
      %add3A_373 = arith.constant 7 : i32
      %add3A_374 = arith.addi %mul3A_372, %add3A_373 : i32
      %dma_wait3A_375 = arith.constant 7 : i32
      %dma_wait3A_376 = arith.constant 0 : i32
      %dma_wait3A_377 = arith.constant 0 : i32
      %dma_wait3A_378 = tpu.memref_slice %arg10[%dma_wait3A_375, %dma_wait3A_376, %dma_wait3A_377] : memref<8x128x16xf32, #tpu.memory_space<vmem>> -> memref<1x128x16xf32, #tpu.memory_space<vmem>>
      %dma_wait3A_379 = tpu.memref_squeeze %dma_wait3A_378 : memref<1x128x16xf32, #tpu.memory_space<vmem>> -> memref<128x16xf32, #tpu.memory_space<vmem>>
      %dma_wait3A_380 = arith.constant 0 : i32
      %dma_wait3A_381 = tpu.memref_slice %arg8[%add3A_374, %dma_wait3A_380] : memref<160x128xi32, #tpu.memory_space<vmem>> -> memref<1x128xi32, #tpu.memory_space<vmem>>
      %dma_wait3A_382 = tpu.memref_squeeze %dma_wait3A_381 : memref<1x128xi32, #tpu.memory_space<vmem>> -> memref<128xi32, #tpu.memory_space<vmem>>
      %dma_wait3A_383 = arith.constant 0 : i32
      %dma_wait3A_384 = arith.constant 0 : i32
      %dma_wait3A_385 = tpu.memref_slice %arg4[%dma_wait3A_383, %dma_wait3A_384] : memref<20000x16xf32, #tpu.memory_space<hbm>> -> memref<20000x16xf32, #tpu.memory_space<hbm>>
      tpu.wait_indirect_dma semaphore(%arg11 : memref<!tpu.dma_semaphore, #tpu.memory_space<semaphore_mem>>) src(%dma_wait3A_385 : memref<20000x16xf32, #tpu.memory_space<hbm>>) dst(%dma_wait3A_379 : memref<128x16xf32, #tpu.memory_space<vmem>>)
      %dma_start3A_386 = arith.constant 7 : i32
      %dma_start3A_387 = arith.constant 0 : i32
      %dma_start3A_388 = arith.constant 0 : i32
      %dma_start3A_389 = tpu.memref_slice %arg10[%dma_start3A_386, %dma_start3A_387, %dma_start3A_388] : memref<8x128x16xf32, #tpu.memory_space<vmem>> -> memref<1x128x16xf32, #tpu.memory_space<vmem>>
      %dma_start3A_390 = tpu.memref_squeeze %dma_start3A_389 : memref<1x128x16xf32, #tpu.memory_space<vmem>> -> memref<128x16xf32, #tpu.memory_space<vmem>>
      %dma_start3A_391 = arith.constant 0 : i32
      %dma_start3A_392 = tpu.memref_slice %arg9[%add3A_374, %dma_start3A_391] : memref<160x128xi32, #tpu.memory_space<vmem>> -> memref<1x128xi32, #tpu.memory_space<vmem>>
      %dma_start3A_393 = tpu.memref_squeeze %dma_start3A_392 : memref<1x128xi32, #tpu.memory_space<vmem>> -> memref<128xi32, #tpu.memory_space<vmem>>
      %dma_start3A_394 = arith.constant 0 : i32
      %dma_start3A_395 = arith.constant 0 : i32
      %dma_start3A_396 = tpu.memref_slice %arg7[%dma_start3A_394, %dma_start3A_395] : memref<10112x16xf32, #tpu.memory_space<vmem_shared>> -> memref<10112x16xf32, #tpu.memory_space<vmem_shared>>
      tpu.enqueue_indirect_dma source(%dma_start3A_390 : memref<128x16xf32, #tpu.memory_space<vmem>>) target(%dma_start3A_396 : memref<10112x16xf32, #tpu.memory_space<vmem_shared>>) offsets(%dma_start3A_393 : memref<128xi32, #tpu.memory_space<vmem>>) semaphore(%arg12 : memref<!tpu.dma_semaphore, #tpu.memory_space<semaphore_mem>>) {add = true}
      %ge3A_397 = arith.constant 4 : i32
      %ge3A_398 = arith.cmpi sge, %add3A_374, %ge3A_397 : i32
      %convert_element_type3A_399 = arith.extui %ge3A_398 : i1 to i32
      %cond3A_400 = arith.constant 0 : i32
      %cond3A_401 = arith.cmpi ne, %convert_element_type3A_399, %cond3A_400 : i32
      scf.if %cond3A_401 {
        %dma_wait3A_409 = arith.constant 7 : i32
        %dma_wait3A_410 = arith.constant 0 : i32
        %dma_wait3A_411 = arith.constant 0 : i32
        %dma_wait3A_412 = tpu.memref_slice %arg10[%dma_wait3A_409, %dma_wait3A_410, %dma_wait3A_411] : memref<8x128x16xf32, #tpu.memory_space<vmem>> -> memref<1x128x16xf32, #tpu.memory_space<vmem>>
        %dma_wait3A_413 = tpu.memref_squeeze %dma_wait3A_412 : memref<1x128x16xf32, #tpu.memory_space<vmem>> -> memref<128x16xf32, #tpu.memory_space<vmem>>
        %dma_wait3A_414 = arith.constant 0 : i32
        %dma_wait3A_415 = tpu.memref_slice %arg9[%add3A_374, %dma_wait3A_414] : memref<160x128xi32, #tpu.memory_space<vmem>> -> memref<1x128xi32, #tpu.memory_space<vmem>>
        %dma_wait3A_416 = tpu.memref_squeeze %dma_wait3A_415 : memref<1x128xi32, #tpu.memory_space<vmem>> -> memref<128xi32, #tpu.memory_space<vmem>>
        %dma_wait3A_417 = arith.constant 0 : i32
        %dma_wait3A_418 = arith.constant 0 : i32
        %dma_wait3A_419 = tpu.memref_slice %arg7[%dma_wait3A_417, %dma_wait3A_418] : memref<10112x16xf32, #tpu.memory_space<vmem_shared>> -> memref<10112x16xf32, #tpu.memory_space<vmem_shared>>
        tpu.wait_indirect_dma semaphore(%arg12 : memref<!tpu.dma_semaphore, #tpu.memory_space<semaphore_mem>>) src(%dma_wait3A_413 : memref<128x16xf32, #tpu.memory_space<vmem>>) dst(%dma_wait3A_419 : memref<10112x16xf32, #tpu.memory_space<vmem_shared>>)
      } else {
      }
      %add3A_402 = arith.constant 4 : i32
      %add3A_403 = arith.addi %add3A_374, %add3A_402 : i32
      %lt3A_404 = arith.constant 160 : i32
      %lt3A_405 = arith.cmpi slt, %add3A_403, %lt3A_404 : i32
      %convert_element_type3A_406 = arith.extui %lt3A_405 : i1 to i32
      %cond3A_407 = arith.constant 0 : i32
      %cond3A_408 = arith.cmpi ne, %convert_element_type3A_406, %cond3A_407 : i32
      scf.if %cond3A_408 {
        %add3A_409 = arith.constant 4 : i32
        %add3A_410 = arith.addi %add3A_374, %add3A_409 : i32
        %dma_start3A_411 = arith.constant 3 : i32
        %dma_start3A_412 = arith.constant 0 : i32
        %dma_start3A_413 = arith.constant 0 : i32
        %dma_start3A_414 = tpu.memref_slice %arg10[%dma_start3A_411, %dma_start3A_412, %dma_start3A_413] : memref<8x128x16xf32, #tpu.memory_space<vmem>> -> memref<1x128x16xf32, #tpu.memory_space<vmem>>
        %dma_start3A_415 = tpu.memref_squeeze %dma_start3A_414 : memref<1x128x16xf32, #tpu.memory_space<vmem>> -> memref<128x16xf32, #tpu.memory_space<vmem>>
        %dma_start3A_416 = arith.constant 0 : i32
        %dma_start3A_417 = tpu.memref_slice %arg8[%add3A_410, %dma_start3A_416] : memref<160x128xi32, #tpu.memory_space<vmem>> -> memref<1x128xi32, #tpu.memory_space<vmem>>
        %dma_start3A_418 = tpu.memref_squeeze %dma_start3A_417 : memref<1x128xi32, #tpu.memory_space<vmem>> -> memref<128xi32, #tpu.memory_space<vmem>>
        %dma_start3A_419 = arith.constant 0 : i32
        %dma_start3A_420 = arith.constant 0 : i32
        %dma_start3A_421 = tpu.memref_slice %arg4[%dma_start3A_419, %dma_start3A_420] : memref<20000x16xf32, #tpu.memory_space<hbm>> -> memref<20000x16xf32, #tpu.memory_space<hbm>>
        tpu.enqueue_indirect_dma source(%dma_start3A_421 : memref<20000x16xf32, #tpu.memory_space<hbm>>) target(%dma_start3A_415 : memref<128x16xf32, #tpu.memory_space<vmem>>) offsets(%dma_start3A_418 : memref<128xi32, #tpu.memory_space<vmem>>) semaphore(%arg11 : memref<!tpu.dma_semaphore, #tpu.memory_space<semaphore_mem>>)
      } else {
      }
    }
    %scan3A_56 = arith.constant 20 : i32
    %dma_wait3A = arith.constant 0 : i32
    %dma_wait3A_57 = arith.constant 0 : i32
    %dma_wait3A_58 = arith.constant 0 : i32
    %dma_wait3A_59 = arith.constant 0 : i32
    %dma_wait3A_60 = tpu.memref_slice %arg10[%dma_wait3A, %dma_wait3A_58, %dma_wait3A_59] : memref<8x128x16xf32, #tpu.memory_space<vmem>> -> memref<1x128x16xf32, #tpu.memory_space<vmem>>
    %dma_wait3A_61 = tpu.memref_squeeze %dma_wait3A_60 : memref<1x128x16xf32, #tpu.memory_space<vmem>> -> memref<128x16xf32, #tpu.memory_space<vmem>>
    %dma_wait3A_62 = arith.constant 0 : i32
    %dma_wait3A_63 = tpu.memref_slice %arg9[%dma_wait3A_57, %dma_wait3A_62] : memref<160x128xi32, #tpu.memory_space<vmem>> -> memref<1x128xi32, #tpu.memory_space<vmem>>
    %dma_wait3A_64 = tpu.memref_squeeze %dma_wait3A_63 : memref<1x128xi32, #tpu.memory_space<vmem>> -> memref<128xi32, #tpu.memory_space<vmem>>
    %dma_wait3A_65 = arith.constant 0 : i32
    %dma_wait3A_66 = arith.constant 0 : i32
    %dma_wait3A_67 = tpu.memref_slice %arg7[%dma_wait3A_65, %dma_wait3A_66] : memref<10112x16xf32, #tpu.memory_space<vmem_shared>> -> memref<10112x16xf32, #tpu.memory_space<vmem_shared>>
    tpu.wait_indirect_dma semaphore(%arg12 : memref<!tpu.dma_semaphore, #tpu.memory_space<semaphore_mem>>) src(%dma_wait3A_61 : memref<128x16xf32, #tpu.memory_space<vmem>>) dst(%dma_wait3A_67 : memref<10112x16xf32, #tpu.memory_space<vmem_shared>>)
    %dma_wait3A_68 = arith.constant 1 : i32
    %dma_wait3A_69 = arith.constant 1 : i32
    %dma_wait3A_70 = arith.constant 0 : i32
    %dma_wait3A_71 = arith.constant 0 : i32
    %dma_wait3A_72 = tpu.memref_slice %arg10[%dma_wait3A_68, %dma_wait3A_70, %dma_wait3A_71] : memref<8x128x16xf32, #tpu.memory_space<vmem>> -> memref<1x128x16xf32, #tpu.memory_space<vmem>>
    %dma_wait3A_73 = tpu.memref_squeeze %dma_wait3A_72 : memref<1x128x16xf32, #tpu.memory_space<vmem>> -> memref<128x16xf32, #tpu.memory_space<vmem>>
    %dma_wait3A_74 = arith.constant 0 : i32
    %dma_wait3A_75 = tpu.memref_slice %arg9[%dma_wait3A_69, %dma_wait3A_74] : memref<160x128xi32, #tpu.memory_space<vmem>> -> memref<1x128xi32, #tpu.memory_space<vmem>>
    %dma_wait3A_76 = tpu.memref_squeeze %dma_wait3A_75 : memref<1x128xi32, #tpu.memory_space<vmem>> -> memref<128xi32, #tpu.memory_space<vmem>>
    %dma_wait3A_77 = arith.constant 0 : i32
    %dma_wait3A_78 = arith.constant 0 : i32
    %dma_wait3A_79 = tpu.memref_slice %arg7[%dma_wait3A_77, %dma_wait3A_78] : memref<10112x16xf32, #tpu.memory_space<vmem_shared>> -> memref<10112x16xf32, #tpu.memory_space<vmem_shared>>
    tpu.wait_indirect_dma semaphore(%arg12 : memref<!tpu.dma_semaphore, #tpu.memory_space<semaphore_mem>>) src(%dma_wait3A_73 : memref<128x16xf32, #tpu.memory_space<vmem>>) dst(%dma_wait3A_79 : memref<10112x16xf32, #tpu.memory_space<vmem_shared>>)
    %dma_wait3A_80 = arith.constant 2 : i32
    %dma_wait3A_81 = arith.constant 2 : i32
    %dma_wait3A_82 = arith.constant 0 : i32
    %dma_wait3A_83 = arith.constant 0 : i32
    %dma_wait3A_84 = tpu.memref_slice %arg10[%dma_wait3A_80, %dma_wait3A_82, %dma_wait3A_83] : memref<8x128x16xf32, #tpu.memory_space<vmem>> -> memref<1x128x16xf32, #tpu.memory_space<vmem>>
    %dma_wait3A_85 = tpu.memref_squeeze %dma_wait3A_84 : memref<1x128x16xf32, #tpu.memory_space<vmem>> -> memref<128x16xf32, #tpu.memory_space<vmem>>
    %dma_wait3A_86 = arith.constant 0 : i32
    %dma_wait3A_87 = tpu.memref_slice %arg9[%dma_wait3A_81, %dma_wait3A_86] : memref<160x128xi32, #tpu.memory_space<vmem>> -> memref<1x128xi32, #tpu.memory_space<vmem>>
    %dma_wait3A_88 = tpu.memref_squeeze %dma_wait3A_87 : memref<1x128xi32, #tpu.memory_space<vmem>> -> memref<128xi32, #tpu.memory_space<vmem>>
    %dma_wait3A_89 = arith.constant 0 : i32
    %dma_wait3A_90 = arith.constant 0 : i32
    %dma_wait3A_91 = tpu.memref_slice %arg7[%dma_wait3A_89, %dma_wait3A_90] : memref<10112x16xf32, #tpu.memory_space<vmem_shared>> -> memref<10112x16xf32, #tpu.memory_space<vmem_shared>>
    tpu.wait_indirect_dma semaphore(%arg12 : memref<!tpu.dma_semaphore, #tpu.memory_space<semaphore_mem>>) src(%dma_wait3A_85 : memref<128x16xf32, #tpu.memory_space<vmem>>) dst(%dma_wait3A_91 : memref<10112x16xf32, #tpu.memory_space<vmem_shared>>)
    %dma_wait3A_92 = arith.constant 3 : i32
    %dma_wait3A_93 = arith.constant 3 : i32
    %dma_wait3A_94 = arith.constant 0 : i32
    %dma_wait3A_95 = arith.constant 0 : i32
    %dma_wait3A_96 = tpu.memref_slice %arg10[%dma_wait3A_92, %dma_wait3A_94, %dma_wait3A_95] : memref<8x128x16xf32, #tpu.memory_space<vmem>> -> memref<1x128x16xf32, #tpu.memory_space<vmem>>
    %dma_wait3A_97 = tpu.memref_squeeze %dma_wait3A_96 : memref<1x128x16xf32, #tpu.memory_space<vmem>> -> memref<128x16xf32, #tpu.memory_space<vmem>>
    %dma_wait3A_98 = arith.constant 0 : i32
    %dma_wait3A_99 = tpu.memref_slice %arg9[%dma_wait3A_93, %dma_wait3A_98] : memref<160x128xi32, #tpu.memory_space<vmem>> -> memref<1x128xi32, #tpu.memory_space<vmem>>
    %dma_wait3A_100 = tpu.memref_squeeze %dma_wait3A_99 : memref<1x128xi32, #tpu.memory_space<vmem>> -> memref<128xi32, #tpu.memory_space<vmem>>
    %dma_wait3A_101 = arith.constant 0 : i32
    %dma_wait3A_102 = arith.constant 0 : i32
    %dma_wait3A_103 = tpu.memref_slice %arg7[%dma_wait3A_101, %dma_wait3A_102] : memref<10112x16xf32, #tpu.memory_space<vmem_shared>> -> memref<10112x16xf32, #tpu.memory_space<vmem_shared>>
    tpu.wait_indirect_dma semaphore(%arg12 : memref<!tpu.dma_semaphore, #tpu.memory_space<semaphore_mem>>) src(%dma_wait3A_97 : memref<128x16xf32, #tpu.memory_space<vmem>>) dst(%dma_wait3A_103 : memref<10112x16xf32, #tpu.memory_space<vmem_shared>>)
    %barrier3A_104 = arith.constant 0 : index
    tpu.barrier barrier_id(%barrier3A_104)
    %mul3A_105 = arith.constant 10112 : i32
    %mul3A_106 = arith.muli %arg0, %mul3A_105 : i32
    %add3A_107 = arith.addi %mul3A_106, %mul3A_0 : i32
    "tpu.region"() ({
      %run_scoped3A = tpu.sem_alloc : memref<!tpu.dma_semaphore, #tpu.memory_space<semaphore_mem>>
      %dma_start3A_108 = arith.constant 0 : i32
      %dma_start3A_109 = tpu.memref_slice %arg6[%add3A_107, %dma_start3A_108] : memref<20224x16xf32, #tpu.memory_space<hbm>> -> memref<632x16xf32, #tpu.memory_space<hbm>>
      %dma_start3A_110 = arith.constant 0 : i32
      %dma_start3A_111 = tpu.memref_slice %arg7[%mul3A_0, %dma_start3A_110] : memref<10112x16xf32, #tpu.memory_space<vmem_shared>> -> memref<632x16xf32, #tpu.memory_space<vmem_shared>>
      tpu.enqueue_dma source(%dma_start3A_111 : memref<632x16xf32, #tpu.memory_space<vmem_shared>>) target(%dma_start3A_109 : memref<632x16xf32, #tpu.memory_space<hbm>>) target_semaphore(%run_scoped3A : memref<!tpu.dma_semaphore, #tpu.memory_space<semaphore_mem>>)
      %dma_wait3A_112 = arith.constant 0 : i32
      %dma_wait3A_113 = tpu.memref_slice %arg6[%add3A_107, %dma_wait3A_112] : memref<20224x16xf32, #tpu.memory_space<hbm>> -> memref<632x16xf32, #tpu.memory_space<hbm>>
      %dma_wait3A_114 = arith.constant 0 : i32
      %dma_wait3A_115 = tpu.memref_slice %arg7[%mul3A_0, %dma_wait3A_114] : memref<10112x16xf32, #tpu.memory_space<vmem_shared>> -> memref<632x16xf32, #tpu.memory_space<vmem_shared>>
      tpu.wait_dma2 semaphore(%run_scoped3A : memref<!tpu.dma_semaphore, #tpu.memory_space<semaphore_mem>>) src(%dma_wait3A_115 : memref<632x16xf32, #tpu.memory_space<vmem_shared>>) dst(%dma_wait3A_113 : memref<632x16xf32, #tpu.memory_space<hbm>>)
      tpu.yield
    }) : () -> ()
    return
  }
}

#map = affine_map<(d0, d1) -> (0, 0)>
module attributes {stable_mosaic.version = 14 : i64} {
  func.func @_sc_degree(%arg0: i32, %arg1: i32, %arg2: memref<5120x128xi32, #tpu.memory_space<hbm>>, %arg3: memref<10112x16xf32, #tpu.memory_space<hbm>>, %arg4: memref<128x16xf32, #tpu.memory_space<hbm>>, %arg5: memref<20224x16xf32, #tpu.memory_space<hbm>>, %arg6: memref<10112x16xf32, #tpu.memory_space<vmem_shared>>, %arg7: memref<160x128xi32, #tpu.memory_space<vmem>>, %arg8: memref<128x16xf32, #tpu.memory_space<vmem>>) attributes {dimension_semantics = [#tpu.dimension_semantics<core_parallel>, #tpu.dimension_semantics<subcore_parallel>], iteration_bounds = array<i64: 2, 16>, scalar_prefetch = 0 : i64, scratch_operands = 3 : i64, tpu.core_type = #tpu.core_type<sc_vector_subcore>, window_params = [{transform_indices = #map}, {transform_indices = #map}, {transform_indices = #map}, {transform_indices = #map}]} {
    %mul3A = arith.constant 632 : i32
    %mul3A_0 = arith.muli %arg1, %mul3A : i32
    "tpu.region"() ({
      %run_scoped3A = tpu.sem_alloc : memref<!tpu.dma_semaphore, #tpu.memory_space<semaphore_mem>>
      %dma_start3A = arith.constant 0 : i32
      %dma_start3A_14 = tpu.memref_slice %arg6[%mul3A_0, %dma_start3A] : memref<10112x16xf32, #tpu.memory_space<vmem_shared>> -> memref<632x16xf32, #tpu.memory_space<vmem_shared>>
      %dma_start3A_15 = arith.constant 0 : i32
      %dma_start3A_16 = tpu.memref_slice %arg3[%mul3A_0, %dma_start3A_15] : memref<10112x16xf32, #tpu.memory_space<hbm>> -> memref<632x16xf32, #tpu.memory_space<hbm>>
      tpu.enqueue_dma source(%dma_start3A_16 : memref<632x16xf32, #tpu.memory_space<hbm>>) target(%dma_start3A_14 : memref<632x16xf32, #tpu.memory_space<vmem_shared>>) target_semaphore(%run_scoped3A : memref<!tpu.dma_semaphore, #tpu.memory_space<semaphore_mem>>)
      %dma_wait3A = arith.constant 0 : i32
      %dma_wait3A_17 = tpu.memref_slice %arg6[%mul3A_0, %dma_wait3A] : memref<10112x16xf32, #tpu.memory_space<vmem_shared>> -> memref<632x16xf32, #tpu.memory_space<vmem_shared>>
      %dma_wait3A_18 = arith.constant 0 : i32
      %dma_wait3A_19 = tpu.memref_slice %arg3[%mul3A_0, %dma_wait3A_18] : memref<10112x16xf32, #tpu.memory_space<hbm>> -> memref<632x16xf32, #tpu.memory_space<hbm>>
      tpu.wait_dma2 semaphore(%run_scoped3A : memref<!tpu.dma_semaphore, #tpu.memory_space<semaphore_mem>>) src(%dma_wait3A_19 : memref<632x16xf32, #tpu.memory_space<hbm>>) dst(%dma_wait3A_17 : memref<632x16xf32, #tpu.memory_space<vmem_shared>>)
      tpu.yield
    }) : () -> ()
    "tpu.region"() ({
      %run_scoped3A = tpu.sem_alloc : memref<!tpu.dma_semaphore, #tpu.memory_space<semaphore_mem>>
      tpu.enqueue_dma source(%arg4 : memref<128x16xf32, #tpu.memory_space<hbm>>) target(%arg8 : memref<128x16xf32, #tpu.memory_space<vmem>>) target_semaphore(%run_scoped3A : memref<!tpu.dma_semaphore, #tpu.memory_space<semaphore_mem>>)
      tpu.wait_dma2 semaphore(%run_scoped3A : memref<!tpu.dma_semaphore, #tpu.memory_space<semaphore_mem>>) src(%arg4 : memref<128x16xf32, #tpu.memory_space<hbm>>) dst(%arg8 : memref<128x16xf32, #tpu.memory_space<vmem>>)
      tpu.yield
    }) : () -> ()
    %mul3A_1 = arith.constant 16 : i32
    %mul3A_2 = arith.muli %arg0, %mul3A_1 : i32
    %add3A = arith.addi %mul3A_2, %arg1 : i32
    %mul3A_3 = arith.constant 160 : i32
    %mul3A_4 = arith.muli %add3A, %mul3A_3 : i32
    "tpu.region"() ({
      %run_scoped3A = tpu.sem_alloc : memref<!tpu.dma_semaphore, #tpu.memory_space<semaphore_mem>>
      %dma_start3A = arith.constant 0 : i32
      %dma_start3A_14 = tpu.memref_slice %arg2[%mul3A_4, %dma_start3A] : memref<5120x128xi32, #tpu.memory_space<hbm>> -> memref<160x128xi32, #tpu.memory_space<hbm>>
      %dma_start3A_15 = arith.constant 0 : i32
      %dma_start3A_16 = tpu.memref_slice %arg2[%mul3A_4, %dma_start3A_15] : memref<5120x128xi32, #tpu.memory_space<hbm>> -> memref<160x128xi32, #tpu.memory_space<hbm>>
      tpu.enqueue_dma source(%dma_start3A_16 : memref<160x128xi32, #tpu.memory_space<hbm>>) target(%arg7 : memref<160x128xi32, #tpu.memory_space<vmem>>) target_semaphore(%run_scoped3A : memref<!tpu.dma_semaphore, #tpu.memory_space<semaphore_mem>>)
      %dma_wait3A = arith.constant 0 : i32
      %dma_wait3A_17 = tpu.memref_slice %arg2[%mul3A_4, %dma_wait3A] : memref<5120x128xi32, #tpu.memory_space<hbm>> -> memref<160x128xi32, #tpu.memory_space<hbm>>
      %dma_wait3A_18 = arith.constant 0 : i32
      %dma_wait3A_19 = tpu.memref_slice %arg2[%mul3A_4, %dma_wait3A_18] : memref<5120x128xi32, #tpu.memory_space<hbm>> -> memref<160x128xi32, #tpu.memory_space<hbm>>
      tpu.wait_dma2 semaphore(%run_scoped3A : memref<!tpu.dma_semaphore, #tpu.memory_space<semaphore_mem>>) src(%dma_wait3A_19 : memref<160x128xi32, #tpu.memory_space<hbm>>) dst(%arg7 : memref<160x128xi32, #tpu.memory_space<vmem>>)
      tpu.yield
    }) : () -> ()
    %barrier3A = arith.constant 0 : index
    tpu.barrier barrier_id(%barrier3A)
    %scan3A = arith.constant 0 : i32
    %scan3A_5 = arith.constant 0 : i32
    %scan3A_6 = arith.constant 160 : i32
    %scan3A_7 = arith.addi %scan3A_5, %scan3A_6 : i32
    %scan3A_8 = arith.constant 1 : i32
    scf.for %scan3A_14 = %scan3A_5 to %scan3A_7 step %scan3A_8  : i32 {
      "tpu.region"() ({
        %run_scoped3A = tpu.sem_alloc : memref<!tpu.dma_semaphore, #tpu.memory_space<semaphore_mem>>
        %dma_start3A = arith.constant 0 : i32
        %dma_start3A_15 = tpu.memref_slice %arg7[%scan3A_14, %dma_start3A] : memref<160x128xi32, #tpu.memory_space<vmem>> -> memref<1x128xi32, #tpu.memory_space<vmem>>
        %dma_start3A_16 = tpu.memref_squeeze %dma_start3A_15 : memref<1x128xi32, #tpu.memory_space<vmem>> -> memref<128xi32, #tpu.memory_space<vmem>>
        %dma_start3A_17 = arith.constant 0 : i32
        %dma_start3A_18 = arith.constant 0 : i32
        %dma_start3A_19 = tpu.memref_slice %arg6[%dma_start3A_17, %dma_start3A_18] : memref<10112x16xf32, #tpu.memory_space<vmem_shared>> -> memref<10112x16xf32, #tpu.memory_space<vmem_shared>>
        tpu.enqueue_indirect_dma source(%arg8 : memref<128x16xf32, #tpu.memory_space<vmem>>) target(%dma_start3A_19 : memref<10112x16xf32, #tpu.memory_space<vmem_shared>>) offsets(%dma_start3A_16 : memref<128xi32, #tpu.memory_space<vmem>>) semaphore(%run_scoped3A : memref<!tpu.dma_semaphore, #tpu.memory_space<semaphore_mem>>) {add = true}
        %dma_wait3A = arith.constant 0 : i32
        %dma_wait3A_20 = tpu.memref_slice %arg7[%scan3A_14, %dma_wait3A] : memref<160x128xi32, #tpu.memory_space<vmem>> -> memref<1x128xi32, #tpu.memory_space<vmem>>
        %dma_wait3A_21 = tpu.memref_squeeze %dma_wait3A_20 : memref<1x128xi32, #tpu.memory_space<vmem>> -> memref<128xi32, #tpu.memory_space<vmem>>
        %dma_wait3A_22 = arith.constant 0 : i32
        %dma_wait3A_23 = arith.constant 0 : i32
        %dma_wait3A_24 = tpu.memref_slice %arg6[%dma_wait3A_22, %dma_wait3A_23] : memref<10112x16xf32, #tpu.memory_space<vmem_shared>> -> memref<10112x16xf32, #tpu.memory_space<vmem_shared>>
        tpu.wait_indirect_dma semaphore(%run_scoped3A : memref<!tpu.dma_semaphore, #tpu.memory_space<semaphore_mem>>) src(%arg8 : memref<128x16xf32, #tpu.memory_space<vmem>>) dst(%dma_wait3A_24 : memref<10112x16xf32, #tpu.memory_space<vmem_shared>>)
        tpu.yield
      }) : () -> ()
    }
    %scan3A_9 = arith.constant 160 : i32
    %barrier3A_10 = arith.constant 0 : index
    tpu.barrier barrier_id(%barrier3A_10)
    %mul3A_11 = arith.constant 10112 : i32
    %mul3A_12 = arith.muli %arg0, %mul3A_11 : i32
    %add3A_13 = arith.addi %mul3A_12, %mul3A_0 : i32
    "tpu.region"() ({
      %run_scoped3A = tpu.sem_alloc : memref<!tpu.dma_semaphore, #tpu.memory_space<semaphore_mem>>
      %dma_start3A = arith.constant 0 : i32
      %dma_start3A_14 = tpu.memref_slice %arg5[%add3A_13, %dma_start3A] : memref<20224x16xf32, #tpu.memory_space<hbm>> -> memref<632x16xf32, #tpu.memory_space<hbm>>
      %dma_start3A_15 = arith.constant 0 : i32
      %dma_start3A_16 = tpu.memref_slice %arg6[%mul3A_0, %dma_start3A_15] : memref<10112x16xf32, #tpu.memory_space<vmem_shared>> -> memref<632x16xf32, #tpu.memory_space<vmem_shared>>
      tpu.enqueue_dma source(%dma_start3A_16 : memref<632x16xf32, #tpu.memory_space<vmem_shared>>) target(%dma_start3A_14 : memref<632x16xf32, #tpu.memory_space<hbm>>) target_semaphore(%run_scoped3A : memref<!tpu.dma_semaphore, #tpu.memory_space<semaphore_mem>>)
      %dma_wait3A = arith.constant 0 : i32
      %dma_wait3A_17 = tpu.memref_slice %arg5[%add3A_13, %dma_wait3A] : memref<20224x16xf32, #tpu.memory_space<hbm>> -> memref<632x16xf32, #tpu.memory_space<hbm>>
      %dma_wait3A_18 = arith.constant 0 : i32
      %dma_wait3A_19 = tpu.memref_slice %arg6[%mul3A_0, %dma_wait3A_18] : memref<10112x16xf32, #tpu.memory_space<vmem_shared>> -> memref<632x16xf32, #tpu.memory_space<vmem_shared>>
      tpu.wait_dma2 semaphore(%run_scoped3A : memref<!tpu.dma_semaphore, #tpu.memory_space<semaphore_mem>>) src(%dma_wait3A_19 : memref<632x16xf32, #tpu.memory_space<vmem_shared>>) dst(%dma_wait3A_17 : memref<632x16xf32, #tpu.memory_space<hbm>>)
      tpu.yield
    }) : () -> ()
    return
  }
}

#map = affine_map<(d0, d1) -> (0, 0)>
module attributes {stable_mosaic.version = 14 : i64} {
  func.func @body(%arg0: i32, %arg1: i32, %arg2: memref<5120x128xi32, #tpu.memory_space<hbm>>, %arg3: memref<5120x128xi32, #tpu.memory_space<hbm>>, %arg4: memref<20000x32xf32, #tpu.memory_space<hbm>>, %arg5: memref<10112x32xf32, #tpu.memory_space<hbm>>, %arg6: memref<20224x32xf32, #tpu.memory_space<hbm>>, %arg7: memref<10112x32xf32, #tpu.memory_space<vmem_shared>>, %arg8: memref<160x128xi32, #tpu.memory_space<vmem>>, %arg9: memref<160x128xi32, #tpu.memory_space<vmem>>, %arg10: memref<8x128x32xf32, #tpu.memory_space<vmem>>, %arg11: memref<!tpu.dma_semaphore, #tpu.memory_space<semaphore_mem>>, %arg12: memref<!tpu.dma_semaphore, #tpu.memory_space<semaphore_mem>>) attributes {dimension_semantics = [#tpu.dimension_semantics<core_parallel>, #tpu.dimension_semantics<subcore_parallel>], iteration_bounds = array<i64: 2, 16>, scalar_prefetch = 0 : i64, scratch_operands = 6 : i64, tpu.core_type = #tpu.core_type<sc_vector_subcore>, window_params = [{transform_indices = #map}, {transform_indices = #map}, {transform_indices = #map}, {transform_indices = #map}, {transform_indices = #map}]} {
    %mul3A = arith.constant 632 : i32
    %mul3A_0 = arith.muli %arg1, %mul3A : i32
    "tpu.region"() ({
      %run_scoped3A = tpu.sem_alloc : memref<!tpu.dma_semaphore, #tpu.memory_space<semaphore_mem>>
      %dma_start3A_108 = arith.constant 0 : i32
      %dma_start3A_109 = tpu.memref_slice %arg7[%mul3A_0, %dma_start3A_108] : memref<10112x32xf32, #tpu.memory_space<vmem_shared>> -> memref<632x32xf32, #tpu.memory_space<vmem_shared>>
      %dma_start3A_110 = arith.constant 0 : i32
      %dma_start3A_111 = tpu.memref_slice %arg5[%mul3A_0, %dma_start3A_110] : memref<10112x32xf32, #tpu.memory_space<hbm>> -> memref<632x32xf32, #tpu.memory_space<hbm>>
      tpu.enqueue_dma source(%dma_start3A_111 : memref<632x32xf32, #tpu.memory_space<hbm>>) target(%dma_start3A_109 : memref<632x32xf32, #tpu.memory_space<vmem_shared>>) target_semaphore(%run_scoped3A : memref<!tpu.dma_semaphore, #tpu.memory_space<semaphore_mem>>)
      %dma_wait3A_112 = arith.constant 0 : i32
      %dma_wait3A_113 = tpu.memref_slice %arg7[%mul3A_0, %dma_wait3A_112] : memref<10112x32xf32, #tpu.memory_space<vmem_shared>> -> memref<632x32xf32, #tpu.memory_space<vmem_shared>>
      %dma_wait3A_114 = arith.constant 0 : i32
      %dma_wait3A_115 = tpu.memref_slice %arg5[%mul3A_0, %dma_wait3A_114] : memref<10112x32xf32, #tpu.memory_space<hbm>> -> memref<632x32xf32, #tpu.memory_space<hbm>>
      tpu.wait_dma2 semaphore(%run_scoped3A : memref<!tpu.dma_semaphore, #tpu.memory_space<semaphore_mem>>) src(%dma_wait3A_115 : memref<632x32xf32, #tpu.memory_space<hbm>>) dst(%dma_wait3A_113 : memref<632x32xf32, #tpu.memory_space<vmem_shared>>)
      tpu.yield
    }) : () -> ()
    %mul3A_1 = arith.constant 16 : i32
    %mul3A_2 = arith.muli %arg0, %mul3A_1 : i32
    %add3A = arith.addi %mul3A_2, %arg1 : i32
    %mul3A_3 = arith.constant 160 : i32
    %mul3A_4 = arith.muli %add3A, %mul3A_3 : i32
    "tpu.region"() ({
      %run_scoped3A = tpu.sem_alloc : memref<!tpu.dma_semaphore, #tpu.memory_space<semaphore_mem>>
      %dma_start3A_108 = arith.constant 0 : i32
      %dma_start3A_109 = tpu.memref_slice %arg2[%mul3A_4, %dma_start3A_108] : memref<5120x128xi32, #tpu.memory_space<hbm>> -> memref<160x128xi32, #tpu.memory_space<hbm>>
      %dma_start3A_110 = arith.constant 0 : i32
      %dma_start3A_111 = tpu.memref_slice %arg2[%mul3A_4, %dma_start3A_110] : memref<5120x128xi32, #tpu.memory_space<hbm>> -> memref<160x128xi32, #tpu.memory_space<hbm>>
      tpu.enqueue_dma source(%dma_start3A_111 : memref<160x128xi32, #tpu.memory_space<hbm>>) target(%arg8 : memref<160x128xi32, #tpu.memory_space<vmem>>) target_semaphore(%run_scoped3A : memref<!tpu.dma_semaphore, #tpu.memory_space<semaphore_mem>>)
      %dma_wait3A_112 = arith.constant 0 : i32
      %dma_wait3A_113 = tpu.memref_slice %arg2[%mul3A_4, %dma_wait3A_112] : memref<5120x128xi32, #tpu.memory_space<hbm>> -> memref<160x128xi32, #tpu.memory_space<hbm>>
      %dma_wait3A_114 = arith.constant 0 : i32
      %dma_wait3A_115 = tpu.memref_slice %arg2[%mul3A_4, %dma_wait3A_114] : memref<5120x128xi32, #tpu.memory_space<hbm>> -> memref<160x128xi32, #tpu.memory_space<hbm>>
      tpu.wait_dma2 semaphore(%run_scoped3A : memref<!tpu.dma_semaphore, #tpu.memory_space<semaphore_mem>>) src(%dma_wait3A_115 : memref<160x128xi32, #tpu.memory_space<hbm>>) dst(%arg8 : memref<160x128xi32, #tpu.memory_space<vmem>>)
      tpu.yield
    }) : () -> ()
    "tpu.region"() ({
      %run_scoped3A = tpu.sem_alloc : memref<!tpu.dma_semaphore, #tpu.memory_space<semaphore_mem>>
      %dma_start3A_108 = arith.constant 0 : i32
      %dma_start3A_109 = tpu.memref_slice %arg3[%mul3A_4, %dma_start3A_108] : memref<5120x128xi32, #tpu.memory_space<hbm>> -> memref<160x128xi32, #tpu.memory_space<hbm>>
      %dma_start3A_110 = arith.constant 0 : i32
      %dma_start3A_111 = tpu.memref_slice %arg3[%mul3A_4, %dma_start3A_110] : memref<5120x128xi32, #tpu.memory_space<hbm>> -> memref<160x128xi32, #tpu.memory_space<hbm>>
      tpu.enqueue_dma source(%dma_start3A_111 : memref<160x128xi32, #tpu.memory_space<hbm>>) target(%arg9 : memref<160x128xi32, #tpu.memory_space<vmem>>) target_semaphore(%run_scoped3A : memref<!tpu.dma_semaphore, #tpu.memory_space<semaphore_mem>>)
      %dma_wait3A_112 = arith.constant 0 : i32
      %dma_wait3A_113 = tpu.memref_slice %arg3[%mul3A_4, %dma_wait3A_112] : memref<5120x128xi32, #tpu.memory_space<hbm>> -> memref<160x128xi32, #tpu.memory_space<hbm>>
      %dma_wait3A_114 = arith.constant 0 : i32
      %dma_wait3A_115 = tpu.memref_slice %arg3[%mul3A_4, %dma_wait3A_114] : memref<5120x128xi32, #tpu.memory_space<hbm>> -> memref<160x128xi32, #tpu.memory_space<hbm>>
      tpu.wait_dma2 semaphore(%run_scoped3A : memref<!tpu.dma_semaphore, #tpu.memory_space<semaphore_mem>>) src(%dma_wait3A_115 : memref<160x128xi32, #tpu.memory_space<hbm>>) dst(%arg9 : memref<160x128xi32, #tpu.memory_space<vmem>>)
      tpu.yield
    }) : () -> ()
    %barrier3A = arith.constant 0 : index
    tpu.barrier barrier_id(%barrier3A)
    %dma_start3A = arith.constant 0 : i32
    %dma_start3A_5 = arith.constant 0 : i32
    %dma_start3A_6 = arith.constant 0 : i32
    %dma_start3A_7 = arith.constant 0 : i32
    %dma_start3A_8 = tpu.memref_slice %arg10[%dma_start3A_5, %dma_start3A_6, %dma_start3A_7] : memref<8x128x32xf32, #tpu.memory_space<vmem>> -> memref<1x128x32xf32, #tpu.memory_space<vmem>>
    %dma_start3A_9 = tpu.memref_squeeze %dma_start3A_8 : memref<1x128x32xf32, #tpu.memory_space<vmem>> -> memref<128x32xf32, #tpu.memory_space<vmem>>
    %dma_start3A_10 = arith.constant 0 : i32
    %dma_start3A_11 = tpu.memref_slice %arg8[%dma_start3A, %dma_start3A_10] : memref<160x128xi32, #tpu.memory_space<vmem>> -> memref<1x128xi32, #tpu.memory_space<vmem>>
    %dma_start3A_12 = tpu.memref_squeeze %dma_start3A_11 : memref<1x128xi32, #tpu.memory_space<vmem>> -> memref<128xi32, #tpu.memory_space<vmem>>
    %dma_start3A_13 = arith.constant 0 : i32
    %dma_start3A_14 = arith.constant 0 : i32
    %dma_start3A_15 = tpu.memref_slice %arg4[%dma_start3A_13, %dma_start3A_14] : memref<20000x32xf32, #tpu.memory_space<hbm>> -> memref<20000x32xf32, #tpu.memory_space<hbm>>
    tpu.enqueue_indirect_dma source(%dma_start3A_15 : memref<20000x32xf32, #tpu.memory_space<hbm>>) target(%dma_start3A_9 : memref<128x32xf32, #tpu.memory_space<vmem>>) offsets(%dma_start3A_12 : memref<128xi32, #tpu.memory_space<vmem>>) semaphore(%arg11 : memref<!tpu.dma_semaphore, #tpu.memory_space<semaphore_mem>>)
    %dma_start3A_16 = arith.constant 1 : i32
    %dma_start3A_17 = arith.constant 1 : i32
    %dma_start3A_18 = arith.constant 0 : i32
    %dma_start3A_19 = arith.constant 0 : i32
    %dma_start3A_20 = tpu.memref_slice %arg10[%dma_start3A_17, %dma_start3A_18, %dma_start3A_19] : memref<8x128x32xf32, #tpu.memory_space<vmem>> -> memref<1x128x32xf32, #tpu.memory_space<vmem>>
    %dma_start3A_21 = tpu.memref_squeeze %dma_start3A_20 : memref<1x128x32xf32, #tpu.memory_space<vmem>> -> memref<128x32xf32, #tpu.memory_space<vmem>>
    %dma_start3A_22 = arith.constant 0 : i32
    %dma_start3A_23 = tpu.memref_slice %arg8[%dma_start3A_16, %dma_start3A_22] : memref<160x128xi32, #tpu.memory_space<vmem>> -> memref<1x128xi32, #tpu.memory_space<vmem>>
    %dma_start3A_24 = tpu.memref_squeeze %dma_start3A_23 : memref<1x128xi32, #tpu.memory_space<vmem>> -> memref<128xi32, #tpu.memory_space<vmem>>
    %dma_start3A_25 = arith.constant 0 : i32
    %dma_start3A_26 = arith.constant 0 : i32
    %dma_start3A_27 = tpu.memref_slice %arg4[%dma_start3A_25, %dma_start3A_26] : memref<20000x32xf32, #tpu.memory_space<hbm>> -> memref<20000x32xf32, #tpu.memory_space<hbm>>
    tpu.enqueue_indirect_dma source(%dma_start3A_27 : memref<20000x32xf32, #tpu.memory_space<hbm>>) target(%dma_start3A_21 : memref<128x32xf32, #tpu.memory_space<vmem>>) offsets(%dma_start3A_24 : memref<128xi32, #tpu.memory_space<vmem>>) semaphore(%arg11 : memref<!tpu.dma_semaphore, #tpu.memory_space<semaphore_mem>>)
    %dma_start3A_28 = arith.constant 2 : i32
    %dma_start3A_29 = arith.constant 2 : i32
    %dma_start3A_30 = arith.constant 0 : i32
    %dma_start3A_31 = arith.constant 0 : i32
    %dma_start3A_32 = tpu.memref_slice %arg10[%dma_start3A_29, %dma_start3A_30, %dma_start3A_31] : memref<8x128x32xf32, #tpu.memory_space<vmem>> -> memref<1x128x32xf32, #tpu.memory_space<vmem>>
    %dma_start3A_33 = tpu.memref_squeeze %dma_start3A_32 : memref<1x128x32xf32, #tpu.memory_space<vmem>> -> memref<128x32xf32, #tpu.memory_space<vmem>>
    %dma_start3A_34 = arith.constant 0 : i32
    %dma_start3A_35 = tpu.memref_slice %arg8[%dma_start3A_28, %dma_start3A_34] : memref<160x128xi32, #tpu.memory_space<vmem>> -> memref<1x128xi32, #tpu.memory_space<vmem>>
    %dma_start3A_36 = tpu.memref_squeeze %dma_start3A_35 : memref<1x128xi32, #tpu.memory_space<vmem>> -> memref<128xi32, #tpu.memory_space<vmem>>
    %dma_start3A_37 = arith.constant 0 : i32
    %dma_start3A_38 = arith.constant 0 : i32
    %dma_start3A_39 = tpu.memref_slice %arg4[%dma_start3A_37, %dma_start3A_38] : memref<20000x32xf32, #tpu.memory_space<hbm>> -> memref<20000x32xf32, #tpu.memory_space<hbm>>
    tpu.enqueue_indirect_dma source(%dma_start3A_39 : memref<20000x32xf32, #tpu.memory_space<hbm>>) target(%dma_start3A_33 : memref<128x32xf32, #tpu.memory_space<vmem>>) offsets(%dma_start3A_36 : memref<128xi32, #tpu.memory_space<vmem>>) semaphore(%arg11 : memref<!tpu.dma_semaphore, #tpu.memory_space<semaphore_mem>>)
    %dma_start3A_40 = arith.constant 3 : i32
    %dma_start3A_41 = arith.constant 3 : i32
    %dma_start3A_42 = arith.constant 0 : i32
    %dma_start3A_43 = arith.constant 0 : i32
    %dma_start3A_44 = tpu.memref_slice %arg10[%dma_start3A_41, %dma_start3A_42, %dma_start3A_43] : memref<8x128x32xf32, #tpu.memory_space<vmem>> -> memref<1x128x32xf32, #tpu.memory_space<vmem>>
    %dma_start3A_45 = tpu.memref_squeeze %dma_start3A_44 : memref<1x128x32xf32, #tpu.memory_space<vmem>> -> memref<128x32xf32, #tpu.memory_space<vmem>>
    %dma_start3A_46 = arith.constant 0 : i32
    %dma_start3A_47 = tpu.memref_slice %arg8[%dma_start3A_40, %dma_start3A_46] : memref<160x128xi32, #tpu.memory_space<vmem>> -> memref<1x128xi32, #tpu.memory_space<vmem>>
    %dma_start3A_48 = tpu.memref_squeeze %dma_start3A_47 : memref<1x128xi32, #tpu.memory_space<vmem>> -> memref<128xi32, #tpu.memory_space<vmem>>
    %dma_start3A_49 = arith.constant 0 : i32
    %dma_start3A_50 = arith.constant 0 : i32
    %dma_start3A_51 = tpu.memref_slice %arg4[%dma_start3A_49, %dma_start3A_50] : memref<20000x32xf32, #tpu.memory_space<hbm>> -> memref<20000x32xf32, #tpu.memory_space<hbm>>
    tpu.enqueue_indirect_dma source(%dma_start3A_51 : memref<20000x32xf32, #tpu.memory_space<hbm>>) target(%dma_start3A_45 : memref<128x32xf32, #tpu.memory_space<vmem>>) offsets(%dma_start3A_48 : memref<128xi32, #tpu.memory_space<vmem>>) semaphore(%arg11 : memref<!tpu.dma_semaphore, #tpu.memory_space<semaphore_mem>>)
    %scan3A = arith.constant 0 : i32
    %scan3A_52 = arith.constant 0 : i32
    %scan3A_53 = arith.constant 20 : i32
    %scan3A_54 = arith.addi %scan3A_52, %scan3A_53 : i32
    %scan3A_55 = arith.constant 1 : i32
    scf.for %scan3A_108 = %scan3A_52 to %scan3A_54 step %scan3A_55  : i32 {
      %mul3A_109 = arith.constant 8 : i32
      %mul3A_110 = arith.muli %scan3A_108, %mul3A_109 : i32
      %add3A_111 = arith.constant 0 : i32
      %add3A_112 = arith.addi %mul3A_110, %add3A_111 : i32
      %dma_wait3A_113 = arith.constant 0 : i32
      %dma_wait3A_114 = arith.constant 0 : i32
      %dma_wait3A_115 = arith.constant 0 : i32
      %dma_wait3A_116 = tpu.memref_slice %arg10[%dma_wait3A_113, %dma_wait3A_114, %dma_wait3A_115] : memref<8x128x32xf32, #tpu.memory_space<vmem>> -> memref<1x128x32xf32, #tpu.memory_space<vmem>>
      %dma_wait3A_117 = tpu.memref_squeeze %dma_wait3A_116 : memref<1x128x32xf32, #tpu.memory_space<vmem>> -> memref<128x32xf32, #tpu.memory_space<vmem>>
      %dma_wait3A_118 = arith.constant 0 : i32
      %dma_wait3A_119 = tpu.memref_slice %arg8[%add3A_112, %dma_wait3A_118] : memref<160x128xi32, #tpu.memory_space<vmem>> -> memref<1x128xi32, #tpu.memory_space<vmem>>
      %dma_wait3A_120 = tpu.memref_squeeze %dma_wait3A_119 : memref<1x128xi32, #tpu.memory_space<vmem>> -> memref<128xi32, #tpu.memory_space<vmem>>
      %dma_wait3A_121 = arith.constant 0 : i32
      %dma_wait3A_122 = arith.constant 0 : i32
      %dma_wait3A_123 = tpu.memref_slice %arg4[%dma_wait3A_121, %dma_wait3A_122] : memref<20000x32xf32, #tpu.memory_space<hbm>> -> memref<20000x32xf32, #tpu.memory_space<hbm>>
      tpu.wait_indirect_dma semaphore(%arg11 : memref<!tpu.dma_semaphore, #tpu.memory_space<semaphore_mem>>) src(%dma_wait3A_123 : memref<20000x32xf32, #tpu.memory_space<hbm>>) dst(%dma_wait3A_117 : memref<128x32xf32, #tpu.memory_space<vmem>>)
      %dma_start3A_124 = arith.constant 0 : i32
      %dma_start3A_125 = arith.constant 0 : i32
      %dma_start3A_126 = arith.constant 0 : i32
      %dma_start3A_127 = tpu.memref_slice %arg10[%dma_start3A_124, %dma_start3A_125, %dma_start3A_126] : memref<8x128x32xf32, #tpu.memory_space<vmem>> -> memref<1x128x32xf32, #tpu.memory_space<vmem>>
      %dma_start3A_128 = tpu.memref_squeeze %dma_start3A_127 : memref<1x128x32xf32, #tpu.memory_space<vmem>> -> memref<128x32xf32, #tpu.memory_space<vmem>>
      %dma_start3A_129 = arith.constant 0 : i32
      %dma_start3A_130 = tpu.memref_slice %arg9[%add3A_112, %dma_start3A_129] : memref<160x128xi32, #tpu.memory_space<vmem>> -> memref<1x128xi32, #tpu.memory_space<vmem>>
      %dma_start3A_131 = tpu.memref_squeeze %dma_start3A_130 : memref<1x128xi32, #tpu.memory_space<vmem>> -> memref<128xi32, #tpu.memory_space<vmem>>
      %dma_start3A_132 = arith.constant 0 : i32
      %dma_start3A_133 = arith.constant 0 : i32
      %dma_start3A_134 = tpu.memref_slice %arg7[%dma_start3A_132, %dma_start3A_133] : memref<10112x32xf32, #tpu.memory_space<vmem_shared>> -> memref<10112x32xf32, #tpu.memory_space<vmem_shared>>
      tpu.enqueue_indirect_dma source(%dma_start3A_128 : memref<128x32xf32, #tpu.memory_space<vmem>>) target(%dma_start3A_134 : memref<10112x32xf32, #tpu.memory_space<vmem_shared>>) offsets(%dma_start3A_131 : memref<128xi32, #tpu.memory_space<vmem>>) semaphore(%arg12 : memref<!tpu.dma_semaphore, #tpu.memory_space<semaphore_mem>>) {add = true}
      %ge3A = arith.constant 4 : i32
      %ge3A_135 = arith.cmpi sge, %add3A_112, %ge3A : i32
      %convert_element_type3A = arith.extui %ge3A_135 : i1 to i32
      %cond3A = arith.constant 0 : i32
      %cond3A_136 = arith.cmpi ne, %convert_element_type3A, %cond3A : i32
      scf.if %cond3A_136 {
        %dma_wait3A_409 = arith.constant 0 : i32
        %dma_wait3A_410 = arith.constant 0 : i32
        %dma_wait3A_411 = arith.constant 0 : i32
        %dma_wait3A_412 = tpu.memref_slice %arg10[%dma_wait3A_409, %dma_wait3A_410, %dma_wait3A_411] : memref<8x128x32xf32, #tpu.memory_space<vmem>> -> memref<1x128x32xf32, #tpu.memory_space<vmem>>
        %dma_wait3A_413 = tpu.memref_squeeze %dma_wait3A_412 : memref<1x128x32xf32, #tpu.memory_space<vmem>> -> memref<128x32xf32, #tpu.memory_space<vmem>>
        %dma_wait3A_414 = arith.constant 0 : i32
        %dma_wait3A_415 = tpu.memref_slice %arg9[%add3A_112, %dma_wait3A_414] : memref<160x128xi32, #tpu.memory_space<vmem>> -> memref<1x128xi32, #tpu.memory_space<vmem>>
        %dma_wait3A_416 = tpu.memref_squeeze %dma_wait3A_415 : memref<1x128xi32, #tpu.memory_space<vmem>> -> memref<128xi32, #tpu.memory_space<vmem>>
        %dma_wait3A_417 = arith.constant 0 : i32
        %dma_wait3A_418 = arith.constant 0 : i32
        %dma_wait3A_419 = tpu.memref_slice %arg7[%dma_wait3A_417, %dma_wait3A_418] : memref<10112x32xf32, #tpu.memory_space<vmem_shared>> -> memref<10112x32xf32, #tpu.memory_space<vmem_shared>>
        tpu.wait_indirect_dma semaphore(%arg12 : memref<!tpu.dma_semaphore, #tpu.memory_space<semaphore_mem>>) src(%dma_wait3A_413 : memref<128x32xf32, #tpu.memory_space<vmem>>) dst(%dma_wait3A_419 : memref<10112x32xf32, #tpu.memory_space<vmem_shared>>)
      } else {
      }
      %add3A_137 = arith.constant 4 : i32
      %add3A_138 = arith.addi %add3A_112, %add3A_137 : i32
      %lt3A = arith.constant 160 : i32
      %lt3A_139 = arith.cmpi slt, %add3A_138, %lt3A : i32
      %convert_element_type3A_140 = arith.extui %lt3A_139 : i1 to i32
      %cond3A_141 = arith.constant 0 : i32
      %cond3A_142 = arith.cmpi ne, %convert_element_type3A_140, %cond3A_141 : i32
      scf.if %cond3A_142 {
        %add3A_409 = arith.constant 4 : i32
        %add3A_410 = arith.addi %add3A_112, %add3A_409 : i32
        %dma_start3A_411 = arith.constant 4 : i32
        %dma_start3A_412 = arith.constant 0 : i32
        %dma_start3A_413 = arith.constant 0 : i32
        %dma_start3A_414 = tpu.memref_slice %arg10[%dma_start3A_411, %dma_start3A_412, %dma_start3A_413] : memref<8x128x32xf32, #tpu.memory_space<vmem>> -> memref<1x128x32xf32, #tpu.memory_space<vmem>>
        %dma_start3A_415 = tpu.memref_squeeze %dma_start3A_414 : memref<1x128x32xf32, #tpu.memory_space<vmem>> -> memref<128x32xf32, #tpu.memory_space<vmem>>
        %dma_start3A_416 = arith.constant 0 : i32
        %dma_start3A_417 = tpu.memref_slice %arg8[%add3A_410, %dma_start3A_416] : memref<160x128xi32, #tpu.memory_space<vmem>> -> memref<1x128xi32, #tpu.memory_space<vmem>>
        %dma_start3A_418 = tpu.memref_squeeze %dma_start3A_417 : memref<1x128xi32, #tpu.memory_space<vmem>> -> memref<128xi32, #tpu.memory_space<vmem>>
        %dma_start3A_419 = arith.constant 0 : i32
        %dma_start3A_420 = arith.constant 0 : i32
        %dma_start3A_421 = tpu.memref_slice %arg4[%dma_start3A_419, %dma_start3A_420] : memref<20000x32xf32, #tpu.memory_space<hbm>> -> memref<20000x32xf32, #tpu.memory_space<hbm>>
        tpu.enqueue_indirect_dma source(%dma_start3A_421 : memref<20000x32xf32, #tpu.memory_space<hbm>>) target(%dma_start3A_415 : memref<128x32xf32, #tpu.memory_space<vmem>>) offsets(%dma_start3A_418 : memref<128xi32, #tpu.memory_space<vmem>>) semaphore(%arg11 : memref<!tpu.dma_semaphore, #tpu.memory_space<semaphore_mem>>)
      } else {
      }
      %mul3A_143 = arith.constant 8 : i32
      %mul3A_144 = arith.muli %scan3A_108, %mul3A_143 : i32
      %add3A_145 = arith.constant 1 : i32
      %add3A_146 = arith.addi %mul3A_144, %add3A_145 : i32
      %dma_wait3A_147 = arith.constant 1 : i32
      %dma_wait3A_148 = arith.constant 0 : i32
      %dma_wait3A_149 = arith.constant 0 : i32
      %dma_wait3A_150 = tpu.memref_slice %arg10[%dma_wait3A_147, %dma_wait3A_148, %dma_wait3A_149] : memref<8x128x32xf32, #tpu.memory_space<vmem>> -> memref<1x128x32xf32, #tpu.memory_space<vmem>>
      %dma_wait3A_151 = tpu.memref_squeeze %dma_wait3A_150 : memref<1x128x32xf32, #tpu.memory_space<vmem>> -> memref<128x32xf32, #tpu.memory_space<vmem>>
      %dma_wait3A_152 = arith.constant 0 : i32
      %dma_wait3A_153 = tpu.memref_slice %arg8[%add3A_146, %dma_wait3A_152] : memref<160x128xi32, #tpu.memory_space<vmem>> -> memref<1x128xi32, #tpu.memory_space<vmem>>
      %dma_wait3A_154 = tpu.memref_squeeze %dma_wait3A_153 : memref<1x128xi32, #tpu.memory_space<vmem>> -> memref<128xi32, #tpu.memory_space<vmem>>
      %dma_wait3A_155 = arith.constant 0 : i32
      %dma_wait3A_156 = arith.constant 0 : i32
      %dma_wait3A_157 = tpu.memref_slice %arg4[%dma_wait3A_155, %dma_wait3A_156] : memref<20000x32xf32, #tpu.memory_space<hbm>> -> memref<20000x32xf32, #tpu.memory_space<hbm>>
      tpu.wait_indirect_dma semaphore(%arg11 : memref<!tpu.dma_semaphore, #tpu.memory_space<semaphore_mem>>) src(%dma_wait3A_157 : memref<20000x32xf32, #tpu.memory_space<hbm>>) dst(%dma_wait3A_151 : memref<128x32xf32, #tpu.memory_space<vmem>>)
      %dma_start3A_158 = arith.constant 1 : i32
      %dma_start3A_159 = arith.constant 0 : i32
      %dma_start3A_160 = arith.constant 0 : i32
      %dma_start3A_161 = tpu.memref_slice %arg10[%dma_start3A_158, %dma_start3A_159, %dma_start3A_160] : memref<8x128x32xf32, #tpu.memory_space<vmem>> -> memref<1x128x32xf32, #tpu.memory_space<vmem>>
      %dma_start3A_162 = tpu.memref_squeeze %dma_start3A_161 : memref<1x128x32xf32, #tpu.memory_space<vmem>> -> memref<128x32xf32, #tpu.memory_space<vmem>>
      %dma_start3A_163 = arith.constant 0 : i32
      %dma_start3A_164 = tpu.memref_slice %arg9[%add3A_146, %dma_start3A_163] : memref<160x128xi32, #tpu.memory_space<vmem>> -> memref<1x128xi32, #tpu.memory_space<vmem>>
      %dma_start3A_165 = tpu.memref_squeeze %dma_start3A_164 : memref<1x128xi32, #tpu.memory_space<vmem>> -> memref<128xi32, #tpu.memory_space<vmem>>
      %dma_start3A_166 = arith.constant 0 : i32
      %dma_start3A_167 = arith.constant 0 : i32
      %dma_start3A_168 = tpu.memref_slice %arg7[%dma_start3A_166, %dma_start3A_167] : memref<10112x32xf32, #tpu.memory_space<vmem_shared>> -> memref<10112x32xf32, #tpu.memory_space<vmem_shared>>
      tpu.enqueue_indirect_dma source(%dma_start3A_162 : memref<128x32xf32, #tpu.memory_space<vmem>>) target(%dma_start3A_168 : memref<10112x32xf32, #tpu.memory_space<vmem_shared>>) offsets(%dma_start3A_165 : memref<128xi32, #tpu.memory_space<vmem>>) semaphore(%arg12 : memref<!tpu.dma_semaphore, #tpu.memory_space<semaphore_mem>>) {add = true}
      %ge3A_169 = arith.constant 4 : i32
      %ge3A_170 = arith.cmpi sge, %add3A_146, %ge3A_169 : i32
      %convert_element_type3A_171 = arith.extui %ge3A_170 : i1 to i32
      %cond3A_172 = arith.constant 0 : i32
      %cond3A_173 = arith.cmpi ne, %convert_element_type3A_171, %cond3A_172 : i32
      scf.if %cond3A_173 {
        %dma_wait3A_409 = arith.constant 1 : i32
        %dma_wait3A_410 = arith.constant 0 : i32
        %dma_wait3A_411 = arith.constant 0 : i32
        %dma_wait3A_412 = tpu.memref_slice %arg10[%dma_wait3A_409, %dma_wait3A_410, %dma_wait3A_411] : memref<8x128x32xf32, #tpu.memory_space<vmem>> -> memref<1x128x32xf32, #tpu.memory_space<vmem>>
        %dma_wait3A_413 = tpu.memref_squeeze %dma_wait3A_412 : memref<1x128x32xf32, #tpu.memory_space<vmem>> -> memref<128x32xf32, #tpu.memory_space<vmem>>
        %dma_wait3A_414 = arith.constant 0 : i32
        %dma_wait3A_415 = tpu.memref_slice %arg9[%add3A_146, %dma_wait3A_414] : memref<160x128xi32, #tpu.memory_space<vmem>> -> memref<1x128xi32, #tpu.memory_space<vmem>>
        %dma_wait3A_416 = tpu.memref_squeeze %dma_wait3A_415 : memref<1x128xi32, #tpu.memory_space<vmem>> -> memref<128xi32, #tpu.memory_space<vmem>>
        %dma_wait3A_417 = arith.constant 0 : i32
        %dma_wait3A_418 = arith.constant 0 : i32
        %dma_wait3A_419 = tpu.memref_slice %arg7[%dma_wait3A_417, %dma_wait3A_418] : memref<10112x32xf32, #tpu.memory_space<vmem_shared>> -> memref<10112x32xf32, #tpu.memory_space<vmem_shared>>
        tpu.wait_indirect_dma semaphore(%arg12 : memref<!tpu.dma_semaphore, #tpu.memory_space<semaphore_mem>>) src(%dma_wait3A_413 : memref<128x32xf32, #tpu.memory_space<vmem>>) dst(%dma_wait3A_419 : memref<10112x32xf32, #tpu.memory_space<vmem_shared>>)
      } else {
      }
      %add3A_174 = arith.constant 4 : i32
      %add3A_175 = arith.addi %add3A_146, %add3A_174 : i32
      %lt3A_176 = arith.constant 160 : i32
      %lt3A_177 = arith.cmpi slt, %add3A_175, %lt3A_176 : i32
      %convert_element_type3A_178 = arith.extui %lt3A_177 : i1 to i32
      %cond3A_179 = arith.constant 0 : i32
      %cond3A_180 = arith.cmpi ne, %convert_element_type3A_178, %cond3A_179 : i32
      scf.if %cond3A_180 {
        %add3A_409 = arith.constant 4 : i32
        %add3A_410 = arith.addi %add3A_146, %add3A_409 : i32
        %dma_start3A_411 = arith.constant 5 : i32
        %dma_start3A_412 = arith.constant 0 : i32
        %dma_start3A_413 = arith.constant 0 : i32
        %dma_start3A_414 = tpu.memref_slice %arg10[%dma_start3A_411, %dma_start3A_412, %dma_start3A_413] : memref<8x128x32xf32, #tpu.memory_space<vmem>> -> memref<1x128x32xf32, #tpu.memory_space<vmem>>
        %dma_start3A_415 = tpu.memref_squeeze %dma_start3A_414 : memref<1x128x32xf32, #tpu.memory_space<vmem>> -> memref<128x32xf32, #tpu.memory_space<vmem>>
        %dma_start3A_416 = arith.constant 0 : i32
        %dma_start3A_417 = tpu.memref_slice %arg8[%add3A_410, %dma_start3A_416] : memref<160x128xi32, #tpu.memory_space<vmem>> -> memref<1x128xi32, #tpu.memory_space<vmem>>
        %dma_start3A_418 = tpu.memref_squeeze %dma_start3A_417 : memref<1x128xi32, #tpu.memory_space<vmem>> -> memref<128xi32, #tpu.memory_space<vmem>>
        %dma_start3A_419 = arith.constant 0 : i32
        %dma_start3A_420 = arith.constant 0 : i32
        %dma_start3A_421 = tpu.memref_slice %arg4[%dma_start3A_419, %dma_start3A_420] : memref<20000x32xf32, #tpu.memory_space<hbm>> -> memref<20000x32xf32, #tpu.memory_space<hbm>>
        tpu.enqueue_indirect_dma source(%dma_start3A_421 : memref<20000x32xf32, #tpu.memory_space<hbm>>) target(%dma_start3A_415 : memref<128x32xf32, #tpu.memory_space<vmem>>) offsets(%dma_start3A_418 : memref<128xi32, #tpu.memory_space<vmem>>) semaphore(%arg11 : memref<!tpu.dma_semaphore, #tpu.memory_space<semaphore_mem>>)
      } else {
      }
      %mul3A_181 = arith.constant 8 : i32
      %mul3A_182 = arith.muli %scan3A_108, %mul3A_181 : i32
      %add3A_183 = arith.constant 2 : i32
      %add3A_184 = arith.addi %mul3A_182, %add3A_183 : i32
      %dma_wait3A_185 = arith.constant 2 : i32
      %dma_wait3A_186 = arith.constant 0 : i32
      %dma_wait3A_187 = arith.constant 0 : i32
      %dma_wait3A_188 = tpu.memref_slice %arg10[%dma_wait3A_185, %dma_wait3A_186, %dma_wait3A_187] : memref<8x128x32xf32, #tpu.memory_space<vmem>> -> memref<1x128x32xf32, #tpu.memory_space<vmem>>
      %dma_wait3A_189 = tpu.memref_squeeze %dma_wait3A_188 : memref<1x128x32xf32, #tpu.memory_space<vmem>> -> memref<128x32xf32, #tpu.memory_space<vmem>>
      %dma_wait3A_190 = arith.constant 0 : i32
      %dma_wait3A_191 = tpu.memref_slice %arg8[%add3A_184, %dma_wait3A_190] : memref<160x128xi32, #tpu.memory_space<vmem>> -> memref<1x128xi32, #tpu.memory_space<vmem>>
      %dma_wait3A_192 = tpu.memref_squeeze %dma_wait3A_191 : memref<1x128xi32, #tpu.memory_space<vmem>> -> memref<128xi32, #tpu.memory_space<vmem>>
      %dma_wait3A_193 = arith.constant 0 : i32
      %dma_wait3A_194 = arith.constant 0 : i32
      %dma_wait3A_195 = tpu.memref_slice %arg4[%dma_wait3A_193, %dma_wait3A_194] : memref<20000x32xf32, #tpu.memory_space<hbm>> -> memref<20000x32xf32, #tpu.memory_space<hbm>>
      tpu.wait_indirect_dma semaphore(%arg11 : memref<!tpu.dma_semaphore, #tpu.memory_space<semaphore_mem>>) src(%dma_wait3A_195 : memref<20000x32xf32, #tpu.memory_space<hbm>>) dst(%dma_wait3A_189 : memref<128x32xf32, #tpu.memory_space<vmem>>)
      %dma_start3A_196 = arith.constant 2 : i32
      %dma_start3A_197 = arith.constant 0 : i32
      %dma_start3A_198 = arith.constant 0 : i32
      %dma_start3A_199 = tpu.memref_slice %arg10[%dma_start3A_196, %dma_start3A_197, %dma_start3A_198] : memref<8x128x32xf32, #tpu.memory_space<vmem>> -> memref<1x128x32xf32, #tpu.memory_space<vmem>>
      %dma_start3A_200 = tpu.memref_squeeze %dma_start3A_199 : memref<1x128x32xf32, #tpu.memory_space<vmem>> -> memref<128x32xf32, #tpu.memory_space<vmem>>
      %dma_start3A_201 = arith.constant 0 : i32
      %dma_start3A_202 = tpu.memref_slice %arg9[%add3A_184, %dma_start3A_201] : memref<160x128xi32, #tpu.memory_space<vmem>> -> memref<1x128xi32, #tpu.memory_space<vmem>>
      %dma_start3A_203 = tpu.memref_squeeze %dma_start3A_202 : memref<1x128xi32, #tpu.memory_space<vmem>> -> memref<128xi32, #tpu.memory_space<vmem>>
      %dma_start3A_204 = arith.constant 0 : i32
      %dma_start3A_205 = arith.constant 0 : i32
      %dma_start3A_206 = tpu.memref_slice %arg7[%dma_start3A_204, %dma_start3A_205] : memref<10112x32xf32, #tpu.memory_space<vmem_shared>> -> memref<10112x32xf32, #tpu.memory_space<vmem_shared>>
      tpu.enqueue_indirect_dma source(%dma_start3A_200 : memref<128x32xf32, #tpu.memory_space<vmem>>) target(%dma_start3A_206 : memref<10112x32xf32, #tpu.memory_space<vmem_shared>>) offsets(%dma_start3A_203 : memref<128xi32, #tpu.memory_space<vmem>>) semaphore(%arg12 : memref<!tpu.dma_semaphore, #tpu.memory_space<semaphore_mem>>) {add = true}
      %ge3A_207 = arith.constant 4 : i32
      %ge3A_208 = arith.cmpi sge, %add3A_184, %ge3A_207 : i32
      %convert_element_type3A_209 = arith.extui %ge3A_208 : i1 to i32
      %cond3A_210 = arith.constant 0 : i32
      %cond3A_211 = arith.cmpi ne, %convert_element_type3A_209, %cond3A_210 : i32
      scf.if %cond3A_211 {
        %dma_wait3A_409 = arith.constant 2 : i32
        %dma_wait3A_410 = arith.constant 0 : i32
        %dma_wait3A_411 = arith.constant 0 : i32
        %dma_wait3A_412 = tpu.memref_slice %arg10[%dma_wait3A_409, %dma_wait3A_410, %dma_wait3A_411] : memref<8x128x32xf32, #tpu.memory_space<vmem>> -> memref<1x128x32xf32, #tpu.memory_space<vmem>>
        %dma_wait3A_413 = tpu.memref_squeeze %dma_wait3A_412 : memref<1x128x32xf32, #tpu.memory_space<vmem>> -> memref<128x32xf32, #tpu.memory_space<vmem>>
        %dma_wait3A_414 = arith.constant 0 : i32
        %dma_wait3A_415 = tpu.memref_slice %arg9[%add3A_184, %dma_wait3A_414] : memref<160x128xi32, #tpu.memory_space<vmem>> -> memref<1x128xi32, #tpu.memory_space<vmem>>
        %dma_wait3A_416 = tpu.memref_squeeze %dma_wait3A_415 : memref<1x128xi32, #tpu.memory_space<vmem>> -> memref<128xi32, #tpu.memory_space<vmem>>
        %dma_wait3A_417 = arith.constant 0 : i32
        %dma_wait3A_418 = arith.constant 0 : i32
        %dma_wait3A_419 = tpu.memref_slice %arg7[%dma_wait3A_417, %dma_wait3A_418] : memref<10112x32xf32, #tpu.memory_space<vmem_shared>> -> memref<10112x32xf32, #tpu.memory_space<vmem_shared>>
        tpu.wait_indirect_dma semaphore(%arg12 : memref<!tpu.dma_semaphore, #tpu.memory_space<semaphore_mem>>) src(%dma_wait3A_413 : memref<128x32xf32, #tpu.memory_space<vmem>>) dst(%dma_wait3A_419 : memref<10112x32xf32, #tpu.memory_space<vmem_shared>>)
      } else {
      }
      %add3A_212 = arith.constant 4 : i32
      %add3A_213 = arith.addi %add3A_184, %add3A_212 : i32
      %lt3A_214 = arith.constant 160 : i32
      %lt3A_215 = arith.cmpi slt, %add3A_213, %lt3A_214 : i32
      %convert_element_type3A_216 = arith.extui %lt3A_215 : i1 to i32
      %cond3A_217 = arith.constant 0 : i32
      %cond3A_218 = arith.cmpi ne, %convert_element_type3A_216, %cond3A_217 : i32
      scf.if %cond3A_218 {
        %add3A_409 = arith.constant 4 : i32
        %add3A_410 = arith.addi %add3A_184, %add3A_409 : i32
        %dma_start3A_411 = arith.constant 6 : i32
        %dma_start3A_412 = arith.constant 0 : i32
        %dma_start3A_413 = arith.constant 0 : i32
        %dma_start3A_414 = tpu.memref_slice %arg10[%dma_start3A_411, %dma_start3A_412, %dma_start3A_413] : memref<8x128x32xf32, #tpu.memory_space<vmem>> -> memref<1x128x32xf32, #tpu.memory_space<vmem>>
        %dma_start3A_415 = tpu.memref_squeeze %dma_start3A_414 : memref<1x128x32xf32, #tpu.memory_space<vmem>> -> memref<128x32xf32, #tpu.memory_space<vmem>>
        %dma_start3A_416 = arith.constant 0 : i32
        %dma_start3A_417 = tpu.memref_slice %arg8[%add3A_410, %dma_start3A_416] : memref<160x128xi32, #tpu.memory_space<vmem>> -> memref<1x128xi32, #tpu.memory_space<vmem>>
        %dma_start3A_418 = tpu.memref_squeeze %dma_start3A_417 : memref<1x128xi32, #tpu.memory_space<vmem>> -> memref<128xi32, #tpu.memory_space<vmem>>
        %dma_start3A_419 = arith.constant 0 : i32
        %dma_start3A_420 = arith.constant 0 : i32
        %dma_start3A_421 = tpu.memref_slice %arg4[%dma_start3A_419, %dma_start3A_420] : memref<20000x32xf32, #tpu.memory_space<hbm>> -> memref<20000x32xf32, #tpu.memory_space<hbm>>
        tpu.enqueue_indirect_dma source(%dma_start3A_421 : memref<20000x32xf32, #tpu.memory_space<hbm>>) target(%dma_start3A_415 : memref<128x32xf32, #tpu.memory_space<vmem>>) offsets(%dma_start3A_418 : memref<128xi32, #tpu.memory_space<vmem>>) semaphore(%arg11 : memref<!tpu.dma_semaphore, #tpu.memory_space<semaphore_mem>>)
      } else {
      }
      %mul3A_219 = arith.constant 8 : i32
      %mul3A_220 = arith.muli %scan3A_108, %mul3A_219 : i32
      %add3A_221 = arith.constant 3 : i32
      %add3A_222 = arith.addi %mul3A_220, %add3A_221 : i32
      %dma_wait3A_223 = arith.constant 3 : i32
      %dma_wait3A_224 = arith.constant 0 : i32
      %dma_wait3A_225 = arith.constant 0 : i32
      %dma_wait3A_226 = tpu.memref_slice %arg10[%dma_wait3A_223, %dma_wait3A_224, %dma_wait3A_225] : memref<8x128x32xf32, #tpu.memory_space<vmem>> -> memref<1x128x32xf32, #tpu.memory_space<vmem>>
      %dma_wait3A_227 = tpu.memref_squeeze %dma_wait3A_226 : memref<1x128x32xf32, #tpu.memory_space<vmem>> -> memref<128x32xf32, #tpu.memory_space<vmem>>
      %dma_wait3A_228 = arith.constant 0 : i32
      %dma_wait3A_229 = tpu.memref_slice %arg8[%add3A_222, %dma_wait3A_228] : memref<160x128xi32, #tpu.memory_space<vmem>> -> memref<1x128xi32, #tpu.memory_space<vmem>>
      %dma_wait3A_230 = tpu.memref_squeeze %dma_wait3A_229 : memref<1x128xi32, #tpu.memory_space<vmem>> -> memref<128xi32, #tpu.memory_space<vmem>>
      %dma_wait3A_231 = arith.constant 0 : i32
      %dma_wait3A_232 = arith.constant 0 : i32
      %dma_wait3A_233 = tpu.memref_slice %arg4[%dma_wait3A_231, %dma_wait3A_232] : memref<20000x32xf32, #tpu.memory_space<hbm>> -> memref<20000x32xf32, #tpu.memory_space<hbm>>
      tpu.wait_indirect_dma semaphore(%arg11 : memref<!tpu.dma_semaphore, #tpu.memory_space<semaphore_mem>>) src(%dma_wait3A_233 : memref<20000x32xf32, #tpu.memory_space<hbm>>) dst(%dma_wait3A_227 : memref<128x32xf32, #tpu.memory_space<vmem>>)
      %dma_start3A_234 = arith.constant 3 : i32
      %dma_start3A_235 = arith.constant 0 : i32
      %dma_start3A_236 = arith.constant 0 : i32
      %dma_start3A_237 = tpu.memref_slice %arg10[%dma_start3A_234, %dma_start3A_235, %dma_start3A_236] : memref<8x128x32xf32, #tpu.memory_space<vmem>> -> memref<1x128x32xf32, #tpu.memory_space<vmem>>
      %dma_start3A_238 = tpu.memref_squeeze %dma_start3A_237 : memref<1x128x32xf32, #tpu.memory_space<vmem>> -> memref<128x32xf32, #tpu.memory_space<vmem>>
      %dma_start3A_239 = arith.constant 0 : i32
      %dma_start3A_240 = tpu.memref_slice %arg9[%add3A_222, %dma_start3A_239] : memref<160x128xi32, #tpu.memory_space<vmem>> -> memref<1x128xi32, #tpu.memory_space<vmem>>
      %dma_start3A_241 = tpu.memref_squeeze %dma_start3A_240 : memref<1x128xi32, #tpu.memory_space<vmem>> -> memref<128xi32, #tpu.memory_space<vmem>>
      %dma_start3A_242 = arith.constant 0 : i32
      %dma_start3A_243 = arith.constant 0 : i32
      %dma_start3A_244 = tpu.memref_slice %arg7[%dma_start3A_242, %dma_start3A_243] : memref<10112x32xf32, #tpu.memory_space<vmem_shared>> -> memref<10112x32xf32, #tpu.memory_space<vmem_shared>>
      tpu.enqueue_indirect_dma source(%dma_start3A_238 : memref<128x32xf32, #tpu.memory_space<vmem>>) target(%dma_start3A_244 : memref<10112x32xf32, #tpu.memory_space<vmem_shared>>) offsets(%dma_start3A_241 : memref<128xi32, #tpu.memory_space<vmem>>) semaphore(%arg12 : memref<!tpu.dma_semaphore, #tpu.memory_space<semaphore_mem>>) {add = true}
      %ge3A_245 = arith.constant 4 : i32
      %ge3A_246 = arith.cmpi sge, %add3A_222, %ge3A_245 : i32
      %convert_element_type3A_247 = arith.extui %ge3A_246 : i1 to i32
      %cond3A_248 = arith.constant 0 : i32
      %cond3A_249 = arith.cmpi ne, %convert_element_type3A_247, %cond3A_248 : i32
      scf.if %cond3A_249 {
        %dma_wait3A_409 = arith.constant 3 : i32
        %dma_wait3A_410 = arith.constant 0 : i32
        %dma_wait3A_411 = arith.constant 0 : i32
        %dma_wait3A_412 = tpu.memref_slice %arg10[%dma_wait3A_409, %dma_wait3A_410, %dma_wait3A_411] : memref<8x128x32xf32, #tpu.memory_space<vmem>> -> memref<1x128x32xf32, #tpu.memory_space<vmem>>
        %dma_wait3A_413 = tpu.memref_squeeze %dma_wait3A_412 : memref<1x128x32xf32, #tpu.memory_space<vmem>> -> memref<128x32xf32, #tpu.memory_space<vmem>>
        %dma_wait3A_414 = arith.constant 0 : i32
        %dma_wait3A_415 = tpu.memref_slice %arg9[%add3A_222, %dma_wait3A_414] : memref<160x128xi32, #tpu.memory_space<vmem>> -> memref<1x128xi32, #tpu.memory_space<vmem>>
        %dma_wait3A_416 = tpu.memref_squeeze %dma_wait3A_415 : memref<1x128xi32, #tpu.memory_space<vmem>> -> memref<128xi32, #tpu.memory_space<vmem>>
        %dma_wait3A_417 = arith.constant 0 : i32
        %dma_wait3A_418 = arith.constant 0 : i32
        %dma_wait3A_419 = tpu.memref_slice %arg7[%dma_wait3A_417, %dma_wait3A_418] : memref<10112x32xf32, #tpu.memory_space<vmem_shared>> -> memref<10112x32xf32, #tpu.memory_space<vmem_shared>>
        tpu.wait_indirect_dma semaphore(%arg12 : memref<!tpu.dma_semaphore, #tpu.memory_space<semaphore_mem>>) src(%dma_wait3A_413 : memref<128x32xf32, #tpu.memory_space<vmem>>) dst(%dma_wait3A_419 : memref<10112x32xf32, #tpu.memory_space<vmem_shared>>)
      } else {
      }
      %add3A_250 = arith.constant 4 : i32
      %add3A_251 = arith.addi %add3A_222, %add3A_250 : i32
      %lt3A_252 = arith.constant 160 : i32
      %lt3A_253 = arith.cmpi slt, %add3A_251, %lt3A_252 : i32
      %convert_element_type3A_254 = arith.extui %lt3A_253 : i1 to i32
      %cond3A_255 = arith.constant 0 : i32
      %cond3A_256 = arith.cmpi ne, %convert_element_type3A_254, %cond3A_255 : i32
      scf.if %cond3A_256 {
        %add3A_409 = arith.constant 4 : i32
        %add3A_410 = arith.addi %add3A_222, %add3A_409 : i32
        %dma_start3A_411 = arith.constant 7 : i32
        %dma_start3A_412 = arith.constant 0 : i32
        %dma_start3A_413 = arith.constant 0 : i32
        %dma_start3A_414 = tpu.memref_slice %arg10[%dma_start3A_411, %dma_start3A_412, %dma_start3A_413] : memref<8x128x32xf32, #tpu.memory_space<vmem>> -> memref<1x128x32xf32, #tpu.memory_space<vmem>>
        %dma_start3A_415 = tpu.memref_squeeze %dma_start3A_414 : memref<1x128x32xf32, #tpu.memory_space<vmem>> -> memref<128x32xf32, #tpu.memory_space<vmem>>
        %dma_start3A_416 = arith.constant 0 : i32
        %dma_start3A_417 = tpu.memref_slice %arg8[%add3A_410, %dma_start3A_416] : memref<160x128xi32, #tpu.memory_space<vmem>> -> memref<1x128xi32, #tpu.memory_space<vmem>>
        %dma_start3A_418 = tpu.memref_squeeze %dma_start3A_417 : memref<1x128xi32, #tpu.memory_space<vmem>> -> memref<128xi32, #tpu.memory_space<vmem>>
        %dma_start3A_419 = arith.constant 0 : i32
        %dma_start3A_420 = arith.constant 0 : i32
        %dma_start3A_421 = tpu.memref_slice %arg4[%dma_start3A_419, %dma_start3A_420] : memref<20000x32xf32, #tpu.memory_space<hbm>> -> memref<20000x32xf32, #tpu.memory_space<hbm>>
        tpu.enqueue_indirect_dma source(%dma_start3A_421 : memref<20000x32xf32, #tpu.memory_space<hbm>>) target(%dma_start3A_415 : memref<128x32xf32, #tpu.memory_space<vmem>>) offsets(%dma_start3A_418 : memref<128xi32, #tpu.memory_space<vmem>>) semaphore(%arg11 : memref<!tpu.dma_semaphore, #tpu.memory_space<semaphore_mem>>)
      } else {
      }
      %mul3A_257 = arith.constant 8 : i32
      %mul3A_258 = arith.muli %scan3A_108, %mul3A_257 : i32
      %add3A_259 = arith.constant 4 : i32
      %add3A_260 = arith.addi %mul3A_258, %add3A_259 : i32
      %dma_wait3A_261 = arith.constant 4 : i32
      %dma_wait3A_262 = arith.constant 0 : i32
      %dma_wait3A_263 = arith.constant 0 : i32
      %dma_wait3A_264 = tpu.memref_slice %arg10[%dma_wait3A_261, %dma_wait3A_262, %dma_wait3A_263] : memref<8x128x32xf32, #tpu.memory_space<vmem>> -> memref<1x128x32xf32, #tpu.memory_space<vmem>>
      %dma_wait3A_265 = tpu.memref_squeeze %dma_wait3A_264 : memref<1x128x32xf32, #tpu.memory_space<vmem>> -> memref<128x32xf32, #tpu.memory_space<vmem>>
      %dma_wait3A_266 = arith.constant 0 : i32
      %dma_wait3A_267 = tpu.memref_slice %arg8[%add3A_260, %dma_wait3A_266] : memref<160x128xi32, #tpu.memory_space<vmem>> -> memref<1x128xi32, #tpu.memory_space<vmem>>
      %dma_wait3A_268 = tpu.memref_squeeze %dma_wait3A_267 : memref<1x128xi32, #tpu.memory_space<vmem>> -> memref<128xi32, #tpu.memory_space<vmem>>
      %dma_wait3A_269 = arith.constant 0 : i32
      %dma_wait3A_270 = arith.constant 0 : i32
      %dma_wait3A_271 = tpu.memref_slice %arg4[%dma_wait3A_269, %dma_wait3A_270] : memref<20000x32xf32, #tpu.memory_space<hbm>> -> memref<20000x32xf32, #tpu.memory_space<hbm>>
      tpu.wait_indirect_dma semaphore(%arg11 : memref<!tpu.dma_semaphore, #tpu.memory_space<semaphore_mem>>) src(%dma_wait3A_271 : memref<20000x32xf32, #tpu.memory_space<hbm>>) dst(%dma_wait3A_265 : memref<128x32xf32, #tpu.memory_space<vmem>>)
      %dma_start3A_272 = arith.constant 4 : i32
      %dma_start3A_273 = arith.constant 0 : i32
      %dma_start3A_274 = arith.constant 0 : i32
      %dma_start3A_275 = tpu.memref_slice %arg10[%dma_start3A_272, %dma_start3A_273, %dma_start3A_274] : memref<8x128x32xf32, #tpu.memory_space<vmem>> -> memref<1x128x32xf32, #tpu.memory_space<vmem>>
      %dma_start3A_276 = tpu.memref_squeeze %dma_start3A_275 : memref<1x128x32xf32, #tpu.memory_space<vmem>> -> memref<128x32xf32, #tpu.memory_space<vmem>>
      %dma_start3A_277 = arith.constant 0 : i32
      %dma_start3A_278 = tpu.memref_slice %arg9[%add3A_260, %dma_start3A_277] : memref<160x128xi32, #tpu.memory_space<vmem>> -> memref<1x128xi32, #tpu.memory_space<vmem>>
      %dma_start3A_279 = tpu.memref_squeeze %dma_start3A_278 : memref<1x128xi32, #tpu.memory_space<vmem>> -> memref<128xi32, #tpu.memory_space<vmem>>
      %dma_start3A_280 = arith.constant 0 : i32
      %dma_start3A_281 = arith.constant 0 : i32
      %dma_start3A_282 = tpu.memref_slice %arg7[%dma_start3A_280, %dma_start3A_281] : memref<10112x32xf32, #tpu.memory_space<vmem_shared>> -> memref<10112x32xf32, #tpu.memory_space<vmem_shared>>
      tpu.enqueue_indirect_dma source(%dma_start3A_276 : memref<128x32xf32, #tpu.memory_space<vmem>>) target(%dma_start3A_282 : memref<10112x32xf32, #tpu.memory_space<vmem_shared>>) offsets(%dma_start3A_279 : memref<128xi32, #tpu.memory_space<vmem>>) semaphore(%arg12 : memref<!tpu.dma_semaphore, #tpu.memory_space<semaphore_mem>>) {add = true}
      %ge3A_283 = arith.constant 4 : i32
      %ge3A_284 = arith.cmpi sge, %add3A_260, %ge3A_283 : i32
      %convert_element_type3A_285 = arith.extui %ge3A_284 : i1 to i32
      %cond3A_286 = arith.constant 0 : i32
      %cond3A_287 = arith.cmpi ne, %convert_element_type3A_285, %cond3A_286 : i32
      scf.if %cond3A_287 {
        %dma_wait3A_409 = arith.constant 4 : i32
        %dma_wait3A_410 = arith.constant 0 : i32
        %dma_wait3A_411 = arith.constant 0 : i32
        %dma_wait3A_412 = tpu.memref_slice %arg10[%dma_wait3A_409, %dma_wait3A_410, %dma_wait3A_411] : memref<8x128x32xf32, #tpu.memory_space<vmem>> -> memref<1x128x32xf32, #tpu.memory_space<vmem>>
        %dma_wait3A_413 = tpu.memref_squeeze %dma_wait3A_412 : memref<1x128x32xf32, #tpu.memory_space<vmem>> -> memref<128x32xf32, #tpu.memory_space<vmem>>
        %dma_wait3A_414 = arith.constant 0 : i32
        %dma_wait3A_415 = tpu.memref_slice %arg9[%add3A_260, %dma_wait3A_414] : memref<160x128xi32, #tpu.memory_space<vmem>> -> memref<1x128xi32, #tpu.memory_space<vmem>>
        %dma_wait3A_416 = tpu.memref_squeeze %dma_wait3A_415 : memref<1x128xi32, #tpu.memory_space<vmem>> -> memref<128xi32, #tpu.memory_space<vmem>>
        %dma_wait3A_417 = arith.constant 0 : i32
        %dma_wait3A_418 = arith.constant 0 : i32
        %dma_wait3A_419 = tpu.memref_slice %arg7[%dma_wait3A_417, %dma_wait3A_418] : memref<10112x32xf32, #tpu.memory_space<vmem_shared>> -> memref<10112x32xf32, #tpu.memory_space<vmem_shared>>
        tpu.wait_indirect_dma semaphore(%arg12 : memref<!tpu.dma_semaphore, #tpu.memory_space<semaphore_mem>>) src(%dma_wait3A_413 : memref<128x32xf32, #tpu.memory_space<vmem>>) dst(%dma_wait3A_419 : memref<10112x32xf32, #tpu.memory_space<vmem_shared>>)
      } else {
      }
      %add3A_288 = arith.constant 4 : i32
      %add3A_289 = arith.addi %add3A_260, %add3A_288 : i32
      %lt3A_290 = arith.constant 160 : i32
      %lt3A_291 = arith.cmpi slt, %add3A_289, %lt3A_290 : i32
      %convert_element_type3A_292 = arith.extui %lt3A_291 : i1 to i32
      %cond3A_293 = arith.constant 0 : i32
      %cond3A_294 = arith.cmpi ne, %convert_element_type3A_292, %cond3A_293 : i32
      scf.if %cond3A_294 {
        %add3A_409 = arith.constant 4 : i32
        %add3A_410 = arith.addi %add3A_260, %add3A_409 : i32
        %dma_start3A_411 = arith.constant 0 : i32
        %dma_start3A_412 = arith.constant 0 : i32
        %dma_start3A_413 = arith.constant 0 : i32
        %dma_start3A_414 = tpu.memref_slice %arg10[%dma_start3A_411, %dma_start3A_412, %dma_start3A_413] : memref<8x128x32xf32, #tpu.memory_space<vmem>> -> memref<1x128x32xf32, #tpu.memory_space<vmem>>
        %dma_start3A_415 = tpu.memref_squeeze %dma_start3A_414 : memref<1x128x32xf32, #tpu.memory_space<vmem>> -> memref<128x32xf32, #tpu.memory_space<vmem>>
        %dma_start3A_416 = arith.constant 0 : i32
        %dma_start3A_417 = tpu.memref_slice %arg8[%add3A_410, %dma_start3A_416] : memref<160x128xi32, #tpu.memory_space<vmem>> -> memref<1x128xi32, #tpu.memory_space<vmem>>
        %dma_start3A_418 = tpu.memref_squeeze %dma_start3A_417 : memref<1x128xi32, #tpu.memory_space<vmem>> -> memref<128xi32, #tpu.memory_space<vmem>>
        %dma_start3A_419 = arith.constant 0 : i32
        %dma_start3A_420 = arith.constant 0 : i32
        %dma_start3A_421 = tpu.memref_slice %arg4[%dma_start3A_419, %dma_start3A_420] : memref<20000x32xf32, #tpu.memory_space<hbm>> -> memref<20000x32xf32, #tpu.memory_space<hbm>>
        tpu.enqueue_indirect_dma source(%dma_start3A_421 : memref<20000x32xf32, #tpu.memory_space<hbm>>) target(%dma_start3A_415 : memref<128x32xf32, #tpu.memory_space<vmem>>) offsets(%dma_start3A_418 : memref<128xi32, #tpu.memory_space<vmem>>) semaphore(%arg11 : memref<!tpu.dma_semaphore, #tpu.memory_space<semaphore_mem>>)
      } else {
      }
      %mul3A_295 = arith.constant 8 : i32
      %mul3A_296 = arith.muli %scan3A_108, %mul3A_295 : i32
      %add3A_297 = arith.constant 5 : i32
      %add3A_298 = arith.addi %mul3A_296, %add3A_297 : i32
      %dma_wait3A_299 = arith.constant 5 : i32
      %dma_wait3A_300 = arith.constant 0 : i32
      %dma_wait3A_301 = arith.constant 0 : i32
      %dma_wait3A_302 = tpu.memref_slice %arg10[%dma_wait3A_299, %dma_wait3A_300, %dma_wait3A_301] : memref<8x128x32xf32, #tpu.memory_space<vmem>> -> memref<1x128x32xf32, #tpu.memory_space<vmem>>
      %dma_wait3A_303 = tpu.memref_squeeze %dma_wait3A_302 : memref<1x128x32xf32, #tpu.memory_space<vmem>> -> memref<128x32xf32, #tpu.memory_space<vmem>>
      %dma_wait3A_304 = arith.constant 0 : i32
      %dma_wait3A_305 = tpu.memref_slice %arg8[%add3A_298, %dma_wait3A_304] : memref<160x128xi32, #tpu.memory_space<vmem>> -> memref<1x128xi32, #tpu.memory_space<vmem>>
      %dma_wait3A_306 = tpu.memref_squeeze %dma_wait3A_305 : memref<1x128xi32, #tpu.memory_space<vmem>> -> memref<128xi32, #tpu.memory_space<vmem>>
      %dma_wait3A_307 = arith.constant 0 : i32
      %dma_wait3A_308 = arith.constant 0 : i32
      %dma_wait3A_309 = tpu.memref_slice %arg4[%dma_wait3A_307, %dma_wait3A_308] : memref<20000x32xf32, #tpu.memory_space<hbm>> -> memref<20000x32xf32, #tpu.memory_space<hbm>>
      tpu.wait_indirect_dma semaphore(%arg11 : memref<!tpu.dma_semaphore, #tpu.memory_space<semaphore_mem>>) src(%dma_wait3A_309 : memref<20000x32xf32, #tpu.memory_space<hbm>>) dst(%dma_wait3A_303 : memref<128x32xf32, #tpu.memory_space<vmem>>)
      %dma_start3A_310 = arith.constant 5 : i32
      %dma_start3A_311 = arith.constant 0 : i32
      %dma_start3A_312 = arith.constant 0 : i32
      %dma_start3A_313 = tpu.memref_slice %arg10[%dma_start3A_310, %dma_start3A_311, %dma_start3A_312] : memref<8x128x32xf32, #tpu.memory_space<vmem>> -> memref<1x128x32xf32, #tpu.memory_space<vmem>>
      %dma_start3A_314 = tpu.memref_squeeze %dma_start3A_313 : memref<1x128x32xf32, #tpu.memory_space<vmem>> -> memref<128x32xf32, #tpu.memory_space<vmem>>
      %dma_start3A_315 = arith.constant 0 : i32
      %dma_start3A_316 = tpu.memref_slice %arg9[%add3A_298, %dma_start3A_315] : memref<160x128xi32, #tpu.memory_space<vmem>> -> memref<1x128xi32, #tpu.memory_space<vmem>>
      %dma_start3A_317 = tpu.memref_squeeze %dma_start3A_316 : memref<1x128xi32, #tpu.memory_space<vmem>> -> memref<128xi32, #tpu.memory_space<vmem>>
      %dma_start3A_318 = arith.constant 0 : i32
      %dma_start3A_319 = arith.constant 0 : i32
      %dma_start3A_320 = tpu.memref_slice %arg7[%dma_start3A_318, %dma_start3A_319] : memref<10112x32xf32, #tpu.memory_space<vmem_shared>> -> memref<10112x32xf32, #tpu.memory_space<vmem_shared>>
      tpu.enqueue_indirect_dma source(%dma_start3A_314 : memref<128x32xf32, #tpu.memory_space<vmem>>) target(%dma_start3A_320 : memref<10112x32xf32, #tpu.memory_space<vmem_shared>>) offsets(%dma_start3A_317 : memref<128xi32, #tpu.memory_space<vmem>>) semaphore(%arg12 : memref<!tpu.dma_semaphore, #tpu.memory_space<semaphore_mem>>) {add = true}
      %ge3A_321 = arith.constant 4 : i32
      %ge3A_322 = arith.cmpi sge, %add3A_298, %ge3A_321 : i32
      %convert_element_type3A_323 = arith.extui %ge3A_322 : i1 to i32
      %cond3A_324 = arith.constant 0 : i32
      %cond3A_325 = arith.cmpi ne, %convert_element_type3A_323, %cond3A_324 : i32
      scf.if %cond3A_325 {
        %dma_wait3A_409 = arith.constant 5 : i32
        %dma_wait3A_410 = arith.constant 0 : i32
        %dma_wait3A_411 = arith.constant 0 : i32
        %dma_wait3A_412 = tpu.memref_slice %arg10[%dma_wait3A_409, %dma_wait3A_410, %dma_wait3A_411] : memref<8x128x32xf32, #tpu.memory_space<vmem>> -> memref<1x128x32xf32, #tpu.memory_space<vmem>>
        %dma_wait3A_413 = tpu.memref_squeeze %dma_wait3A_412 : memref<1x128x32xf32, #tpu.memory_space<vmem>> -> memref<128x32xf32, #tpu.memory_space<vmem>>
        %dma_wait3A_414 = arith.constant 0 : i32
        %dma_wait3A_415 = tpu.memref_slice %arg9[%add3A_298, %dma_wait3A_414] : memref<160x128xi32, #tpu.memory_space<vmem>> -> memref<1x128xi32, #tpu.memory_space<vmem>>
        %dma_wait3A_416 = tpu.memref_squeeze %dma_wait3A_415 : memref<1x128xi32, #tpu.memory_space<vmem>> -> memref<128xi32, #tpu.memory_space<vmem>>
        %dma_wait3A_417 = arith.constant 0 : i32
        %dma_wait3A_418 = arith.constant 0 : i32
        %dma_wait3A_419 = tpu.memref_slice %arg7[%dma_wait3A_417, %dma_wait3A_418] : memref<10112x32xf32, #tpu.memory_space<vmem_shared>> -> memref<10112x32xf32, #tpu.memory_space<vmem_shared>>
        tpu.wait_indirect_dma semaphore(%arg12 : memref<!tpu.dma_semaphore, #tpu.memory_space<semaphore_mem>>) src(%dma_wait3A_413 : memref<128x32xf32, #tpu.memory_space<vmem>>) dst(%dma_wait3A_419 : memref<10112x32xf32, #tpu.memory_space<vmem_shared>>)
      } else {
      }
      %add3A_326 = arith.constant 4 : i32
      %add3A_327 = arith.addi %add3A_298, %add3A_326 : i32
      %lt3A_328 = arith.constant 160 : i32
      %lt3A_329 = arith.cmpi slt, %add3A_327, %lt3A_328 : i32
      %convert_element_type3A_330 = arith.extui %lt3A_329 : i1 to i32
      %cond3A_331 = arith.constant 0 : i32
      %cond3A_332 = arith.cmpi ne, %convert_element_type3A_330, %cond3A_331 : i32
      scf.if %cond3A_332 {
        %add3A_409 = arith.constant 4 : i32
        %add3A_410 = arith.addi %add3A_298, %add3A_409 : i32
        %dma_start3A_411 = arith.constant 1 : i32
        %dma_start3A_412 = arith.constant 0 : i32
        %dma_start3A_413 = arith.constant 0 : i32
        %dma_start3A_414 = tpu.memref_slice %arg10[%dma_start3A_411, %dma_start3A_412, %dma_start3A_413] : memref<8x128x32xf32, #tpu.memory_space<vmem>> -> memref<1x128x32xf32, #tpu.memory_space<vmem>>
        %dma_start3A_415 = tpu.memref_squeeze %dma_start3A_414 : memref<1x128x32xf32, #tpu.memory_space<vmem>> -> memref<128x32xf32, #tpu.memory_space<vmem>>
        %dma_start3A_416 = arith.constant 0 : i32
        %dma_start3A_417 = tpu.memref_slice %arg8[%add3A_410, %dma_start3A_416] : memref<160x128xi32, #tpu.memory_space<vmem>> -> memref<1x128xi32, #tpu.memory_space<vmem>>
        %dma_start3A_418 = tpu.memref_squeeze %dma_start3A_417 : memref<1x128xi32, #tpu.memory_space<vmem>> -> memref<128xi32, #tpu.memory_space<vmem>>
        %dma_start3A_419 = arith.constant 0 : i32
        %dma_start3A_420 = arith.constant 0 : i32
        %dma_start3A_421 = tpu.memref_slice %arg4[%dma_start3A_419, %dma_start3A_420] : memref<20000x32xf32, #tpu.memory_space<hbm>> -> memref<20000x32xf32, #tpu.memory_space<hbm>>
        tpu.enqueue_indirect_dma source(%dma_start3A_421 : memref<20000x32xf32, #tpu.memory_space<hbm>>) target(%dma_start3A_415 : memref<128x32xf32, #tpu.memory_space<vmem>>) offsets(%dma_start3A_418 : memref<128xi32, #tpu.memory_space<vmem>>) semaphore(%arg11 : memref<!tpu.dma_semaphore, #tpu.memory_space<semaphore_mem>>)
      } else {
      }
      %mul3A_333 = arith.constant 8 : i32
      %mul3A_334 = arith.muli %scan3A_108, %mul3A_333 : i32
      %add3A_335 = arith.constant 6 : i32
      %add3A_336 = arith.addi %mul3A_334, %add3A_335 : i32
      %dma_wait3A_337 = arith.constant 6 : i32
      %dma_wait3A_338 = arith.constant 0 : i32
      %dma_wait3A_339 = arith.constant 0 : i32
      %dma_wait3A_340 = tpu.memref_slice %arg10[%dma_wait3A_337, %dma_wait3A_338, %dma_wait3A_339] : memref<8x128x32xf32, #tpu.memory_space<vmem>> -> memref<1x128x32xf32, #tpu.memory_space<vmem>>
      %dma_wait3A_341 = tpu.memref_squeeze %dma_wait3A_340 : memref<1x128x32xf32, #tpu.memory_space<vmem>> -> memref<128x32xf32, #tpu.memory_space<vmem>>
      %dma_wait3A_342 = arith.constant 0 : i32
      %dma_wait3A_343 = tpu.memref_slice %arg8[%add3A_336, %dma_wait3A_342] : memref<160x128xi32, #tpu.memory_space<vmem>> -> memref<1x128xi32, #tpu.memory_space<vmem>>
      %dma_wait3A_344 = tpu.memref_squeeze %dma_wait3A_343 : memref<1x128xi32, #tpu.memory_space<vmem>> -> memref<128xi32, #tpu.memory_space<vmem>>
      %dma_wait3A_345 = arith.constant 0 : i32
      %dma_wait3A_346 = arith.constant 0 : i32
      %dma_wait3A_347 = tpu.memref_slice %arg4[%dma_wait3A_345, %dma_wait3A_346] : memref<20000x32xf32, #tpu.memory_space<hbm>> -> memref<20000x32xf32, #tpu.memory_space<hbm>>
      tpu.wait_indirect_dma semaphore(%arg11 : memref<!tpu.dma_semaphore, #tpu.memory_space<semaphore_mem>>) src(%dma_wait3A_347 : memref<20000x32xf32, #tpu.memory_space<hbm>>) dst(%dma_wait3A_341 : memref<128x32xf32, #tpu.memory_space<vmem>>)
      %dma_start3A_348 = arith.constant 6 : i32
      %dma_start3A_349 = arith.constant 0 : i32
      %dma_start3A_350 = arith.constant 0 : i32
      %dma_start3A_351 = tpu.memref_slice %arg10[%dma_start3A_348, %dma_start3A_349, %dma_start3A_350] : memref<8x128x32xf32, #tpu.memory_space<vmem>> -> memref<1x128x32xf32, #tpu.memory_space<vmem>>
      %dma_start3A_352 = tpu.memref_squeeze %dma_start3A_351 : memref<1x128x32xf32, #tpu.memory_space<vmem>> -> memref<128x32xf32, #tpu.memory_space<vmem>>
      %dma_start3A_353 = arith.constant 0 : i32
      %dma_start3A_354 = tpu.memref_slice %arg9[%add3A_336, %dma_start3A_353] : memref<160x128xi32, #tpu.memory_space<vmem>> -> memref<1x128xi32, #tpu.memory_space<vmem>>
      %dma_start3A_355 = tpu.memref_squeeze %dma_start3A_354 : memref<1x128xi32, #tpu.memory_space<vmem>> -> memref<128xi32, #tpu.memory_space<vmem>>
      %dma_start3A_356 = arith.constant 0 : i32
      %dma_start3A_357 = arith.constant 0 : i32
      %dma_start3A_358 = tpu.memref_slice %arg7[%dma_start3A_356, %dma_start3A_357] : memref<10112x32xf32, #tpu.memory_space<vmem_shared>> -> memref<10112x32xf32, #tpu.memory_space<vmem_shared>>
      tpu.enqueue_indirect_dma source(%dma_start3A_352 : memref<128x32xf32, #tpu.memory_space<vmem>>) target(%dma_start3A_358 : memref<10112x32xf32, #tpu.memory_space<vmem_shared>>) offsets(%dma_start3A_355 : memref<128xi32, #tpu.memory_space<vmem>>) semaphore(%arg12 : memref<!tpu.dma_semaphore, #tpu.memory_space<semaphore_mem>>) {add = true}
      %ge3A_359 = arith.constant 4 : i32
      %ge3A_360 = arith.cmpi sge, %add3A_336, %ge3A_359 : i32
      %convert_element_type3A_361 = arith.extui %ge3A_360 : i1 to i32
      %cond3A_362 = arith.constant 0 : i32
      %cond3A_363 = arith.cmpi ne, %convert_element_type3A_361, %cond3A_362 : i32
      scf.if %cond3A_363 {
        %dma_wait3A_409 = arith.constant 6 : i32
        %dma_wait3A_410 = arith.constant 0 : i32
        %dma_wait3A_411 = arith.constant 0 : i32
        %dma_wait3A_412 = tpu.memref_slice %arg10[%dma_wait3A_409, %dma_wait3A_410, %dma_wait3A_411] : memref<8x128x32xf32, #tpu.memory_space<vmem>> -> memref<1x128x32xf32, #tpu.memory_space<vmem>>
        %dma_wait3A_413 = tpu.memref_squeeze %dma_wait3A_412 : memref<1x128x32xf32, #tpu.memory_space<vmem>> -> memref<128x32xf32, #tpu.memory_space<vmem>>
        %dma_wait3A_414 = arith.constant 0 : i32
        %dma_wait3A_415 = tpu.memref_slice %arg9[%add3A_336, %dma_wait3A_414] : memref<160x128xi32, #tpu.memory_space<vmem>> -> memref<1x128xi32, #tpu.memory_space<vmem>>
        %dma_wait3A_416 = tpu.memref_squeeze %dma_wait3A_415 : memref<1x128xi32, #tpu.memory_space<vmem>> -> memref<128xi32, #tpu.memory_space<vmem>>
        %dma_wait3A_417 = arith.constant 0 : i32
        %dma_wait3A_418 = arith.constant 0 : i32
        %dma_wait3A_419 = tpu.memref_slice %arg7[%dma_wait3A_417, %dma_wait3A_418] : memref<10112x32xf32, #tpu.memory_space<vmem_shared>> -> memref<10112x32xf32, #tpu.memory_space<vmem_shared>>
        tpu.wait_indirect_dma semaphore(%arg12 : memref<!tpu.dma_semaphore, #tpu.memory_space<semaphore_mem>>) src(%dma_wait3A_413 : memref<128x32xf32, #tpu.memory_space<vmem>>) dst(%dma_wait3A_419 : memref<10112x32xf32, #tpu.memory_space<vmem_shared>>)
      } else {
      }
      %add3A_364 = arith.constant 4 : i32
      %add3A_365 = arith.addi %add3A_336, %add3A_364 : i32
      %lt3A_366 = arith.constant 160 : i32
      %lt3A_367 = arith.cmpi slt, %add3A_365, %lt3A_366 : i32
      %convert_element_type3A_368 = arith.extui %lt3A_367 : i1 to i32
      %cond3A_369 = arith.constant 0 : i32
      %cond3A_370 = arith.cmpi ne, %convert_element_type3A_368, %cond3A_369 : i32
      scf.if %cond3A_370 {
        %add3A_409 = arith.constant 4 : i32
        %add3A_410 = arith.addi %add3A_336, %add3A_409 : i32
        %dma_start3A_411 = arith.constant 2 : i32
        %dma_start3A_412 = arith.constant 0 : i32
        %dma_start3A_413 = arith.constant 0 : i32
        %dma_start3A_414 = tpu.memref_slice %arg10[%dma_start3A_411, %dma_start3A_412, %dma_start3A_413] : memref<8x128x32xf32, #tpu.memory_space<vmem>> -> memref<1x128x32xf32, #tpu.memory_space<vmem>>
        %dma_start3A_415 = tpu.memref_squeeze %dma_start3A_414 : memref<1x128x32xf32, #tpu.memory_space<vmem>> -> memref<128x32xf32, #tpu.memory_space<vmem>>
        %dma_start3A_416 = arith.constant 0 : i32
        %dma_start3A_417 = tpu.memref_slice %arg8[%add3A_410, %dma_start3A_416] : memref<160x128xi32, #tpu.memory_space<vmem>> -> memref<1x128xi32, #tpu.memory_space<vmem>>
        %dma_start3A_418 = tpu.memref_squeeze %dma_start3A_417 : memref<1x128xi32, #tpu.memory_space<vmem>> -> memref<128xi32, #tpu.memory_space<vmem>>
        %dma_start3A_419 = arith.constant 0 : i32
        %dma_start3A_420 = arith.constant 0 : i32
        %dma_start3A_421 = tpu.memref_slice %arg4[%dma_start3A_419, %dma_start3A_420] : memref<20000x32xf32, #tpu.memory_space<hbm>> -> memref<20000x32xf32, #tpu.memory_space<hbm>>
        tpu.enqueue_indirect_dma source(%dma_start3A_421 : memref<20000x32xf32, #tpu.memory_space<hbm>>) target(%dma_start3A_415 : memref<128x32xf32, #tpu.memory_space<vmem>>) offsets(%dma_start3A_418 : memref<128xi32, #tpu.memory_space<vmem>>) semaphore(%arg11 : memref<!tpu.dma_semaphore, #tpu.memory_space<semaphore_mem>>)
      } else {
      }
      %mul3A_371 = arith.constant 8 : i32
      %mul3A_372 = arith.muli %scan3A_108, %mul3A_371 : i32
      %add3A_373 = arith.constant 7 : i32
      %add3A_374 = arith.addi %mul3A_372, %add3A_373 : i32
      %dma_wait3A_375 = arith.constant 7 : i32
      %dma_wait3A_376 = arith.constant 0 : i32
      %dma_wait3A_377 = arith.constant 0 : i32
      %dma_wait3A_378 = tpu.memref_slice %arg10[%dma_wait3A_375, %dma_wait3A_376, %dma_wait3A_377] : memref<8x128x32xf32, #tpu.memory_space<vmem>> -> memref<1x128x32xf32, #tpu.memory_space<vmem>>
      %dma_wait3A_379 = tpu.memref_squeeze %dma_wait3A_378 : memref<1x128x32xf32, #tpu.memory_space<vmem>> -> memref<128x32xf32, #tpu.memory_space<vmem>>
      %dma_wait3A_380 = arith.constant 0 : i32
      %dma_wait3A_381 = tpu.memref_slice %arg8[%add3A_374, %dma_wait3A_380] : memref<160x128xi32, #tpu.memory_space<vmem>> -> memref<1x128xi32, #tpu.memory_space<vmem>>
      %dma_wait3A_382 = tpu.memref_squeeze %dma_wait3A_381 : memref<1x128xi32, #tpu.memory_space<vmem>> -> memref<128xi32, #tpu.memory_space<vmem>>
      %dma_wait3A_383 = arith.constant 0 : i32
      %dma_wait3A_384 = arith.constant 0 : i32
      %dma_wait3A_385 = tpu.memref_slice %arg4[%dma_wait3A_383, %dma_wait3A_384] : memref<20000x32xf32, #tpu.memory_space<hbm>> -> memref<20000x32xf32, #tpu.memory_space<hbm>>
      tpu.wait_indirect_dma semaphore(%arg11 : memref<!tpu.dma_semaphore, #tpu.memory_space<semaphore_mem>>) src(%dma_wait3A_385 : memref<20000x32xf32, #tpu.memory_space<hbm>>) dst(%dma_wait3A_379 : memref<128x32xf32, #tpu.memory_space<vmem>>)
      %dma_start3A_386 = arith.constant 7 : i32
      %dma_start3A_387 = arith.constant 0 : i32
      %dma_start3A_388 = arith.constant 0 : i32
      %dma_start3A_389 = tpu.memref_slice %arg10[%dma_start3A_386, %dma_start3A_387, %dma_start3A_388] : memref<8x128x32xf32, #tpu.memory_space<vmem>> -> memref<1x128x32xf32, #tpu.memory_space<vmem>>
      %dma_start3A_390 = tpu.memref_squeeze %dma_start3A_389 : memref<1x128x32xf32, #tpu.memory_space<vmem>> -> memref<128x32xf32, #tpu.memory_space<vmem>>
      %dma_start3A_391 = arith.constant 0 : i32
      %dma_start3A_392 = tpu.memref_slice %arg9[%add3A_374, %dma_start3A_391] : memref<160x128xi32, #tpu.memory_space<vmem>> -> memref<1x128xi32, #tpu.memory_space<vmem>>
      %dma_start3A_393 = tpu.memref_squeeze %dma_start3A_392 : memref<1x128xi32, #tpu.memory_space<vmem>> -> memref<128xi32, #tpu.memory_space<vmem>>
      %dma_start3A_394 = arith.constant 0 : i32
      %dma_start3A_395 = arith.constant 0 : i32
      %dma_start3A_396 = tpu.memref_slice %arg7[%dma_start3A_394, %dma_start3A_395] : memref<10112x32xf32, #tpu.memory_space<vmem_shared>> -> memref<10112x32xf32, #tpu.memory_space<vmem_shared>>
      tpu.enqueue_indirect_dma source(%dma_start3A_390 : memref<128x32xf32, #tpu.memory_space<vmem>>) target(%dma_start3A_396 : memref<10112x32xf32, #tpu.memory_space<vmem_shared>>) offsets(%dma_start3A_393 : memref<128xi32, #tpu.memory_space<vmem>>) semaphore(%arg12 : memref<!tpu.dma_semaphore, #tpu.memory_space<semaphore_mem>>) {add = true}
      %ge3A_397 = arith.constant 4 : i32
      %ge3A_398 = arith.cmpi sge, %add3A_374, %ge3A_397 : i32
      %convert_element_type3A_399 = arith.extui %ge3A_398 : i1 to i32
      %cond3A_400 = arith.constant 0 : i32
      %cond3A_401 = arith.cmpi ne, %convert_element_type3A_399, %cond3A_400 : i32
      scf.if %cond3A_401 {
        %dma_wait3A_409 = arith.constant 7 : i32
        %dma_wait3A_410 = arith.constant 0 : i32
        %dma_wait3A_411 = arith.constant 0 : i32
        %dma_wait3A_412 = tpu.memref_slice %arg10[%dma_wait3A_409, %dma_wait3A_410, %dma_wait3A_411] : memref<8x128x32xf32, #tpu.memory_space<vmem>> -> memref<1x128x32xf32, #tpu.memory_space<vmem>>
        %dma_wait3A_413 = tpu.memref_squeeze %dma_wait3A_412 : memref<1x128x32xf32, #tpu.memory_space<vmem>> -> memref<128x32xf32, #tpu.memory_space<vmem>>
        %dma_wait3A_414 = arith.constant 0 : i32
        %dma_wait3A_415 = tpu.memref_slice %arg9[%add3A_374, %dma_wait3A_414] : memref<160x128xi32, #tpu.memory_space<vmem>> -> memref<1x128xi32, #tpu.memory_space<vmem>>
        %dma_wait3A_416 = tpu.memref_squeeze %dma_wait3A_415 : memref<1x128xi32, #tpu.memory_space<vmem>> -> memref<128xi32, #tpu.memory_space<vmem>>
        %dma_wait3A_417 = arith.constant 0 : i32
        %dma_wait3A_418 = arith.constant 0 : i32
        %dma_wait3A_419 = tpu.memref_slice %arg7[%dma_wait3A_417, %dma_wait3A_418] : memref<10112x32xf32, #tpu.memory_space<vmem_shared>> -> memref<10112x32xf32, #tpu.memory_space<vmem_shared>>
        tpu.wait_indirect_dma semaphore(%arg12 : memref<!tpu.dma_semaphore, #tpu.memory_space<semaphore_mem>>) src(%dma_wait3A_413 : memref<128x32xf32, #tpu.memory_space<vmem>>) dst(%dma_wait3A_419 : memref<10112x32xf32, #tpu.memory_space<vmem_shared>>)
      } else {
      }
      %add3A_402 = arith.constant 4 : i32
      %add3A_403 = arith.addi %add3A_374, %add3A_402 : i32
      %lt3A_404 = arith.constant 160 : i32
      %lt3A_405 = arith.cmpi slt, %add3A_403, %lt3A_404 : i32
      %convert_element_type3A_406 = arith.extui %lt3A_405 : i1 to i32
      %cond3A_407 = arith.constant 0 : i32
      %cond3A_408 = arith.cmpi ne, %convert_element_type3A_406, %cond3A_407 : i32
      scf.if %cond3A_408 {
        %add3A_409 = arith.constant 4 : i32
        %add3A_410 = arith.addi %add3A_374, %add3A_409 : i32
        %dma_start3A_411 = arith.constant 3 : i32
        %dma_start3A_412 = arith.constant 0 : i32
        %dma_start3A_413 = arith.constant 0 : i32
        %dma_start3A_414 = tpu.memref_slice %arg10[%dma_start3A_411, %dma_start3A_412, %dma_start3A_413] : memref<8x128x32xf32, #tpu.memory_space<vmem>> -> memref<1x128x32xf32, #tpu.memory_space<vmem>>
        %dma_start3A_415 = tpu.memref_squeeze %dma_start3A_414 : memref<1x128x32xf32, #tpu.memory_space<vmem>> -> memref<128x32xf32, #tpu.memory_space<vmem>>
        %dma_start3A_416 = arith.constant 0 : i32
        %dma_start3A_417 = tpu.memref_slice %arg8[%add3A_410, %dma_start3A_416] : memref<160x128xi32, #tpu.memory_space<vmem>> -> memref<1x128xi32, #tpu.memory_space<vmem>>
        %dma_start3A_418 = tpu.memref_squeeze %dma_start3A_417 : memref<1x128xi32, #tpu.memory_space<vmem>> -> memref<128xi32, #tpu.memory_space<vmem>>
        %dma_start3A_419 = arith.constant 0 : i32
        %dma_start3A_420 = arith.constant 0 : i32
        %dma_start3A_421 = tpu.memref_slice %arg4[%dma_start3A_419, %dma_start3A_420] : memref<20000x32xf32, #tpu.memory_space<hbm>> -> memref<20000x32xf32, #tpu.memory_space<hbm>>
        tpu.enqueue_indirect_dma source(%dma_start3A_421 : memref<20000x32xf32, #tpu.memory_space<hbm>>) target(%dma_start3A_415 : memref<128x32xf32, #tpu.memory_space<vmem>>) offsets(%dma_start3A_418 : memref<128xi32, #tpu.memory_space<vmem>>) semaphore(%arg11 : memref<!tpu.dma_semaphore, #tpu.memory_space<semaphore_mem>>)
      } else {
      }
    }
    %scan3A_56 = arith.constant 20 : i32
    %dma_wait3A = arith.constant 0 : i32
    %dma_wait3A_57 = arith.constant 0 : i32
    %dma_wait3A_58 = arith.constant 0 : i32
    %dma_wait3A_59 = arith.constant 0 : i32
    %dma_wait3A_60 = tpu.memref_slice %arg10[%dma_wait3A, %dma_wait3A_58, %dma_wait3A_59] : memref<8x128x32xf32, #tpu.memory_space<vmem>> -> memref<1x128x32xf32, #tpu.memory_space<vmem>>
    %dma_wait3A_61 = tpu.memref_squeeze %dma_wait3A_60 : memref<1x128x32xf32, #tpu.memory_space<vmem>> -> memref<128x32xf32, #tpu.memory_space<vmem>>
    %dma_wait3A_62 = arith.constant 0 : i32
    %dma_wait3A_63 = tpu.memref_slice %arg9[%dma_wait3A_57, %dma_wait3A_62] : memref<160x128xi32, #tpu.memory_space<vmem>> -> memref<1x128xi32, #tpu.memory_space<vmem>>
    %dma_wait3A_64 = tpu.memref_squeeze %dma_wait3A_63 : memref<1x128xi32, #tpu.memory_space<vmem>> -> memref<128xi32, #tpu.memory_space<vmem>>
    %dma_wait3A_65 = arith.constant 0 : i32
    %dma_wait3A_66 = arith.constant 0 : i32
    %dma_wait3A_67 = tpu.memref_slice %arg7[%dma_wait3A_65, %dma_wait3A_66] : memref<10112x32xf32, #tpu.memory_space<vmem_shared>> -> memref<10112x32xf32, #tpu.memory_space<vmem_shared>>
    tpu.wait_indirect_dma semaphore(%arg12 : memref<!tpu.dma_semaphore, #tpu.memory_space<semaphore_mem>>) src(%dma_wait3A_61 : memref<128x32xf32, #tpu.memory_space<vmem>>) dst(%dma_wait3A_67 : memref<10112x32xf32, #tpu.memory_space<vmem_shared>>)
    %dma_wait3A_68 = arith.constant 1 : i32
    %dma_wait3A_69 = arith.constant 1 : i32
    %dma_wait3A_70 = arith.constant 0 : i32
    %dma_wait3A_71 = arith.constant 0 : i32
    %dma_wait3A_72 = tpu.memref_slice %arg10[%dma_wait3A_68, %dma_wait3A_70, %dma_wait3A_71] : memref<8x128x32xf32, #tpu.memory_space<vmem>> -> memref<1x128x32xf32, #tpu.memory_space<vmem>>
    %dma_wait3A_73 = tpu.memref_squeeze %dma_wait3A_72 : memref<1x128x32xf32, #tpu.memory_space<vmem>> -> memref<128x32xf32, #tpu.memory_space<vmem>>
    %dma_wait3A_74 = arith.constant 0 : i32
    %dma_wait3A_75 = tpu.memref_slice %arg9[%dma_wait3A_69, %dma_wait3A_74] : memref<160x128xi32, #tpu.memory_space<vmem>> -> memref<1x128xi32, #tpu.memory_space<vmem>>
    %dma_wait3A_76 = tpu.memref_squeeze %dma_wait3A_75 : memref<1x128xi32, #tpu.memory_space<vmem>> -> memref<128xi32, #tpu.memory_space<vmem>>
    %dma_wait3A_77 = arith.constant 0 : i32
    %dma_wait3A_78 = arith.constant 0 : i32
    %dma_wait3A_79 = tpu.memref_slice %arg7[%dma_wait3A_77, %dma_wait3A_78] : memref<10112x32xf32, #tpu.memory_space<vmem_shared>> -> memref<10112x32xf32, #tpu.memory_space<vmem_shared>>
    tpu.wait_indirect_dma semaphore(%arg12 : memref<!tpu.dma_semaphore, #tpu.memory_space<semaphore_mem>>) src(%dma_wait3A_73 : memref<128x32xf32, #tpu.memory_space<vmem>>) dst(%dma_wait3A_79 : memref<10112x32xf32, #tpu.memory_space<vmem_shared>>)
    %dma_wait3A_80 = arith.constant 2 : i32
    %dma_wait3A_81 = arith.constant 2 : i32
    %dma_wait3A_82 = arith.constant 0 : i32
    %dma_wait3A_83 = arith.constant 0 : i32
    %dma_wait3A_84 = tpu.memref_slice %arg10[%dma_wait3A_80, %dma_wait3A_82, %dma_wait3A_83] : memref<8x128x32xf32, #tpu.memory_space<vmem>> -> memref<1x128x32xf32, #tpu.memory_space<vmem>>
    %dma_wait3A_85 = tpu.memref_squeeze %dma_wait3A_84 : memref<1x128x32xf32, #tpu.memory_space<vmem>> -> memref<128x32xf32, #tpu.memory_space<vmem>>
    %dma_wait3A_86 = arith.constant 0 : i32
    %dma_wait3A_87 = tpu.memref_slice %arg9[%dma_wait3A_81, %dma_wait3A_86] : memref<160x128xi32, #tpu.memory_space<vmem>> -> memref<1x128xi32, #tpu.memory_space<vmem>>
    %dma_wait3A_88 = tpu.memref_squeeze %dma_wait3A_87 : memref<1x128xi32, #tpu.memory_space<vmem>> -> memref<128xi32, #tpu.memory_space<vmem>>
    %dma_wait3A_89 = arith.constant 0 : i32
    %dma_wait3A_90 = arith.constant 0 : i32
    %dma_wait3A_91 = tpu.memref_slice %arg7[%dma_wait3A_89, %dma_wait3A_90] : memref<10112x32xf32, #tpu.memory_space<vmem_shared>> -> memref<10112x32xf32, #tpu.memory_space<vmem_shared>>
    tpu.wait_indirect_dma semaphore(%arg12 : memref<!tpu.dma_semaphore, #tpu.memory_space<semaphore_mem>>) src(%dma_wait3A_85 : memref<128x32xf32, #tpu.memory_space<vmem>>) dst(%dma_wait3A_91 : memref<10112x32xf32, #tpu.memory_space<vmem_shared>>)
    %dma_wait3A_92 = arith.constant 3 : i32
    %dma_wait3A_93 = arith.constant 3 : i32
    %dma_wait3A_94 = arith.constant 0 : i32
    %dma_wait3A_95 = arith.constant 0 : i32
    %dma_wait3A_96 = tpu.memref_slice %arg10[%dma_wait3A_92, %dma_wait3A_94, %dma_wait3A_95] : memref<8x128x32xf32, #tpu.memory_space<vmem>> -> memref<1x128x32xf32, #tpu.memory_space<vmem>>
    %dma_wait3A_97 = tpu.memref_squeeze %dma_wait3A_96 : memref<1x128x32xf32, #tpu.memory_space<vmem>> -> memref<128x32xf32, #tpu.memory_space<vmem>>
    %dma_wait3A_98 = arith.constant 0 : i32
    %dma_wait3A_99 = tpu.memref_slice %arg9[%dma_wait3A_93, %dma_wait3A_98] : memref<160x128xi32, #tpu.memory_space<vmem>> -> memref<1x128xi32, #tpu.memory_space<vmem>>
    %dma_wait3A_100 = tpu.memref_squeeze %dma_wait3A_99 : memref<1x128xi32, #tpu.memory_space<vmem>> -> memref<128xi32, #tpu.memory_space<vmem>>
    %dma_wait3A_101 = arith.constant 0 : i32
    %dma_wait3A_102 = arith.constant 0 : i32
    %dma_wait3A_103 = tpu.memref_slice %arg7[%dma_wait3A_101, %dma_wait3A_102] : memref<10112x32xf32, #tpu.memory_space<vmem_shared>> -> memref<10112x32xf32, #tpu.memory_space<vmem_shared>>
    tpu.wait_indirect_dma semaphore(%arg12 : memref<!tpu.dma_semaphore, #tpu.memory_space<semaphore_mem>>) src(%dma_wait3A_97 : memref<128x32xf32, #tpu.memory_space<vmem>>) dst(%dma_wait3A_103 : memref<10112x32xf32, #tpu.memory_space<vmem_shared>>)
    %barrier3A_104 = arith.constant 0 : index
    tpu.barrier barrier_id(%barrier3A_104)
    %mul3A_105 = arith.constant 10112 : i32
    %mul3A_106 = arith.muli %arg0, %mul3A_105 : i32
    %add3A_107 = arith.addi %mul3A_106, %mul3A_0 : i32
    "tpu.region"() ({
      %run_scoped3A = tpu.sem_alloc : memref<!tpu.dma_semaphore, #tpu.memory_space<semaphore_mem>>
      %dma_start3A_108 = arith.constant 0 : i32
      %dma_start3A_109 = tpu.memref_slice %arg6[%add3A_107, %dma_start3A_108] : memref<20224x32xf32, #tpu.memory_space<hbm>> -> memref<632x32xf32, #tpu.memory_space<hbm>>
      %dma_start3A_110 = arith.constant 0 : i32
      %dma_start3A_111 = tpu.memref_slice %arg7[%mul3A_0, %dma_start3A_110] : memref<10112x32xf32, #tpu.memory_space<vmem_shared>> -> memref<632x32xf32, #tpu.memory_space<vmem_shared>>
      tpu.enqueue_dma source(%dma_start3A_111 : memref<632x32xf32, #tpu.memory_space<vmem_shared>>) target(%dma_start3A_109 : memref<632x32xf32, #tpu.memory_space<hbm>>) target_semaphore(%run_scoped3A : memref<!tpu.dma_semaphore, #tpu.memory_space<semaphore_mem>>)
      %dma_wait3A_112 = arith.constant 0 : i32
      %dma_wait3A_113 = tpu.memref_slice %arg6[%add3A_107, %dma_wait3A_112] : memref<20224x32xf32, #tpu.memory_space<hbm>> -> memref<632x32xf32, #tpu.memory_space<hbm>>
      %dma_wait3A_114 = arith.constant 0 : i32
      %dma_wait3A_115 = tpu.memref_slice %arg7[%mul3A_0, %dma_wait3A_114] : memref<10112x32xf32, #tpu.memory_space<vmem_shared>> -> memref<632x32xf32, #tpu.memory_space<vmem_shared>>
      tpu.wait_dma2 semaphore(%run_scoped3A : memref<!tpu.dma_semaphore, #tpu.memory_space<semaphore_mem>>) src(%dma_wait3A_115 : memref<632x32xf32, #tpu.memory_space<vmem_shared>>) dst(%dma_wait3A_113 : memref<632x32xf32, #tpu.memory_space<hbm>>)
      tpu.yield
    }) : () -> ()
    return
  }
}

#map = affine_map<(d0, d1) -> (0, 0)>
module attributes {stable_mosaic.version = 14 : i64} {
  func.func @body(%arg0: i32, %arg1: i32, %arg2: memref<5120x128xi32, #tpu.memory_space<hbm>>, %arg3: memref<5120x128xi32, #tpu.memory_space<hbm>>, %arg4: memref<20000x64xf32, #tpu.memory_space<hbm>>, %arg5: memref<10112x64xf32, #tpu.memory_space<hbm>>, %arg6: memref<20224x64xf32, #tpu.memory_space<hbm>>, %arg7: memref<10112x64xf32, #tpu.memory_space<vmem_shared>>, %arg8: memref<160x128xi32, #tpu.memory_space<vmem>>, %arg9: memref<160x128xi32, #tpu.memory_space<vmem>>, %arg10: memref<5x128x64xf32, #tpu.memory_space<vmem>>, %arg11: memref<!tpu.dma_semaphore, #tpu.memory_space<semaphore_mem>>, %arg12: memref<!tpu.dma_semaphore, #tpu.memory_space<semaphore_mem>>) attributes {dimension_semantics = [#tpu.dimension_semantics<core_parallel>, #tpu.dimension_semantics<subcore_parallel>], iteration_bounds = array<i64: 2, 16>, scalar_prefetch = 0 : i64, scratch_operands = 6 : i64, tpu.core_type = #tpu.core_type<sc_vector_subcore>, window_params = [{transform_indices = #map}, {transform_indices = #map}, {transform_indices = #map}, {transform_indices = #map}, {transform_indices = #map}]} {
    %mul3A = arith.constant 632 : i32
    %mul3A_0 = arith.muli %arg1, %mul3A : i32
    "tpu.region"() ({
      %run_scoped3A = tpu.sem_alloc : memref<!tpu.dma_semaphore, #tpu.memory_space<semaphore_mem>>
      %dma_start3A_72 = arith.constant 0 : i32
      %dma_start3A_73 = tpu.memref_slice %arg7[%mul3A_0, %dma_start3A_72] : memref<10112x64xf32, #tpu.memory_space<vmem_shared>> -> memref<632x64xf32, #tpu.memory_space<vmem_shared>>
      %dma_start3A_74 = arith.constant 0 : i32
      %dma_start3A_75 = tpu.memref_slice %arg5[%mul3A_0, %dma_start3A_74] : memref<10112x64xf32, #tpu.memory_space<hbm>> -> memref<632x64xf32, #tpu.memory_space<hbm>>
      tpu.enqueue_dma source(%dma_start3A_75 : memref<632x64xf32, #tpu.memory_space<hbm>>) target(%dma_start3A_73 : memref<632x64xf32, #tpu.memory_space<vmem_shared>>) target_semaphore(%run_scoped3A : memref<!tpu.dma_semaphore, #tpu.memory_space<semaphore_mem>>)
      %dma_wait3A_76 = arith.constant 0 : i32
      %dma_wait3A_77 = tpu.memref_slice %arg7[%mul3A_0, %dma_wait3A_76] : memref<10112x64xf32, #tpu.memory_space<vmem_shared>> -> memref<632x64xf32, #tpu.memory_space<vmem_shared>>
      %dma_wait3A_78 = arith.constant 0 : i32
      %dma_wait3A_79 = tpu.memref_slice %arg5[%mul3A_0, %dma_wait3A_78] : memref<10112x64xf32, #tpu.memory_space<hbm>> -> memref<632x64xf32, #tpu.memory_space<hbm>>
      tpu.wait_dma2 semaphore(%run_scoped3A : memref<!tpu.dma_semaphore, #tpu.memory_space<semaphore_mem>>) src(%dma_wait3A_79 : memref<632x64xf32, #tpu.memory_space<hbm>>) dst(%dma_wait3A_77 : memref<632x64xf32, #tpu.memory_space<vmem_shared>>)
      tpu.yield
    }) : () -> ()
    %mul3A_1 = arith.constant 16 : i32
    %mul3A_2 = arith.muli %arg0, %mul3A_1 : i32
    %add3A = arith.addi %mul3A_2, %arg1 : i32
    %mul3A_3 = arith.constant 160 : i32
    %mul3A_4 = arith.muli %add3A, %mul3A_3 : i32
    "tpu.region"() ({
      %run_scoped3A = tpu.sem_alloc : memref<!tpu.dma_semaphore, #tpu.memory_space<semaphore_mem>>
      %dma_start3A_72 = arith.constant 0 : i32
      %dma_start3A_73 = tpu.memref_slice %arg2[%mul3A_4, %dma_start3A_72] : memref<5120x128xi32, #tpu.memory_space<hbm>> -> memref<160x128xi32, #tpu.memory_space<hbm>>
      %dma_start3A_74 = arith.constant 0 : i32
      %dma_start3A_75 = tpu.memref_slice %arg2[%mul3A_4, %dma_start3A_74] : memref<5120x128xi32, #tpu.memory_space<hbm>> -> memref<160x128xi32, #tpu.memory_space<hbm>>
      tpu.enqueue_dma source(%dma_start3A_75 : memref<160x128xi32, #tpu.memory_space<hbm>>) target(%arg8 : memref<160x128xi32, #tpu.memory_space<vmem>>) target_semaphore(%run_scoped3A : memref<!tpu.dma_semaphore, #tpu.memory_space<semaphore_mem>>)
      %dma_wait3A_76 = arith.constant 0 : i32
      %dma_wait3A_77 = tpu.memref_slice %arg2[%mul3A_4, %dma_wait3A_76] : memref<5120x128xi32, #tpu.memory_space<hbm>> -> memref<160x128xi32, #tpu.memory_space<hbm>>
      %dma_wait3A_78 = arith.constant 0 : i32
      %dma_wait3A_79 = tpu.memref_slice %arg2[%mul3A_4, %dma_wait3A_78] : memref<5120x128xi32, #tpu.memory_space<hbm>> -> memref<160x128xi32, #tpu.memory_space<hbm>>
      tpu.wait_dma2 semaphore(%run_scoped3A : memref<!tpu.dma_semaphore, #tpu.memory_space<semaphore_mem>>) src(%dma_wait3A_79 : memref<160x128xi32, #tpu.memory_space<hbm>>) dst(%arg8 : memref<160x128xi32, #tpu.memory_space<vmem>>)
      tpu.yield
    }) : () -> ()
    "tpu.region"() ({
      %run_scoped3A = tpu.sem_alloc : memref<!tpu.dma_semaphore, #tpu.memory_space<semaphore_mem>>
      %dma_start3A_72 = arith.constant 0 : i32
      %dma_start3A_73 = tpu.memref_slice %arg3[%mul3A_4, %dma_start3A_72] : memref<5120x128xi32, #tpu.memory_space<hbm>> -> memref<160x128xi32, #tpu.memory_space<hbm>>
      %dma_start3A_74 = arith.constant 0 : i32
      %dma_start3A_75 = tpu.memref_slice %arg3[%mul3A_4, %dma_start3A_74] : memref<5120x128xi32, #tpu.memory_space<hbm>> -> memref<160x128xi32, #tpu.memory_space<hbm>>
      tpu.enqueue_dma source(%dma_start3A_75 : memref<160x128xi32, #tpu.memory_space<hbm>>) target(%arg9 : memref<160x128xi32, #tpu.memory_space<vmem>>) target_semaphore(%run_scoped3A : memref<!tpu.dma_semaphore, #tpu.memory_space<semaphore_mem>>)
      %dma_wait3A_76 = arith.constant 0 : i32
      %dma_wait3A_77 = tpu.memref_slice %arg3[%mul3A_4, %dma_wait3A_76] : memref<5120x128xi32, #tpu.memory_space<hbm>> -> memref<160x128xi32, #tpu.memory_space<hbm>>
      %dma_wait3A_78 = arith.constant 0 : i32
      %dma_wait3A_79 = tpu.memref_slice %arg3[%mul3A_4, %dma_wait3A_78] : memref<5120x128xi32, #tpu.memory_space<hbm>> -> memref<160x128xi32, #tpu.memory_space<hbm>>
      tpu.wait_dma2 semaphore(%run_scoped3A : memref<!tpu.dma_semaphore, #tpu.memory_space<semaphore_mem>>) src(%dma_wait3A_79 : memref<160x128xi32, #tpu.memory_space<hbm>>) dst(%arg9 : memref<160x128xi32, #tpu.memory_space<vmem>>)
      tpu.yield
    }) : () -> ()
    %barrier3A = arith.constant 0 : index
    tpu.barrier barrier_id(%barrier3A)
    %dma_start3A = arith.constant 0 : i32
    %dma_start3A_5 = arith.constant 0 : i32
    %dma_start3A_6 = arith.constant 0 : i32
    %dma_start3A_7 = arith.constant 0 : i32
    %dma_start3A_8 = tpu.memref_slice %arg10[%dma_start3A_5, %dma_start3A_6, %dma_start3A_7] : memref<5x128x64xf32, #tpu.memory_space<vmem>> -> memref<1x128x64xf32, #tpu.memory_space<vmem>>
    %dma_start3A_9 = tpu.memref_squeeze %dma_start3A_8 : memref<1x128x64xf32, #tpu.memory_space<vmem>> -> memref<128x64xf32, #tpu.memory_space<vmem>>
    %dma_start3A_10 = arith.constant 0 : i32
    %dma_start3A_11 = tpu.memref_slice %arg8[%dma_start3A, %dma_start3A_10] : memref<160x128xi32, #tpu.memory_space<vmem>> -> memref<1x128xi32, #tpu.memory_space<vmem>>
    %dma_start3A_12 = tpu.memref_squeeze %dma_start3A_11 : memref<1x128xi32, #tpu.memory_space<vmem>> -> memref<128xi32, #tpu.memory_space<vmem>>
    %dma_start3A_13 = arith.constant 0 : i32
    %dma_start3A_14 = arith.constant 0 : i32
    %dma_start3A_15 = tpu.memref_slice %arg4[%dma_start3A_13, %dma_start3A_14] : memref<20000x64xf32, #tpu.memory_space<hbm>> -> memref<20000x64xf32, #tpu.memory_space<hbm>>
    tpu.enqueue_indirect_dma source(%dma_start3A_15 : memref<20000x64xf32, #tpu.memory_space<hbm>>) target(%dma_start3A_9 : memref<128x64xf32, #tpu.memory_space<vmem>>) offsets(%dma_start3A_12 : memref<128xi32, #tpu.memory_space<vmem>>) semaphore(%arg11 : memref<!tpu.dma_semaphore, #tpu.memory_space<semaphore_mem>>)
    %dma_start3A_16 = arith.constant 1 : i32
    %dma_start3A_17 = arith.constant 1 : i32
    %dma_start3A_18 = arith.constant 0 : i32
    %dma_start3A_19 = arith.constant 0 : i32
    %dma_start3A_20 = tpu.memref_slice %arg10[%dma_start3A_17, %dma_start3A_18, %dma_start3A_19] : memref<5x128x64xf32, #tpu.memory_space<vmem>> -> memref<1x128x64xf32, #tpu.memory_space<vmem>>
    %dma_start3A_21 = tpu.memref_squeeze %dma_start3A_20 : memref<1x128x64xf32, #tpu.memory_space<vmem>> -> memref<128x64xf32, #tpu.memory_space<vmem>>
    %dma_start3A_22 = arith.constant 0 : i32
    %dma_start3A_23 = tpu.memref_slice %arg8[%dma_start3A_16, %dma_start3A_22] : memref<160x128xi32, #tpu.memory_space<vmem>> -> memref<1x128xi32, #tpu.memory_space<vmem>>
    %dma_start3A_24 = tpu.memref_squeeze %dma_start3A_23 : memref<1x128xi32, #tpu.memory_space<vmem>> -> memref<128xi32, #tpu.memory_space<vmem>>
    %dma_start3A_25 = arith.constant 0 : i32
    %dma_start3A_26 = arith.constant 0 : i32
    %dma_start3A_27 = tpu.memref_slice %arg4[%dma_start3A_25, %dma_start3A_26] : memref<20000x64xf32, #tpu.memory_space<hbm>> -> memref<20000x64xf32, #tpu.memory_space<hbm>>
    tpu.enqueue_indirect_dma source(%dma_start3A_27 : memref<20000x64xf32, #tpu.memory_space<hbm>>) target(%dma_start3A_21 : memref<128x64xf32, #tpu.memory_space<vmem>>) offsets(%dma_start3A_24 : memref<128xi32, #tpu.memory_space<vmem>>) semaphore(%arg11 : memref<!tpu.dma_semaphore, #tpu.memory_space<semaphore_mem>>)
    %dma_start3A_28 = arith.constant 2 : i32
    %dma_start3A_29 = arith.constant 2 : i32
    %dma_start3A_30 = arith.constant 0 : i32
    %dma_start3A_31 = arith.constant 0 : i32
    %dma_start3A_32 = tpu.memref_slice %arg10[%dma_start3A_29, %dma_start3A_30, %dma_start3A_31] : memref<5x128x64xf32, #tpu.memory_space<vmem>> -> memref<1x128x64xf32, #tpu.memory_space<vmem>>
    %dma_start3A_33 = tpu.memref_squeeze %dma_start3A_32 : memref<1x128x64xf32, #tpu.memory_space<vmem>> -> memref<128x64xf32, #tpu.memory_space<vmem>>
    %dma_start3A_34 = arith.constant 0 : i32
    %dma_start3A_35 = tpu.memref_slice %arg8[%dma_start3A_28, %dma_start3A_34] : memref<160x128xi32, #tpu.memory_space<vmem>> -> memref<1x128xi32, #tpu.memory_space<vmem>>
    %dma_start3A_36 = tpu.memref_squeeze %dma_start3A_35 : memref<1x128xi32, #tpu.memory_space<vmem>> -> memref<128xi32, #tpu.memory_space<vmem>>
    %dma_start3A_37 = arith.constant 0 : i32
    %dma_start3A_38 = arith.constant 0 : i32
    %dma_start3A_39 = tpu.memref_slice %arg4[%dma_start3A_37, %dma_start3A_38] : memref<20000x64xf32, #tpu.memory_space<hbm>> -> memref<20000x64xf32, #tpu.memory_space<hbm>>
    tpu.enqueue_indirect_dma source(%dma_start3A_39 : memref<20000x64xf32, #tpu.memory_space<hbm>>) target(%dma_start3A_33 : memref<128x64xf32, #tpu.memory_space<vmem>>) offsets(%dma_start3A_36 : memref<128xi32, #tpu.memory_space<vmem>>) semaphore(%arg11 : memref<!tpu.dma_semaphore, #tpu.memory_space<semaphore_mem>>)
    %scan3A = arith.constant 0 : i32
    %scan3A_40 = arith.constant 0 : i32
    %scan3A_41 = arith.constant 32 : i32
    %scan3A_42 = arith.addi %scan3A_40, %scan3A_41 : i32
    %scan3A_43 = arith.constant 1 : i32
    scf.for %scan3A_72 = %scan3A_40 to %scan3A_42 step %scan3A_43  : i32 {
      %mul3A_73 = arith.constant 5 : i32
      %mul3A_74 = arith.muli %scan3A_72, %mul3A_73 : i32
      %add3A_75 = arith.constant 0 : i32
      %add3A_76 = arith.addi %mul3A_74, %add3A_75 : i32
      %dma_wait3A_77 = arith.constant 0 : i32
      %dma_wait3A_78 = arith.constant 0 : i32
      %dma_wait3A_79 = arith.constant 0 : i32
      %dma_wait3A_80 = tpu.memref_slice %arg10[%dma_wait3A_77, %dma_wait3A_78, %dma_wait3A_79] : memref<5x128x64xf32, #tpu.memory_space<vmem>> -> memref<1x128x64xf32, #tpu.memory_space<vmem>>
      %dma_wait3A_81 = tpu.memref_squeeze %dma_wait3A_80 : memref<1x128x64xf32, #tpu.memory_space<vmem>> -> memref<128x64xf32, #tpu.memory_space<vmem>>
      %dma_wait3A_82 = arith.constant 0 : i32
      %dma_wait3A_83 = tpu.memref_slice %arg8[%add3A_76, %dma_wait3A_82] : memref<160x128xi32, #tpu.memory_space<vmem>> -> memref<1x128xi32, #tpu.memory_space<vmem>>
      %dma_wait3A_84 = tpu.memref_squeeze %dma_wait3A_83 : memref<1x128xi32, #tpu.memory_space<vmem>> -> memref<128xi32, #tpu.memory_space<vmem>>
      %dma_wait3A_85 = arith.constant 0 : i32
      %dma_wait3A_86 = arith.constant 0 : i32
      %dma_wait3A_87 = tpu.memref_slice %arg4[%dma_wait3A_85, %dma_wait3A_86] : memref<20000x64xf32, #tpu.memory_space<hbm>> -> memref<20000x64xf32, #tpu.memory_space<hbm>>
      tpu.wait_indirect_dma semaphore(%arg11 : memref<!tpu.dma_semaphore, #tpu.memory_space<semaphore_mem>>) src(%dma_wait3A_87 : memref<20000x64xf32, #tpu.memory_space<hbm>>) dst(%dma_wait3A_81 : memref<128x64xf32, #tpu.memory_space<vmem>>)
      %dma_start3A_88 = arith.constant 0 : i32
      %dma_start3A_89 = arith.constant 0 : i32
      %dma_start3A_90 = arith.constant 0 : i32
      %dma_start3A_91 = tpu.memref_slice %arg10[%dma_start3A_88, %dma_start3A_89, %dma_start3A_90] : memref<5x128x64xf32, #tpu.memory_space<vmem>> -> memref<1x128x64xf32, #tpu.memory_space<vmem>>
      %dma_start3A_92 = tpu.memref_squeeze %dma_start3A_91 : memref<1x128x64xf32, #tpu.memory_space<vmem>> -> memref<128x64xf32, #tpu.memory_space<vmem>>
      %dma_start3A_93 = arith.constant 0 : i32
      %dma_start3A_94 = tpu.memref_slice %arg9[%add3A_76, %dma_start3A_93] : memref<160x128xi32, #tpu.memory_space<vmem>> -> memref<1x128xi32, #tpu.memory_space<vmem>>
      %dma_start3A_95 = tpu.memref_squeeze %dma_start3A_94 : memref<1x128xi32, #tpu.memory_space<vmem>> -> memref<128xi32, #tpu.memory_space<vmem>>
      %dma_start3A_96 = arith.constant 0 : i32
      %dma_start3A_97 = arith.constant 0 : i32
      %dma_start3A_98 = tpu.memref_slice %arg7[%dma_start3A_96, %dma_start3A_97] : memref<10112x64xf32, #tpu.memory_space<vmem_shared>> -> memref<10112x64xf32, #tpu.memory_space<vmem_shared>>
      tpu.enqueue_indirect_dma source(%dma_start3A_92 : memref<128x64xf32, #tpu.memory_space<vmem>>) target(%dma_start3A_98 : memref<10112x64xf32, #tpu.memory_space<vmem_shared>>) offsets(%dma_start3A_95 : memref<128xi32, #tpu.memory_space<vmem>>) semaphore(%arg12 : memref<!tpu.dma_semaphore, #tpu.memory_space<semaphore_mem>>) {add = true}
      %ge3A = arith.constant 2 : i32
      %ge3A_99 = arith.cmpi sge, %add3A_76, %ge3A : i32
      %convert_element_type3A = arith.extui %ge3A_99 : i1 to i32
      %cond3A = arith.constant 0 : i32
      %cond3A_100 = arith.cmpi ne, %convert_element_type3A, %cond3A : i32
      scf.if %cond3A_100 {
        %dma_wait3A_259 = arith.constant 0 : i32
        %dma_wait3A_260 = arith.constant 0 : i32
        %dma_wait3A_261 = arith.constant 0 : i32
        %dma_wait3A_262 = tpu.memref_slice %arg10[%dma_wait3A_259, %dma_wait3A_260, %dma_wait3A_261] : memref<5x128x64xf32, #tpu.memory_space<vmem>> -> memref<1x128x64xf32, #tpu.memory_space<vmem>>
        %dma_wait3A_263 = tpu.memref_squeeze %dma_wait3A_262 : memref<1x128x64xf32, #tpu.memory_space<vmem>> -> memref<128x64xf32, #tpu.memory_space<vmem>>
        %dma_wait3A_264 = arith.constant 0 : i32
        %dma_wait3A_265 = tpu.memref_slice %arg9[%add3A_76, %dma_wait3A_264] : memref<160x128xi32, #tpu.memory_space<vmem>> -> memref<1x128xi32, #tpu.memory_space<vmem>>
        %dma_wait3A_266 = tpu.memref_squeeze %dma_wait3A_265 : memref<1x128xi32, #tpu.memory_space<vmem>> -> memref<128xi32, #tpu.memory_space<vmem>>
        %dma_wait3A_267 = arith.constant 0 : i32
        %dma_wait3A_268 = arith.constant 0 : i32
        %dma_wait3A_269 = tpu.memref_slice %arg7[%dma_wait3A_267, %dma_wait3A_268] : memref<10112x64xf32, #tpu.memory_space<vmem_shared>> -> memref<10112x64xf32, #tpu.memory_space<vmem_shared>>
        tpu.wait_indirect_dma semaphore(%arg12 : memref<!tpu.dma_semaphore, #tpu.memory_space<semaphore_mem>>) src(%dma_wait3A_263 : memref<128x64xf32, #tpu.memory_space<vmem>>) dst(%dma_wait3A_269 : memref<10112x64xf32, #tpu.memory_space<vmem_shared>>)
      } else {
      }
      %add3A_101 = arith.constant 3 : i32
      %add3A_102 = arith.addi %add3A_76, %add3A_101 : i32
      %lt3A = arith.constant 160 : i32
      %lt3A_103 = arith.cmpi slt, %add3A_102, %lt3A : i32
      %convert_element_type3A_104 = arith.extui %lt3A_103 : i1 to i32
      %cond3A_105 = arith.constant 0 : i32
      %cond3A_106 = arith.cmpi ne, %convert_element_type3A_104, %cond3A_105 : i32
      scf.if %cond3A_106 {
        %add3A_259 = arith.constant 3 : i32
        %add3A_260 = arith.addi %add3A_76, %add3A_259 : i32
        %dma_start3A_261 = arith.constant 3 : i32
        %dma_start3A_262 = arith.constant 0 : i32
        %dma_start3A_263 = arith.constant 0 : i32
        %dma_start3A_264 = tpu.memref_slice %arg10[%dma_start3A_261, %dma_start3A_262, %dma_start3A_263] : memref<5x128x64xf32, #tpu.memory_space<vmem>> -> memref<1x128x64xf32, #tpu.memory_space<vmem>>
        %dma_start3A_265 = tpu.memref_squeeze %dma_start3A_264 : memref<1x128x64xf32, #tpu.memory_space<vmem>> -> memref<128x64xf32, #tpu.memory_space<vmem>>
        %dma_start3A_266 = arith.constant 0 : i32
        %dma_start3A_267 = tpu.memref_slice %arg8[%add3A_260, %dma_start3A_266] : memref<160x128xi32, #tpu.memory_space<vmem>> -> memref<1x128xi32, #tpu.memory_space<vmem>>
        %dma_start3A_268 = tpu.memref_squeeze %dma_start3A_267 : memref<1x128xi32, #tpu.memory_space<vmem>> -> memref<128xi32, #tpu.memory_space<vmem>>
        %dma_start3A_269 = arith.constant 0 : i32
        %dma_start3A_270 = arith.constant 0 : i32
        %dma_start3A_271 = tpu.memref_slice %arg4[%dma_start3A_269, %dma_start3A_270] : memref<20000x64xf32, #tpu.memory_space<hbm>> -> memref<20000x64xf32, #tpu.memory_space<hbm>>
        tpu.enqueue_indirect_dma source(%dma_start3A_271 : memref<20000x64xf32, #tpu.memory_space<hbm>>) target(%dma_start3A_265 : memref<128x64xf32, #tpu.memory_space<vmem>>) offsets(%dma_start3A_268 : memref<128xi32, #tpu.memory_space<vmem>>) semaphore(%arg11 : memref<!tpu.dma_semaphore, #tpu.memory_space<semaphore_mem>>)
      } else {
      }
      %mul3A_107 = arith.constant 5 : i32
      %mul3A_108 = arith.muli %scan3A_72, %mul3A_107 : i32
      %add3A_109 = arith.constant 1 : i32
      %add3A_110 = arith.addi %mul3A_108, %add3A_109 : i32
      %dma_wait3A_111 = arith.constant 1 : i32
      %dma_wait3A_112 = arith.constant 0 : i32
      %dma_wait3A_113 = arith.constant 0 : i32
      %dma_wait3A_114 = tpu.memref_slice %arg10[%dma_wait3A_111, %dma_wait3A_112, %dma_wait3A_113] : memref<5x128x64xf32, #tpu.memory_space<vmem>> -> memref<1x128x64xf32, #tpu.memory_space<vmem>>
      %dma_wait3A_115 = tpu.memref_squeeze %dma_wait3A_114 : memref<1x128x64xf32, #tpu.memory_space<vmem>> -> memref<128x64xf32, #tpu.memory_space<vmem>>
      %dma_wait3A_116 = arith.constant 0 : i32
      %dma_wait3A_117 = tpu.memref_slice %arg8[%add3A_110, %dma_wait3A_116] : memref<160x128xi32, #tpu.memory_space<vmem>> -> memref<1x128xi32, #tpu.memory_space<vmem>>
      %dma_wait3A_118 = tpu.memref_squeeze %dma_wait3A_117 : memref<1x128xi32, #tpu.memory_space<vmem>> -> memref<128xi32, #tpu.memory_space<vmem>>
      %dma_wait3A_119 = arith.constant 0 : i32
      %dma_wait3A_120 = arith.constant 0 : i32
      %dma_wait3A_121 = tpu.memref_slice %arg4[%dma_wait3A_119, %dma_wait3A_120] : memref<20000x64xf32, #tpu.memory_space<hbm>> -> memref<20000x64xf32, #tpu.memory_space<hbm>>
      tpu.wait_indirect_dma semaphore(%arg11 : memref<!tpu.dma_semaphore, #tpu.memory_space<semaphore_mem>>) src(%dma_wait3A_121 : memref<20000x64xf32, #tpu.memory_space<hbm>>) dst(%dma_wait3A_115 : memref<128x64xf32, #tpu.memory_space<vmem>>)
      %dma_start3A_122 = arith.constant 1 : i32
      %dma_start3A_123 = arith.constant 0 : i32
      %dma_start3A_124 = arith.constant 0 : i32
      %dma_start3A_125 = tpu.memref_slice %arg10[%dma_start3A_122, %dma_start3A_123, %dma_start3A_124] : memref<5x128x64xf32, #tpu.memory_space<vmem>> -> memref<1x128x64xf32, #tpu.memory_space<vmem>>
      %dma_start3A_126 = tpu.memref_squeeze %dma_start3A_125 : memref<1x128x64xf32, #tpu.memory_space<vmem>> -> memref<128x64xf32, #tpu.memory_space<vmem>>
      %dma_start3A_127 = arith.constant 0 : i32
      %dma_start3A_128 = tpu.memref_slice %arg9[%add3A_110, %dma_start3A_127] : memref<160x128xi32, #tpu.memory_space<vmem>> -> memref<1x128xi32, #tpu.memory_space<vmem>>
      %dma_start3A_129 = tpu.memref_squeeze %dma_start3A_128 : memref<1x128xi32, #tpu.memory_space<vmem>> -> memref<128xi32, #tpu.memory_space<vmem>>
      %dma_start3A_130 = arith.constant 0 : i32
      %dma_start3A_131 = arith.constant 0 : i32
      %dma_start3A_132 = tpu.memref_slice %arg7[%dma_start3A_130, %dma_start3A_131] : memref<10112x64xf32, #tpu.memory_space<vmem_shared>> -> memref<10112x64xf32, #tpu.memory_space<vmem_shared>>
      tpu.enqueue_indirect_dma source(%dma_start3A_126 : memref<128x64xf32, #tpu.memory_space<vmem>>) target(%dma_start3A_132 : memref<10112x64xf32, #tpu.memory_space<vmem_shared>>) offsets(%dma_start3A_129 : memref<128xi32, #tpu.memory_space<vmem>>) semaphore(%arg12 : memref<!tpu.dma_semaphore, #tpu.memory_space<semaphore_mem>>) {add = true}
      %ge3A_133 = arith.constant 2 : i32
      %ge3A_134 = arith.cmpi sge, %add3A_110, %ge3A_133 : i32
      %convert_element_type3A_135 = arith.extui %ge3A_134 : i1 to i32
      %cond3A_136 = arith.constant 0 : i32
      %cond3A_137 = arith.cmpi ne, %convert_element_type3A_135, %cond3A_136 : i32
      scf.if %cond3A_137 {
        %dma_wait3A_259 = arith.constant 1 : i32
        %dma_wait3A_260 = arith.constant 0 : i32
        %dma_wait3A_261 = arith.constant 0 : i32
        %dma_wait3A_262 = tpu.memref_slice %arg10[%dma_wait3A_259, %dma_wait3A_260, %dma_wait3A_261] : memref<5x128x64xf32, #tpu.memory_space<vmem>> -> memref<1x128x64xf32, #tpu.memory_space<vmem>>
        %dma_wait3A_263 = tpu.memref_squeeze %dma_wait3A_262 : memref<1x128x64xf32, #tpu.memory_space<vmem>> -> memref<128x64xf32, #tpu.memory_space<vmem>>
        %dma_wait3A_264 = arith.constant 0 : i32
        %dma_wait3A_265 = tpu.memref_slice %arg9[%add3A_110, %dma_wait3A_264] : memref<160x128xi32, #tpu.memory_space<vmem>> -> memref<1x128xi32, #tpu.memory_space<vmem>>
        %dma_wait3A_266 = tpu.memref_squeeze %dma_wait3A_265 : memref<1x128xi32, #tpu.memory_space<vmem>> -> memref<128xi32, #tpu.memory_space<vmem>>
        %dma_wait3A_267 = arith.constant 0 : i32
        %dma_wait3A_268 = arith.constant 0 : i32
        %dma_wait3A_269 = tpu.memref_slice %arg7[%dma_wait3A_267, %dma_wait3A_268] : memref<10112x64xf32, #tpu.memory_space<vmem_shared>> -> memref<10112x64xf32, #tpu.memory_space<vmem_shared>>
        tpu.wait_indirect_dma semaphore(%arg12 : memref<!tpu.dma_semaphore, #tpu.memory_space<semaphore_mem>>) src(%dma_wait3A_263 : memref<128x64xf32, #tpu.memory_space<vmem>>) dst(%dma_wait3A_269 : memref<10112x64xf32, #tpu.memory_space<vmem_shared>>)
      } else {
      }
      %add3A_138 = arith.constant 3 : i32
      %add3A_139 = arith.addi %add3A_110, %add3A_138 : i32
      %lt3A_140 = arith.constant 160 : i32
      %lt3A_141 = arith.cmpi slt, %add3A_139, %lt3A_140 : i32
      %convert_element_type3A_142 = arith.extui %lt3A_141 : i1 to i32
      %cond3A_143 = arith.constant 0 : i32
      %cond3A_144 = arith.cmpi ne, %convert_element_type3A_142, %cond3A_143 : i32
      scf.if %cond3A_144 {
        %add3A_259 = arith.constant 3 : i32
        %add3A_260 = arith.addi %add3A_110, %add3A_259 : i32
        %dma_start3A_261 = arith.constant 4 : i32
        %dma_start3A_262 = arith.constant 0 : i32
        %dma_start3A_263 = arith.constant 0 : i32
        %dma_start3A_264 = tpu.memref_slice %arg10[%dma_start3A_261, %dma_start3A_262, %dma_start3A_263] : memref<5x128x64xf32, #tpu.memory_space<vmem>> -> memref<1x128x64xf32, #tpu.memory_space<vmem>>
        %dma_start3A_265 = tpu.memref_squeeze %dma_start3A_264 : memref<1x128x64xf32, #tpu.memory_space<vmem>> -> memref<128x64xf32, #tpu.memory_space<vmem>>
        %dma_start3A_266 = arith.constant 0 : i32
        %dma_start3A_267 = tpu.memref_slice %arg8[%add3A_260, %dma_start3A_266] : memref<160x128xi32, #tpu.memory_space<vmem>> -> memref<1x128xi32, #tpu.memory_space<vmem>>
        %dma_start3A_268 = tpu.memref_squeeze %dma_start3A_267 : memref<1x128xi32, #tpu.memory_space<vmem>> -> memref<128xi32, #tpu.memory_space<vmem>>
        %dma_start3A_269 = arith.constant 0 : i32
        %dma_start3A_270 = arith.constant 0 : i32
        %dma_start3A_271 = tpu.memref_slice %arg4[%dma_start3A_269, %dma_start3A_270] : memref<20000x64xf32, #tpu.memory_space<hbm>> -> memref<20000x64xf32, #tpu.memory_space<hbm>>
        tpu.enqueue_indirect_dma source(%dma_start3A_271 : memref<20000x64xf32, #tpu.memory_space<hbm>>) target(%dma_start3A_265 : memref<128x64xf32, #tpu.memory_space<vmem>>) offsets(%dma_start3A_268 : memref<128xi32, #tpu.memory_space<vmem>>) semaphore(%arg11 : memref<!tpu.dma_semaphore, #tpu.memory_space<semaphore_mem>>)
      } else {
      }
      %mul3A_145 = arith.constant 5 : i32
      %mul3A_146 = arith.muli %scan3A_72, %mul3A_145 : i32
      %add3A_147 = arith.constant 2 : i32
      %add3A_148 = arith.addi %mul3A_146, %add3A_147 : i32
      %dma_wait3A_149 = arith.constant 2 : i32
      %dma_wait3A_150 = arith.constant 0 : i32
      %dma_wait3A_151 = arith.constant 0 : i32
      %dma_wait3A_152 = tpu.memref_slice %arg10[%dma_wait3A_149, %dma_wait3A_150, %dma_wait3A_151] : memref<5x128x64xf32, #tpu.memory_space<vmem>> -> memref<1x128x64xf32, #tpu.memory_space<vmem>>
      %dma_wait3A_153 = tpu.memref_squeeze %dma_wait3A_152 : memref<1x128x64xf32, #tpu.memory_space<vmem>> -> memref<128x64xf32, #tpu.memory_space<vmem>>
      %dma_wait3A_154 = arith.constant 0 : i32
      %dma_wait3A_155 = tpu.memref_slice %arg8[%add3A_148, %dma_wait3A_154] : memref<160x128xi32, #tpu.memory_space<vmem>> -> memref<1x128xi32, #tpu.memory_space<vmem>>
      %dma_wait3A_156 = tpu.memref_squeeze %dma_wait3A_155 : memref<1x128xi32, #tpu.memory_space<vmem>> -> memref<128xi32, #tpu.memory_space<vmem>>
      %dma_wait3A_157 = arith.constant 0 : i32
      %dma_wait3A_158 = arith.constant 0 : i32
      %dma_wait3A_159 = tpu.memref_slice %arg4[%dma_wait3A_157, %dma_wait3A_158] : memref<20000x64xf32, #tpu.memory_space<hbm>> -> memref<20000x64xf32, #tpu.memory_space<hbm>>
      tpu.wait_indirect_dma semaphore(%arg11 : memref<!tpu.dma_semaphore, #tpu.memory_space<semaphore_mem>>) src(%dma_wait3A_159 : memref<20000x64xf32, #tpu.memory_space<hbm>>) dst(%dma_wait3A_153 : memref<128x64xf32, #tpu.memory_space<vmem>>)
      %dma_start3A_160 = arith.constant 2 : i32
      %dma_start3A_161 = arith.constant 0 : i32
      %dma_start3A_162 = arith.constant 0 : i32
      %dma_start3A_163 = tpu.memref_slice %arg10[%dma_start3A_160, %dma_start3A_161, %dma_start3A_162] : memref<5x128x64xf32, #tpu.memory_space<vmem>> -> memref<1x128x64xf32, #tpu.memory_space<vmem>>
      %dma_start3A_164 = tpu.memref_squeeze %dma_start3A_163 : memref<1x128x64xf32, #tpu.memory_space<vmem>> -> memref<128x64xf32, #tpu.memory_space<vmem>>
      %dma_start3A_165 = arith.constant 0 : i32
      %dma_start3A_166 = tpu.memref_slice %arg9[%add3A_148, %dma_start3A_165] : memref<160x128xi32, #tpu.memory_space<vmem>> -> memref<1x128xi32, #tpu.memory_space<vmem>>
      %dma_start3A_167 = tpu.memref_squeeze %dma_start3A_166 : memref<1x128xi32, #tpu.memory_space<vmem>> -> memref<128xi32, #tpu.memory_space<vmem>>
      %dma_start3A_168 = arith.constant 0 : i32
      %dma_start3A_169 = arith.constant 0 : i32
      %dma_start3A_170 = tpu.memref_slice %arg7[%dma_start3A_168, %dma_start3A_169] : memref<10112x64xf32, #tpu.memory_space<vmem_shared>> -> memref<10112x64xf32, #tpu.memory_space<vmem_shared>>
      tpu.enqueue_indirect_dma source(%dma_start3A_164 : memref<128x64xf32, #tpu.memory_space<vmem>>) target(%dma_start3A_170 : memref<10112x64xf32, #tpu.memory_space<vmem_shared>>) offsets(%dma_start3A_167 : memref<128xi32, #tpu.memory_space<vmem>>) semaphore(%arg12 : memref<!tpu.dma_semaphore, #tpu.memory_space<semaphore_mem>>) {add = true}
      %ge3A_171 = arith.constant 2 : i32
      %ge3A_172 = arith.cmpi sge, %add3A_148, %ge3A_171 : i32
      %convert_element_type3A_173 = arith.extui %ge3A_172 : i1 to i32
      %cond3A_174 = arith.constant 0 : i32
      %cond3A_175 = arith.cmpi ne, %convert_element_type3A_173, %cond3A_174 : i32
      scf.if %cond3A_175 {
        %dma_wait3A_259 = arith.constant 2 : i32
        %dma_wait3A_260 = arith.constant 0 : i32
        %dma_wait3A_261 = arith.constant 0 : i32
        %dma_wait3A_262 = tpu.memref_slice %arg10[%dma_wait3A_259, %dma_wait3A_260, %dma_wait3A_261] : memref<5x128x64xf32, #tpu.memory_space<vmem>> -> memref<1x128x64xf32, #tpu.memory_space<vmem>>
        %dma_wait3A_263 = tpu.memref_squeeze %dma_wait3A_262 : memref<1x128x64xf32, #tpu.memory_space<vmem>> -> memref<128x64xf32, #tpu.memory_space<vmem>>
        %dma_wait3A_264 = arith.constant 0 : i32
        %dma_wait3A_265 = tpu.memref_slice %arg9[%add3A_148, %dma_wait3A_264] : memref<160x128xi32, #tpu.memory_space<vmem>> -> memref<1x128xi32, #tpu.memory_space<vmem>>
        %dma_wait3A_266 = tpu.memref_squeeze %dma_wait3A_265 : memref<1x128xi32, #tpu.memory_space<vmem>> -> memref<128xi32, #tpu.memory_space<vmem>>
        %dma_wait3A_267 = arith.constant 0 : i32
        %dma_wait3A_268 = arith.constant 0 : i32
        %dma_wait3A_269 = tpu.memref_slice %arg7[%dma_wait3A_267, %dma_wait3A_268] : memref<10112x64xf32, #tpu.memory_space<vmem_shared>> -> memref<10112x64xf32, #tpu.memory_space<vmem_shared>>
        tpu.wait_indirect_dma semaphore(%arg12 : memref<!tpu.dma_semaphore, #tpu.memory_space<semaphore_mem>>) src(%dma_wait3A_263 : memref<128x64xf32, #tpu.memory_space<vmem>>) dst(%dma_wait3A_269 : memref<10112x64xf32, #tpu.memory_space<vmem_shared>>)
      } else {
      }
      %add3A_176 = arith.constant 3 : i32
      %add3A_177 = arith.addi %add3A_148, %add3A_176 : i32
      %lt3A_178 = arith.constant 160 : i32
      %lt3A_179 = arith.cmpi slt, %add3A_177, %lt3A_178 : i32
      %convert_element_type3A_180 = arith.extui %lt3A_179 : i1 to i32
      %cond3A_181 = arith.constant 0 : i32
      %cond3A_182 = arith.cmpi ne, %convert_element_type3A_180, %cond3A_181 : i32
      scf.if %cond3A_182 {
        %add3A_259 = arith.constant 3 : i32
        %add3A_260 = arith.addi %add3A_148, %add3A_259 : i32
        %dma_start3A_261 = arith.constant 0 : i32
        %dma_start3A_262 = arith.constant 0 : i32
        %dma_start3A_263 = arith.constant 0 : i32
        %dma_start3A_264 = tpu.memref_slice %arg10[%dma_start3A_261, %dma_start3A_262, %dma_start3A_263] : memref<5x128x64xf32, #tpu.memory_space<vmem>> -> memref<1x128x64xf32, #tpu.memory_space<vmem>>
        %dma_start3A_265 = tpu.memref_squeeze %dma_start3A_264 : memref<1x128x64xf32, #tpu.memory_space<vmem>> -> memref<128x64xf32, #tpu.memory_space<vmem>>
        %dma_start3A_266 = arith.constant 0 : i32
        %dma_start3A_267 = tpu.memref_slice %arg8[%add3A_260, %dma_start3A_266] : memref<160x128xi32, #tpu.memory_space<vmem>> -> memref<1x128xi32, #tpu.memory_space<vmem>>
        %dma_start3A_268 = tpu.memref_squeeze %dma_start3A_267 : memref<1x128xi32, #tpu.memory_space<vmem>> -> memref<128xi32, #tpu.memory_space<vmem>>
        %dma_start3A_269 = arith.constant 0 : i32
        %dma_start3A_270 = arith.constant 0 : i32
        %dma_start3A_271 = tpu.memref_slice %arg4[%dma_start3A_269, %dma_start3A_270] : memref<20000x64xf32, #tpu.memory_space<hbm>> -> memref<20000x64xf32, #tpu.memory_space<hbm>>
        tpu.enqueue_indirect_dma source(%dma_start3A_271 : memref<20000x64xf32, #tpu.memory_space<hbm>>) target(%dma_start3A_265 : memref<128x64xf32, #tpu.memory_space<vmem>>) offsets(%dma_start3A_268 : memref<128xi32, #tpu.memory_space<vmem>>) semaphore(%arg11 : memref<!tpu.dma_semaphore, #tpu.memory_space<semaphore_mem>>)
      } else {
      }
      %mul3A_183 = arith.constant 5 : i32
      %mul3A_184 = arith.muli %scan3A_72, %mul3A_183 : i32
      %add3A_185 = arith.constant 3 : i32
      %add3A_186 = arith.addi %mul3A_184, %add3A_185 : i32
      %dma_wait3A_187 = arith.constant 3 : i32
      %dma_wait3A_188 = arith.constant 0 : i32
      %dma_wait3A_189 = arith.constant 0 : i32
      %dma_wait3A_190 = tpu.memref_slice %arg10[%dma_wait3A_187, %dma_wait3A_188, %dma_wait3A_189] : memref<5x128x64xf32, #tpu.memory_space<vmem>> -> memref<1x128x64xf32, #tpu.memory_space<vmem>>
      %dma_wait3A_191 = tpu.memref_squeeze %dma_wait3A_190 : memref<1x128x64xf32, #tpu.memory_space<vmem>> -> memref<128x64xf32, #tpu.memory_space<vmem>>
      %dma_wait3A_192 = arith.constant 0 : i32
      %dma_wait3A_193 = tpu.memref_slice %arg8[%add3A_186, %dma_wait3A_192] : memref<160x128xi32, #tpu.memory_space<vmem>> -> memref<1x128xi32, #tpu.memory_space<vmem>>
      %dma_wait3A_194 = tpu.memref_squeeze %dma_wait3A_193 : memref<1x128xi32, #tpu.memory_space<vmem>> -> memref<128xi32, #tpu.memory_space<vmem>>
      %dma_wait3A_195 = arith.constant 0 : i32
      %dma_wait3A_196 = arith.constant 0 : i32
      %dma_wait3A_197 = tpu.memref_slice %arg4[%dma_wait3A_195, %dma_wait3A_196] : memref<20000x64xf32, #tpu.memory_space<hbm>> -> memref<20000x64xf32, #tpu.memory_space<hbm>>
      tpu.wait_indirect_dma semaphore(%arg11 : memref<!tpu.dma_semaphore, #tpu.memory_space<semaphore_mem>>) src(%dma_wait3A_197 : memref<20000x64xf32, #tpu.memory_space<hbm>>) dst(%dma_wait3A_191 : memref<128x64xf32, #tpu.memory_space<vmem>>)
      %dma_start3A_198 = arith.constant 3 : i32
      %dma_start3A_199 = arith.constant 0 : i32
      %dma_start3A_200 = arith.constant 0 : i32
      %dma_start3A_201 = tpu.memref_slice %arg10[%dma_start3A_198, %dma_start3A_199, %dma_start3A_200] : memref<5x128x64xf32, #tpu.memory_space<vmem>> -> memref<1x128x64xf32, #tpu.memory_space<vmem>>
      %dma_start3A_202 = tpu.memref_squeeze %dma_start3A_201 : memref<1x128x64xf32, #tpu.memory_space<vmem>> -> memref<128x64xf32, #tpu.memory_space<vmem>>
      %dma_start3A_203 = arith.constant 0 : i32
      %dma_start3A_204 = tpu.memref_slice %arg9[%add3A_186, %dma_start3A_203] : memref<160x128xi32, #tpu.memory_space<vmem>> -> memref<1x128xi32, #tpu.memory_space<vmem>>
      %dma_start3A_205 = tpu.memref_squeeze %dma_start3A_204 : memref<1x128xi32, #tpu.memory_space<vmem>> -> memref<128xi32, #tpu.memory_space<vmem>>
      %dma_start3A_206 = arith.constant 0 : i32
      %dma_start3A_207 = arith.constant 0 : i32
      %dma_start3A_208 = tpu.memref_slice %arg7[%dma_start3A_206, %dma_start3A_207] : memref<10112x64xf32, #tpu.memory_space<vmem_shared>> -> memref<10112x64xf32, #tpu.memory_space<vmem_shared>>
      tpu.enqueue_indirect_dma source(%dma_start3A_202 : memref<128x64xf32, #tpu.memory_space<vmem>>) target(%dma_start3A_208 : memref<10112x64xf32, #tpu.memory_space<vmem_shared>>) offsets(%dma_start3A_205 : memref<128xi32, #tpu.memory_space<vmem>>) semaphore(%arg12 : memref<!tpu.dma_semaphore, #tpu.memory_space<semaphore_mem>>) {add = true}
      %ge3A_209 = arith.constant 2 : i32
      %ge3A_210 = arith.cmpi sge, %add3A_186, %ge3A_209 : i32
      %convert_element_type3A_211 = arith.extui %ge3A_210 : i1 to i32
      %cond3A_212 = arith.constant 0 : i32
      %cond3A_213 = arith.cmpi ne, %convert_element_type3A_211, %cond3A_212 : i32
      scf.if %cond3A_213 {
        %dma_wait3A_259 = arith.constant 3 : i32
        %dma_wait3A_260 = arith.constant 0 : i32
        %dma_wait3A_261 = arith.constant 0 : i32
        %dma_wait3A_262 = tpu.memref_slice %arg10[%dma_wait3A_259, %dma_wait3A_260, %dma_wait3A_261] : memref<5x128x64xf32, #tpu.memory_space<vmem>> -> memref<1x128x64xf32, #tpu.memory_space<vmem>>
        %dma_wait3A_263 = tpu.memref_squeeze %dma_wait3A_262 : memref<1x128x64xf32, #tpu.memory_space<vmem>> -> memref<128x64xf32, #tpu.memory_space<vmem>>
        %dma_wait3A_264 = arith.constant 0 : i32
        %dma_wait3A_265 = tpu.memref_slice %arg9[%add3A_186, %dma_wait3A_264] : memref<160x128xi32, #tpu.memory_space<vmem>> -> memref<1x128xi32, #tpu.memory_space<vmem>>
        %dma_wait3A_266 = tpu.memref_squeeze %dma_wait3A_265 : memref<1x128xi32, #tpu.memory_space<vmem>> -> memref<128xi32, #tpu.memory_space<vmem>>
        %dma_wait3A_267 = arith.constant 0 : i32
        %dma_wait3A_268 = arith.constant 0 : i32
        %dma_wait3A_269 = tpu.memref_slice %arg7[%dma_wait3A_267, %dma_wait3A_268] : memref<10112x64xf32, #tpu.memory_space<vmem_shared>> -> memref<10112x64xf32, #tpu.memory_space<vmem_shared>>
        tpu.wait_indirect_dma semaphore(%arg12 : memref<!tpu.dma_semaphore, #tpu.memory_space<semaphore_mem>>) src(%dma_wait3A_263 : memref<128x64xf32, #tpu.memory_space<vmem>>) dst(%dma_wait3A_269 : memref<10112x64xf32, #tpu.memory_space<vmem_shared>>)
      } else {
      }
      %add3A_214 = arith.constant 3 : i32
      %add3A_215 = arith.addi %add3A_186, %add3A_214 : i32
      %lt3A_216 = arith.constant 160 : i32
      %lt3A_217 = arith.cmpi slt, %add3A_215, %lt3A_216 : i32
      %convert_element_type3A_218 = arith.extui %lt3A_217 : i1 to i32
      %cond3A_219 = arith.constant 0 : i32
      %cond3A_220 = arith.cmpi ne, %convert_element_type3A_218, %cond3A_219 : i32
      scf.if %cond3A_220 {
        %add3A_259 = arith.constant 3 : i32
        %add3A_260 = arith.addi %add3A_186, %add3A_259 : i32
        %dma_start3A_261 = arith.constant 1 : i32
        %dma_start3A_262 = arith.constant 0 : i32
        %dma_start3A_263 = arith.constant 0 : i32
        %dma_start3A_264 = tpu.memref_slice %arg10[%dma_start3A_261, %dma_start3A_262, %dma_start3A_263] : memref<5x128x64xf32, #tpu.memory_space<vmem>> -> memref<1x128x64xf32, #tpu.memory_space<vmem>>
        %dma_start3A_265 = tpu.memref_squeeze %dma_start3A_264 : memref<1x128x64xf32, #tpu.memory_space<vmem>> -> memref<128x64xf32, #tpu.memory_space<vmem>>
        %dma_start3A_266 = arith.constant 0 : i32
        %dma_start3A_267 = tpu.memref_slice %arg8[%add3A_260, %dma_start3A_266] : memref<160x128xi32, #tpu.memory_space<vmem>> -> memref<1x128xi32, #tpu.memory_space<vmem>>
        %dma_start3A_268 = tpu.memref_squeeze %dma_start3A_267 : memref<1x128xi32, #tpu.memory_space<vmem>> -> memref<128xi32, #tpu.memory_space<vmem>>
        %dma_start3A_269 = arith.constant 0 : i32
        %dma_start3A_270 = arith.constant 0 : i32
        %dma_start3A_271 = tpu.memref_slice %arg4[%dma_start3A_269, %dma_start3A_270] : memref<20000x64xf32, #tpu.memory_space<hbm>> -> memref<20000x64xf32, #tpu.memory_space<hbm>>
        tpu.enqueue_indirect_dma source(%dma_start3A_271 : memref<20000x64xf32, #tpu.memory_space<hbm>>) target(%dma_start3A_265 : memref<128x64xf32, #tpu.memory_space<vmem>>) offsets(%dma_start3A_268 : memref<128xi32, #tpu.memory_space<vmem>>) semaphore(%arg11 : memref<!tpu.dma_semaphore, #tpu.memory_space<semaphore_mem>>)
      } else {
      }
      %mul3A_221 = arith.constant 5 : i32
      %mul3A_222 = arith.muli %scan3A_72, %mul3A_221 : i32
      %add3A_223 = arith.constant 4 : i32
      %add3A_224 = arith.addi %mul3A_222, %add3A_223 : i32
      %dma_wait3A_225 = arith.constant 4 : i32
      %dma_wait3A_226 = arith.constant 0 : i32
      %dma_wait3A_227 = arith.constant 0 : i32
      %dma_wait3A_228 = tpu.memref_slice %arg10[%dma_wait3A_225, %dma_wait3A_226, %dma_wait3A_227] : memref<5x128x64xf32, #tpu.memory_space<vmem>> -> memref<1x128x64xf32, #tpu.memory_space<vmem>>
      %dma_wait3A_229 = tpu.memref_squeeze %dma_wait3A_228 : memref<1x128x64xf32, #tpu.memory_space<vmem>> -> memref<128x64xf32, #tpu.memory_space<vmem>>
      %dma_wait3A_230 = arith.constant 0 : i32
      %dma_wait3A_231 = tpu.memref_slice %arg8[%add3A_224, %dma_wait3A_230] : memref<160x128xi32, #tpu.memory_space<vmem>> -> memref<1x128xi32, #tpu.memory_space<vmem>>
      %dma_wait3A_232 = tpu.memref_squeeze %dma_wait3A_231 : memref<1x128xi32, #tpu.memory_space<vmem>> -> memref<128xi32, #tpu.memory_space<vmem>>
      %dma_wait3A_233 = arith.constant 0 : i32
      %dma_wait3A_234 = arith.constant 0 : i32
      %dma_wait3A_235 = tpu.memref_slice %arg4[%dma_wait3A_233, %dma_wait3A_234] : memref<20000x64xf32, #tpu.memory_space<hbm>> -> memref<20000x64xf32, #tpu.memory_space<hbm>>
      tpu.wait_indirect_dma semaphore(%arg11 : memref<!tpu.dma_semaphore, #tpu.memory_space<semaphore_mem>>) src(%dma_wait3A_235 : memref<20000x64xf32, #tpu.memory_space<hbm>>) dst(%dma_wait3A_229 : memref<128x64xf32, #tpu.memory_space<vmem>>)
      %dma_start3A_236 = arith.constant 4 : i32
      %dma_start3A_237 = arith.constant 0 : i32
      %dma_start3A_238 = arith.constant 0 : i32
      %dma_start3A_239 = tpu.memref_slice %arg10[%dma_start3A_236, %dma_start3A_237, %dma_start3A_238] : memref<5x128x64xf32, #tpu.memory_space<vmem>> -> memref<1x128x64xf32, #tpu.memory_space<vmem>>
      %dma_start3A_240 = tpu.memref_squeeze %dma_start3A_239 : memref<1x128x64xf32, #tpu.memory_space<vmem>> -> memref<128x64xf32, #tpu.memory_space<vmem>>
      %dma_start3A_241 = arith.constant 0 : i32
      %dma_start3A_242 = tpu.memref_slice %arg9[%add3A_224, %dma_start3A_241] : memref<160x128xi32, #tpu.memory_space<vmem>> -> memref<1x128xi32, #tpu.memory_space<vmem>>
      %dma_start3A_243 = tpu.memref_squeeze %dma_start3A_242 : memref<1x128xi32, #tpu.memory_space<vmem>> -> memref<128xi32, #tpu.memory_space<vmem>>
      %dma_start3A_244 = arith.constant 0 : i32
      %dma_start3A_245 = arith.constant 0 : i32
      %dma_start3A_246 = tpu.memref_slice %arg7[%dma_start3A_244, %dma_start3A_245] : memref<10112x64xf32, #tpu.memory_space<vmem_shared>> -> memref<10112x64xf32, #tpu.memory_space<vmem_shared>>
      tpu.enqueue_indirect_dma source(%dma_start3A_240 : memref<128x64xf32, #tpu.memory_space<vmem>>) target(%dma_start3A_246 : memref<10112x64xf32, #tpu.memory_space<vmem_shared>>) offsets(%dma_start3A_243 : memref<128xi32, #tpu.memory_space<vmem>>) semaphore(%arg12 : memref<!tpu.dma_semaphore, #tpu.memory_space<semaphore_mem>>) {add = true}
      %ge3A_247 = arith.constant 2 : i32
      %ge3A_248 = arith.cmpi sge, %add3A_224, %ge3A_247 : i32
      %convert_element_type3A_249 = arith.extui %ge3A_248 : i1 to i32
      %cond3A_250 = arith.constant 0 : i32
      %cond3A_251 = arith.cmpi ne, %convert_element_type3A_249, %cond3A_250 : i32
      scf.if %cond3A_251 {
        %dma_wait3A_259 = arith.constant 4 : i32
        %dma_wait3A_260 = arith.constant 0 : i32
        %dma_wait3A_261 = arith.constant 0 : i32
        %dma_wait3A_262 = tpu.memref_slice %arg10[%dma_wait3A_259, %dma_wait3A_260, %dma_wait3A_261] : memref<5x128x64xf32, #tpu.memory_space<vmem>> -> memref<1x128x64xf32, #tpu.memory_space<vmem>>
        %dma_wait3A_263 = tpu.memref_squeeze %dma_wait3A_262 : memref<1x128x64xf32, #tpu.memory_space<vmem>> -> memref<128x64xf32, #tpu.memory_space<vmem>>
        %dma_wait3A_264 = arith.constant 0 : i32
        %dma_wait3A_265 = tpu.memref_slice %arg9[%add3A_224, %dma_wait3A_264] : memref<160x128xi32, #tpu.memory_space<vmem>> -> memref<1x128xi32, #tpu.memory_space<vmem>>
        %dma_wait3A_266 = tpu.memref_squeeze %dma_wait3A_265 : memref<1x128xi32, #tpu.memory_space<vmem>> -> memref<128xi32, #tpu.memory_space<vmem>>
        %dma_wait3A_267 = arith.constant 0 : i32
        %dma_wait3A_268 = arith.constant 0 : i32
        %dma_wait3A_269 = tpu.memref_slice %arg7[%dma_wait3A_267, %dma_wait3A_268] : memref<10112x64xf32, #tpu.memory_space<vmem_shared>> -> memref<10112x64xf32, #tpu.memory_space<vmem_shared>>
        tpu.wait_indirect_dma semaphore(%arg12 : memref<!tpu.dma_semaphore, #tpu.memory_space<semaphore_mem>>) src(%dma_wait3A_263 : memref<128x64xf32, #tpu.memory_space<vmem>>) dst(%dma_wait3A_269 : memref<10112x64xf32, #tpu.memory_space<vmem_shared>>)
      } else {
      }
      %add3A_252 = arith.constant 3 : i32
      %add3A_253 = arith.addi %add3A_224, %add3A_252 : i32
      %lt3A_254 = arith.constant 160 : i32
      %lt3A_255 = arith.cmpi slt, %add3A_253, %lt3A_254 : i32
      %convert_element_type3A_256 = arith.extui %lt3A_255 : i1 to i32
      %cond3A_257 = arith.constant 0 : i32
      %cond3A_258 = arith.cmpi ne, %convert_element_type3A_256, %cond3A_257 : i32
      scf.if %cond3A_258 {
        %add3A_259 = arith.constant 3 : i32
        %add3A_260 = arith.addi %add3A_224, %add3A_259 : i32
        %dma_start3A_261 = arith.constant 2 : i32
        %dma_start3A_262 = arith.constant 0 : i32
        %dma_start3A_263 = arith.constant 0 : i32
        %dma_start3A_264 = tpu.memref_slice %arg10[%dma_start3A_261, %dma_start3A_262, %dma_start3A_263] : memref<5x128x64xf32, #tpu.memory_space<vmem>> -> memref<1x128x64xf32, #tpu.memory_space<vmem>>
        %dma_start3A_265 = tpu.memref_squeeze %dma_start3A_264 : memref<1x128x64xf32, #tpu.memory_space<vmem>> -> memref<128x64xf32, #tpu.memory_space<vmem>>
        %dma_start3A_266 = arith.constant 0 : i32
        %dma_start3A_267 = tpu.memref_slice %arg8[%add3A_260, %dma_start3A_266] : memref<160x128xi32, #tpu.memory_space<vmem>> -> memref<1x128xi32, #tpu.memory_space<vmem>>
        %dma_start3A_268 = tpu.memref_squeeze %dma_start3A_267 : memref<1x128xi32, #tpu.memory_space<vmem>> -> memref<128xi32, #tpu.memory_space<vmem>>
        %dma_start3A_269 = arith.constant 0 : i32
        %dma_start3A_270 = arith.constant 0 : i32
        %dma_start3A_271 = tpu.memref_slice %arg4[%dma_start3A_269, %dma_start3A_270] : memref<20000x64xf32, #tpu.memory_space<hbm>> -> memref<20000x64xf32, #tpu.memory_space<hbm>>
        tpu.enqueue_indirect_dma source(%dma_start3A_271 : memref<20000x64xf32, #tpu.memory_space<hbm>>) target(%dma_start3A_265 : memref<128x64xf32, #tpu.memory_space<vmem>>) offsets(%dma_start3A_268 : memref<128xi32, #tpu.memory_space<vmem>>) semaphore(%arg11 : memref<!tpu.dma_semaphore, #tpu.memory_space<semaphore_mem>>)
      } else {
      }
    }
    %scan3A_44 = arith.constant 32 : i32
    %dma_wait3A = arith.constant 0 : i32
    %dma_wait3A_45 = arith.constant 0 : i32
    %dma_wait3A_46 = arith.constant 0 : i32
    %dma_wait3A_47 = arith.constant 0 : i32
    %dma_wait3A_48 = tpu.memref_slice %arg10[%dma_wait3A, %dma_wait3A_46, %dma_wait3A_47] : memref<5x128x64xf32, #tpu.memory_space<vmem>> -> memref<1x128x64xf32, #tpu.memory_space<vmem>>
    %dma_wait3A_49 = tpu.memref_squeeze %dma_wait3A_48 : memref<1x128x64xf32, #tpu.memory_space<vmem>> -> memref<128x64xf32, #tpu.memory_space<vmem>>
    %dma_wait3A_50 = arith.constant 0 : i32
    %dma_wait3A_51 = tpu.memref_slice %arg9[%dma_wait3A_45, %dma_wait3A_50] : memref<160x128xi32, #tpu.memory_space<vmem>> -> memref<1x128xi32, #tpu.memory_space<vmem>>
    %dma_wait3A_52 = tpu.memref_squeeze %dma_wait3A_51 : memref<1x128xi32, #tpu.memory_space<vmem>> -> memref<128xi32, #tpu.memory_space<vmem>>
    %dma_wait3A_53 = arith.constant 0 : i32
    %dma_wait3A_54 = arith.constant 0 : i32
    %dma_wait3A_55 = tpu.memref_slice %arg7[%dma_wait3A_53, %dma_wait3A_54] : memref<10112x64xf32, #tpu.memory_space<vmem_shared>> -> memref<10112x64xf32, #tpu.memory_space<vmem_shared>>
    tpu.wait_indirect_dma semaphore(%arg12 : memref<!tpu.dma_semaphore, #tpu.memory_space<semaphore_mem>>) src(%dma_wait3A_49 : memref<128x64xf32, #tpu.memory_space<vmem>>) dst(%dma_wait3A_55 : memref<10112x64xf32, #tpu.memory_space<vmem_shared>>)
    %dma_wait3A_56 = arith.constant 1 : i32
    %dma_wait3A_57 = arith.constant 1 : i32
    %dma_wait3A_58 = arith.constant 0 : i32
    %dma_wait3A_59 = arith.constant 0 : i32
    %dma_wait3A_60 = tpu.memref_slice %arg10[%dma_wait3A_56, %dma_wait3A_58, %dma_wait3A_59] : memref<5x128x64xf32, #tpu.memory_space<vmem>> -> memref<1x128x64xf32, #tpu.memory_space<vmem>>
    %dma_wait3A_61 = tpu.memref_squeeze %dma_wait3A_60 : memref<1x128x64xf32, #tpu.memory_space<vmem>> -> memref<128x64xf32, #tpu.memory_space<vmem>>
    %dma_wait3A_62 = arith.constant 0 : i32
    %dma_wait3A_63 = tpu.memref_slice %arg9[%dma_wait3A_57, %dma_wait3A_62] : memref<160x128xi32, #tpu.memory_space<vmem>> -> memref<1x128xi32, #tpu.memory_space<vmem>>
    %dma_wait3A_64 = tpu.memref_squeeze %dma_wait3A_63 : memref<1x128xi32, #tpu.memory_space<vmem>> -> memref<128xi32, #tpu.memory_space<vmem>>
    %dma_wait3A_65 = arith.constant 0 : i32
    %dma_wait3A_66 = arith.constant 0 : i32
    %dma_wait3A_67 = tpu.memref_slice %arg7[%dma_wait3A_65, %dma_wait3A_66] : memref<10112x64xf32, #tpu.memory_space<vmem_shared>> -> memref<10112x64xf32, #tpu.memory_space<vmem_shared>>
    tpu.wait_indirect_dma semaphore(%arg12 : memref<!tpu.dma_semaphore, #tpu.memory_space<semaphore_mem>>) src(%dma_wait3A_61 : memref<128x64xf32, #tpu.memory_space<vmem>>) dst(%dma_wait3A_67 : memref<10112x64xf32, #tpu.memory_space<vmem_shared>>)
    %barrier3A_68 = arith.constant 0 : index
    tpu.barrier barrier_id(%barrier3A_68)
    %mul3A_69 = arith.constant 10112 : i32
    %mul3A_70 = arith.muli %arg0, %mul3A_69 : i32
    %add3A_71 = arith.addi %mul3A_70, %mul3A_0 : i32
    "tpu.region"() ({
      %run_scoped3A = tpu.sem_alloc : memref<!tpu.dma_semaphore, #tpu.memory_space<semaphore_mem>>
      %dma_start3A_72 = arith.constant 0 : i32
      %dma_start3A_73 = tpu.memref_slice %arg6[%add3A_71, %dma_start3A_72] : memref<20224x64xf32, #tpu.memory_space<hbm>> -> memref<632x64xf32, #tpu.memory_space<hbm>>
      %dma_start3A_74 = arith.constant 0 : i32
      %dma_start3A_75 = tpu.memref_slice %arg7[%mul3A_0, %dma_start3A_74] : memref<10112x64xf32, #tpu.memory_space<vmem_shared>> -> memref<632x64xf32, #tpu.memory_space<vmem_shared>>
      tpu.enqueue_dma source(%dma_start3A_75 : memref<632x64xf32, #tpu.memory_space<vmem_shared>>) target(%dma_start3A_73 : memref<632x64xf32, #tpu.memory_space<hbm>>) target_semaphore(%run_scoped3A : memref<!tpu.dma_semaphore, #tpu.memory_space<semaphore_mem>>)
      %dma_wait3A_76 = arith.constant 0 : i32
      %dma_wait3A_77 = tpu.memref_slice %arg6[%add3A_71, %dma_wait3A_76] : memref<20224x64xf32, #tpu.memory_space<hbm>> -> memref<632x64xf32, #tpu.memory_space<hbm>>
      %dma_wait3A_78 = arith.constant 0 : i32
      %dma_wait3A_79 = tpu.memref_slice %arg7[%mul3A_0, %dma_wait3A_78] : memref<10112x64xf32, #tpu.memory_space<vmem_shared>> -> memref<632x64xf32, #tpu.memory_space<vmem_shared>>
      tpu.wait_dma2 semaphore(%run_scoped3A : memref<!tpu.dma_semaphore, #tpu.memory_space<semaphore_mem>>) src(%dma_wait3A_79 : memref<632x64xf32, #tpu.memory_space<vmem_shared>>) dst(%dma_wait3A_77 : memref<632x64xf32, #tpu.memory_space<hbm>>)
      tpu.yield
    }) : () -> ()
    return
  }
}

module attributes {stable_mosaic.version = 14 : i64} {
  func.func @body(%arg0: i32, %arg1: i32, %arg2: memref<1x2000x128xf32, #tpu.memory_space<vmem>>, %arg3: memref<128x64xf32, #tpu.memory_space<vmem>>, %arg4: memref<1x2000x64xf32, #tpu.memory_space<vmem>>) attributes {dimension_semantics = [#tpu.dimension_semantics<arbitrary>, #tpu.dimension_semantics<arbitrary>], iteration_bounds = array<i64: 2, 5>, scalar_prefetch = 0 : i64, scratch_operands = 0 : i64, tpu.core_type = #tpu.core_type<tc>, window_params = [{transform_indices = @transform_0, window_bounds = array<i64: 1, 2000, 128>}, {pipeline_mode = #tpu.pipeline_mode<synchronous>, transform_indices = @transform_1, window_bounds = array<i64: 128, 64>}, {transform_indices = @transform_2, window_bounds = array<i64: 1, 2000, 64>}]} {
    %get3A = arith.constant 0 : index
    %get3A_0 = arith.constant 0 : index
    %get3A_1 = arith.constant 0 : index
    %get3A_2 = vector.load %arg2[%get3A, %get3A_0, %get3A_1] : memref<1x2000x128xf32, #tpu.memory_space<vmem>>, vector<1x2000x128xf32>
    %get3A_3 = vector.shape_cast %get3A_2 : vector<1x2000x128xf32> to vector<2000x128xf32>
    %get3A_4 = arith.constant 0 : index
    %get3A_5 = arith.constant 0 : index
    %get3A_6 = vector.load %arg3[%get3A_4, %get3A_5] : memref<128x64xf32, #tpu.memory_space<vmem>>, vector<128x64xf32>
    %dot_general3A = arith.constant dense<0.000000e+00> : vector<2000x64xf32>
    %dot_general3A_7 = tpu.matmul %get3A_3, %get3A_6, %dot_general3A {dimension_numbers = #tpu.dot_dimension_numbers<[1], [0], [0], [1], [0, 0, 1, 1], [], []>, transpose_lhs_hint = false} : vector<2000x128xf32>, vector<128x64xf32>, vector<2000x64xf32> -> vector<2000x64xf32>
    %swap3A = arith.constant 0 : index
    %swap3A_8 = arith.constant 0 : index
    %swap3A_9 = arith.constant 0 : index
    %swap3A_10 = vector.load %arg4[%swap3A, %swap3A_8, %swap3A_9] : memref<1x2000x64xf32, #tpu.memory_space<vmem>>, vector<1x2000x64xf32>
    %swap3A_11 = vector.shape_cast %swap3A_10 : vector<1x2000x64xf32> to vector<2000x64xf32>
    %swap3A_12 = vector.shape_cast %dot_general3A_7 : vector<2000x64xf32> to vector<1x2000x64xf32>
    tpu.vector_store %arg4[%swap3A, %swap3A_8, %swap3A_9], %swap3A_12 {strides = array<i32>} : memref<1x2000x64xf32, #tpu.memory_space<vmem>>, vector<1x2000x64xf32>,
    return
  }
  func.func @transform_0(%arg0: i32, %arg1: i32) -> (i32, i32, i32) {
    %c0_i32 = arith.constant 0 : i32
    %c0_i32_0 = arith.constant 0 : i32
    return %arg0, %arg1, %c0_i32 : i32, i32, i32
  }
  func.func @transform_1(%arg0: i32, %arg1: i32) -> (i32, i32) {
    %c0_i32 = arith.constant 0 : i32
    %c0_i32_0 = arith.constant 0 : i32
    %c0_i32_1 = arith.constant 0 : i32
    return %c0_i32, %c0_i32_0 : i32, i32
  }
  func.func @transform_2(%arg0: i32, %arg1: i32) -> (i32, i32, i32) {
    %c0_i32 = arith.constant 0 : i32
    %c0_i32_0 = arith.constant 0 : i32
    return %arg0, %arg1, %c0_i32 : i32, i32, i32
  }
}

module attributes {stable_mosaic.version = 14 : i64} {
  func.func @body(%arg0: i32, %arg1: i32, %arg2: memref<1x2000x64xf32, #tpu.memory_space<vmem>>, %arg3: memref<1x2000x16xf32, #tpu.memory_space<vmem>>, %arg4: memref<1x2000x1xf32, #tpu.memory_space<vmem>>, %arg5: memref<1x2000x64xf32, #tpu.memory_space<vmem>>) attributes {dimension_semantics = [#tpu.dimension_semantics<arbitrary>, #tpu.dimension_semantics<arbitrary>], iteration_bounds = array<i64: 2, 5>, scalar_prefetch = 0 : i64, scratch_operands = 0 : i64, tpu.core_type = #tpu.core_type<tc>, window_params = [{transform_indices = @transform_0, window_bounds = array<i64: 1, 2000, 64>}, {transform_indices = @transform_1, window_bounds = array<i64: 1, 2000, 16>}, {transform_indices = @transform_2, window_bounds = array<i64: 1, 2000, 1>}, {transform_indices = @transform_3, window_bounds = array<i64: 1, 2000, 64>}]} {
    %get3A = arith.constant 0 : index
    %get3A_0 = arith.constant 0 : index
    %get3A_1 = arith.constant 0 : index
    %get3A_2 = vector.load %arg3[%get3A, %get3A_0, %get3A_1] : memref<1x2000x16xf32, #tpu.memory_space<vmem>>, vector<1x2000x1xf32>
    %get3A_3 = vector.shape_cast %get3A_2 : vector<1x2000x1xf32> to vector<2000x1xf32>
    %add3A = arith.constant 1.000000e+00 : f32
    %add3A_4 = vector.broadcast %add3A : f32 to vector<2000x1xf32>
    %add3A_5 = arith.addf %get3A_3, %add3A_4 : vector<2000x1xf32>
    %max3A = arith.constant 9.99999996E-13 : f32
    %max3A_6 = vector.broadcast %max3A : f32 to vector<2000x1xf32>
    %max3A_7 = arith.maximumf %add3A_5, %max3A_6 : vector<2000x1xf32>
    %rsqrt3A = math.rsqrt %max3A_7 : vector<2000x1xf32>
    %get3A_8 = arith.constant 0 : index
    %get3A_9 = arith.constant 0 : index
    %get3A_10 = arith.constant 0 : index
    %get3A_11 = vector.load %arg2[%get3A_8, %get3A_9, %get3A_10] : memref<1x2000x64xf32, #tpu.memory_space<vmem>>, vector<1x2000x64xf32>
    %get3A_12 = vector.shape_cast %get3A_11 : vector<1x2000x64xf32> to vector<2000x64xf32>
    %mul3A = vector.broadcast %rsqrt3A : vector<2000x1xf32> to vector<2000x64xf32>
    %mul3A_13 = arith.mulf %get3A_12, %mul3A : vector<2000x64xf32>
    %swap3A = arith.constant 0 : index
    %swap3A_14 = arith.constant 0 : index
    %swap3A_15 = arith.constant 0 : index
    %swap3A_16 = vector.load %arg5[%swap3A, %swap3A_14, %swap3A_15] : memref<1x2000x64xf32, #tpu.memory_space<vmem>>, vector<1x2000x64xf32>
    %swap3A_17 = vector.shape_cast %swap3A_16 : vector<1x2000x64xf32> to vector<2000x64xf32>
    %swap3A_18 = vector.shape_cast %mul3A_13 : vector<2000x64xf32> to vector<1x2000x64xf32>
    tpu.vector_store %arg5[%swap3A, %swap3A_14, %swap3A_15], %swap3A_18 {strides = array<i32>} : memref<1x2000x64xf32, #tpu.memory_space<vmem>>, vector<1x2000x64xf32>,
    %swap3A_19 = arith.constant 0 : index
    %swap3A_20 = arith.constant 0 : index
    %swap3A_21 = arith.constant 0 : index
    %swap3A_22 = vector.load %arg4[%swap3A_19, %swap3A_20, %swap3A_21] : memref<1x2000x1xf32, #tpu.memory_space<vmem>>, vector<1x2000x1xf32>
    %swap3A_23 = vector.shape_cast %swap3A_22 : vector<1x2000x1xf32> to vector<2000x1xf32>
    %swap3A_24 = vector.shape_cast %rsqrt3A : vector<2000x1xf32> to vector<1x2000x1xf32>
    tpu.vector_store %arg4[%swap3A_19, %swap3A_20, %swap3A_21], %swap3A_24 {strides = array<i32>} : memref<1x2000x1xf32, #tpu.memory_space<vmem>>, vector<1x2000x1xf32>,
    return
  }
  func.func @transform_0(%arg0: i32, %arg1: i32) -> (i32, i32, i32) {
    %c0_i32 = arith.constant 0 : i32
    %c0_i32_0 = arith.constant 0 : i32
    return %arg0, %arg1, %c0_i32 : i32, i32, i32
  }
  func.func @transform_1(%arg0: i32, %arg1: i32) -> (i32, i32, i32) {
    %c0_i32 = arith.constant 0 : i32
    %c0_i32_0 = arith.constant 0 : i32
    return %arg0, %arg1, %c0_i32 : i32, i32, i32
  }
  func.func @transform_2(%arg0: i32, %arg1: i32) -> (i32, i32, i32) {
    %c0_i32 = arith.constant 0 : i32
    %c0_i32_0 = arith.constant 0 : i32
    return %arg0, %arg1, %c0_i32 : i32, i32, i32
  }
  func.func @transform_3(%arg0: i32, %arg1: i32) -> (i32, i32, i32) {
    %c0_i32 = arith.constant 0 : i32
    %c0_i32_0 = arith.constant 0 : i32
    return %arg0, %arg1, %c0_i32 : i32, i32, i32
  }
}

module attributes {stable_mosaic.version = 14 : i64} {
  func.func @body(%arg0: i32, %arg1: i32, %arg2: memref<1x2000x64xf32, #tpu.memory_space<vmem>>, %arg3: memref<1x2000x64xf32, #tpu.memory_space<vmem>>, %arg4: memref<1x2000x1xf32, #tpu.memory_space<vmem>>, %arg5: memref<1x64xf32, #tpu.memory_space<vmem>>, %arg6: memref<64x32xf32, #tpu.memory_space<vmem>>, %arg7: memref<1x2000x32xf32, #tpu.memory_space<vmem>>) attributes {dimension_semantics = [#tpu.dimension_semantics<arbitrary>, #tpu.dimension_semantics<arbitrary>], iteration_bounds = array<i64: 2, 5>, scalar_prefetch = 0 : i64, scratch_operands = 0 : i64, tpu.core_type = #tpu.core_type<tc>, window_params = [{transform_indices = @transform_0, window_bounds = array<i64: 1, 2000, 64>}, {transform_indices = @transform_1, window_bounds = array<i64: 1, 2000, 64>}, {transform_indices = @transform_2, window_bounds = array<i64: 1, 2000, 1>}, {pipeline_mode = #tpu.pipeline_mode<synchronous>, transform_indices = @transform_3, window_bounds = array<i64: 1, 64>}, {pipeline_mode = #tpu.pipeline_mode<synchronous>, transform_indices = @transform_4, window_bounds = array<i64: 64, 32>}, {transform_indices = @transform_5, window_bounds = array<i64: 1, 2000, 32>}]} {
    %get3A = arith.constant 0 : index
    %get3A_0 = arith.constant 0 : index
    %get3A_1 = arith.constant 0 : index
    %get3A_2 = vector.load %arg4[%get3A, %get3A_0, %get3A_1] : memref<1x2000x1xf32, #tpu.memory_space<vmem>>, vector<1x2000x1xf32>
    %get3A_3 = vector.shape_cast %get3A_2 : vector<1x2000x1xf32> to vector<2000x1xf32>
    %get3A_4 = arith.constant 0 : index
    %get3A_5 = arith.constant 0 : index
    %get3A_6 = arith.constant 0 : index
    %get3A_7 = vector.load %arg2[%get3A_4, %get3A_5, %get3A_6] : memref<1x2000x64xf32, #tpu.memory_space<vmem>>, vector<1x2000x64xf32>
    %get3A_8 = vector.shape_cast %get3A_7 : vector<1x2000x64xf32> to vector<2000x64xf32>
    %get3A_9 = arith.constant 0 : index
    %get3A_10 = arith.constant 0 : index
    %get3A_11 = arith.constant 0 : index
    %get3A_12 = vector.load %arg3[%get3A_9, %get3A_10, %get3A_11] : memref<1x2000x64xf32, #tpu.memory_space<vmem>>, vector<1x2000x64xf32>
    %get3A_13 = vector.shape_cast %get3A_12 : vector<1x2000x64xf32> to vector<2000x64xf32>
    %add3A = arith.addf %get3A_8, %get3A_13 : vector<2000x64xf32>
    %mul3A = vector.broadcast %get3A_3 : vector<2000x1xf32> to vector<2000x64xf32>
    %mul3A_14 = arith.mulf %mul3A, %add3A : vector<2000x64xf32>
    %get3A_15 = arith.constant 0 : index
    %get3A_16 = arith.constant 0 : index
    %get3A_17 = vector.load %arg5[%get3A_15, %get3A_16] : memref<1x64xf32, #tpu.memory_space<vmem>>, vector<1x64xf32>
    %add3A_18 = vector.broadcast %get3A_17 : vector<1x64xf32> to vector<2000x64xf32>
    %add3A_19 = arith.addf %mul3A_14, %add3A_18 : vector<2000x64xf32>
    %max3A = arith.constant 0.000000e+00 : f32
    %max3A_20 = vector.broadcast %max3A : f32 to vector<2000x64xf32>
    %max3A_21 = arith.maximumf %add3A_19, %max3A_20 : vector<2000x64xf32>
    %get3A_22 = arith.constant 0 : index
    %get3A_23 = arith.constant 0 : index
    %get3A_24 = vector.load %arg6[%get3A_22, %get3A_23] : memref<64x32xf32, #tpu.memory_space<vmem>>, vector<64x32xf32>
    %dot_general3A = arith.constant dense<0.000000e+00> : vector<2000x32xf32>
    %dot_general3A_25 = tpu.matmul %max3A_21, %get3A_24, %dot_general3A {dimension_numbers = #tpu.dot_dimension_numbers<[1], [0], [0], [1], [0, 0, 1, 1], [], []>, transpose_lhs_hint = false} : vector<2000x64xf32>, vector<64x32xf32>, vector<2000x32xf32> -> vector<2000x32xf32>
    %mul3A_26 = vector.broadcast %get3A_3 : vector<2000x1xf32> to vector<2000x32xf32>
    %mul3A_27 = arith.mulf %dot_general3A_25, %mul3A_26 : vector<2000x32xf32>
    %swap3A = arith.constant 0 : index
    %swap3A_28 = arith.constant 0 : index
    %swap3A_29 = arith.constant 0 : index
    %swap3A_30 = vector.load %arg7[%swap3A, %swap3A_28, %swap3A_29] : memref<1x2000x32xf32, #tpu.memory_space<vmem>>, vector<1x2000x32xf32>
    %swap3A_31 = vector.shape_cast %swap3A_30 : vector<1x2000x32xf32> to vector<2000x32xf32>
    %swap3A_32 = vector.shape_cast %mul3A_27 : vector<2000x32xf32> to vector<1x2000x32xf32>
    tpu.vector_store %arg7[%swap3A, %swap3A_28, %swap3A_29], %swap3A_32 {strides = array<i32>} : memref<1x2000x32xf32, #tpu.memory_space<vmem>>, vector<1x2000x32xf32>,
    return
  }
  func.func @transform_0(%arg0: i32, %arg1: i32) -> (i32, i32, i32) {
    %c0_i32 = arith.constant 0 : i32
    %c0_i32_0 = arith.constant 0 : i32
    return %arg0, %arg1, %c0_i32 : i32, i32, i32
  }
  func.func @transform_1(%arg0: i32, %arg1: i32) -> (i32, i32, i32) {
    %c0_i32 = arith.constant 0 : i32
    %c0_i32_0 = arith.constant 0 : i32
    return %arg0, %arg1, %c0_i32 : i32, i32, i32
  }
  func.func @transform_2(%arg0: i32, %arg1: i32) -> (i32, i32, i32) {
    %c0_i32 = arith.constant 0 : i32
    %c0_i32_0 = arith.constant 0 : i32
    return %arg0, %arg1, %c0_i32 : i32, i32, i32
  }
  func.func @transform_3(%arg0: i32, %arg1: i32) -> (i32, i32) {
    %c0_i32 = arith.constant 0 : i32
    %c0_i32_0 = arith.constant 0 : i32
    %c0_i32_1 = arith.constant 0 : i32
    return %c0_i32, %c0_i32_0 : i32, i32
  }
  func.func @transform_4(%arg0: i32, %arg1: i32) -> (i32, i32) {
    %c0_i32 = arith.constant 0 : i32
    %c0_i32_0 = arith.constant 0 : i32
    %c0_i32_1 = arith.constant 0 : i32
    return %c0_i32, %c0_i32_0 : i32, i32
  }
  func.func @transform_5(%arg0: i32, %arg1: i32) -> (i32, i32, i32) {
    %c0_i32 = arith.constant 0 : i32
    %c0_i32_0 = arith.constant 0 : i32
    return %arg0, %arg1, %c0_i32 : i32, i32, i32
  }
}

module attributes {stable_mosaic.version = 14 : i64} {
  func.func @body(%arg0: i32, %arg1: i32, %arg2: memref<1x2000x32xf32, #tpu.memory_space<vmem>>, %arg3: memref<1x2000x32xf32, #tpu.memory_space<vmem>>, %arg4: memref<1x2000x1xf32, #tpu.memory_space<vmem>>, %arg5: memref<1x32xf32, #tpu.memory_space<vmem>>, %arg6: memref<32x16xf32, #tpu.memory_space<vmem>>, %arg7: memref<1x2000x16xf32, #tpu.memory_space<vmem>>) attributes {dimension_semantics = [#tpu.dimension_semantics<arbitrary>, #tpu.dimension_semantics<arbitrary>], iteration_bounds = array<i64: 2, 5>, scalar_prefetch = 0 : i64, scratch_operands = 0 : i64, tpu.core_type = #tpu.core_type<tc>, window_params = [{transform_indices = @transform_0, window_bounds = array<i64: 1, 2000, 32>}, {transform_indices = @transform_1, window_bounds = array<i64: 1, 2000, 32>}, {transform_indices = @transform_2, window_bounds = array<i64: 1, 2000, 1>}, {pipeline_mode = #tpu.pipeline_mode<synchronous>, transform_indices = @transform_3, window_bounds = array<i64: 1, 32>}, {pipeline_mode = #tpu.pipeline_mode<synchronous>, transform_indices = @transform_4, window_bounds = array<i64: 32, 16>}, {transform_indices = @transform_5, window_bounds = array<i64: 1, 2000, 16>}]} {
    %get3A = arith.constant 0 : index
    %get3A_0 = arith.constant 0 : index
    %get3A_1 = arith.constant 0 : index
    %get3A_2 = vector.load %arg4[%get3A, %get3A_0, %get3A_1] : memref<1x2000x1xf32, #tpu.memory_space<vmem>>, vector<1x2000x1xf32>
    %get3A_3 = vector.shape_cast %get3A_2 : vector<1x2000x1xf32> to vector<2000x1xf32>
    %get3A_4 = arith.constant 0 : index
    %get3A_5 = arith.constant 0 : index
    %get3A_6 = arith.constant 0 : index
    %get3A_7 = vector.load %arg2[%get3A_4, %get3A_5, %get3A_6] : memref<1x2000x32xf32, #tpu.memory_space<vmem>>, vector<1x2000x32xf32>
    %get3A_8 = vector.shape_cast %get3A_7 : vector<1x2000x32xf32> to vector<2000x32xf32>
    %get3A_9 = arith.constant 0 : index
    %get3A_10 = arith.constant 0 : index
    %get3A_11 = arith.constant 0 : index
    %get3A_12 = vector.load %arg3[%get3A_9, %get3A_10, %get3A_11] : memref<1x2000x32xf32, #tpu.memory_space<vmem>>, vector<1x2000x32xf32>
    %get3A_13 = vector.shape_cast %get3A_12 : vector<1x2000x32xf32> to vector<2000x32xf32>
    %add3A = arith.addf %get3A_8, %get3A_13 : vector<2000x32xf32>
    %mul3A = vector.broadcast %get3A_3 : vector<2000x1xf32> to vector<2000x32xf32>
    %mul3A_14 = arith.mulf %mul3A, %add3A : vector<2000x32xf32>
    %get3A_15 = arith.constant 0 : index
    %get3A_16 = arith.constant 0 : index
    %get3A_17 = vector.load %arg5[%get3A_15, %get3A_16] : memref<1x32xf32, #tpu.memory_space<vmem>>, vector<1x32xf32>
    %add3A_18 = vector.broadcast %get3A_17 : vector<1x32xf32> to vector<2000x32xf32>
    %add3A_19 = arith.addf %mul3A_14, %add3A_18 : vector<2000x32xf32>
    %max3A = arith.constant 0.000000e+00 : f32
    %max3A_20 = vector.broadcast %max3A : f32 to vector<2000x32xf32>
    %max3A_21 = arith.maximumf %add3A_19, %max3A_20 : vector<2000x32xf32>
    %get3A_22 = arith.constant 0 : index
    %get3A_23 = arith.constant 0 : index
    %get3A_24 = vector.load %arg6[%get3A_22, %get3A_23] : memref<32x16xf32, #tpu.memory_space<vmem>>, vector<32x16xf32>
    %dot_general3A = arith.constant dense<0.000000e+00> : vector<2000x16xf32>
    %dot_general3A_25 = tpu.matmul %max3A_21, %get3A_24, %dot_general3A {dimension_numbers = #tpu.dot_dimension_numbers<[1], [0], [0], [1], [0, 0, 1, 1], [], []>, transpose_lhs_hint = false} : vector<2000x32xf32>, vector<32x16xf32>, vector<2000x16xf32> -> vector<2000x16xf32>
    %mul3A_26 = vector.broadcast %get3A_3 : vector<2000x1xf32> to vector<2000x16xf32>
    %mul3A_27 = arith.mulf %dot_general3A_25, %mul3A_26 : vector<2000x16xf32>
    %swap3A = arith.constant 0 : index
    %swap3A_28 = arith.constant 0 : index
    %swap3A_29 = arith.constant 0 : index
    %swap3A_30 = vector.load %arg7[%swap3A, %swap3A_28, %swap3A_29] : memref<1x2000x16xf32, #tpu.memory_space<vmem>>, vector<1x2000x16xf32>
    %swap3A_31 = vector.shape_cast %swap3A_30 : vector<1x2000x16xf32> to vector<2000x16xf32>
    %swap3A_32 = vector.shape_cast %mul3A_27 : vector<2000x16xf32> to vector<1x2000x16xf32>
    tpu.vector_store %arg7[%swap3A, %swap3A_28, %swap3A_29], %swap3A_32 {strides = array<i32>} : memref<1x2000x16xf32, #tpu.memory_space<vmem>>, vector<1x2000x16xf32>,
    return
  }
  func.func @transform_0(%arg0: i32, %arg1: i32) -> (i32, i32, i32) {
    %c0_i32 = arith.constant 0 : i32
    %c0_i32_0 = arith.constant 0 : i32
    return %arg0, %arg1, %c0_i32 : i32, i32, i32
  }
  func.func @transform_1(%arg0: i32, %arg1: i32) -> (i32, i32, i32) {
    %c0_i32 = arith.constant 0 : i32
    %c0_i32_0 = arith.constant 0 : i32
    return %arg0, %arg1, %c0_i32 : i32, i32, i32
  }
  func.func @transform_2(%arg0: i32, %arg1: i32) -> (i32, i32, i32) {
    %c0_i32 = arith.constant 0 : i32
    %c0_i32_0 = arith.constant 0 : i32
    return %arg0, %arg1, %c0_i32 : i32, i32, i32
  }
  func.func @transform_3(%arg0: i32, %arg1: i32) -> (i32, i32) {
    %c0_i32 = arith.constant 0 : i32
    %c0_i32_0 = arith.constant 0 : i32
    %c0_i32_1 = arith.constant 0 : i32
    return %c0_i32, %c0_i32_0 : i32, i32
  }
  func.func @transform_4(%arg0: i32, %arg1: i32) -> (i32, i32) {
    %c0_i32 = arith.constant 0 : i32
    %c0_i32_0 = arith.constant 0 : i32
    %c0_i32_1 = arith.constant 0 : i32
    return %c0_i32, %c0_i32_0 : i32, i32
  }
  func.func @transform_5(%arg0: i32, %arg1: i32) -> (i32, i32, i32) {
    %c0_i32 = arith.constant 0 : i32
    %c0_i32_0 = arith.constant 0 : i32
    return %arg0, %arg1, %c0_i32 : i32, i32, i32
  }
}

module attributes {stable_mosaic.version = 14 : i64} {
  func.func @body(%arg0: memref<2x10112x16xf32, #tpu.memory_space<vmem>>, %arg1: memref<2x10000x16xf32, #tpu.memory_space<vmem>>, %arg2: memref<2x10000x1xf32, #tpu.memory_space<vmem>>, %arg3: memref<1x16xf32, #tpu.memory_space<vmem>>, %arg4: memref<16x16xf32, #tpu.memory_space<vmem>>, %arg5: memref<16x16x16xf32, #tpu.memory_space<vmem>>, %arg6: memref<32x16xf32, #tpu.memory_space<vmem>>, %arg7: memref<1x16xf32, #tpu.memory_space<vmem>>, %arg8: memref<16x16xf32, #tpu.memory_space<vmem>>, %arg9: memref<1x16xf32, #tpu.memory_space<vmem>>, %arg10: memref<16x1xf32, #tpu.memory_space<vmem>>, %arg11: memref<1x1xf32, #tpu.memory_space<vmem>>, %arg12: memref<1x1xf32, #tpu.memory_space<vmem>>) attributes {dimension_semantics = [], scalar_prefetch = 0 : i64, scratch_operands = 0 : i64, tpu.core_type = #tpu.core_type<tc>} {
    %get3A = arith.constant 0 : index
    %get3A_0 = arith.constant 0 : index
    %get3A_1 = arith.constant 0 : index
    %get3A_2 = vector.load %arg2[%get3A, %get3A_0, %get3A_1] : memref<2x10000x1xf32, #tpu.memory_space<vmem>>, vector<1x10000x1xf32>
    %get3A_3 = vector.shape_cast %get3A_2 : vector<1x10000x1xf32> to vector<10000x1xf32>
    %get3A_4 = arith.constant 0 : index
    %get3A_5 = arith.constant 0 : index
    %get3A_6 = arith.constant 0 : index
    %get3A_7 = vector.load %arg0[%get3A_4, %get3A_5, %get3A_6] : memref<2x10112x16xf32, #tpu.memory_space<vmem>>, vector<1x10000x16xf32>
    %get3A_8 = vector.shape_cast %get3A_7 : vector<1x10000x16xf32> to vector<10000x16xf32>
    %get3A_9 = arith.constant 0 : index
    %get3A_10 = arith.constant 0 : index
    %get3A_11 = arith.constant 0 : index
    %get3A_12 = vector.load %arg1[%get3A_9, %get3A_10, %get3A_11] : memref<2x10000x16xf32, #tpu.memory_space<vmem>>, vector<1x10000x16xf32>
    %get3A_13 = vector.shape_cast %get3A_12 : vector<1x10000x16xf32> to vector<10000x16xf32>
    %add3A = arith.addf %get3A_8, %get3A_13 : vector<10000x16xf32>
    %mul3A = vector.broadcast %get3A_3 : vector<10000x1xf32> to vector<10000x16xf32>
    %mul3A_14 = arith.mulf %mul3A, %add3A : vector<10000x16xf32>
    %get3A_15 = arith.constant 0 : index
    %get3A_16 = arith.constant 0 : index
    %get3A_17 = vector.load %arg3[%get3A_15, %get3A_16] : memref<1x16xf32, #tpu.memory_space<vmem>>, vector<1x16xf32>
    %add3A_18 = vector.broadcast %get3A_17 : vector<1x16xf32> to vector<10000x16xf32>
    %add3A_19 = arith.addf %mul3A_14, %add3A_18 : vector<10000x16xf32>
    %reduce_sum3A = arith.constant dense<0.000000e+00> : vector<16xf32>
    %reduce_sum3A_20 = vector.multi_reduction <add>, %add3A_19, %reduce_sum3A [0] : vector<10000x16xf32> to vector<16xf32>
    %broadcast_in_dim3A = vector.shape_cast %reduce_sum3A_20 : vector<16xf32> to vector<1x16xf32>
    %mul3A_21 = arith.constant 9.99999974E-5 : f32
    %mul3A_22 = vector.broadcast %mul3A_21 : f32 to vector<1x16xf32>
    %mul3A_23 = arith.mulf %broadcast_in_dim3A, %mul3A_22 : vector<1x16xf32>
    %get3A_24 = arith.constant 0 : index
    %get3A_25 = arith.constant 0 : index
    %get3A_26 = vector.load %arg4[%get3A_24, %get3A_25] : memref<16x16xf32, #tpu.memory_space<vmem>>, vector<16x16xf32>
    %dot_general3A = arith.constant dense<0.000000e+00> : vector<1x16xf32>
    %dot_general3A_27 = tpu.matmul %mul3A_23, %get3A_26, %dot_general3A {dimension_numbers = #tpu.dot_dimension_numbers<[1], [0], [0], [1], [0, 0, 1, 1], [], []>, transpose_lhs_hint = false} : vector<1x16xf32>, vector<16x16xf32>, vector<1x16xf32> -> vector<1x16xf32>
    %tanh3A = math.tanh %dot_general3A_27 : vector<1x16xf32>
    %mul3A_28 = vector.broadcast %tanh3A : vector<1x16xf32> to vector<10000x16xf32>
    %mul3A_29 = arith.mulf %add3A_19, %mul3A_28 : vector<10000x16xf32>
    %reduce_sum3A_30 = arith.constant dense<0.000000e+00> : vector<10000xf32>
    %reduce_sum3A_31 = vector.multi_reduction <add>, %mul3A_29, %reduce_sum3A_30 [1] : vector<10000x16xf32> to vector<10000xf32>
    %broadcast_in_dim3A_32 = vector.shape_cast %reduce_sum3A_31 : vector<10000xf32> to vector<10000x1xf32>
    %logistic3A = arith.negf %broadcast_in_dim3A_32 : vector<10000x1xf32>
    %logistic3A_33 = math.exp %logistic3A : vector<10000x1xf32>
    %logistic3A_34 = arith.constant 1.000000e+00 : f32
    %logistic3A_35 = vector.broadcast %logistic3A_34 : f32 to vector<10000x1xf32>
    %logistic3A_36 = arith.addf %logistic3A_35, %logistic3A_33 : vector<10000x1xf32>
    %logistic3A_37 = arith.divf %logistic3A_35, %logistic3A_36 : vector<10000x1xf32>
    %mul3A_38 = vector.broadcast %logistic3A_37 : vector<10000x1xf32> to vector<10000x16xf32>
    %mul3A_39 = arith.mulf %mul3A_38, %add3A_19 : vector<10000x16xf32>
    %reduce_sum3A_40 = arith.constant dense<0.000000e+00> : vector<16xf32>
    %reduce_sum3A_41 = vector.multi_reduction <add>, %mul3A_39, %reduce_sum3A_40 [0] : vector<10000x16xf32> to vector<16xf32>
    %broadcast_in_dim3A_42 = vector.shape_cast %reduce_sum3A_41 : vector<16xf32> to vector<1x16xf32>
    %get3A_43 = arith.constant 1 : index
    %get3A_44 = arith.constant 0 : index
    %get3A_45 = arith.constant 0 : index
    %get3A_46 = vector.load %arg2[%get3A_43, %get3A_44, %get3A_45] : memref<2x10000x1xf32, #tpu.memory_space<vmem>>, vector<1x10000x1xf32>
    %get3A_47 = vector.shape_cast %get3A_46 : vector<1x10000x1xf32> to vector<10000x1xf32>
    %get3A_48 = arith.constant 1 : index
    %get3A_49 = arith.constant 0 : index
    %get3A_50 = arith.constant 0 : index
    %get3A_51 = vector.load %arg0[%get3A_48, %get3A_49, %get3A_50] : memref<2x10112x16xf32, #tpu.memory_space<vmem>>, vector<1x10000x16xf32>
    %get3A_52 = vector.shape_cast %get3A_51 : vector<1x10000x16xf32> to vector<10000x16xf32>
    %get3A_53 = arith.constant 1 : index
    %get3A_54 = arith.constant 0 : index
    %get3A_55 = arith.constant 0 : index
    %get3A_56 = vector.load %arg1[%get3A_53, %get3A_54, %get3A_55] : memref<2x10000x16xf32, #tpu.memory_space<vmem>>, vector<1x10000x16xf32>
    %get3A_57 = vector.shape_cast %get3A_56 : vector<1x10000x16xf32> to vector<10000x16xf32>
    %add3A_58 = arith.addf %get3A_52, %get3A_57 : vector<10000x16xf32>
    %mul3A_59 = vector.broadcast %get3A_47 : vector<10000x1xf32> to vector<10000x16xf32>
    %mul3A_60 = arith.mulf %mul3A_59, %add3A_58 : vector<10000x16xf32>
    %get3A_61 = arith.constant 0 : index
    %get3A_62 = arith.constant 0 : index
    %get3A_63 = vector.load %arg3[%get3A_61, %get3A_62] : memref<1x16xf32, #tpu.memory_space<vmem>>, vector<1x16xf32>
    %add3A_64 = vector.broadcast %get3A_63 : vector<1x16xf32> to vector<10000x16xf32>
    %add3A_65 = arith.addf %mul3A_60, %add3A_64 : vector<10000x16xf32>
    %reduce_sum3A_66 = arith.constant dense<0.000000e+00> : vector<16xf32>
    %reduce_sum3A_67 = vector.multi_reduction <add>, %add3A_65, %reduce_sum3A_66 [0] : vector<10000x16xf32> to vector<16xf32>
    %broadcast_in_dim3A_68 = vector.shape_cast %reduce_sum3A_67 : vector<16xf32> to vector<1x16xf32>
    %mul3A_69 = arith.constant 9.99999974E-5 : f32
    %mul3A_70 = vector.broadcast %mul3A_69 : f32 to vector<1x16xf32>
    %mul3A_71 = arith.mulf %broadcast_in_dim3A_68, %mul3A_70 : vector<1x16xf32>
    %get3A_72 = arith.constant 0 : index
    %get3A_73 = arith.constant 0 : index
    %get3A_74 = vector.load %arg4[%get3A_72, %get3A_73] : memref<16x16xf32, #tpu.memory_space<vmem>>, vector<16x16xf32>
    %dot_general3A_75 = arith.constant dense<0.000000e+00> : vector<1x16xf32>
    %dot_general3A_76 = tpu.matmul %mul3A_71, %get3A_74, %dot_general3A_75 {dimension_numbers = #tpu.dot_dimension_numbers<[1], [0], [0], [1], [0, 0, 1, 1], [], []>, transpose_lhs_hint = false} : vector<1x16xf32>, vector<16x16xf32>, vector<1x16xf32> -> vector<1x16xf32>
    %tanh3A_77 = math.tanh %dot_general3A_76 : vector<1x16xf32>
    %mul3A_78 = vector.broadcast %tanh3A_77 : vector<1x16xf32> to vector<10000x16xf32>
    %mul3A_79 = arith.mulf %add3A_65, %mul3A_78 : vector<10000x16xf32>
    %reduce_sum3A_80 = arith.constant dense<0.000000e+00> : vector<10000xf32>
    %reduce_sum3A_81 = vector.multi_reduction <add>, %mul3A_79, %reduce_sum3A_80 [1] : vector<10000x16xf32> to vector<10000xf32>
    %broadcast_in_dim3A_82 = vector.shape_cast %reduce_sum3A_81 : vector<10000xf32> to vector<10000x1xf32>
    %logistic3A_83 = arith.negf %broadcast_in_dim3A_82 : vector<10000x1xf32>
    %logistic3A_84 = math.exp %logistic3A_83 : vector<10000x1xf32>
    %logistic3A_85 = arith.constant 1.000000e+00 : f32
    %logistic3A_86 = vector.broadcast %logistic3A_85 : f32 to vector<10000x1xf32>
    %logistic3A_87 = arith.addf %logistic3A_86, %logistic3A_84 : vector<10000x1xf32>
    %logistic3A_88 = arith.divf %logistic3A_86, %logistic3A_87 : vector<10000x1xf32>
    %mul3A_89 = vector.broadcast %logistic3A_88 : vector<10000x1xf32> to vector<10000x16xf32>
    %mul3A_90 = arith.mulf %mul3A_89, %add3A_65 : vector<10000x16xf32>
    %reduce_sum3A_91 = arith.constant dense<0.000000e+00> : vector<16xf32>
    %reduce_sum3A_92 = vector.multi_reduction <add>, %mul3A_90, %reduce_sum3A_91 [0] : vector<10000x16xf32> to vector<16xf32>
    %broadcast_in_dim3A_93 = vector.shape_cast %reduce_sum3A_92 : vector<16xf32> to vector<1x16xf32>
    %get3A_94 = arith.constant 0 : index
    %get3A_95 = arith.constant 0 : index
    %get3A_96 = arith.constant 0 : index
    %get3A_97 = vector.load %arg5[%get3A_94, %get3A_95, %get3A_96] : memref<16x16x16xf32, #tpu.memory_space<vmem>>, vector<1x16x16xf32>
    %get3A_98 = vector.shape_cast %get3A_97 : vector<1x16x16xf32> to vector<16x16xf32>
    %dot_general3A_99 = arith.constant dense<0.000000e+00> : vector<1x16xf32>
    %dot_general3A_100 = tpu.matmul %broadcast_in_dim3A_42, %get3A_98, %dot_general3A_99 {dimension_numbers = #tpu.dot_dimension_numbers<[1], [0], [0], [1], [0, 0, 1, 1], [], []>, transpose_lhs_hint = false} : vector<1x16xf32>, vector<16x16xf32>, vector<1x16xf32> -> vector<1x16xf32>
    %mul3A_101 = arith.mulf %dot_general3A_100, %broadcast_in_dim3A_93 : vector<1x16xf32>
    %reduce_sum3A_102 = arith.constant dense<0.000000e+00> : vector<1xf32>
    %reduce_sum3A_103 = vector.multi_reduction <add>, %mul3A_101, %reduce_sum3A_102 [1] : vector<1x16xf32> to vector<1xf32>
    %broadcast_in_dim3A_104 = vector.shape_cast %reduce_sum3A_103 : vector<1xf32> to vector<1x1xf32>
    %get3A_105 = arith.constant 1 : index
    %get3A_106 = arith.constant 0 : index
    %get3A_107 = arith.constant 0 : index
    %get3A_108 = vector.load %arg5[%get3A_105, %get3A_106, %get3A_107] : memref<16x16x16xf32, #tpu.memory_space<vmem>>, vector<1x16x16xf32>
    %get3A_109 = vector.shape_cast %get3A_108 : vector<1x16x16xf32> to vector<16x16xf32>
    %dot_general3A_110 = arith.constant dense<0.000000e+00> : vector<1x16xf32>
    %dot_general3A_111 = tpu.matmul %broadcast_in_dim3A_42, %get3A_109, %dot_general3A_110 {dimension_numbers = #tpu.dot_dimension_numbers<[1], [0], [0], [1], [0, 0, 1, 1], [], []>, transpose_lhs_hint = false} : vector<1x16xf32>, vector<16x16xf32>, vector<1x16xf32> -> vector<1x16xf32>
    %mul3A_112 = arith.mulf %dot_general3A_111, %broadcast_in_dim3A_93 : vector<1x16xf32>
    %reduce_sum3A_113 = arith.constant dense<0.000000e+00> : vector<1xf32>
    %reduce_sum3A_114 = vector.multi_reduction <add>, %mul3A_112, %reduce_sum3A_113 [1] : vector<1x16xf32> to vector<1xf32>
    %broadcast_in_dim3A_115 = vector.shape_cast %reduce_sum3A_114 : vector<1xf32> to vector<1x1xf32>
    %get3A_116 = arith.constant 2 : index
    %get3A_117 = arith.constant 0 : index
    %get3A_118 = arith.constant 0 : index
    %get3A_119 = vector.load %arg5[%get3A_116, %get3A_117, %get3A_118] : memref<16x16x16xf32, #tpu.memory_space<vmem>>, vector<1x16x16xf32>
    %get3A_120 = vector.shape_cast %get3A_119 : vector<1x16x16xf32> to vector<16x16xf32>
    %dot_general3A_121 = arith.constant dense<0.000000e+00> : vector<1x16xf32>
    %dot_general3A_122 = tpu.matmul %broadcast_in_dim3A_42, %get3A_120, %dot_general3A_121 {dimension_numbers = #tpu.dot_dimension_numbers<[1], [0], [0], [1], [0, 0, 1, 1], [], []>, transpose_lhs_hint = false} : vector<1x16xf32>, vector<16x16xf32>, vector<1x16xf32> -> vector<1x16xf32>
    %mul3A_123 = arith.mulf %dot_general3A_122, %broadcast_in_dim3A_93 : vector<1x16xf32>
    %reduce_sum3A_124 = arith.constant dense<0.000000e+00> : vector<1xf32>
    %reduce_sum3A_125 = vector.multi_reduction <add>, %mul3A_123, %reduce_sum3A_124 [1] : vector<1x16xf32> to vector<1xf32>
    %broadcast_in_dim3A_126 = vector.shape_cast %reduce_sum3A_125 : vector<1xf32> to vector<1x1xf32>
    %get3A_127 = arith.constant 3 : index
    %get3A_128 = arith.constant 0 : index
    %get3A_129 = arith.constant 0 : index
    %get3A_130 = vector.load %arg5[%get3A_127, %get3A_128, %get3A_129] : memref<16x16x16xf32, #tpu.memory_space<vmem>>, vector<1x16x16xf32>
    %get3A_131 = vector.shape_cast %get3A_130 : vector<1x16x16xf32> to vector<16x16xf32>
    %dot_general3A_132 = arith.constant dense<0.000000e+00> : vector<1x16xf32>
    %dot_general3A_133 = tpu.matmul %broadcast_in_dim3A_42, %get3A_131, %dot_general3A_132 {dimension_numbers = #tpu.dot_dimension_numbers<[1], [0], [0], [1], [0, 0, 1, 1], [], []>, transpose_lhs_hint = false} : vector<1x16xf32>, vector<16x16xf32>, vector<1x16xf32> -> vector<1x16xf32>
    %mul3A_134 = arith.mulf %dot_general3A_133, %broadcast_in_dim3A_93 : vector<1x16xf32>
    %reduce_sum3A_135 = arith.constant dense<0.000000e+00> : vector<1xf32>
    %reduce_sum3A_136 = vector.multi_reduction <add>, %mul3A_134, %reduce_sum3A_135 [1] : vector<1x16xf32> to vector<1xf32>
    %broadcast_in_dim3A_137 = vector.shape_cast %reduce_sum3A_136 : vector<1xf32> to vector<1x1xf32>
    %get3A_138 = arith.constant 4 : index
    %get3A_139 = arith.constant 0 : index
    %get3A_140 = arith.constant 0 : index
    %get3A_141 = vector.load %arg5[%get3A_138, %get3A_139, %get3A_140] : memref<16x16x16xf32, #tpu.memory_space<vmem>>, vector<1x16x16xf32>
    %get3A_142 = vector.shape_cast %get3A_141 : vector<1x16x16xf32> to vector<16x16xf32>
    %dot_general3A_143 = arith.constant dense<0.000000e+00> : vector<1x16xf32>
    %dot_general3A_144 = tpu.matmul %broadcast_in_dim3A_42, %get3A_142, %dot_general3A_143 {dimension_numbers = #tpu.dot_dimension_numbers<[1], [0], [0], [1], [0, 0, 1, 1], [], []>, transpose_lhs_hint = false} : vector<1x16xf32>, vector<16x16xf32>, vector<1x16xf32> -> vector<1x16xf32>
    %mul3A_145 = arith.mulf %dot_general3A_144, %broadcast_in_dim3A_93 : vector<1x16xf32>
    %reduce_sum3A_146 = arith.constant dense<0.000000e+00> : vector<1xf32>
    %reduce_sum3A_147 = vector.multi_reduction <add>, %mul3A_145, %reduce_sum3A_146 [1] : vector<1x16xf32> to vector<1xf32>
    %broadcast_in_dim3A_148 = vector.shape_cast %reduce_sum3A_147 : vector<1xf32> to vector<1x1xf32>
    %get3A_149 = arith.constant 5 : index
    %get3A_150 = arith.constant 0 : index
    %get3A_151 = arith.constant 0 : index
    %get3A_152 = vector.load %arg5[%get3A_149, %get3A_150, %get3A_151] : memref<16x16x16xf32, #tpu.memory_space<vmem>>, vector<1x16x16xf32>
    %get3A_153 = vector.shape_cast %get3A_152 : vector<1x16x16xf32> to vector<16x16xf32>
    %dot_general3A_154 = arith.constant dense<0.000000e+00> : vector<1x16xf32>
    %dot_general3A_155 = tpu.matmul %broadcast_in_dim3A_42, %get3A_153, %dot_general3A_154 {dimension_numbers = #tpu.dot_dimension_numbers<[1], [0], [0], [1], [0, 0, 1, 1], [], []>, transpose_lhs_hint = false} : vector<1x16xf32>, vector<16x16xf32>, vector<1x16xf32> -> vector<1x16xf32>
    %mul3A_156 = arith.mulf %dot_general3A_155, %broadcast_in_dim3A_93 : vector<1x16xf32>
    %reduce_sum3A_157 = arith.constant dense<0.000000e+00> : vector<1xf32>
    %reduce_sum3A_158 = vector.multi_reduction <add>, %mul3A_156, %reduce_sum3A_157 [1] : vector<1x16xf32> to vector<1xf32>
    %broadcast_in_dim3A_159 = vector.shape_cast %reduce_sum3A_158 : vector<1xf32> to vector<1x1xf32>
    %get3A_160 = arith.constant 6 : index
    %get3A_161 = arith.constant 0 : index
    %get3A_162 = arith.constant 0 : index
    %get3A_163 = vector.load %arg5[%get3A_160, %get3A_161, %get3A_162] : memref<16x16x16xf32, #tpu.memory_space<vmem>>, vector<1x16x16xf32>
    %get3A_164 = vector.shape_cast %get3A_163 : vector<1x16x16xf32> to vector<16x16xf32>
    %dot_general3A_165 = arith.constant dense<0.000000e+00> : vector<1x16xf32>
    %dot_general3A_166 = tpu.matmul %broadcast_in_dim3A_42, %get3A_164, %dot_general3A_165 {dimension_numbers = #tpu.dot_dimension_numbers<[1], [0], [0], [1], [0, 0, 1, 1], [], []>, transpose_lhs_hint = false} : vector<1x16xf32>, vector<16x16xf32>, vector<1x16xf32> -> vector<1x16xf32>
    %mul3A_167 = arith.mulf %dot_general3A_166, %broadcast_in_dim3A_93 : vector<1x16xf32>
    %reduce_sum3A_168 = arith.constant dense<0.000000e+00> : vector<1xf32>
    %reduce_sum3A_169 = vector.multi_reduction <add>, %mul3A_167, %reduce_sum3A_168 [1] : vector<1x16xf32> to vector<1xf32>
    %broadcast_in_dim3A_170 = vector.shape_cast %reduce_sum3A_169 : vector<1xf32> to vector<1x1xf32>
    %get3A_171 = arith.constant 7 : index
    %get3A_172 = arith.constant 0 : index
    %get3A_173 = arith.constant 0 : index
    %get3A_174 = vector.load %arg5[%get3A_171, %get3A_172, %get3A_173] : memref<16x16x16xf32, #tpu.memory_space<vmem>>, vector<1x16x16xf32>
    %get3A_175 = vector.shape_cast %get3A_174 : vector<1x16x16xf32> to vector<16x16xf32>
    %dot_general3A_176 = arith.constant dense<0.000000e+00> : vector<1x16xf32>
    %dot_general3A_177 = tpu.matmul %broadcast_in_dim3A_42, %get3A_175, %dot_general3A_176 {dimension_numbers = #tpu.dot_dimension_numbers<[1], [0], [0], [1], [0, 0, 1, 1], [], []>, transpose_lhs_hint = false} : vector<1x16xf32>, vector<16x16xf32>, vector<1x16xf32> -> vector<1x16xf32>
    %mul3A_178 = arith.mulf %dot_general3A_177, %broadcast_in_dim3A_93 : vector<1x16xf32>
    %reduce_sum3A_179 = arith.constant dense<0.000000e+00> : vector<1xf32>
    %reduce_sum3A_180 = vector.multi_reduction <add>, %mul3A_178, %reduce_sum3A_179 [1] : vector<1x16xf32> to vector<1xf32>
    %broadcast_in_dim3A_181 = vector.shape_cast %reduce_sum3A_180 : vector<1xf32> to vector<1x1xf32>
    %get3A_182 = arith.constant 8 : index
    %get3A_183 = arith.constant 0 : index
    %get3A_184 = arith.constant 0 : index
    %get3A_185 = vector.load %arg5[%get3A_182, %get3A_183, %get3A_184] : memref<16x16x16xf32, #tpu.memory_space<vmem>>, vector<1x16x16xf32>
    %get3A_186 = vector.shape_cast %get3A_185 : vector<1x16x16xf32> to vector<16x16xf32>
    %dot_general3A_187 = arith.constant dense<0.000000e+00> : vector<1x16xf32>
    %dot_general3A_188 = tpu.matmul %broadcast_in_dim3A_42, %get3A_186, %dot_general3A_187 {dimension_numbers = #tpu.dot_dimension_numbers<[1], [0], [0], [1], [0, 0, 1, 1], [], []>, transpose_lhs_hint = false} : vector<1x16xf32>, vector<16x16xf32>, vector<1x16xf32> -> vector<1x16xf32>
    %mul3A_189 = arith.mulf %dot_general3A_188, %broadcast_in_dim3A_93 : vector<1x16xf32>
    %reduce_sum3A_190 = arith.constant dense<0.000000e+00> : vector<1xf32>
    %reduce_sum3A_191 = vector.multi_reduction <add>, %mul3A_189, %reduce_sum3A_190 [1] : vector<1x16xf32> to vector<1xf32>
    %broadcast_in_dim3A_192 = vector.shape_cast %reduce_sum3A_191 : vector<1xf32> to vector<1x1xf32>
    %get3A_193 = arith.constant 9 : index
    %get3A_194 = arith.constant 0 : index
    %get3A_195 = arith.constant 0 : index
    %get3A_196 = vector.load %arg5[%get3A_193, %get3A_194, %get3A_195] : memref<16x16x16xf32, #tpu.memory_space<vmem>>, vector<1x16x16xf32>
    %get3A_197 = vector.shape_cast %get3A_196 : vector<1x16x16xf32> to vector<16x16xf32>
    %dot_general3A_198 = arith.constant dense<0.000000e+00> : vector<1x16xf32>
    %dot_general3A_199 = tpu.matmul %broadcast_in_dim3A_42, %get3A_197, %dot_general3A_198 {dimension_numbers = #tpu.dot_dimension_numbers<[1], [0], [0], [1], [0, 0, 1, 1], [], []>, transpose_lhs_hint = false} : vector<1x16xf32>, vector<16x16xf32>, vector<1x16xf32> -> vector<1x16xf32>
    %mul3A_200 = arith.mulf %dot_general3A_199, %broadcast_in_dim3A_93 : vector<1x16xf32>
    %reduce_sum3A_201 = arith.constant dense<0.000000e+00> : vector<1xf32>
    %reduce_sum3A_202 = vector.multi_reduction <add>, %mul3A_200, %reduce_sum3A_201 [1] : vector<1x16xf32> to vector<1xf32>
    %broadcast_in_dim3A_203 = vector.shape_cast %reduce_sum3A_202 : vector<1xf32> to vector<1x1xf32>
    %get3A_204 = arith.constant 10 : index
    %get3A_205 = arith.constant 0 : index
    %get3A_206 = arith.constant 0 : index
    %get3A_207 = vector.load %arg5[%get3A_204, %get3A_205, %get3A_206] : memref<16x16x16xf32, #tpu.memory_space<vmem>>, vector<1x16x16xf32>
    %get3A_208 = vector.shape_cast %get3A_207 : vector<1x16x16xf32> to vector<16x16xf32>
    %dot_general3A_209 = arith.constant dense<0.000000e+00> : vector<1x16xf32>
    %dot_general3A_210 = tpu.matmul %broadcast_in_dim3A_42, %get3A_208, %dot_general3A_209 {dimension_numbers = #tpu.dot_dimension_numbers<[1], [0], [0], [1], [0, 0, 1, 1], [], []>, transpose_lhs_hint = false} : vector<1x16xf32>, vector<16x16xf32>, vector<1x16xf32> -> vector<1x16xf32>
    %mul3A_211 = arith.mulf %dot_general3A_210, %broadcast_in_dim3A_93 : vector<1x16xf32>
    %reduce_sum3A_212 = arith.constant dense<0.000000e+00> : vector<1xf32>
    %reduce_sum3A_213 = vector.multi_reduction <add>, %mul3A_211, %reduce_sum3A_212 [1] : vector<1x16xf32> to vector<1xf32>
    %broadcast_in_dim3A_214 = vector.shape_cast %reduce_sum3A_213 : vector<1xf32> to vector<1x1xf32>
    %get3A_215 = arith.constant 11 : index
    %get3A_216 = arith.constant 0 : index
    %get3A_217 = arith.constant 0 : index
    %get3A_218 = vector.load %arg5[%get3A_215, %get3A_216, %get3A_217] : memref<16x16x16xf32, #tpu.memory_space<vmem>>, vector<1x16x16xf32>
    %get3A_219 = vector.shape_cast %get3A_218 : vector<1x16x16xf32> to vector<16x16xf32>
    %dot_general3A_220 = arith.constant dense<0.000000e+00> : vector<1x16xf32>
    %dot_general3A_221 = tpu.matmul %broadcast_in_dim3A_42, %get3A_219, %dot_general3A_220 {dimension_numbers = #tpu.dot_dimension_numbers<[1], [0], [0], [1], [0, 0, 1, 1], [], []>, transpose_lhs_hint = false} : vector<1x16xf32>, vector<16x16xf32>, vector<1x16xf32> -> vector<1x16xf32>
    %mul3A_222 = arith.mulf %dot_general3A_221, %broadcast_in_dim3A_93 : vector<1x16xf32>
    %reduce_sum3A_223 = arith.constant dense<0.000000e+00> : vector<1xf32>
    %reduce_sum3A_224 = vector.multi_reduction <add>, %mul3A_222, %reduce_sum3A_223 [1] : vector<1x16xf32> to vector<1xf32>
    %broadcast_in_dim3A_225 = vector.shape_cast %reduce_sum3A_224 : vector<1xf32> to vector<1x1xf32>
    %get3A_226 = arith.constant 12 : index
    %get3A_227 = arith.constant 0 : index
    %get3A_228 = arith.constant 0 : index
    %get3A_229 = vector.load %arg5[%get3A_226, %get3A_227, %get3A_228] : memref<16x16x16xf32, #tpu.memory_space<vmem>>, vector<1x16x16xf32>
    %get3A_230 = vector.shape_cast %get3A_229 : vector<1x16x16xf32> to vector<16x16xf32>
    %dot_general3A_231 = arith.constant dense<0.000000e+00> : vector<1x16xf32>
    %dot_general3A_232 = tpu.matmul %broadcast_in_dim3A_42, %get3A_230, %dot_general3A_231 {dimension_numbers = #tpu.dot_dimension_numbers<[1], [0], [0], [1], [0, 0, 1, 1], [], []>, transpose_lhs_hint = false} : vector<1x16xf32>, vector<16x16xf32>, vector<1x16xf32> -> vector<1x16xf32>
    %mul3A_233 = arith.mulf %dot_general3A_232, %broadcast_in_dim3A_93 : vector<1x16xf32>
    %reduce_sum3A_234 = arith.constant dense<0.000000e+00> : vector<1xf32>
    %reduce_sum3A_235 = vector.multi_reduction <add>, %mul3A_233, %reduce_sum3A_234 [1] : vector<1x16xf32> to vector<1xf32>
    %broadcast_in_dim3A_236 = vector.shape_cast %reduce_sum3A_235 : vector<1xf32> to vector<1x1xf32>
    %get3A_237 = arith.constant 13 : index
    %get3A_238 = arith.constant 0 : index
    %get3A_239 = arith.constant 0 : index
    %get3A_240 = vector.load %arg5[%get3A_237, %get3A_238, %get3A_239] : memref<16x16x16xf32, #tpu.memory_space<vmem>>, vector<1x16x16xf32>
    %get3A_241 = vector.shape_cast %get3A_240 : vector<1x16x16xf32> to vector<16x16xf32>
    %dot_general3A_242 = arith.constant dense<0.000000e+00> : vector<1x16xf32>
    %dot_general3A_243 = tpu.matmul %broadcast_in_dim3A_42, %get3A_241, %dot_general3A_242 {dimension_numbers = #tpu.dot_dimension_numbers<[1], [0], [0], [1], [0, 0, 1, 1], [], []>, transpose_lhs_hint = false} : vector<1x16xf32>, vector<16x16xf32>, vector<1x16xf32> -> vector<1x16xf32>
    %mul3A_244 = arith.mulf %dot_general3A_243, %broadcast_in_dim3A_93 : vector<1x16xf32>
    %reduce_sum3A_245 = arith.constant dense<0.000000e+00> : vector<1xf32>
    %reduce_sum3A_246 = vector.multi_reduction <add>, %mul3A_244, %reduce_sum3A_245 [1] : vector<1x16xf32> to vector<1xf32>
    %broadcast_in_dim3A_247 = vector.shape_cast %reduce_sum3A_246 : vector<1xf32> to vector<1x1xf32>
    %get3A_248 = arith.constant 14 : index
    %get3A_249 = arith.constant 0 : index
    %get3A_250 = arith.constant 0 : index
    %get3A_251 = vector.load %arg5[%get3A_248, %get3A_249, %get3A_250] : memref<16x16x16xf32, #tpu.memory_space<vmem>>, vector<1x16x16xf32>
    %get3A_252 = vector.shape_cast %get3A_251 : vector<1x16x16xf32> to vector<16x16xf32>
    %dot_general3A_253 = arith.constant dense<0.000000e+00> : vector<1x16xf32>
    %dot_general3A_254 = tpu.matmul %broadcast_in_dim3A_42, %get3A_252, %dot_general3A_253 {dimension_numbers = #tpu.dot_dimension_numbers<[1], [0], [0], [1], [0, 0, 1, 1], [], []>, transpose_lhs_hint = false} : vector<1x16xf32>, vector<16x16xf32>, vector<1x16xf32> -> vector<1x16xf32>
    %mul3A_255 = arith.mulf %dot_general3A_254, %broadcast_in_dim3A_93 : vector<1x16xf32>
    %reduce_sum3A_256 = arith.constant dense<0.000000e+00> : vector<1xf32>
    %reduce_sum3A_257 = vector.multi_reduction <add>, %mul3A_255, %reduce_sum3A_256 [1] : vector<1x16xf32> to vector<1xf32>
    %broadcast_in_dim3A_258 = vector.shape_cast %reduce_sum3A_257 : vector<1xf32> to vector<1x1xf32>
    %get3A_259 = arith.constant 15 : index
    %get3A_260 = arith.constant 0 : index
    %get3A_261 = arith.constant 0 : index
    %get3A_262 = vector.load %arg5[%get3A_259, %get3A_260, %get3A_261] : memref<16x16x16xf32, #tpu.memory_space<vmem>>, vector<1x16x16xf32>
    %get3A_263 = vector.shape_cast %get3A_262 : vector<1x16x16xf32> to vector<16x16xf32>
    %dot_general3A_264 = arith.constant dense<0.000000e+00> : vector<1x16xf32>
    %dot_general3A_265 = tpu.matmul %broadcast_in_dim3A_42, %get3A_263, %dot_general3A_264 {dimension_numbers = #tpu.dot_dimension_numbers<[1], [0], [0], [1], [0, 0, 1, 1], [], []>, transpose_lhs_hint = false} : vector<1x16xf32>, vector<16x16xf32>, vector<1x16xf32> -> vector<1x16xf32>
    %mul3A_266 = arith.mulf %dot_general3A_265, %broadcast_in_dim3A_93 : vector<1x16xf32>
    %reduce_sum3A_267 = arith.constant dense<0.000000e+00> : vector<1xf32>
    %reduce_sum3A_268 = vector.multi_reduction <add>, %mul3A_266, %reduce_sum3A_267 [1] : vector<1x16xf32> to vector<1xf32>
    %broadcast_in_dim3A_269 = vector.shape_cast %reduce_sum3A_268 : vector<1xf32> to vector<1x1xf32>
    %concatenate3A = tpu.concatenate %broadcast_in_dim3A_104, %broadcast_in_dim3A_115, %broadcast_in_dim3A_126, %broadcast_in_dim3A_137, %broadcast_in_dim3A_148, %broadcast_in_dim3A_159, %broadcast_in_dim3A_170, %broadcast_in_dim3A_181, %broadcast_in_dim3A_192, %broadcast_in_dim3A_203, %broadcast_in_dim3A_214, %broadcast_in_dim3A_225, %broadcast_in_dim3A_236, %broadcast_in_dim3A_247, %broadcast_in_dim3A_258, %broadcast_in_dim3A_269 in 1 : vector<1x1xf32>, vector<1x1xf32>, vector<1x1xf32>, vector<1x1xf32>, vector<1x1xf32>, vector<1x1xf32>, vector<1x1xf32>, vector<1x1xf32>, vector<1x1xf32>, vector<1x1xf32>, vector<1x1xf32>, vector<1x1xf32>, vector<1x1xf32>, vector<1x1xf32>, vector<1x1xf32>, vector<1x1xf32> -> vector<1x16xf32>
    %concatenate3A_270 = tpu.concatenate %broadcast_in_dim3A_42, %broadcast_in_dim3A_93 in 1 : vector<1x16xf32>, vector<1x16xf32> -> vector<1x32xf32>
    %get3A_271 = arith.constant 0 : index
    %get3A_272 = arith.constant 0 : index
    %get3A_273 = vector.load %arg6[%get3A_271, %get3A_272] : memref<32x16xf32, #tpu.memory_space<vmem>>, vector<32x16xf32>
    %dot_general3A_274 = arith.constant dense<0.000000e+00> : vector<1x16xf32>
    %dot_general3A_275 = tpu.matmul %concatenate3A_270, %get3A_273, %dot_general3A_274 {dimension_numbers = #tpu.dot_dimension_numbers<[1], [0], [0], [1], [0, 0, 1, 1], [], []>, transpose_lhs_hint = false} : vector<1x32xf32>, vector<32x16xf32>, vector<1x16xf32> -> vector<1x16xf32>
    %add3A_276 = arith.addf %concatenate3A, %dot_general3A_275 : vector<1x16xf32>
    %get3A_277 = arith.constant 0 : index
    %get3A_278 = arith.constant 0 : index
    %get3A_279 = vector.load %arg7[%get3A_277, %get3A_278] : memref<1x16xf32, #tpu.memory_space<vmem>>, vector<1x16xf32>
    %add3A_280 = arith.addf %add3A_276, %get3A_279 : vector<1x16xf32>
    %max3A = arith.constant 0.000000e+00 : f32
    %max3A_281 = vector.broadcast %max3A : f32 to vector<1x16xf32>
    %max3A_282 = arith.maximumf %add3A_280, %max3A_281 : vector<1x16xf32>
    %get3A_283 = arith.constant 0 : index
    %get3A_284 = arith.constant 0 : index
    %get3A_285 = vector.load %arg8[%get3A_283, %get3A_284] : memref<16x16xf32, #tpu.memory_space<vmem>>, vector<16x16xf32>
    %dot_general3A_286 = arith.constant dense<0.000000e+00> : vector<1x16xf32>
    %dot_general3A_287 = tpu.matmul %max3A_282, %get3A_285, %dot_general3A_286 {dimension_numbers = #tpu.dot_dimension_numbers<[1], [0], [0], [1], [0, 0, 1, 1], [], []>, transpose_lhs_hint = false} : vector<1x16xf32>, vector<16x16xf32>, vector<1x16xf32> -> vector<1x16xf32>
    %get3A_288 = arith.constant 0 : index
    %get3A_289 = arith.constant 0 : index
    %get3A_290 = vector.load %arg9[%get3A_288, %get3A_289] : memref<1x16xf32, #tpu.memory_space<vmem>>, vector<1x16xf32>
    %add3A_291 = arith.addf %dot_general3A_287, %get3A_290 : vector<1x16xf32>
    %max3A_292 = arith.constant 0.000000e+00 : f32
    %max3A_293 = vector.broadcast %max3A_292 : f32 to vector<1x16xf32>
    %max3A_294 = arith.maximumf %add3A_291, %max3A_293 : vector<1x16xf32>
    %get3A_295 = arith.constant 0 : index
    %get3A_296 = arith.constant 0 : index
    %get3A_297 = vector.load %arg10[%get3A_295, %get3A_296] : memref<16x1xf32, #tpu.memory_space<vmem>>, vector<16x1xf32>
    %dot_general3A_298 = arith.constant dense<0.000000e+00> : vector<1x1xf32>
    %dot_general3A_299 = tpu.matmul %max3A_294, %get3A_297, %dot_general3A_298 {dimension_numbers = #tpu.dot_dimension_numbers<[1], [0], [0], [1], [0, 0, 1, 1], [], []>, transpose_lhs_hint = false} : vector<1x16xf32>, vector<16x1xf32>, vector<1x1xf32> -> vector<1x1xf32>
    %get3A_300 = arith.constant 0 : index
    %get3A_301 = arith.constant 0 : index
    %get3A_302 = vector.load %arg11[%get3A_300, %get3A_301] : memref<1x1xf32, #tpu.memory_space<vmem>>, vector<1x1xf32>
    %add3A_303 = arith.addf %dot_general3A_299, %get3A_302 : vector<1x1xf32>
    %logistic3A_304 = arith.negf %add3A_303 : vector<1x1xf32>
    %logistic3A_305 = math.exp %logistic3A_304 : vector<1x1xf32>
    %logistic3A_306 = arith.constant 1.000000e+00 : f32
    %logistic3A_307 = vector.broadcast %logistic3A_306 : f32 to vector<1x1xf32>
    %logistic3A_308 = arith.addf %logistic3A_307, %logistic3A_305 : vector<1x1xf32>
    %logistic3A_309 = arith.divf %logistic3A_307, %logistic3A_308 : vector<1x1xf32>
    %swap3A = arith.constant 0 : index
    %swap3A_310 = arith.constant 0 : index
    %swap3A_311 = vector.load %arg12[%swap3A, %swap3A_310] : memref<1x1xf32, #tpu.memory_space<vmem>>, vector<1x1xf32>
    tpu.vector_store %arg12[%swap3A, %swap3A_310], %logistic3A_309 {strides = array<i32>} : memref<1x1xf32, #tpu.memory_space<vmem>>, vector<1x1xf32>,
    return
  }
}

</mosaic_0001>

<sc_bundles>
// kernel: kernel.11.cloned.1.call-start
scs
__scs_entry_jumppad:
0x0: {  	(pc) =	sbr.rel $0x88, $3  }
0x1: {  	(tag) =	ssettag $0x0;
	lr =	simm.s32 $0x1  }
0x2: {  	[smem:$0x3F8F] =	sst lr;
	_ =	strace $0xD0000000  }
0x3: {  	_ = 	snop  }
0x4: {  	_ = 	snop  }
0x5: {  	_ = 	snop  }
0x6: {  	_ = 	snop  }
0x7: {  	_ = 	snop  }
__scs_overlays_trampoline_lowered:
0x8: {  	[smem:$0x3F9E] =	sst s0  }
0x9: {  	[smem:$0x3F9F] =	sst s1  }
0xa: {  	[smem:$0x3FA0] =	sst s2  }
0xb: {  	[smem:$0x3FA1] =	sst s3  }
0xc: {  	[smem:$0x3FA2] =	sst s4  }
0xd: {  	[smem:$0x3FA3] =	sst s5  }
0xe: {  	[smem:$0x3FA4] =	sst s6  }
0xf: {  	[smem:$0x3FA5] =	sst s7  }
0x10: {  	[smem:$0x3FA6] =	sst s8  }
0x11: {  	[smem:$0x3FA7] =	sst s9;
	s0 =	simm.s32 @!p0 $0x0  }
0x12: {  	s1 =	sld [smem:$0x3F8D];
	s0 =	simm.s32 @p0 $0x1  }
0x13: {  	[smem:$0x3FA8] =	sst s0;
	s0 =	simm.s32 @!p1 $0x0  }
0x14: {  	s2 =	sld [smem:$0x3F8C];
	s0 =	simm.s32 @p1 $0x1  }
0x15: {  	[smem:$0x3FA9] =	sst s0;
	s0 =	simm.s32 @!p2 $0x0  }
0x16: {  	s3 =	sld [smem:$0x3FDB];
	s0 =	simm.s32 @p2 $0x1  }
0x17: {  	s4 =	simm.s32 $0x1BF5;
	[smem:$0x3FAB] =	sst s0  }
0x18: {  	s0 =	sld [smem:$0x3F8E];
	_ =	swait.ge [sflag:s4], $0x0  }
0x19: {  	s7 =	sld [smem:$0x3F8F]  }
0x1a: {  	s8 =	sadd.s32 $0xFFFFE003, lr  }
0x1b: {  	s9 =	sadd.s32 $0xFFFFFEF7, lr;
	s5 =	simm.s32 $0xFFFFFFFF;
	p2 =	slt.u32 s8, $0xFFFFF086  }
0x1c: {  	p1 =	slt.u32 s9, $0xF7A;
	s5 =	simm.s32 @!p2 $0x0  }
0x1d: {  	s5 =	simm.s32 @p1 $0x1;
	p0 =	seq.s32 s7, s2  }
0x1e: {  	s7 =	smul.u32 @!p0 $0xF7A, s2;
	p2 =	seq.s32 @!p0 s5, $0x0  }
0x1f: {  	s9 =	smul.u32 $0xF7A, s1;
	s8 =	simm.s32 @!p0 $0x1BF5;
	p2 =	por !p2, p0  }
0x20: {  	[sflag:s8] =	ssyncset.s32 @!p0 $0xFFFFF086;
	s6 =	sadd.s32 @!p0 s3, s7;
	s7 =	simm.s32 @!p0 $0x108  }
0x21: {  	s3 =	sadd.s32 s3, s9;
	s6 =	sadd.s32 @!p0 $0x88, s6;
	s7 =	simm.s32 @p2 $0x1082  }
0x22: {  	[simem:s7], [sflag:s8] =	dma.local @!p0 [hbm:s6], $0xF7A  }
0x23: {  	s9 =	sor.u32 $0xD0000000, s2;
	s6 =	simm.s32 $0x108;
	_ =	swait.ge @!p0 [sflag:s8], $0x0  }
0x24: {  	s3 =	sadd.s32 $0x88, s3;
	s6 =	simm.s32 @!p1 $0x1082;
	[sflag:s4] =	ssyncset.s32 $0xFFFFF086  }
0x25: {  	[simem:s6], [sflag:s4] =	dma.local [hbm:s3], $0xF7A  }
0x26: {  	[smem:$0x3F8F] =	sst s1;
	(tag) =	ssettag s2;
	_ =	strace s9  }
0x27: {  	s1 =	sld [smem:$0x3F9F]  }
0x28: {  	s2 =	sld [smem:$0x3FA0]  }
0x29: {  	s4 =	sld [smem:$0x3FA2]  }
0x2a: {  	p0 =	seq.s32 s5, $0x0;
	s5 =	sld [smem:$0x3FA3]  }
0x2b: {  	s6 =	sld [smem:$0x3FA4]  }
0x2c: {  	s7 =	sld [smem:$0x3FA5]  }
0x2d: {  	s3 =	simm.s32 $0x108;
	s8 =	sld [smem:$0x3FA6]  }
0x2e: {  	s3 =	simm.s32 @!p0 $0x1082;
	s9 =	sld [smem:$0x3FA7]  }
0x2f: {  	lr =	sadd.s32 s0, s3;
	s0 =	sld [smem:$0x3F9E]  }
0x30: {  	s3 =	sld [smem:$0x3FA1]  }
0x31: {  	[smem:$0x3FAA] =	sst s10  }
0x32: {  	s10 =	sld [smem:$0x3FA8];
	_ =	sdelay $0x3  }
0x33: {  	p0 =	seq.s32 s10, $0x1;
	s10 =	sld [smem:$0x3FAA];
	_ =	sdelay $0x3  }
0x34: {  	[smem:$0x3FAA] =	sst s10  }
0x35: {  	s10 =	sld [smem:$0x3FA9];
	_ =	sdelay $0x3  }
0x36: {  	p1 =	seq.s32 s10, $0x1;
	s10 =	sld [smem:$0x3FAA];
	_ =	sdelay $0x3  }
0x37: {  	[smem:$0x3FAA] =	sst s10  }
0x38: {  	s10 =	sld [smem:$0x3FAB]  }
0x39: {  	_ = 	snop;
	(pc) =	sbr.ind lr, $3  }
0x3a: {  	_ = 	snop  }
0x3b: {  	_ = 	snop  }
0x3c: {  	p2 =	seq.s32 s10, $0x1;
	s10 =	sld [smem:$0x3FAA]  }
0x3d: {  	_ =	shalt  }
0x3e: {  	_ =	shalt  }
0x3f: {  	_ =	shalt  }
0x40: {  	_ =	shalt  }
0x41: {  	_ =	shalt  }
0x42: {  	_ =	shalt  }
0x43: {  	_ =	shalt  }
0x44: {  	_ =	shalt  }
0x45: {  	_ =	shalt  }
0x46: {  	_ =	shalt  }
0x47: {  	_ =	shalt  }
0x48: {  	_ =	shalt  }
0x49: {  	_ =	shalt  }
0x4a: {  	_ =	shalt  }
0x4b: {  	_ =	shalt  }
0x4c: {  	_ =	shalt  }
0x4d: {  	_ =	shalt  }
0x4e: {  	_ =	shalt  }
0x4f: {  	_ =	shalt  }
0x50: {  	_ =	shalt  }
0x51: {  	_ =	shalt  }
0x52: {  	_ =	shalt  }
0x53: {  	_ =	shalt  }
0x54: {  	_ =	shalt  }
0x55: {  	_ =	shalt  }
0x56: {  	_ =	shalt  }
0x57: {  	_ =	shalt  }
0x58: {  	_ =	shalt  }
0x59: {  	_ =	shalt  }
0x5a: {  	_ =	shalt  }
0x5b: {  	_ =	shalt  }
0x5c: {  	_ =	shalt  }
0x5d: {  	_ =	shalt  }
0x5e: {  	_ =	shalt  }
0x5f: {  	_ =	shalt  }
0x60: {  	_ =	shalt  }
0x61: {  	_ =	shalt  }
0x62: {  	_ =	shalt  }
0x63: {  	_ =	shalt  }
0x64: {  	_ =	shalt  }
0x65: {  	_ =	shalt  }
0x66: {  	_ =	shalt  }
0x67: {  	_ =	shalt  }
0x68: {  	_ =	shalt  }
0x69: {  	_ =	shalt  }
0x6a: {  	_ =	shalt  }
0x6b: {  	_ =	shalt  }
0x6c: {  	_ =	shalt  }
0x6d: {  	_ =	shalt  }
0x6e: {  	_ =	shalt  }
0x6f: {  	_ =	shalt  }
0x70: {  	_ =	shalt  }
0x71: {  	_ =	shalt  }
0x72: {  	_ =	shalt  }
0x73: {  	_ =	shalt  }
0x74: {  	_ =	shalt  }
0x75: {  	_ =	shalt  }
0x76: {  	_ =	shalt  }
0x77: {  	_ =	shalt  }
0x78: {  	_ =	shalt  }
0x79: {  	_ =	shalt  }
0x7a: {  	_ =	shalt  }
0x7b: {  	_ =	shalt  }
0x7c: {  	_ =	shalt  }
0x7d: {  	_ =	shalt  }
0x7e: {  	_ =	shalt  }
0x7f: {  	_ =	shalt  }
0x80: {  	_ =	shalt  }
0x81: {  	_ =	shalt  }
0x82: {  	_ =	shalt  }
0x83: {  	_ =	shalt  }
0x84: {  	_ =	shalt  }
0x85: {  	_ =	shalt  }
0x86: {  	_ =	shalt  }
0x87: {  	_ =	shalt  }
.Lfunc_end0:
.L_simem_size_0:
called_computation_lowered:
.L_overlay_start_0:
0x88: {  	s2 =	sld [smem:$0x3FD9]  }
0x89: {  	s3 =	sld [smem:$0x3FFE];
	_ =	sdelay $0x1  }
0x8a: {  	s1 =	srdreg.scid  }
0x8b: {  	s0 =	sand.u32 $0x1, s1  }
0x8c: {  	s16 =	sshll.u32 s0, $0xA;
	s2 =	sadd.s32 s3, s2  }
0x8d: {  	s2 =	sadd.s32 s2, s16  }
0x8e: {  	[smem:$0x3FB6] =	sst s2  }
0x8f: {  	_ = 	snop  }
0x90: {  	(tm) =	ssettm $0x1  }
0x91: {  	s17 =	sld [smem:$0x3FFB];
	_ =	sdelay $0x3  }
0x92: {  	_ =	strace s17  }
0x93: {  	s2 =	sld [smem:$0x3FFC];
	_ =	sdelay $0x3  }
0x94: {  	_ =	strace s2  }
0x95: {  	s2 =	sld [smem:$0x3FFD];
	_ =	sdelay $0x3  }
0x96: {  	_ =	strace s2  }
0x97: {  	_ =	strace $0x8FFFFFFF  }
0x98: {  	s18 =	sld [smem:$0x3FDB];
	_ =	sdelay $0x1  }
0x99: {  	s19 =	simm.s32 $_scs_section_size  }
0x9a: {  	s4 =	simm.s32 $_size__tile_overlayer_lowered;
	s5 =	simm.s32 $_tile_overlayer_lowered  }
0x9b: {  	s22 =	simm.s32 $0x1BFF;
	s21 =	sshll.u32 s5, $0x1;
	s2 =	sadd.s32 s19, s18  }
0x9c: {  	s6 =	simm.s32 $0x0;
	s20 =	sshll.u32 s4, $0x1;
	s4 =	sadd.s32 s21, s2  }
0x9d: {  	[timem:s6], [sflag:s22] =	dma.local [hbm:s4], s20  }
0x9e: {  	_ =	swait.ge [sflag:s22], s20  }
0x9f: {  	s3 =	ssub.s32 $0x0, s20;
	[sflag:s22] =	ssyncset.done $0x0  }
0xa0: {  	[sflag:s22] =	ssyncadd.s32 s3;
	_ =	sdelay $0x1  }
0xa1: {  	s23 =	simm.s32 $0x1B8B  }
0xa2: {  	_ =	swait.ge [sflag:s23], $0x1  }
0xa3: {  	[sflag:s23] =	ssyncset.done $0x0  }
0xa4: {  	s25 =	simm.s32 $0x1B8E;
	s24 =	sld [smem:$0x3FFE];
	[sflag:s23] =	ssyncadd.s32 $0xFFFFFFFF  }
0xa5: {  	s26 =	simm.s32 $execute0_lowered;
	[smem:$0x3FD2] =	sst s25  }
0xa6: {  	s4 =	sshll.u32 s26, $0x1;
	_ =	strace $0x80000046;
	[dreg:$0x1] =	wrdreg $0xFFFFFFFF  }
0xa7: {  	s28 =	simm.s32 $_size_execute0_lowered;
	s2 =	sadd.s32 s2, s4;
	[dreg:$0x0] =	wrdreg $0x0  }
0xa8: {  	s4 =	sshll.u32 s28, $0x1;
	[dreg:$0x2] =	wrdreg s2  }
0xa9: {  	[dreg:$0x3] =	wrdreg s4  }
0xaa: {  	[dreg:$0x4] =	wrdreg $0xC0  }
0xab: {  	_ =	task [dreg:s6], $0x5FFFF  }
0xac: {  	[dreg:$0x1] =	wrdreg $0xFFFFFFFF  }
0xad: {  	[dreg:$0x0] =	wrdreg $0x60  }
0xae: {  	[dreg:$0x2] =	wrdreg s24  }
0xaf: {  	[dreg:$0x3] =	wrdreg $0x0  }
0xb0: {  	[dreg:$0x4] =	wrdreg $0x9  }
0xb1: {  	_ =	task.clear_ibuf [dreg:s6], $0x5FFFF;
	_ =	strace $0x90000046  }
0xb2: {  	s29 =	simm.s32 $0x9;
	_ =	strace $0x80000048  }
0xb3: {  	_ =	swait.ge [sflag:s29], $0x1  }
0xb4: {  	[sflag:s29] =	ssyncadd.s32 $0xFFFFFFFF  }
0xb5: {  	_ =	strace $0x90000048  }
0xb6: {  	_ =	sfence  }
0xb7: {  	s30 =	sld [smem:$0x0];
	_ =	sdelay $0x2  }
0xb8: {  	s31 =	sshll.u32 s1, $0xD;
	s1 =	sshrl.u32 s1, $0x2  }
0xb9: {  	s3 =	sand.u32 $0x4000, s31;
	s1 =	sadd.s32 s1, s30  }
0xba: {  	s0 =	sor.u32 s3, s0;
	s1 =	sshll.u32 s1, $0x11  }
0xbb: {  	s0 =	sor.u32 s1, s0  }
0xbc: {  	s0 =	sadd.s32 $0x8F2B, s0  }
0xbd: {  	[sflag:s0] =	ssyncadd.remote.s32 $0x1  }
0xbe: {  	_ =	sfence.sel $0xFFFF  }
0xbf: {  	[dreg:$0x0] =	wrdreg $0xFFFFFFFF;
	(pc) =	sbr.abs _section_cstart, $3  }
0xc0: {  	[dreg:$0x1] =	wrdreg $0xFFFFFFFF  }
0xc1: {  	_ =	task.clear_ibuf [dreg:s6], $0x2FFFF;
	_ =	strace $0x9FFFFFFF  }
0xc2: {  	(tm) =	ssettm $0x7FFFFFFF  }
0xc3: {  	_ =	shalt  }
tec
execute0_lowered:
.L_overlay_start_1:
0x0: {  	(tag) =	ssettag $0x1  }
0x1: {  	s5 =	rddreg [dreg:$0x0]  }
0x2: {  	s0 =	srdreg.scid;
	s2 =	rddreg [dreg:$0x1];
	s3 =	simm.s32 $0x0  }
0x3: {  	s13 =	simm.s32 $0x2780;
	s4 =	sand.u32 $0x1, s0;
	s0 =	stileid.u32  }
0x4: {  	s14 =	simm.s32 $0x80;
	s15 =	simm.s32 $0x0;
	s7 =	smul.u32 $0x2780, s0  }
0x5: {  	[smem:$0x7FF] =	sst s3;
	s1 =	sshll.u32 s4, $0x4;
	s8 =	smul.u32 $0x4F0, s0  }
0x6: {  	s10 =	smul.u32 $0x4F00, s4;
	s29 =	ssub.s32 $0x2, s4;
	s4 =	sadd.s32 $0x1C800, s5  }
0x7: {  	s31 =	sshll.u32 s0, $0x6;
	s1 =	sor.u32 s0, s1;
	s30 =	sshrl.u32 s29, $0x1  }
0x8: {  	s6 =	smul.u32 $0xA00, s1;
	s1 =	rddreg [dreg:$0x2];
	_ =	strace $0x80000047  }
0x9: {  	s9 =	sshrl.u32 s7, $0x3;
	s8 =	sadd.s32 s8, s10;
	s12 =	sadd.s32 s7, s2  }
0xa: {  	s28 =	sadd.s32 s9, s5;
	s8 =	sadd.s32 s8, s5;
	s9 =	ssub.s32 s29, s30  }
0xb: {  	s10 =	sshrl.u32 s12, $0x3;
	s12 =	simm.s32 $0x7780;
	s11 =	sadd.s32 s6, s5  }
0xc: {  	s5 =	sadd.s32 $0x17800, s28;
	s6 =	sor.u32 $0x1C01, s31;
	s8 =	sadd.s32 $0x1CA00, s8  }
0xd: {  	s9 =	smax.u32 s9, $0x1;
	s7 =	sadd.s32 $0x3800, s11;
	s11 =	simm.s32 $0x1  }
.LBB2_1:
0xe: {  	[spmem:s10], [sflag:s6] =	dma.local [hbm:s5], $0x4F0  }
0xf: {  	_ =	swait.ge [sflag:s11], $0x4F0  }
0x10: {  	[sflag:s11] =	ssyncset.done $0x0  }
0x11: {  	[sflag:s11] =	ssyncadd.s32 $0xFFFFFB10  }
0x12: {  	[tilespmem:s12], [sflag:$0x1] =	stream.linear.gather [hbm4b:s4+s3], $0x800, $0x38;
	[tilespmem:$0x7F80] =	vst v63  }
0x13: {  	_ =	swait.ge [sflag:s11], $0x800  }
0x14: {  	[sflag:s11] =	ssyncset.done $0x0  }
0x15: {  	[sflag:s11] =	ssyncadd.s32 $0xFFFFF800  }
0x16: {  	[tilespmem:s13], [sflag:$0x1] =	stream.linear.gather [hbm4b:s7+s3], $0x5000, $0x38;
	[tilespmem:$0x7F80] =	vst v63  }
0x17: {  	_ =	swait.ge [sflag:s11], $0x5000  }
0x18: {  	[sflag:s11] =	ssyncset.done $0x0  }
0x19: {  	[sflag:s11] =	ssyncadd.s32 $0xFFFFB000  }
0x1a: {  	s16 =	simm.s32 $0x2780;
	[bflag:$0x0] =	sbarrier.arrive $0xFFFF  }
0x1b: {  	[spmem:s2] =	stream.indirect.scatter.add.f32 [tilespmem:s12], [sflag:$0x1], $0x10, s16, s14, $0xb8;
	[tilespmem:$0x7F80] =	vst v63  }
0x1c: {  	s16 =	simm.s32 $0x200;
	_ =	swait.ge [sflag:s11], $0x800  }
.LBB2_2:
0x1d: {  	s17 =	sshra.s32 s16, $0x2;
	[sflag:s11] =	ssyncset.done $0x0;
	p0 =	sne.s32 s16, $0x13E00  }
.Ltmp0:
0x1e: {  	s17 =	sadd.s32 $0x2780, s17;
	[sflag:s11] =	ssyncadd.s32 $0xFFFFF800;
	(pc) =	sbr.rel @p0 .LBB2_2-.Ltmp0, $3  }
0x1f: {  	[spmem:s2] =	stream.indirect.scatter.add.f32 [tilespmem:s12], [sflag:$0x1], $0x10, s17, s14, $0xb8;
	[tilespmem:$0x7F80] =	vst v63  }
0x20: {  	s16 =	sadd.s32 $0x200, s16;
	_ =	sdelay $0x1  }
0x21: {  	_ =	swait.ge [sflag:s11], $0x800  }
0x22: {  	[sflag:s11] =	ssyncset.done $0x0;
	s15 =	sadd.s32 $0x1, s15  }
0x23: {  	[sflag:s11] =	ssyncadd.s32 $0xFFFFF800;
	p0 =	sne.s32 s15, s9  }
.Ltmp1:
0x24: {  	[bflag:$0x0] =	sbarrier.arrive $0xFFFF;
	(pc) =	sbr.rel @p0 .LBB2_1-.Ltmp1, $4  }
0x25: {  	[hbm:s8], [sflag:s6] =	dma.local [spmem:s10], $0x4F0  }
0x26: {  	_ =	swait.ge [sflag:s11], $0x4F0  }
0x27: {  	[sflag:s11] =	ssyncset.done $0x0  }
0x28: {  	[sflag:s11] =	ssyncadd.s32 $0xFFFFFB10  }
0x29: {  	_ =	sfence.sel $0x180000  }
0x2a: {  	[bflag:$0x0] =	sbarrier.arrive $0xFFFF  }
0x2b: {  	p0 =	sne.s32 s0, $0x0;
	_ =	strace $0x90000047  }
0x2c: {  	s0 =	sadd.s32 @!p0 $0x100000, s1;
	[bflag:$0x2] =	sbarrier.arrive $0xFFFF  }
0x2d: {  	[sflag:s0] =	ssyncadd.tile.s32 @!p0 $0x1;
	_ =	shalt  }
.Lfunc_end2:
_tile_overlayer_lowered:
.L_overlay_start_2:
0x2e: {  	(tag) =	ssettag $0x2  }
0x2f: {  	s0 =	rddreg [dreg:$0x0];
	s2 =	stileid.u32  }
0x30: {  	s1 =	rddreg [dreg:$0x1];
	p0 =	sne.s32 s2, $0x0  }
0x31: {  	s3 =	rddreg [dreg:$0x2];
	[bflag:$0x3] =	sbarrier.arrive $0xFFFF;
	s2 =	simm.s32 @!p0 $0x1C01  }
0x32: {  	[timem:s3], [sflag:s2] =	dma.local @!p0 [hbm:s0], s1  }
0x33: {  	s0 =	simm.s32 @!p0 $0x1  }
0x34: {  	_ =	swait.ge @!p0 [sflag:s0], s1  }
0x35: {  	s1 =	ssub.s32 @!p0 $0x0, s1;
	[sflag:s0] =	ssyncset.done @!p0 $0x0  }
0x36: {  	[sflag:s0] =	ssyncadd.s32 @!p0 s1  }
0x37: {  	[bflag:$0x3] =	sbarrier.arrive $0xFFFF  }
0x38: {  	_ =	shalt  }

// kernel: kernel.14.cloned.1.call-start
scs
__scs_entry_jumppad:
0x0: {  	(pc) =	sbr.rel $0x88, $3  }
0x1: {  	(tag) =	ssettag $0x0;
	lr =	simm.s32 $0x1  }
0x2: {  	[smem:$0x3F8F] =	sst lr;
	_ =	strace $0xD0000000  }
0x3: {  	_ = 	snop  }
0x4: {  	_ = 	snop  }
0x5: {  	_ = 	snop  }
0x6: {  	_ = 	snop  }
0x7: {  	_ = 	snop  }
__scs_overlays_trampoline_lowered:
0x8: {  	[smem:$0x3F9E] =	sst s0  }
0x9: {  	[smem:$0x3F9F] =	sst s1  }
0xa: {  	[smem:$0x3FA0] =	sst s2  }
0xb: {  	[smem:$0x3FA1] =	sst s3  }
0xc: {  	[smem:$0x3FA2] =	sst s4  }
0xd: {  	[smem:$0x3FA3] =	sst s5  }
0xe: {  	[smem:$0x3FA4] =	sst s6  }
0xf: {  	[smem:$0x3FA5] =	sst s7  }
0x10: {  	[smem:$0x3FA6] =	sst s8  }
0x11: {  	[smem:$0x3FA7] =	sst s9;
	s0 =	simm.s32 @!p0 $0x0  }
0x12: {  	s1 =	sld [smem:$0x3F8D];
	s0 =	simm.s32 @p0 $0x1  }
0x13: {  	[smem:$0x3FA8] =	sst s0;
	s0 =	simm.s32 @!p1 $0x0  }
0x14: {  	s2 =	sld [smem:$0x3F8C];
	s0 =	simm.s32 @p1 $0x1  }
0x15: {  	[smem:$0x3FA9] =	sst s0;
	s0 =	simm.s32 @!p2 $0x0  }
0x16: {  	s3 =	sld [smem:$0x3FDB];
	s0 =	simm.s32 @p2 $0x1  }
0x17: {  	s4 =	simm.s32 $0x1BF5;
	[smem:$0x3FAB] =	sst s0  }
0x18: {  	s0 =	sld [smem:$0x3F8E];
	_ =	swait.ge [sflag:s4], $0x0  }
0x19: {  	s7 =	sld [smem:$0x3F8F]  }
0x1a: {  	s8 =	sadd.s32 $0xFFFFE003, lr  }
0x1b: {  	s9 =	sadd.s32 $0xFFFFFEF7, lr;
	s5 =	simm.s32 $0xFFFFFFFF;
	p2 =	slt.u32 s8, $0xFFFFF086  }
0x1c: {  	p1 =	slt.u32 s9, $0xF7A;
	s5 =	simm.s32 @!p2 $0x0  }
0x1d: {  	s5 =	simm.s32 @p1 $0x1;
	p0 =	seq.s32 s7, s2  }
0x1e: {  	s7 =	smul.u32 @!p0 $0xF7A, s2;
	p2 =	seq.s32 @!p0 s5, $0x0  }
0x1f: {  	s9 =	smul.u32 $0xF7A, s1;
	s8 =	simm.s32 @!p0 $0x1BF5;
	p2 =	por !p2, p0  }
0x20: {  	[sflag:s8] =	ssyncset.s32 @!p0 $0xFFFFF086;
	s6 =	sadd.s32 @!p0 s3, s7;
	s7 =	simm.s32 @!p0 $0x108  }
0x21: {  	s3 =	sadd.s32 s3, s9;
	s6 =	sadd.s32 @!p0 $0x88, s6;
	s7 =	simm.s32 @p2 $0x1082  }
0x22: {  	[simem:s7], [sflag:s8] =	dma.local @!p0 [hbm:s6], $0xF7A  }
0x23: {  	s9 =	sor.u32 $0xD0000000, s2;
	s6 =	simm.s32 $0x108;
	_ =	swait.ge @!p0 [sflag:s8], $0x0  }
0x24: {  	s3 =	sadd.s32 $0x88, s3;
	s6 =	simm.s32 @!p1 $0x1082;
	[sflag:s4] =	ssyncset.s32 $0xFFFFF086  }
0x25: {  	[simem:s6], [sflag:s4] =	dma.local [hbm:s3], $0xF7A  }
0x26: {  	[smem:$0x3F8F] =	sst s1;
	(tag) =	ssettag s2;
	_ =	strace s9  }
0x27: {  	s1 =	sld [smem:$0x3F9F]  }
0x28: {  	s2 =	sld [smem:$0x3FA0]  }
0x29: {  	s4 =	sld [smem:$0x3FA2]  }
0x2a: {  	p0 =	seq.s32 s5, $0x0;
	s5 =	sld [smem:$0x3FA3]  }
0x2b: {  	s6 =	sld [smem:$0x3FA4]  }
0x2c: {  	s7 =	sld [smem:$0x3FA5]  }
0x2d: {  	s3 =	simm.s32 $0x108;
	s8 =	sld [smem:$0x3FA6]  }
0x2e: {  	s3 =	simm.s32 @!p0 $0x1082;
	s9 =	sld [smem:$0x3FA7]  }
0x2f: {  	lr =	sadd.s32 s0, s3;
	s0 =	sld [smem:$0x3F9E]  }
0x30: {  	s3 =	sld [smem:$0x3FA1]  }
0x31: {  	[smem:$0x3FAA] =	sst s10  }
0x32: {  	s10 =	sld [smem:$0x3FA8];
	_ =	sdelay $0x3  }
0x33: {  	p0 =	seq.s32 s10, $0x1;
	s10 =	sld [smem:$0x3FAA];
	_ =	sdelay $0x3  }
0x34: {  	[smem:$0x3FAA] =	sst s10  }
0x35: {  	s10 =	sld [smem:$0x3FA9];
	_ =	sdelay $0x3  }
0x36: {  	p1 =	seq.s32 s10, $0x1;
	s10 =	sld [smem:$0x3FAA];
	_ =	sdelay $0x3  }
0x37: {  	[smem:$0x3FAA] =	sst s10  }
0x38: {  	s10 =	sld [smem:$0x3FAB]  }
0x39: {  	_ = 	snop;
	(pc) =	sbr.ind lr, $3  }
0x3a: {  	_ = 	snop  }
0x3b: {  	_ = 	snop  }
0x3c: {  	p2 =	seq.s32 s10, $0x1;
	s10 =	sld [smem:$0x3FAA]  }
0x3d: {  	_ =	shalt  }
0x3e: {  	_ =	shalt  }
0x3f: {  	_ =	shalt  }
0x40: {  	_ =	shalt  }
0x41: {  	_ =	shalt  }
0x42: {  	_ =	shalt  }
0x43: {  	_ =	shalt  }
0x44: {  	_ =	shalt  }
0x45: {  	_ =	shalt  }
0x46: {  	_ =	shalt  }
0x47: {  	_ =	shalt  }
0x48: {  	_ =	shalt  }
0x49: {  	_ =	shalt  }
0x4a: {  	_ =	shalt  }
0x4b: {  	_ =	shalt  }
0x4c: {  	_ =	shalt  }
0x4d: {  	_ =	shalt  }
0x4e: {  	_ =	shalt  }
0x4f: {  	_ =	shalt  }
0x50: {  	_ =	shalt  }
0x51: {  	_ =	shalt  }
0x52: {  	_ =	shalt  }
0x53: {  	_ =	shalt  }
0x54: {  	_ =	shalt  }
0x55: {  	_ =	shalt  }
0x56: {  	_ =	shalt  }
0x57: {  	_ =	shalt  }
0x58: {  	_ =	shalt  }
0x59: {  	_ =	shalt  }
0x5a: {  	_ =	shalt  }
0x5b: {  	_ =	shalt  }
0x5c: {  	_ =	shalt  }
0x5d: {  	_ =	shalt  }
0x5e: {  	_ =	shalt  }
0x5f: {  	_ =	shalt  }
0x60: {  	_ =	shalt  }
0x61: {  	_ =	shalt  }
0x62: {  	_ =	shalt  }
0x63: {  	_ =	shalt  }
0x64: {  	_ =	shalt  }
0x65: {  	_ =	shalt  }
0x66: {  	_ =	shalt  }
0x67: {  	_ =	shalt  }
0x68: {  	_ =	shalt  }
0x69: {  	_ =	shalt  }
0x6a: {  	_ =	shalt  }
0x6b: {  	_ =	shalt  }
0x6c: {  	_ =	shalt  }
0x6d: {  	_ =	shalt  }
0x6e: {  	_ =	shalt  }
0x6f: {  	_ =	shalt  }
0x70: {  	_ =	shalt  }
0x71: {  	_ =	shalt  }
0x72: {  	_ =	shalt  }
0x73: {  	_ =	shalt  }
0x74: {  	_ =	shalt  }
0x75: {  	_ =	shalt  }
0x76: {  	_ =	shalt  }
0x77: {  	_ =	shalt  }
0x78: {  	_ =	shalt  }
0x79: {  	_ =	shalt  }
0x7a: {  	_ =	shalt  }
0x7b: {  	_ =	shalt  }
0x7c: {  	_ =	shalt  }
0x7d: {  	_ =	shalt  }
0x7e: {  	_ =	shalt  }
0x7f: {  	_ =	shalt  }
0x80: {  	_ =	shalt  }
0x81: {  	_ =	shalt  }
0x82: {  	_ =	shalt  }
0x83: {  	_ =	shalt  }
0x84: {  	_ =	shalt  }
0x85: {  	_ =	shalt  }
0x86: {  	_ =	shalt  }
0x87: {  	_ =	shalt  }
.Lfunc_end0:
.L_simem_size_0:
called_computation.1_lowered:
.L_overlay_start_0:
0x88: {  	s2 =	sld [smem:$0x3FD9]  }
0x89: {  	s3 =	sld [smem:$0x3FFE];
	_ =	sdelay $0x1  }
0x8a: {  	s1 =	srdreg.scid  }
0x8b: {  	s0 =	sand.u32 $0x1, s1  }
0x8c: {  	s16 =	sshll.u32 s0, $0xA;
	s2 =	sadd.s32 s3, s2  }
0x8d: {  	s2 =	sadd.s32 s2, s16  }
0x8e: {  	[smem:$0x3FB6] =	sst s2  }
0x8f: {  	_ = 	snop  }
0x90: {  	(tm) =	ssettm $0x1  }
0x91: {  	s17 =	sld [smem:$0x3FFB];
	_ =	sdelay $0x3  }
0x92: {  	_ =	strace s17  }
0x93: {  	s2 =	sld [smem:$0x3FFC];
	_ =	sdelay $0x3  }
0x94: {  	_ =	strace s2  }
0x95: {  	s2 =	sld [smem:$0x3FFD];
	_ =	sdelay $0x3  }
0x96: {  	_ =	strace s2  }
0x97: {  	_ =	strace $0x8FFFFFFF  }
0x98: {  	s18 =	sld [smem:$0x3FDB];
	_ =	sdelay $0x1  }
0x99: {  	s19 =	simm.s32 $_scs_section_size  }
0x9a: {  	s4 =	simm.s32 $_size__tile_overlayer_lowered;
	s5 =	simm.s32 $_tile_overlayer_lowered  }
0x9b: {  	s22 =	simm.s32 $0x1BFF;
	s21 =	sshll.u32 s5, $0x1;
	s2 =	sadd.s32 s19, s18  }
0x9c: {  	s6 =	simm.s32 $0x0;
	s20 =	sshll.u32 s4, $0x1;
	s4 =	sadd.s32 s21, s2  }
0x9d: {  	[timem:s6], [sflag:s22] =	dma.local [hbm:s4], s20  }
0x9e: {  	_ =	swait.ge [sflag:s22], s20  }
0x9f: {  	s3 =	ssub.s32 $0x0, s20;
	[sflag:s22] =	ssyncset.done $0x0  }
0xa0: {  	[sflag:s22] =	ssyncadd.s32 s3;
	_ =	sdelay $0x1  }
0xa1: {  	s23 =	simm.s32 $0x1B8B  }
0xa2: {  	_ =	swait.ge [sflag:s23], $0x1  }
0xa3: {  	[sflag:s23] =	ssyncset.done $0x0  }
0xa4: {  	s25 =	simm.s32 $0x1B8E;
	s24 =	sld [smem:$0x3FFE];
	[sflag:s23] =	ssyncadd.s32 $0xFFFFFFFF  }
0xa5: {  	s26 =	simm.s32 $execute0_lowered;
	[smem:$0x3FD2] =	sst s25  }
0xa6: {  	s4 =	sshll.u32 s26, $0x1;
	_ =	strace $0x80000049;
	[dreg:$0x1] =	wrdreg $0xFFFFFFFF  }
0xa7: {  	s28 =	simm.s32 $_size_execute0_lowered;
	s2 =	sadd.s32 s2, s4;
	[dreg:$0x0] =	wrdreg $0x0  }
0xa8: {  	s4 =	sshll.u32 s28, $0x1;
	[dreg:$0x2] =	wrdreg s2  }
0xa9: {  	[dreg:$0x3] =	wrdreg s4  }
0xaa: {  	[dreg:$0x4] =	wrdreg $0xC0  }
0xab: {  	_ =	task [dreg:s6], $0x5FFFF  }
0xac: {  	[dreg:$0x1] =	wrdreg $0xFFFFFFFF  }
0xad: {  	[dreg:$0x0] =	wrdreg $0x60  }
0xae: {  	[dreg:$0x2] =	wrdreg s24  }
0xaf: {  	[dreg:$0x3] =	wrdreg $0x0  }
0xb0: {  	[dreg:$0x4] =	wrdreg $0x9  }
0xb1: {  	_ =	task.clear_ibuf [dreg:s6], $0x5FFFF;
	_ =	strace $0x90000049  }
0xb2: {  	s29 =	simm.s32 $0x9;
	_ =	strace $0x8000004B  }
0xb3: {  	_ =	swait.ge [sflag:s29], $0x1  }
0xb4: {  	[sflag:s29] =	ssyncadd.s32 $0xFFFFFFFF  }
0xb5: {  	_ =	strace $0x9000004B  }
0xb6: {  	_ =	sfence  }
0xb7: {  	s30 =	sld [smem:$0x0];
	_ =	sdelay $0x2  }
0xb8: {  	s31 =	sshll.u32 s1, $0xD;
	s1 =	sshrl.u32 s1, $0x2  }
0xb9: {  	s3 =	sand.u32 $0x4000, s31;
	s1 =	sadd.s32 s1, s30  }
0xba: {  	s0 =	sor.u32 s3, s0;
	s1 =	sshll.u32 s1, $0x11  }
0xbb: {  	s0 =	sor.u32 s1, s0  }
0xbc: {  	s0 =	sadd.s32 $0x8F2B, s0  }
0xbd: {  	[sflag:s0] =	ssyncadd.remote.s32 $0x1  }
0xbe: {  	_ =	sfence.sel $0xFFFF  }
0xbf: {  	[dreg:$0x0] =	wrdreg $0xFFFFFFFF;
	(pc) =	sbr.abs _section_cstart, $3  }
0xc0: {  	[dreg:$0x1] =	wrdreg $0xFFFFFFFF  }
0xc1: {  	_ =	task.clear_ibuf [dreg:s6], $0x2FFFF;
	_ =	strace $0x9FFFFFFF  }
0xc2: {  	(tm) =	ssettm $0x7FFFFFFF  }
0xc3: {  	_ =	shalt  }
tec
execute0_lowered:
.L_overlay_start_1:
0x0: {  	(tag) =	ssettag $0x1  }
0x1: {  	s0 =	srdreg.scid  }
0x2: {  	s10 =	stileid.u32;
	s5 =	rddreg [dreg:$0x0]  }
0x3: {  	s2 =	rddreg [dreg:$0x1];
	s3 =	simm.s32 $0x0;
	s12 =	simm.s32 $0x3  }
0x4: {  	s13 =	simm.s32 $0x9E00;
	s14 =	simm.s32 $0xEE00;
	s15 =	simm.s32 $0x80  }
0x5: {  	s16 =	simm.s32 $0x13E00;
	s18 =	simm.s32 $0x15E00;
	s20 =	simm.s32 $0x17E00  }
0x6: {  	s21 =	simm.s32 $0x1;
	s23 =	simm.s32 $0x19E00;
	s29 =	simm.s32 $0x2  }
0x7: {  	s17 =	simm.s32 $0xA180;
	s19 =	simm.s32 $0x0;
	s6 =	smul.u32 $0x9E00, s10  }
0x8: {  	s0 =	sand.u32 $0x1, s0;
	s7 =	smul.u32 $0x13C0, s10;
	[smem:$0x7FF] =	sst s3  }
0x9: {  	s4 =	sadd.s32 $0x88A00, s5;
	s31 =	sshll.u32 s10, $0x6;
	s1 =	sshll.u32 s0, $0x4  }
0xa: {  	s8 =	smul.u32 $0x13C00, s0;
	_ =	strace $0x8000004A;
	s0 =	ssub.s32 $0x2, s0  }
0xb: {  	s1 =	sor.u32 s10, s1;
	s9 =	sshrl.u32 s6, $0x3;
	s30 =	sshrl.u32 s0, $0x1  }
0xc: {  	s11 =	sadd.s32 s6, s2;
	s6 =	sor.u32 $0x1C03, s31;
	s1 =	smul.u32 $0xA00, s1  }
.Ltmp0:
0xd: {  	s7 =	sadd.s32 s7, s8;
	s26 =	sadd.s32 s9, s5;
	(pc) =	sbr.rel .LBB2_1-.Ltmp0, $4  }
0xe: {  	s0 =	ssub.s32 s0, s30;
	s11 =	sshrl.u32 s11, $0x3;
	s28 =	sadd.s32 s7, s5  }
0xf: {  	s10 =	smax.u32 s0, $0x1;
	s0 =	simm.s32 $0xF000;
	s1 =	sadd.s32 s1, s5  }
0x10: {  	s5 =	sadd.s32 $0xAFC00, s26;
	s9 =	sadd.s32 $0xC3800, s28;
	s26 =	simm.s32 $0x1BE00  }
0x11: {  	s7 =	sadd.s32 $0x74A00, s1;
	s8 =	sadd.s32 $0x3800, s1;
	s1 =	simm.s32 $0xA100  }
.LBB2_4:
0x12: {  	_ =	swait.ge [sflag:s29], $0x2000  }
0x13: {  	[sflag:s29] =	ssyncset.done $0x0  }
0x14: {  	[sflag:s29] =	ssyncadd.s32 $0xFFFFE000  }
0x15: {  	_ =	swait.ge [sflag:s29], $0x2000  }
0x16: {  	s19 =	sadd.s32 $0x1, s19;
	[sflag:s29] =	ssyncset.done $0x0  }
0x17: {  	p0 =	sne.s32 s19, s10;
	[sflag:s29] =	ssyncadd.s32 $0xFFFFE000  }
.Ltmp1:
0x18: {  	[bflag:$0x0] =	sbarrier.arrive $0xFFFF;
	(pc) =	sbr.rel @!p0 .LBB2_5-.Ltmp1, $4  }
0x19: {  	[hbm:s9], [sflag:s6] =	dma.local [spmem:s11], $0x13C0  }
0x1a: {  	_ =	swait.ge [sflag:s12], $0x13C0  }
0x1b: {  	[sflag:s12] =	ssyncset.done $0x0  }
0x1c: {  	[sflag:s12] =	ssyncadd.s32 $0xFFFFEC40  }
.LBB2_1:
0x1d: {  	[spmem:s11], [sflag:s6] =	dma.local [hbm:s5], $0x13C0  }
0x1e: {  	_ =	swait.ge [sflag:s12], $0x13C0  }
0x1f: {  	[sflag:s12] =	ssyncset.done $0x0  }
0x20: {  	[sflag:s12] =	ssyncadd.s32 $0xFFFFEC40  }
0x21: {  	[tilespmem:s13], [sflag:$0x3] =	stream.linear.gather [hbm4b:s7+s3], $0x5000, $0x38;
	[tilespmem:$0x1DE00] =	vst v63  }
0x22: {  	_ =	swait.ge [sflag:s12], $0x5000  }
0x23: {  	[sflag:s12] =	ssyncset.done $0x0  }
0x24: {  	[sflag:s12] =	ssyncadd.s32 $0xFFFFB000  }
0x25: {  	[tilespmem:s14], [sflag:$0x3] =	stream.linear.gather [hbm4b:s8+s3], $0x5000, $0x38;
	[tilespmem:$0x1DE00] =	vst v63  }
0x26: {  	_ =	swait.ge [sflag:s12], $0x5000  }
0x27: {  	[sflag:s12] =	ssyncset.done $0x0  }
0x28: {  	[sflag:s12] =	ssyncadd.s32 $0xFFFFB000  }
0x29: {  	[bflag:$0x0] =	sbarrier.arrive $0xFFFF  }
0x2a: {  	[tilespmem:s16], [sflag:$0x1] =	stream.indirect.gather [hbm4b:s4+s15], $0x40, s13, s15, $0xb8;
	[tilespmem:$0x1DE00] =	vst v63  }
0x2b: {  	s22 =	simm.s32 $0x9E80  }
0x2c: {  	[tilespmem:s18], [sflag:$0x1] =	stream.indirect.gather [hbm4b:s4+s15], $0x40, s22, s15, $0xb8;
	[tilespmem:$0x1DE00] =	vst v63  }
0x2d: {  	s30 =	simm.s32 $0x9F00  }
0x2e: {  	[tilespmem:s20], [sflag:$0x1] =	stream.indirect.gather [hbm4b:s4+s15], $0x40, s30, s15, $0xb8;
	[tilespmem:$0x1DE00] =	vst v63  }
0x2f: {  	_ =	swait.ge [sflag:s21], $0x2000  }
0x30: {  	[sflag:s21] =	ssyncset.done $0x0  }
0x31: {  	[sflag:s21] =	ssyncadd.s32 $0xFFFFE000  }
0x32: {  	[spmem:s2] =	stream.indirect.scatter.add.f32 [tilespmem:s16], [sflag:$0x2], $0x40, s14, s15, $0xb8;
	[tilespmem:$0x1DE00] =	vst v63  }
0x33: {  	s31 =	simm.s32 $0x9F80  }
0x34: {  	[tilespmem:s23], [sflag:$0x1] =	stream.indirect.gather [hbm4b:s4+s15], $0x40, s31, s15, $0xb8;
	[tilespmem:$0x1DE00] =	vst v63  }
0x35: {  	_ =	swait.ge [sflag:s21], $0x2000  }
0x36: {  	[sflag:s21] =	ssyncset.done $0x0  }
0x37: {  	s24 =	simm.s32 $0xEE80;
	[sflag:s21] =	ssyncadd.s32 $0xFFFFE000  }
0x38: {  	[spmem:s2] =	stream.indirect.scatter.add.f32 [tilespmem:s18], [sflag:$0x2], $0x40, s24, s15, $0xb8;
	[tilespmem:$0x1DE00] =	vst v63  }
0x39: {  	s25 =	simm.s32 $0xA000  }
0x3a: {  	[tilespmem:s26], [sflag:$0x1] =	stream.indirect.gather [hbm4b:s4+s15], $0x40, s25, s15, $0xb8;
	[tilespmem:$0x1DE00] =	vst v63  }
0x3b: {  	_ =	swait.ge [sflag:s21], $0x2000  }
0x3c: {  	[sflag:s21] =	ssyncset.done $0x0  }
0x3d: {  	s28 =	simm.s32 $0xEF00;
	[sflag:s21] =	ssyncadd.s32 $0xFFFFE000  }
0x3e: {  	[spmem:s2] =	stream.indirect.scatter.add.f32 [tilespmem:s20], [sflag:$0x2], $0x40, s28, s15, $0xb8;
	[tilespmem:$0x1DE00] =	vst v63  }
0x3f: {  	_ =	swait.ge [sflag:s29], $0x2000  }
0x40: {  	[sflag:s29] =	ssyncset.done $0x0  }
0x41: {  	s30 =	simm.s32 $0xA080;
	[sflag:s29] =	ssyncadd.s32 $0xFFFFE000  }
0x42: {  	[tilespmem:s16], [sflag:$0x1] =	stream.indirect.gather [hbm4b:s4+s15], $0x40, s30, s15, $0xb8;
	[tilespmem:$0x1DE00] =	vst v63  }
0x43: {  	_ =	swait.ge [sflag:s21], $0x2000  }
0x44: {  	[sflag:s21] =	ssyncset.done $0x0  }
0x45: {  	s31 =	simm.s32 $0xEF80;
	[sflag:s21] =	ssyncadd.s32 $0xFFFFE000  }
0x46: {  	[spmem:s2] =	stream.indirect.scatter.add.f32 [tilespmem:s23], [sflag:$0x2], $0x40, s31, s15, $0xb8;
	[tilespmem:$0x1DE00] =	vst v63  }
0x47: {  	_ =	swait.ge [sflag:s29], $0x2000  }
0x48: {  	[sflag:s29] =	ssyncset.done $0x0  }
0x49: {  	[sflag:s29] =	ssyncadd.s32 $0xFFFFE000  }
0x4a: {  	[tilespmem:s18], [sflag:$0x1] =	stream.indirect.gather [hbm4b:s4+s15], $0x40, s1, s15, $0xb8;
	[tilespmem:$0x1DE00] =	vst v63  }
0x4b: {  	_ =	swait.ge [sflag:s21], $0x2000  }
0x4c: {  	[sflag:s21] =	ssyncset.done $0x0  }
0x4d: {  	[sflag:s21] =	ssyncadd.s32 $0xFFFFE000  }
0x4e: {  	[spmem:s2] =	stream.indirect.scatter.add.f32 [tilespmem:s26], [sflag:$0x2], $0x40, s0, s15, $0xb8;
	[tilespmem:$0x1DE00] =	vst v63  }
0x4f: {  	_ =	swait.ge [sflag:s29], $0x2000  }
0x50: {  	[sflag:s29] =	ssyncset.done $0x0  }
0x51: {  	s22 =	simm.s32 $0x0;
	[sflag:s29] =	ssyncadd.s32 $0xFFFFE000  }
0x52: {  	[tilespmem:s20], [sflag:$0x1] =	stream.indirect.gather [hbm4b:s4+s15], $0x40, s17, s15, $0xb8;
	[tilespmem:$0x1DE00] =	vst v63  }
.LBB2_2:
0x53: {  	_ =	swait.ge [sflag:s21], $0x2000  }
0x54: {  	s24 =	sshra.s32 s22, $0x2;
	[sflag:s21] =	ssyncset.done $0x0  }
0x55: {  	s25 =	sadd.s32 $0xF080, s24;
	[sflag:s21] =	ssyncadd.s32 $0xFFFFE000  }
0x56: {  	[spmem:s2] =	stream.indirect.scatter.add.f32 [tilespmem:s16], [sflag:$0x2], $0x40, s25, s15, $0xb8;
	[tilespmem:$0x1DE00] =	vst v63  }
0x57: {  	_ =	swait.ge [sflag:s29], $0x2000  }
0x58: {  	[sflag:s29] =	ssyncset.done $0x0  }
0x59: {  	s30 =	sadd.s32 $0xA200, s24;
	[sflag:s29] =	ssyncadd.s32 $0xFFFFE000  }
0x5a: {  	[tilespmem:s23], [sflag:$0x1] =	stream.indirect.gather [hbm4b:s4+s15], $0x40, s30, s15, $0xb8;
	[tilespmem:$0x1DE00] =	vst v63  }
0x5b: {  	_ =	swait.ge [sflag:s21], $0x2000  }
0x5c: {  	[sflag:s21] =	ssyncset.done $0x0  }
0x5d: {  	s31 =	sadd.s32 $0xF100, s24;
	[sflag:s21] =	ssyncadd.s32 $0xFFFFE000  }
0x5e: {  	[spmem:s2] =	stream.indirect.scatter.add.f32 [tilespmem:s18], [sflag:$0x2], $0x40, s31, s15, $0xb8;
	[tilespmem:$0x1DE00] =	vst v63  }
0x5f: {  	_ =	swait.ge [sflag:s29], $0x2000  }
0x60: {  	[sflag:s29] =	ssyncset.done $0x0  }
0x61: {  	s28 =	sadd.s32 $0xA280, s24;
	[sflag:s29] =	ssyncadd.s32 $0xFFFFE000  }
0x62: {  	[tilespmem:s26], [sflag:$0x1] =	stream.indirect.gather [hbm4b:s4+s15], $0x40, s28, s15, $0xb8;
	[tilespmem:$0x1DE00] =	vst v63  }
0x63: {  	_ =	swait.ge [sflag:s21], $0x2000  }
0x64: {  	[sflag:s21] =	ssyncset.done $0x0  }
0x65: {  	s30 =	sadd.s32 $0xF180, s24;
	[sflag:s21] =	ssyncadd.s32 $0xFFFFE000  }
0x66: {  	[spmem:s2] =	stream.indirect.scatter.add.f32 [tilespmem:s20], [sflag:$0x2], $0x40, s30, s15, $0xb8;
	[tilespmem:$0x1DE00] =	vst v63  }
0x67: {  	_ =	swait.ge [sflag:s29], $0x2000  }
0x68: {  	p0 =	seq.s32 s22, $0x12C00;
	[sflag:s29] =	ssyncset.done $0x0  }
0x69: {  	s25 =	simm.s32 @p0 $0x1;
	[sflag:s29] =	ssyncadd.s32 $0xFFFFE000  }
0x6a: {  	_ =	swait.ge @p0 [sflag:s25], $0x2000  }
0x6b: {  	[sflag:s25] =	ssyncset.done @p0 $0x0  }
0x6c: {  	[sflag:s25] =	ssyncadd.s32 @p0 $0xFFFFE000;
	s25 =	sshra.s32 @p0 s22, $0x2  }
0x6d: {  	s28 =	simm.s32 @p0 $0x80;
	s30 =	simm.s32 @p0 $0x19E00;
	s25 =	sadd.s32 @p0 $0xF200, s25  }
0x6e: {  	[spmem:s2] =	stream.indirect.scatter.add.f32 @p0 [tilespmem:s30], [sflag:$0x2], $0x40, s25, s28, $0xb8;
	[tilespmem:$0x1DE00] =	vst v63  }
0x6f: {  	s25 =	simm.s32 @p0 $0x2  }
0x70: {  	_ =	swait.ge @p0 [sflag:s25], $0x2000  }
0x71: {  	[sflag:s25] =	ssyncset.done @p0 $0x0  }
0x72: {  	[sflag:s25] =	ssyncadd.s32 @p0 $0xFFFFE000;
	s25 =	sshra.s32 @!p0 s22, $0x2  }
0x73: {  	s31 =	simm.s32 @!p0 $0x13E00;
	s30 =	simm.s32 @!p0 $0x80;
	s28 =	sadd.s32 @!p0 $0xA300, s25  }
0x74: {  	[tilespmem:s31], [sflag:$0x1] =	stream.indirect.gather @!p0 [hbm4b:s4+s30], $0x40, s28, s30, $0xb8;
	[tilespmem:$0x1DE00] =	vst v63  }
0x75: {  	s28 =	simm.s32 @!p0 $0x1  }
0x76: {  	_ =	swait.ge @!p0 [sflag:s28], $0x2000  }
0x77: {  	[sflag:s28] =	ssyncset.done @!p0 $0x0  }
0x78: {  	s31 =	simm.s32 @!p0 $0x19E00;
	[sflag:s28] =	ssyncadd.s32 @!p0 $0xFFFFE000;
	s28 =	sadd.s32 @!p0 $0xF200, s25  }
0x79: {  	[spmem:s2] =	stream.indirect.scatter.add.f32 @!p0 [tilespmem:s31], [sflag:$0x2], $0x40, s28, s30, $0xb8;
	[tilespmem:$0x1DE00] =	vst v63  }
0x7a: {  	s28 =	simm.s32 @!p0 $0x2  }
0x7b: {  	_ =	swait.ge @!p0 [sflag:s28], $0x2000  }
0x7c: {  	[sflag:s28] =	ssyncset.done @!p0 $0x0  }
0x7d: {  	s25 =	sadd.s32 @!p0 $0xA380, s25;
	[sflag:s28] =	ssyncadd.s32 @!p0 $0xFFFFE000;
	s28 =	simm.s32 @!p0 $0x15E00  }
0x7e: {  	[tilespmem:s28], [sflag:$0x1] =	stream.indirect.gather @!p0 [hbm4b:s4+s30], $0x40, s25, s30, $0xb8;
	[tilespmem:$0x1DE00] =	vst v63  }
0x7f: {  	_ =	swait.ge [sflag:s21], $0x2000  }
0x80: {  	[sflag:s21] =	ssyncset.done $0x0  }
.Ltmp2:
0x81: {  	s31 =	sadd.s32 $0xF280, s24;
	[sflag:s21] =	ssyncadd.s32 $0xFFFFE000;
	(pc) =	sbr.rel @p0 .LBB2_4-.Ltmp2, $4  }
0x82: {  	[spmem:s2] =	stream.indirect.scatter.add.f32 [tilespmem:s26], [sflag:$0x2], $0x40, s31, s15, $0xb8;
	[tilespmem:$0x1DE00] =	vst v63  }
0x83: {  	_ =	swait.ge [sflag:s29], $0x2000  }
0x84: {  	[sflag:s29] =	ssyncset.done $0x0  }
0x85: {  	[sflag:s29] =	ssyncadd.s32 $0xFFFFE000  }
.Ltmp3:
0x86: {  	(pc) =	sbr.rel .LBB2_2-.Ltmp3, $3  }
0x87: {  	_ =	sdelay $0x1  }
0x88: {  	s24 =	sadd.s32 $0xA400, s24;
	s22 =	sadd.s32 $0xA00, s22  }
0x89: {  	[tilespmem:s20], [sflag:$0x1] =	stream.indirect.gather [hbm4b:s4+s15], $0x40, s24, s15, $0xb8;
	[tilespmem:$0x1DE00] =	vst v63  }
.LBB2_5:
0x8a: {  	_ =	sfence.sel $0x180000  }
0x8b: {  	[bflag:$0x0] =	sbarrier.arrive $0xFFFF  }
0x8c: {  	_ =	strace $0x9000004A  }
0x8d: {  	s0 =	stileid.u32;
	[bflag:$0x2] =	sbarrier.arrive $0xFFFF  }
0x8e: {  	p0 =	sne.s32 s0, $0x0;
	s0 =	rddreg [dreg:$0x2]  }
0x8f: {  	s0 =	sadd.s32 @!p0 $0x100000, s0  }
0x90: {  	[sflag:s0] =	ssyncadd.tile.s32 @!p0 $0x1;
	_ =	shalt  }
.Lfunc_end2:
_tile_overlayer_lowered:
.L_overlay_start_2:
0x91: {  	(tag) =	ssettag $0x2  }
0x92: {  	s0 =	rddreg [dreg:$0x0];
	s2 =	stileid.u32  }
0x93: {  	s1 =	rddreg [dreg:$0x1];
	p0 =	sne.s32 s2, $0x0  }
0x94: {  	s3 =	rddreg [dreg:$0x2];
	[bflag:$0x3] =	sbarrier.arrive $0xFFFF;
	s2 =	simm.s32 @!p0 $0x1C03  }
0x95: {  	[timem:s3], [sflag:s2] =	dma.local @!p0 [hbm:s0], s1  }
0x96: {  	s0 =	simm.s32 @!p0 $0x3  }
0x97: {  	_ =	swait.ge @!p0 [sflag:s0], s1  }
0x98: {  	s1 =	ssub.s32 @!p0 $0x0, s1;
	[sflag:s0] =	ssyncset.done @!p0 $0x0  }
0x99: {  	[sflag:s0] =	ssyncadd.s32 @!p0 s1  }
0x9a: {  	[bflag:$0x3] =	sbarrier.arrive $0xFFFF  }
0x9b: {  	_ =	shalt  }

// kernel: kernel.17.cloned.1.call-start
scs
__scs_entry_jumppad:
0x0: {  	(pc) =	sbr.rel $0x88, $3  }
0x1: {  	(tag) =	ssettag $0x0;
	lr =	simm.s32 $0x1  }
0x2: {  	[smem:$0x3F8F] =	sst lr;
	_ =	strace $0xD0000000  }
0x3: {  	_ = 	snop  }
0x4: {  	_ = 	snop  }
0x5: {  	_ = 	snop  }
0x6: {  	_ = 	snop  }
0x7: {  	_ = 	snop  }
__scs_overlays_trampoline_lowered:
0x8: {  	[smem:$0x3F9E] =	sst s0  }
0x9: {  	[smem:$0x3F9F] =	sst s1  }
0xa: {  	[smem:$0x3FA0] =	sst s2  }
0xb: {  	[smem:$0x3FA1] =	sst s3  }
0xc: {  	[smem:$0x3FA2] =	sst s4  }
0xd: {  	[smem:$0x3FA3] =	sst s5  }
0xe: {  	[smem:$0x3FA4] =	sst s6  }
0xf: {  	[smem:$0x3FA5] =	sst s7  }
0x10: {  	[smem:$0x3FA6] =	sst s8  }
0x11: {  	[smem:$0x3FA7] =	sst s9;
	s0 =	simm.s32 @!p0 $0x0  }
0x12: {  	s1 =	sld [smem:$0x3F8D];
	s0 =	simm.s32 @p0 $0x1  }
0x13: {  	[smem:$0x3FA8] =	sst s0;
	s0 =	simm.s32 @!p1 $0x0  }
0x14: {  	s2 =	sld [smem:$0x3F8C];
	s0 =	simm.s32 @p1 $0x1  }
0x15: {  	[smem:$0x3FA9] =	sst s0;
	s0 =	simm.s32 @!p2 $0x0  }
0x16: {  	s3 =	sld [smem:$0x3FDB];
	s0 =	simm.s32 @p2 $0x1  }
0x17: {  	s4 =	simm.s32 $0x1BF5;
	[smem:$0x3FAB] =	sst s0  }
0x18: {  	s0 =	sld [smem:$0x3F8E];
	_ =	swait.ge [sflag:s4], $0x0  }
0x19: {  	s7 =	sld [smem:$0x3F8F]  }
0x1a: {  	s8 =	sadd.s32 $0xFFFFE003, lr  }
0x1b: {  	s9 =	sadd.s32 $0xFFFFFEF7, lr;
	s5 =	simm.s32 $0xFFFFFFFF;
	p2 =	slt.u32 s8, $0xFFFFF086  }
0x1c: {  	p1 =	slt.u32 s9, $0xF7A;
	s5 =	simm.s32 @!p2 $0x0  }
0x1d: {  	s5 =	simm.s32 @p1 $0x1;
	p0 =	seq.s32 s7, s2  }
0x1e: {  	s7 =	smul.u32 @!p0 $0xF7A, s2;
	p2 =	seq.s32 @!p0 s5, $0x0  }
0x1f: {  	s9 =	smul.u32 $0xF7A, s1;
	s8 =	simm.s32 @!p0 $0x1BF5;
	p2 =	por !p2, p0  }
0x20: {  	[sflag:s8] =	ssyncset.s32 @!p0 $0xFFFFF086;
	s6 =	sadd.s32 @!p0 s3, s7;
	s7 =	simm.s32 @!p0 $0x108  }
0x21: {  	s3 =	sadd.s32 s3, s9;
	s6 =	sadd.s32 @!p0 $0x88, s6;
	s7 =	simm.s32 @p2 $0x1082  }
0x22: {  	[simem:s7], [sflag:s8] =	dma.local @!p0 [hbm:s6], $0xF7A  }
0x23: {  	s9 =	sor.u32 $0xD0000000, s2;
	s6 =	simm.s32 $0x108;
	_ =	swait.ge @!p0 [sflag:s8], $0x0  }
0x24: {  	s3 =	sadd.s32 $0x88, s3;
	s6 =	simm.s32 @!p1 $0x1082;
	[sflag:s4] =	ssyncset.s32 $0xFFFFF086  }
0x25: {  	[simem:s6], [sflag:s4] =	dma.local [hbm:s3], $0xF7A  }
0x26: {  	[smem:$0x3F8F] =	sst s1;
	(tag) =	ssettag s2;
	_ =	strace s9  }
0x27: {  	s1 =	sld [smem:$0x3F9F]  }
0x28: {  	s2 =	sld [smem:$0x3FA0]  }
0x29: {  	s4 =	sld [smem:$0x3FA2]  }
0x2a: {  	p0 =	seq.s32 s5, $0x0;
	s5 =	sld [smem:$0x3FA3]  }
0x2b: {  	s6 =	sld [smem:$0x3FA4]  }
0x2c: {  	s7 =	sld [smem:$0x3FA5]  }
0x2d: {  	s3 =	simm.s32 $0x108;
	s8 =	sld [smem:$0x3FA6]  }
0x2e: {  	s3 =	simm.s32 @!p0 $0x1082;
	s9 =	sld [smem:$0x3FA7]  }
0x2f: {  	lr =	sadd.s32 s0, s3;
	s0 =	sld [smem:$0x3F9E]  }
0x30: {  	s3 =	sld [smem:$0x3FA1]  }
0x31: {  	[smem:$0x3FAA] =	sst s10  }
0x32: {  	s10 =	sld [smem:$0x3FA8];
	_ =	sdelay $0x3  }
0x33: {  	p0 =	seq.s32 s10, $0x1;
	s10 =	sld [smem:$0x3FAA];
	_ =	sdelay $0x3  }
0x34: {  	[smem:$0x3FAA] =	sst s10  }
0x35: {  	s10 =	sld [smem:$0x3FA9];
	_ =	sdelay $0x3  }
0x36: {  	p1 =	seq.s32 s10, $0x1;
	s10 =	sld [smem:$0x3FAA];
	_ =	sdelay $0x3  }
0x37: {  	[smem:$0x3FAA] =	sst s10  }
0x38: {  	s10 =	sld [smem:$0x3FAB]  }
0x39: {  	_ = 	snop;
	(pc) =	sbr.ind lr, $3  }
0x3a: {  	_ = 	snop  }
0x3b: {  	_ = 	snop  }
0x3c: {  	p2 =	seq.s32 s10, $0x1;
	s10 =	sld [smem:$0x3FAA]  }
0x3d: {  	_ =	shalt  }
0x3e: {  	_ =	shalt  }
0x3f: {  	_ =	shalt  }
0x40: {  	_ =	shalt  }
0x41: {  	_ =	shalt  }
0x42: {  	_ =	shalt  }
0x43: {  	_ =	shalt  }
0x44: {  	_ =	shalt  }
0x45: {  	_ =	shalt  }
0x46: {  	_ =	shalt  }
0x47: {  	_ =	shalt  }
0x48: {  	_ =	shalt  }
0x49: {  	_ =	shalt  }
0x4a: {  	_ =	shalt  }
0x4b: {  	_ =	shalt  }
0x4c: {  	_ =	shalt  }
0x4d: {  	_ =	shalt  }
0x4e: {  	_ =	shalt  }
0x4f: {  	_ =	shalt  }
0x50: {  	_ =	shalt  }
0x51: {  	_ =	shalt  }
0x52: {  	_ =	shalt  }
0x53: {  	_ =	shalt  }
0x54: {  	_ =	shalt  }
0x55: {  	_ =	shalt  }
0x56: {  	_ =	shalt  }
0x57: {  	_ =	shalt  }
0x58: {  	_ =	shalt  }
0x59: {  	_ =	shalt  }
0x5a: {  	_ =	shalt  }
0x5b: {  	_ =	shalt  }
0x5c: {  	_ =	shalt  }
0x5d: {  	_ =	shalt  }
0x5e: {  	_ =	shalt  }
0x5f: {  	_ =	shalt  }
0x60: {  	_ =	shalt  }
0x61: {  	_ =	shalt  }
0x62: {  	_ =	shalt  }
0x63: {  	_ =	shalt  }
0x64: {  	_ =	shalt  }
0x65: {  	_ =	shalt  }
0x66: {  	_ =	shalt  }
0x67: {  	_ =	shalt  }
0x68: {  	_ =	shalt  }
0x69: {  	_ =	shalt  }
0x6a: {  	_ =	shalt  }
0x6b: {  	_ =	shalt  }
0x6c: {  	_ =	shalt  }
0x6d: {  	_ =	shalt  }
0x6e: {  	_ =	shalt  }
0x6f: {  	_ =	shalt  }
0x70: {  	_ =	shalt  }
0x71: {  	_ =	shalt  }
0x72: {  	_ =	shalt  }
0x73: {  	_ =	shalt  }
0x74: {  	_ =	shalt  }
0x75: {  	_ =	shalt  }
0x76: {  	_ =	shalt  }
0x77: {  	_ =	shalt  }
0x78: {  	_ =	shalt  }
0x79: {  	_ =	shalt  }
0x7a: {  	_ =	shalt  }
0x7b: {  	_ =	shalt  }
0x7c: {  	_ =	shalt  }
0x7d: {  	_ =	shalt  }
0x7e: {  	_ =	shalt  }
0x7f: {  	_ =	shalt  }
0x80: {  	_ =	shalt  }
0x81: {  	_ =	shalt  }
0x82: {  	_ =	shalt  }
0x83: {  	_ =	shalt  }
0x84: {  	_ =	shalt  }
0x85: {  	_ =	shalt  }
0x86: {  	_ =	shalt  }
0x87: {  	_ =	shalt  }
.Lfunc_end0:
.L_simem_size_0:
called_computation.2_lowered:
.L_overlay_start_0:
0x88: {  	s2 =	sld [smem:$0x3FD9]  }
0x89: {  	s3 =	sld [smem:$0x3FFE];
	_ =	sdelay $0x1  }
0x8a: {  	s1 =	srdreg.scid  }
0x8b: {  	s0 =	sand.u32 $0x1, s1  }
0x8c: {  	s16 =	sshll.u32 s0, $0xA;
	s2 =	sadd.s32 s3, s2  }
0x8d: {  	s2 =	sadd.s32 s2, s16  }
0x8e: {  	[smem:$0x3FB6] =	sst s2  }
0x8f: {  	_ = 	snop  }
0x90: {  	(tm) =	ssettm $0x1  }
0x91: {  	s17 =	sld [smem:$0x3FFB];
	_ =	sdelay $0x3  }
0x92: {  	_ =	strace s17  }
0x93: {  	s2 =	sld [smem:$0x3FFC];
	_ =	sdelay $0x3  }
0x94: {  	_ =	strace s2  }
0x95: {  	s2 =	sld [smem:$0x3FFD];
	_ =	sdelay $0x3  }
0x96: {  	_ =	strace s2  }
0x97: {  	_ =	strace $0x8FFFFFFF  }
0x98: {  	s18 =	sld [smem:$0x3FDB];
	_ =	sdelay $0x1  }
0x99: {  	s19 =	simm.s32 $_scs_section_size  }
0x9a: {  	s4 =	simm.s32 $_size__tile_overlayer_lowered;
	s5 =	simm.s32 $_tile_overlayer_lowered  }
0x9b: {  	s22 =	simm.s32 $0x1BFF;
	s21 =	sshll.u32 s5, $0x1;
	s2 =	sadd.s32 s19, s18  }
0x9c: {  	s6 =	simm.s32 $0x0;
	s20 =	sshll.u32 s4, $0x1;
	s4 =	sadd.s32 s21, s2  }
0x9d: {  	[timem:s6], [sflag:s22] =	dma.local [hbm:s4], s20  }
0x9e: {  	_ =	swait.ge [sflag:s22], s20  }
0x9f: {  	s3 =	ssub.s32 $0x0, s20;
	[sflag:s22] =	ssyncset.done $0x0  }
0xa0: {  	[sflag:s22] =	ssyncadd.s32 s3;
	_ =	sdelay $0x1  }
0xa1: {  	s23 =	simm.s32 $0x1B8B  }
0xa2: {  	_ =	swait.ge [sflag:s23], $0x1  }
0xa3: {  	[sflag:s23] =	ssyncset.done $0x0  }
0xa4: {  	s25 =	simm.s32 $0x1B8E;
	s24 =	sld [smem:$0x3FFE];
	[sflag:s23] =	ssyncadd.s32 $0xFFFFFFFF  }
0xa5: {  	s26 =	simm.s32 $execute0_lowered;
	[smem:$0x3FD2] =	sst s25  }
0xa6: {  	s4 =	sshll.u32 s26, $0x1;
	_ =	strace $0x8000004C;
	[dreg:$0x1] =	wrdreg $0xFFFFFFFF  }
0xa7: {  	s28 =	simm.s32 $_size_execute0_lowered;
	s2 =	sadd.s32 s2, s4;
	[dreg:$0x0] =	wrdreg $0x0  }
0xa8: {  	s4 =	sshll.u32 s28, $0x1;
	[dreg:$0x2] =	wrdreg s2  }
0xa9: {  	[dreg:$0x3] =	wrdreg s4  }
0xaa: {  	[dreg:$0x4] =	wrdreg $0xC0  }
0xab: {  	_ =	task [dreg:s6], $0x5FFFF  }
0xac: {  	[dreg:$0x1] =	wrdreg $0xFFFFFFFF  }
0xad: {  	[dreg:$0x0] =	wrdreg $0x60  }
0xae: {  	[dreg:$0x2] =	wrdreg s24  }
0xaf: {  	[dreg:$0x3] =	wrdreg $0x0  }
0xb0: {  	[dreg:$0x4] =	wrdreg $0x9  }
0xb1: {  	_ =	task.clear_ibuf [dreg:s6], $0x5FFFF;
	_ =	strace $0x9000004C  }
0xb2: {  	s29 =	simm.s32 $0x9;
	_ =	strace $0x8000004E  }
0xb3: {  	_ =	swait.ge [sflag:s29], $0x1  }
0xb4: {  	[sflag:s29] =	ssyncadd.s32 $0xFFFFFFFF  }
0xb5: {  	_ =	strace $0x9000004E  }
0xb6: {  	_ =	sfence  }
0xb7: {  	s30 =	sld [smem:$0x0];
	_ =	sdelay $0x2  }
0xb8: {  	s31 =	sshll.u32 s1, $0xD;
	s1 =	sshrl.u32 s1, $0x2  }
0xb9: {  	s3 =	sand.u32 $0x4000, s31;
	s1 =	sadd.s32 s1, s30  }
0xba: {  	s0 =	sor.u32 s3, s0;
	s1 =	sshll.u32 s1, $0x11  }
0xbb: {  	s0 =	sor.u32 s1, s0  }
0xbc: {  	s0 =	sadd.s32 $0x8F2B, s0  }
0xbd: {  	[sflag:s0] =	ssyncadd.remote.s32 $0x1  }
0xbe: {  	_ =	sfence.sel $0xFFFF  }
0xbf: {  	[dreg:$0x0] =	wrdreg $0xFFFFFFFF;
	(pc) =	sbr.abs _section_cstart, $3  }
0xc0: {  	[dreg:$0x1] =	wrdreg $0xFFFFFFFF  }
0xc1: {  	_ =	task.clear_ibuf [dreg:s6], $0x2FFFF;
	_ =	strace $0x9FFFFFFF  }
0xc2: {  	(tm) =	ssettm $0x7FFFFFFF  }
0xc3: {  	_ =	shalt  }
tec
execute0_lowered:
.L_overlay_start_1:
0x0: {  	(tag) =	ssettag $0x1  }
0x1: {  	s0 =	srdreg.scid  }
0x2: {  	s12 =	stileid.u32;
	s5 =	rddreg [dreg:$0x0]  }
0x3: {  	s2 =	rddreg [dreg:$0x1];
	s3 =	simm.s32 $0x0;
	s13 =	simm.s32 $0x4F00  }
0x4: {  	s15 =	simm.s32 $0x80;
	s16 =	simm.s32 $0xEF00;
	s18 =	simm.s32 $0xFF00  }
0x5: {  	s20 =	simm.s32 $0x10F00;
	s21 =	simm.s32 $0x5080;
	s22 =	simm.s32 $0x11F00  }
0x6: {  	s23 =	simm.s32 $0x1;
	s24 =	simm.s32 $0x12F00;
	s25 =	simm.s32 $0x13F00  }
0x7: {  	s28 =	simm.s32 $0x15F00;
	s29 =	simm.s32 $0x2;
	s30 =	simm.s32 $0x0  }
0x8: {  	s0 =	sand.u32 $0x1, s0;
	s6 =	smul.u32 $0x4F00, s12;
	[smem:$0x7FF] =	sst s3  }
0x9: {  	s7 =	smul.u32 $0x9E0, s12;
	s4 =	sadd.s32 $0x88A00, s5;
	s31 =	sshll.u32 s12, $0x6  }
0xa: {  	s1 =	sshll.u32 s0, $0x4;
	_ =	strace $0x8000004D;
	s8 =	smul.u32 $0x9E00, s0  }
0xb: {  	s0 =	ssub.s32 $0x2, s0;
	s1 =	sor.u32 s12, s1;
	s9 =	sshrl.u32 s6, $0x3  }
0xc: {  	s26 =	sshrl.u32 s0, $0x1;
	s11 =	sadd.s32 s6, s2;
	s1 =	smul.u32 $0xA00, s1  }
.Ltmp0:
0xd: {  	s6 =	sor.u32 $0x1C03, s31;
	s12 =	simm.s32 $0x3;
	(pc) =	sbr.rel .LBB2_1-.Ltmp0, $4  }
0xe: {  	s7 =	sadd.s32 s7, s8;
	s9 =	sadd.s32 s9, s5;
	s0 =	ssub.s32 s0, s26  }
0xf: {  	s11 =	sshrl.u32 s11, $0x3;
	s26 =	simm.s32 $0x14F00;
	s10 =	sadd.s32 s7, s5  }
0x10: {  	s1 =	sadd.s32 s1, s5;
	s5 =	sadd.s32 $0x6AA00, s9;
	s9 =	sadd.s32 $0x9C400, s10  }
0x11: {  	s10 =	smax.u32 s0, $0x1;
	s7 =	sadd.s32 $0x74A00, s1;
	s8 =	sadd.s32 $0x3800, s1  }
.LBB2_4:
0x12: {  	_ =	swait.ge [sflag:s23], $0x1000  }
0x13: {  	[sflag:s23] =	ssyncset.done $0x0  }
0x14: {  	[sflag:s23] =	ssyncadd.s32 $0xFFFFF000  }
0x15: {  	[spmem:s2] =	stream.indirect.scatter.add.f32 [tilespmem:s28], [sflag:$0x2], $0x20, s0, s15, $0xb8;
	[tilespmem:$0x16F00] =	vst v63  }
0x16: {  	_ =	swait.ge [sflag:s29], $0x1000  }
0x17: {  	[sflag:s29] =	ssyncset.done $0x0  }
0x18: {  	[sflag:s29] =	ssyncadd.s32 $0xFFFFF000  }
0x19: {  	_ =	swait.ge [sflag:s29], $0x1000  }
0x1a: {  	[sflag:s29] =	ssyncset.done $0x0  }
0x1b: {  	[sflag:s29] =	ssyncadd.s32 $0xFFFFF000  }
0x1c: {  	_ =	swait.ge [sflag:s29], $0x1000  }
0x1d: {  	[sflag:s29] =	ssyncset.done $0x0  }
0x1e: {  	[sflag:s29] =	ssyncadd.s32 $0xFFFFF000  }
0x1f: {  	_ =	swait.ge [sflag:s29], $0x1000  }
0x20: {  	[sflag:s29] =	ssyncset.done $0x0  }
0x21: {  	[sflag:s29] =	ssyncadd.s32 $0xFFFFF000  }
0x22: {  	_ =	swait.ge [sflag:s29], $0x1000  }
0x23: {  	s30 =	sadd.s32 $0x1, s30;
	[sflag:s29] =	ssyncset.done $0x0  }
0x24: {  	p0 =	sne.s32 s30, s10;
	[sflag:s29] =	ssyncadd.s32 $0xFFFFF000  }
.Ltmp1:
0x25: {  	[bflag:$0x0] =	sbarrier.arrive $0xFFFF;
	(pc) =	sbr.rel @!p0 .LBB2_5-.Ltmp1, $4  }
0x26: {  	[hbm:s9], [sflag:s6] =	dma.local [spmem:s11], $0x9E0  }
0x27: {  	_ =	swait.ge [sflag:s12], $0x9E0  }
0x28: {  	[sflag:s12] =	ssyncset.done $0x0  }
0x29: {  	[sflag:s12] =	ssyncadd.s32 $0xFFFFF620  }
.LBB2_1:
0x2a: {  	[spmem:s11], [sflag:s6] =	dma.local [hbm:s5], $0x9E0  }
0x2b: {  	_ =	swait.ge [sflag:s12], $0x9E0  }
0x2c: {  	[sflag:s12] =	ssyncset.done $0x0  }
0x2d: {  	[sflag:s12] =	ssyncadd.s32 $0xFFFFF620  }
0x2e: {  	[tilespmem:s13], [sflag:$0x3] =	stream.linear.gather [hbm4b:s7+s3], $0x5000, $0x38;
	[tilespmem:$0x16F00] =	vst v63  }
0x2f: {  	_ =	swait.ge [sflag:s12], $0x5000  }
0x30: {  	[sflag:s12] =	ssyncset.done $0x0  }
0x31: {  	s0 =	simm.s32 $0x9F00;
	[sflag:s12] =	ssyncadd.s32 $0xFFFFB000  }
0x32: {  	[tilespmem:s0], [sflag:$0x3] =	stream.linear.gather [hbm4b:s8+s3], $0x5000, $0x38;
	[tilespmem:$0x16F00] =	vst v63  }
0x33: {  	_ =	swait.ge [sflag:s12], $0x5000  }
0x34: {  	[sflag:s12] =	ssyncset.done $0x0  }
0x35: {  	[sflag:s12] =	ssyncadd.s32 $0xFFFFB000  }
0x36: {  	[bflag:$0x0] =	sbarrier.arrive $0xFFFF  }
0x37: {  	[tilespmem:s16], [sflag:$0x1] =	stream.indirect.gather [hbm4b:s4+s15], $0x20, s13, s15, $0xb8;
	[tilespmem:$0x16F00] =	vst v63  }
0x38: {  	s17 =	simm.s32 $0x4F80  }
0x39: {  	[tilespmem:s18], [sflag:$0x1] =	stream.indirect.gather [hbm4b:s4+s15], $0x20, s17, s15, $0xb8;
	[tilespmem:$0x16F00] =	vst v63  }
0x3a: {  	s19 =	simm.s32 $0x5000  }
0x3b: {  	[tilespmem:s20], [sflag:$0x1] =	stream.indirect.gather [hbm4b:s4+s15], $0x20, s19, s15, $0xb8;
	[tilespmem:$0x16F00] =	vst v63  }
0x3c: {  	s31 =	simm.s32 $0x0  }
0x3d: {  	[tilespmem:s22], [sflag:$0x1] =	stream.indirect.gather [hbm4b:s4+s15], $0x20, s21, s15, $0xb8;
	[tilespmem:$0x16F00] =	vst v63  }
.LBB2_2:
0x3e: {  	_ =	swait.ge [sflag:s23], $0x1000  }
0x3f: {  	s1 =	sshra.s32 s31, $0x2;
	[sflag:s23] =	ssyncset.done $0x0  }
0x40: {  	p0 =	seq.s32 s31, $0x0;
	s0 =	sadd.s32 $0x9F00, s1;
	[sflag:s23] =	ssyncadd.s32 $0xFFFFF000  }
0x41: {  	[spmem:s2] =	stream.indirect.scatter.add.f32 [tilespmem:s16], [sflag:$0x2], $0x20, s0, s15, $0xb8;
	[tilespmem:$0x16F00] =	vst v63  }
0x42: {  	s0 =	simm.s32 @!p0 $0x2  }
0x43: {  	_ =	swait.ge @!p0 [sflag:s0], $0x1000  }
0x44: {  	[sflag:s0] =	ssyncset.done @!p0 $0x0  }
0x45: {  	s14 =	sadd.s32 $0x5100, s1;
	[sflag:s0] =	ssyncadd.s32 @!p0 $0xFFFFF000  }
0x46: {  	[tilespmem:s24], [sflag:$0x1] =	stream.indirect.gather [hbm4b:s4+s15], $0x20, s14, s15, $0xb8;
	[tilespmem:$0x16F00] =	vst v63  }
0x47: {  	_ =	swait.ge [sflag:s23], $0x1000  }
0x48: {  	[sflag:s23] =	ssyncset.done $0x0  }
0x49: {  	s19 =	sadd.s32 $0x9F80, s1;
	[sflag:s23] =	ssyncadd.s32 $0xFFFFF000  }
0x4a: {  	[spmem:s2] =	stream.indirect.scatter.add.f32 [tilespmem:s18], [sflag:$0x2], $0x20, s19, s15, $0xb8;
	[tilespmem:$0x16F00] =	vst v63  }
0x4b: {  	_ =	swait.ge @!p0 [sflag:s0], $0x1000  }
0x4c: {  	[sflag:s0] =	ssyncset.done @!p0 $0x0  }
0x4d: {  	s17 =	sadd.s32 $0x5180, s1;
	[sflag:s0] =	ssyncadd.s32 @!p0 $0xFFFFF000  }
0x4e: {  	[tilespmem:s25], [sflag:$0x1] =	stream.indirect.gather [hbm4b:s4+s15], $0x20, s17, s15, $0xb8;
	[tilespmem:$0x16F00] =	vst v63  }
0x4f: {  	_ =	swait.ge [sflag:s23], $0x1000  }
0x50: {  	[sflag:s23] =	ssyncset.done $0x0  }
0x51: {  	s19 =	sadd.s32 $0xA000, s1;
	[sflag:s23] =	ssyncadd.s32 $0xFFFFF000  }
0x52: {  	[spmem:s2] =	stream.indirect.scatter.add.f32 [tilespmem:s20], [sflag:$0x2], $0x20, s19, s15, $0xb8;
	[tilespmem:$0x16F00] =	vst v63  }
0x53: {  	_ =	swait.ge @!p0 [sflag:s0], $0x1000  }
0x54: {  	[sflag:s0] =	ssyncset.done @!p0 $0x0  }
0x55: {  	s17 =	sadd.s32 $0x5200, s1;
	[sflag:s0] =	ssyncadd.s32 @!p0 $0xFFFFF000  }
0x56: {  	[tilespmem:s26], [sflag:$0x1] =	stream.indirect.gather [hbm4b:s4+s15], $0x20, s17, s15, $0xb8;
	[tilespmem:$0x16F00] =	vst v63  }
0x57: {  	_ =	swait.ge [sflag:s23], $0x1000  }
0x58: {  	[sflag:s23] =	ssyncset.done $0x0  }
0x59: {  	s19 =	sadd.s32 $0xA080, s1;
	[sflag:s23] =	ssyncadd.s32 $0xFFFFF000  }
0x5a: {  	[spmem:s2] =	stream.indirect.scatter.add.f32 [tilespmem:s22], [sflag:$0x2], $0x20, s19, s15, $0xb8;
	[tilespmem:$0x16F00] =	vst v63  }
0x5b: {  	_ =	swait.ge @!p0 [sflag:s0], $0x1000  }
0x5c: {  	[sflag:s0] =	ssyncset.done @!p0 $0x0  }
0x5d: {  	s14 =	sadd.s32 $0x5280, s1;
	[sflag:s0] =	ssyncadd.s32 @!p0 $0xFFFFF000  }
0x5e: {  	[tilespmem:s28], [sflag:$0x1] =	stream.indirect.gather [hbm4b:s4+s15], $0x20, s14, s15, $0xb8;
	[tilespmem:$0x16F00] =	vst v63  }
0x5f: {  	_ =	swait.ge [sflag:s23], $0x1000  }
0x60: {  	[sflag:s23] =	ssyncset.done $0x0  }
0x61: {  	s17 =	sadd.s32 $0xA100, s1;
	[sflag:s23] =	ssyncadd.s32 $0xFFFFF000  }
0x62: {  	[spmem:s2] =	stream.indirect.scatter.add.f32 [tilespmem:s24], [sflag:$0x2], $0x20, s17, s15, $0xb8;
	[tilespmem:$0x16F00] =	vst v63  }
0x63: {  	_ =	swait.ge [sflag:s29], $0x1000  }
0x64: {  	p0 =	seq.s32 s31, $0x13000;
	[sflag:s29] =	ssyncset.done $0x0  }
0x65: {  	s0 =	simm.s32 @p0 $0x1;
	[sflag:s29] =	ssyncadd.s32 $0xFFFFF000  }
0x66: {  	_ =	swait.ge @p0 [sflag:s0], $0x1000  }
0x67: {  	[sflag:s0] =	ssyncset.done @p0 $0x0  }
0x68: {  	[sflag:s0] =	ssyncadd.s32 @p0 $0xFFFFF000;
	s0 =	sshra.s32 @p0 s31, $0x2  }
0x69: {  	s14 =	simm.s32 @p0 $0x80;
	s17 =	simm.s32 @p0 $0x13F00;
	s0 =	sadd.s32 @p0 $0xA180, s0  }
0x6a: {  	[spmem:s2] =	stream.indirect.scatter.add.f32 @p0 [tilespmem:s17], [sflag:$0x2], $0x20, s0, s14, $0xb8;
	[tilespmem:$0x16F00] =	vst v63  }
0x6b: {  	s0 =	simm.s32 @p0 $0x2  }
0x6c: {  	_ =	swait.ge @p0 [sflag:s0], $0x1000  }
0x6d: {  	[sflag:s0] =	ssyncset.done @p0 $0x0  }
0x6e: {  	[sflag:s0] =	ssyncadd.s32 @p0 $0xFFFFF000;
	s0 =	sshra.s32 @!p0 s31, $0x2  }
0x6f: {  	s19 =	simm.s32 @!p0 $0xEF00;
	s17 =	simm.s32 @!p0 $0x80;
	s14 =	sadd.s32 @!p0 $0x5300, s0  }
0x70: {  	[tilespmem:s19], [sflag:$0x1] =	stream.indirect.gather @!p0 [hbm4b:s4+s17], $0x20, s14, s17, $0xb8;
	[tilespmem:$0x16F00] =	vst v63  }
0x71: {  	s14 =	simm.s32 @!p0 $0x1  }
0x72: {  	_ =	swait.ge @!p0 [sflag:s14], $0x1000  }
0x73: {  	[sflag:s14] =	ssyncset.done @!p0 $0x0  }
0x74: {  	s19 =	simm.s32 @!p0 $0x13F00;
	[sflag:s14] =	ssyncadd.s32 @!p0 $0xFFFFF000;
	s14 =	sadd.s32 @!p0 $0xA180, s0  }
0x75: {  	[spmem:s2] =	stream.indirect.scatter.add.f32 @!p0 [tilespmem:s19], [sflag:$0x2], $0x20, s14, s17, $0xb8;
	[tilespmem:$0x16F00] =	vst v63  }
0x76: {  	s14 =	simm.s32 @!p0 $0x2  }
0x77: {  	_ =	swait.ge @!p0 [sflag:s14], $0x1000  }
0x78: {  	[sflag:s14] =	ssyncset.done @!p0 $0x0  }
0x79: {  	s0 =	sadd.s32 @!p0 $0x5380, s0;
	[sflag:s14] =	ssyncadd.s32 @!p0 $0xFFFFF000;
	s14 =	simm.s32 @!p0 $0xFF00  }
0x7a: {  	[tilespmem:s14], [sflag:$0x1] =	stream.indirect.gather @!p0 [hbm4b:s4+s17], $0x20, s0, s17, $0xb8;
	[tilespmem:$0x16F00] =	vst v63  }
0x7b: {  	_ =	swait.ge [sflag:s23], $0x1000  }
0x7c: {  	[sflag:s23] =	ssyncset.done $0x0  }
.Ltmp2:
0x7d: {  	s19 =	sadd.s32 $0xA200, s1;
	[sflag:s23] =	ssyncadd.s32 $0xFFFFF000;
	(pc) =	sbr.rel @p0 .LBB2_4-.Ltmp2, $4  }
0x7e: {  	[spmem:s2] =	stream.indirect.scatter.add.f32 [tilespmem:s26], [sflag:$0x2], $0x20, s19, s15, $0xb8;
	[tilespmem:$0x16F00] =	vst v63  }
0x7f: {  	_ =	swait.ge [sflag:s29], $0x1000  }
0x80: {  	[sflag:s29] =	ssyncset.done $0x0  }
0x81: {  	s0 =	sadd.s32 $0xA280, s1;
	[sflag:s29] =	ssyncadd.s32 $0xFFFFF000  }
0x82: {  	s14 =	sadd.s32 $0x5400, s1  }
0x83: {  	[tilespmem:s20], [sflag:$0x1] =	stream.indirect.gather [hbm4b:s4+s15], $0x20, s14, s15, $0xb8;
	[tilespmem:$0x16F00] =	vst v63  }
0x84: {  	_ =	swait.ge [sflag:s23], $0x1000  }
0x85: {  	[sflag:s23] =	ssyncset.done $0x0  }
0x86: {  	[sflag:s23] =	ssyncadd.s32 $0xFFFFF000  }
0x87: {  	[spmem:s2] =	stream.indirect.scatter.add.f32 [tilespmem:s28], [sflag:$0x2], $0x20, s0, s15, $0xb8;
	[tilespmem:$0x16F00] =	vst v63  }
.Ltmp3:
0x88: {  	_ = 	snop;
	(pc) =	sbr.rel .LBB2_2-.Ltmp3, $4  }
0x89: {  	_ =	swait.ge [sflag:s29], $0x1000  }
0x8a: {  	[sflag:s29] =	ssyncset.done $0x0  }
0x8b: {  	s19 =	sadd.s32 $0x5480, s1;
	s31 =	sadd.s32 $0x1000, s31;
	[sflag:s29] =	ssyncadd.s32 $0xFFFFF000  }
0x8c: {  	[tilespmem:s22], [sflag:$0x1] =	stream.indirect.gather [hbm4b:s4+s15], $0x20, s19, s15, $0xb8;
	[tilespmem:$0x16F00] =	vst v63  }
.LBB2_5:
0x8d: {  	_ =	sfence.sel $0x180000  }
0x8e: {  	[bflag:$0x0] =	sbarrier.arrive $0xFFFF  }
0x8f: {  	_ =	strace $0x9000004D  }
0x90: {  	s0 =	stileid.u32;
	[bflag:$0x2] =	sbarrier.arrive $0xFFFF  }
0x91: {  	p0 =	sne.s32 s0, $0x0;
	s0 =	rddreg [dreg:$0x2]  }
0x92: {  	s0 =	sadd.s32 @!p0 $0x100000, s0  }
0x93: {  	[sflag:s0] =	ssyncadd.tile.s32 @!p0 $0x1;
	_ =	shalt  }
.Lfunc_end2:
_tile_overlayer_lowered:
.L_overlay_start_2:
0x94: {  	(tag) =	ssettag $0x2  }
0x95: {  	s0 =	rddreg [dreg:$0x0];
	s2 =	stileid.u32  }
0x96: {  	s1 =	rddreg [dreg:$0x1];
	p0 =	sne.s32 s2, $0x0  }
0x97: {  	s3 =	rddreg [dreg:$0x2];
	[bflag:$0x3] =	sbarrier.arrive $0xFFFF;
	s2 =	simm.s32 @!p0 $0x1C03  }
0x98: {  	[timem:s3], [sflag:s2] =	dma.local @!p0 [hbm:s0], s1  }
0x99: {  	s0 =	simm.s32 @!p0 $0x3  }
0x9a: {  	_ =	swait.ge @!p0 [sflag:s0], s1  }
0x9b: {  	s1 =	ssub.s32 @!p0 $0x0, s1;
	[sflag:s0] =	ssyncset.done @!p0 $0x0  }
0x9c: {  	[sflag:s0] =	ssyncadd.s32 @!p0 s1  }
0x9d: {  	[bflag:$0x3] =	sbarrier.arrive $0xFFFF  }
0x9e: {  	_ =	shalt  }

// kernel: kernel.20.cloned.1.call-start
scs
__scs_entry_jumppad:
0x0: {  	(pc) =	sbr.rel $0x88, $3  }
0x1: {  	(tag) =	ssettag $0x0;
	lr =	simm.s32 $0x1  }
0x2: {  	[smem:$0x3F8F] =	sst lr;
	_ =	strace $0xD0000000  }
0x3: {  	_ = 	snop  }
0x4: {  	_ = 	snop  }
0x5: {  	_ = 	snop  }
0x6: {  	_ = 	snop  }
0x7: {  	_ = 	snop  }
__scs_overlays_trampoline_lowered:
0x8: {  	[smem:$0x3F9E] =	sst s0  }
0x9: {  	[smem:$0x3F9F] =	sst s1  }
0xa: {  	[smem:$0x3FA0] =	sst s2  }
0xb: {  	[smem:$0x3FA1] =	sst s3  }
0xc: {  	[smem:$0x3FA2] =	sst s4  }
0xd: {  	[smem:$0x3FA3] =	sst s5  }
0xe: {  	[smem:$0x3FA4] =	sst s6  }
0xf: {  	[smem:$0x3FA5] =	sst s7  }
0x10: {  	[smem:$0x3FA6] =	sst s8  }
0x11: {  	[smem:$0x3FA7] =	sst s9;
	s0 =	simm.s32 @!p0 $0x0  }
0x12: {  	s1 =	sld [smem:$0x3F8D];
	s0 =	simm.s32 @p0 $0x1  }
0x13: {  	[smem:$0x3FA8] =	sst s0;
	s0 =	simm.s32 @!p1 $0x0  }
0x14: {  	s2 =	sld [smem:$0x3F8C];
	s0 =	simm.s32 @p1 $0x1  }
0x15: {  	[smem:$0x3FA9] =	sst s0;
	s0 =	simm.s32 @!p2 $0x0  }
0x16: {  	s3 =	sld [smem:$0x3FDB];
	s0 =	simm.s32 @p2 $0x1  }
0x17: {  	s4 =	simm.s32 $0x1BF5;
	[smem:$0x3FAB] =	sst s0  }
0x18: {  	s0 =	sld [smem:$0x3F8E];
	_ =	swait.ge [sflag:s4], $0x0  }
0x19: {  	s7 =	sld [smem:$0x3F8F]  }
0x1a: {  	s8 =	sadd.s32 $0xFFFFE003, lr  }
0x1b: {  	s9 =	sadd.s32 $0xFFFFFEF7, lr;
	s5 =	simm.s32 $0xFFFFFFFF;
	p2 =	slt.u32 s8, $0xFFFFF086  }
0x1c: {  	p1 =	slt.u32 s9, $0xF7A;
	s5 =	simm.s32 @!p2 $0x0  }
0x1d: {  	s5 =	simm.s32 @p1 $0x1;
	p0 =	seq.s32 s7, s2  }
0x1e: {  	s7 =	smul.u32 @!p0 $0xF7A, s2;
	p2 =	seq.s32 @!p0 s5, $0x0  }
0x1f: {  	s9 =	smul.u32 $0xF7A, s1;
	s8 =	simm.s32 @!p0 $0x1BF5;
	p2 =	por !p2, p0  }
0x20: {  	[sflag:s8] =	ssyncset.s32 @!p0 $0xFFFFF086;
	s6 =	sadd.s32 @!p0 s3, s7;
	s7 =	simm.s32 @!p0 $0x108  }
0x21: {  	s3 =	sadd.s32 s3, s9;
	s6 =	sadd.s32 @!p0 $0x88, s6;
	s7 =	simm.s32 @p2 $0x1082  }
0x22: {  	[simem:s7], [sflag:s8] =	dma.local @!p0 [hbm:s6], $0xF7A  }
0x23: {  	s9 =	sor.u32 $0xD0000000, s2;
	s6 =	simm.s32 $0x108;
	_ =	swait.ge @!p0 [sflag:s8], $0x0  }
0x24: {  	s3 =	sadd.s32 $0x88, s3;
	s6 =	simm.s32 @!p1 $0x1082;
	[sflag:s4] =	ssyncset.s32 $0xFFFFF086  }
0x25: {  	[simem:s6], [sflag:s4] =	dma.local [hbm:s3], $0xF7A  }
0x26: {  	[smem:$0x3F8F] =	sst s1;
	(tag) =	ssettag s2;
	_ =	strace s9  }
0x27: {  	s1 =	sld [smem:$0x3F9F]  }
0x28: {  	s2 =	sld [smem:$0x3FA0]  }
0x29: {  	s4 =	sld [smem:$0x3FA2]  }
0x2a: {  	p0 =	seq.s32 s5, $0x0;
	s5 =	sld [smem:$0x3FA3]  }
0x2b: {  	s6 =	sld [smem:$0x3FA4]  }
0x2c: {  	s7 =	sld [smem:$0x3FA5]  }
0x2d: {  	s3 =	simm.s32 $0x108;
	s8 =	sld [smem:$0x3FA6]  }
0x2e: {  	s3 =	simm.s32 @!p0 $0x1082;
	s9 =	sld [smem:$0x3FA7]  }
0x2f: {  	lr =	sadd.s32 s0, s3;
	s0 =	sld [smem:$0x3F9E]  }
0x30: {  	s3 =	sld [smem:$0x3FA1]  }
0x31: {  	[smem:$0x3FAA] =	sst s10  }
0x32: {  	s10 =	sld [smem:$0x3FA8];
	_ =	sdelay $0x3  }
0x33: {  	p0 =	seq.s32 s10, $0x1;
	s10 =	sld [smem:$0x3FAA];
	_ =	sdelay $0x3  }
0x34: {  	[smem:$0x3FAA] =	sst s10  }
0x35: {  	s10 =	sld [smem:$0x3FA9];
	_ =	sdelay $0x3  }
0x36: {  	p1 =	seq.s32 s10, $0x1;
	s10 =	sld [smem:$0x3FAA];
	_ =	sdelay $0x3  }
0x37: {  	[smem:$0x3FAA] =	sst s10  }
0x38: {  	s10 =	sld [smem:$0x3FAB]  }
0x39: {  	_ = 	snop;
	(pc) =	sbr.ind lr, $3  }
0x3a: {  	_ = 	snop  }
0x3b: {  	_ = 	snop  }
0x3c: {  	p2 =	seq.s32 s10, $0x1;
	s10 =	sld [smem:$0x3FAA]  }
0x3d: {  	_ =	shalt  }
0x3e: {  	_ =	shalt  }
0x3f: {  	_ =	shalt  }
0x40: {  	_ =	shalt  }
0x41: {  	_ =	shalt  }
0x42: {  	_ =	shalt  }
0x43: {  	_ =	shalt  }
0x44: {  	_ =	shalt  }
0x45: {  	_ =	shalt  }
0x46: {  	_ =	shalt  }
0x47: {  	_ =	shalt  }
0x48: {  	_ =	shalt  }
0x49: {  	_ =	shalt  }
0x4a: {  	_ =	shalt  }
0x4b: {  	_ =	shalt  }
0x4c: {  	_ =	shalt  }
0x4d: {  	_ =	shalt  }
0x4e: {  	_ =	shalt  }
0x4f: {  	_ =	shalt  }
0x50: {  	_ =	shalt  }
0x51: {  	_ =	shalt  }
0x52: {  	_ =	shalt  }
0x53: {  	_ =	shalt  }
0x54: {  	_ =	shalt  }
0x55: {  	_ =	shalt  }
0x56: {  	_ =	shalt  }
0x57: {  	_ =	shalt  }
0x58: {  	_ =	shalt  }
0x59: {  	_ =	shalt  }
0x5a: {  	_ =	shalt  }
0x5b: {  	_ =	shalt  }
0x5c: {  	_ =	shalt  }
0x5d: {  	_ =	shalt  }
0x5e: {  	_ =	shalt  }
0x5f: {  	_ =	shalt  }
0x60: {  	_ =	shalt  }
0x61: {  	_ =	shalt  }
0x62: {  	_ =	shalt  }
0x63: {  	_ =	shalt  }
0x64: {  	_ =	shalt  }
0x65: {  	_ =	shalt  }
0x66: {  	_ =	shalt  }
0x67: {  	_ =	shalt  }
0x68: {  	_ =	shalt  }
0x69: {  	_ =	shalt  }
0x6a: {  	_ =	shalt  }
0x6b: {  	_ =	shalt  }
0x6c: {  	_ =	shalt  }
0x6d: {  	_ =	shalt  }
0x6e: {  	_ =	shalt  }
0x6f: {  	_ =	shalt  }
0x70: {  	_ =	shalt  }
0x71: {  	_ =	shalt  }
0x72: {  	_ =	shalt  }
0x73: {  	_ =	shalt  }
0x74: {  	_ =	shalt  }
0x75: {  	_ =	shalt  }
0x76: {  	_ =	shalt  }
0x77: {  	_ =	shalt  }
0x78: {  	_ =	shalt  }
0x79: {  	_ =	shalt  }
0x7a: {  	_ =	shalt  }
0x7b: {  	_ =	shalt  }
0x7c: {  	_ =	shalt  }
0x7d: {  	_ =	shalt  }
0x7e: {  	_ =	shalt  }
0x7f: {  	_ =	shalt  }
0x80: {  	_ =	shalt  }
0x81: {  	_ =	shalt  }
0x82: {  	_ =	shalt  }
0x83: {  	_ =	shalt  }
0x84: {  	_ =	shalt  }
0x85: {  	_ =	shalt  }
0x86: {  	_ =	shalt  }
0x87: {  	_ =	shalt  }
.Lfunc_end0:
.L_simem_size_0:
called_computation.3_lowered:
.L_overlay_start_0:
0x88: {  	s2 =	sld [smem:$0x3FD9]  }
0x89: {  	s3 =	sld [smem:$0x3FFE];
	_ =	sdelay $0x1  }
0x8a: {  	s1 =	srdreg.scid  }
0x8b: {  	s0 =	sand.u32 $0x1, s1  }
0x8c: {  	s16 =	sshll.u32 s0, $0xA;
	s2 =	sadd.s32 s3, s2  }
0x8d: {  	s2 =	sadd.s32 s2, s16  }
0x8e: {  	[smem:$0x3FB6] =	sst s2  }
0x8f: {  	_ = 	snop  }
0x90: {  	(tm) =	ssettm $0x1  }
0x91: {  	s17 =	sld [smem:$0x3FFB];
	_ =	sdelay $0x3  }
0x92: {  	_ =	strace s17  }
0x93: {  	s2 =	sld [smem:$0x3FFC];
	_ =	sdelay $0x3  }
0x94: {  	_ =	strace s2  }
0x95: {  	s2 =	sld [smem:$0x3FFD];
	_ =	sdelay $0x3  }
0x96: {  	_ =	strace s2  }
0x97: {  	_ =	strace $0x8FFFFFFF  }
0x98: {  	s18 =	sld [smem:$0x3FDB];
	_ =	sdelay $0x1  }
0x99: {  	s19 =	simm.s32 $_scs_section_size  }
0x9a: {  	s4 =	simm.s32 $_size__tile_overlayer_lowered;
	s5 =	simm.s32 $_tile_overlayer_lowered  }
0x9b: {  	s22 =	simm.s32 $0x1BFF;
	s21 =	sshll.u32 s5, $0x1;
	s2 =	sadd.s32 s19, s18  }
0x9c: {  	s6 =	simm.s32 $0x0;
	s20 =	sshll.u32 s4, $0x1;
	s4 =	sadd.s32 s21, s2  }
0x9d: {  	[timem:s6], [sflag:s22] =	dma.local [hbm:s4], s20  }
0x9e: {  	_ =	swait.ge [sflag:s22], s20  }
0x9f: {  	s3 =	ssub.s32 $0x0, s20;
	[sflag:s22] =	ssyncset.done $0x0  }
0xa0: {  	[sflag:s22] =	ssyncadd.s32 s3;
	_ =	sdelay $0x1  }
0xa1: {  	s23 =	simm.s32 $0x1B8B  }
0xa2: {  	_ =	swait.ge [sflag:s23], $0x1  }
0xa3: {  	[sflag:s23] =	ssyncset.done $0x0  }
0xa4: {  	s25 =	simm.s32 $0x1B8E;
	s24 =	sld [smem:$0x3FFE];
	[sflag:s23] =	ssyncadd.s32 $0xFFFFFFFF  }
0xa5: {  	s26 =	simm.s32 $execute0_lowered;
	[smem:$0x3FD2] =	sst s25  }
0xa6: {  	s4 =	sshll.u32 s26, $0x1;
	_ =	strace $0x8000004F;
	[dreg:$0x1] =	wrdreg $0xFFFFFFFF  }
0xa7: {  	s28 =	simm.s32 $_size_execute0_lowered;
	s2 =	sadd.s32 s2, s4;
	[dreg:$0x0] =	wrdreg $0x0  }
0xa8: {  	s4 =	sshll.u32 s28, $0x1;
	[dreg:$0x2] =	wrdreg s2  }
0xa9: {  	[dreg:$0x3] =	wrdreg s4  }
0xaa: {  	[dreg:$0x4] =	wrdreg $0xC0  }
0xab: {  	_ =	task [dreg:s6], $0x5FFFF  }
0xac: {  	[dreg:$0x1] =	wrdreg $0xFFFFFFFF  }
0xad: {  	[dreg:$0x0] =	wrdreg $0x60  }
0xae: {  	[dreg:$0x2] =	wrdreg s24  }
0xaf: {  	[dreg:$0x3] =	wrdreg $0x0  }
0xb0: {  	[dreg:$0x4] =	wrdreg $0x9  }
0xb1: {  	_ =	task.clear_ibuf [dreg:s6], $0x5FFFF;
	_ =	strace $0x9000004F  }
0xb2: {  	s29 =	simm.s32 $0x9;
	_ =	strace $0x80000051  }
0xb3: {  	_ =	swait.ge [sflag:s29], $0x1  }
0xb4: {  	[sflag:s29] =	ssyncadd.s32 $0xFFFFFFFF  }
0xb5: {  	_ =	strace $0x90000051  }
0xb6: {  	_ =	sfence  }
0xb7: {  	s30 =	sld [smem:$0x0];
	_ =	sdelay $0x2  }
0xb8: {  	s31 =	sshll.u32 s1, $0xD;
	s1 =	sshrl.u32 s1, $0x2  }
0xb9: {  	s3 =	sand.u32 $0x4000, s31;
	s1 =	sadd.s32 s1, s30  }
0xba: {  	s0 =	sor.u32 s3, s0;
	s1 =	sshll.u32 s1, $0x11  }
0xbb: {  	s0 =	sor.u32 s1, s0  }
0xbc: {  	s0 =	sadd.s32 $0x8F2B, s0  }
0xbd: {  	[sflag:s0] =	ssyncadd.remote.s32 $0x1  }
0xbe: {  	_ =	sfence.sel $0xFFFF  }
0xbf: {  	[dreg:$0x0] =	wrdreg $0xFFFFFFFF;
	(pc) =	sbr.abs _section_cstart, $3  }
0xc0: {  	[dreg:$0x1] =	wrdreg $0xFFFFFFFF  }
0xc1: {  	_ =	task.clear_ibuf [dreg:s6], $0x2FFFF;
	_ =	strace $0x9FFFFFFF  }
0xc2: {  	(tm) =	ssettm $0x7FFFFFFF  }
0xc3: {  	_ =	shalt  }
tec
execute0_lowered:
.L_overlay_start_1:
0x0: {  	(tag) =	ssettag $0x1  }
0x1: {  	s0 =	srdreg.scid  }
0x2: {  	s12 =	stileid.u32;
	s5 =	rddreg [dreg:$0x0]  }
0x3: {  	s2 =	rddreg [dreg:$0x1];
	s3 =	simm.s32 $0x0;
	s13 =	simm.s32 $0x2780  }
0x4: {  	s15 =	simm.s32 $0x80;
	s16 =	simm.s32 $0xC780;
	s18 =	simm.s32 $0xCF80  }
0x5: {  	s20 =	simm.s32 $0xD780;
	s21 =	simm.s32 $0x2900;
	s22 =	simm.s32 $0xDF80  }
0x6: {  	s23 =	simm.s32 $0x1;
	s24 =	simm.s32 $0xE780;
	s25 =	simm.s32 $0xEF80  }
0x7: {  	s28 =	simm.s32 $0xFF80;
	s29 =	simm.s32 $0x2;
	s30 =	simm.s32 $0x0  }
0x8: {  	s0 =	sand.u32 $0x1, s0;
	s6 =	smul.u32 $0x2780, s12;
	[smem:$0x7FF] =	sst s3  }
0x9: {  	s7 =	smul.u32 $0x4F0, s12;
	s4 =	sadd.s32 $0x6AA00, s5;
	s31 =	sshll.u32 s12, $0x6  }
0xa: {  	s1 =	sshll.u32 s0, $0x4;
	_ =	strace $0x80000050;
	s8 =	smul.u32 $0x4F00, s0  }
0xb: {  	s0 =	ssub.s32 $0x2, s0;
	s1 =	sor.u32 s12, s1;
	s9 =	sshrl.u32 s6, $0x3  }
0xc: {  	s26 =	sshrl.u32 s0, $0x1;
	s11 =	sadd.s32 s6, s2;
	s1 =	smul.u32 $0xA00, s1  }
.Ltmp0:
0xd: {  	s6 =	sor.u32 $0x1C03, s31;
	s12 =	simm.s32 $0x3;
	(pc) =	sbr.rel .LBB2_1-.Ltmp0, $4  }
0xe: {  	s7 =	sadd.s32 s7, s8;
	s9 =	sadd.s32 s9, s5;
	s0 =	ssub.s32 s0, s26  }
0xf: {  	s11 =	sshrl.u32 s11, $0x3;
	s26 =	simm.s32 $0xF780;
	s10 =	sadd.s32 s7, s5  }
0x10: {  	s1 =	sadd.s32 s1, s5;
	s5 =	sadd.s32 $0x17800, s9;
	s9 =	sadd.s32 $0x88A00, s10  }
0x11: {  	s10 =	smax.u32 s0, $0x1;
	s7 =	sadd.s32 $0x74A00, s1;
	s8 =	sadd.s32 $0x3800, s1  }
.LBB2_4:
0x12: {  	_ =	swait.ge [sflag:s23], $0x800  }
0x13: {  	[sflag:s23] =	ssyncset.done $0x0  }
0x14: {  	[sflag:s23] =	ssyncadd.s32 $0xFFFFF800  }
0x15: {  	[spmem:s2] =	stream.indirect.scatter.add.f32 [tilespmem:s28], [sflag:$0x2], $0x10, s0, s15, $0xb8;
	[tilespmem:$0x10780] =	vst v63  }
0x16: {  	_ =	swait.ge [sflag:s29], $0x800  }
0x17: {  	[sflag:s29] =	ssyncset.done $0x0  }
0x18: {  	[sflag:s29] =	ssyncadd.s32 $0xFFFFF800  }
0x19: {  	_ =	swait.ge [sflag:s29], $0x800  }
0x1a: {  	[sflag:s29] =	ssyncset.done $0x0  }
0x1b: {  	[sflag:s29] =	ssyncadd.s32 $0xFFFFF800  }
0x1c: {  	_ =	swait.ge [sflag:s29], $0x800  }
0x1d: {  	[sflag:s29] =	ssyncset.done $0x0  }
0x1e: {  	[sflag:s29] =	ssyncadd.s32 $0xFFFFF800  }
0x1f: {  	_ =	swait.ge [sflag:s29], $0x800  }
0x20: {  	[sflag:s29] =	ssyncset.done $0x0  }
0x21: {  	[sflag:s29] =	ssyncadd.s32 $0xFFFFF800  }
0x22: {  	_ =	swait.ge [sflag:s29], $0x800  }
0x23: {  	s30 =	sadd.s32 $0x1, s30;
	[sflag:s29] =	ssyncset.done $0x0  }
0x24: {  	p0 =	sne.s32 s30, s10;
	[sflag:s29] =	ssyncadd.s32 $0xFFFFF800  }
.Ltmp1:
0x25: {  	[bflag:$0x0] =	sbarrier.arrive $0xFFFF;
	(pc) =	sbr.rel @!p0 .LBB2_5-.Ltmp1, $4  }
0x26: {  	[hbm:s9], [sflag:s6] =	dma.local [spmem:s11], $0x4F0  }
0x27: {  	_ =	swait.ge [sflag:s12], $0x4F0  }
0x28: {  	[sflag:s12] =	ssyncset.done $0x0  }
0x29: {  	[sflag:s12] =	ssyncadd.s32 $0xFFFFFB10  }
.LBB2_1:
0x2a: {  	[spmem:s11], [sflag:s6] =	dma.local [hbm:s5], $0x4F0  }
0x2b: {  	_ =	swait.ge [sflag:s12], $0x4F0  }
0x2c: {  	[sflag:s12] =	ssyncset.done $0x0  }
0x2d: {  	[sflag:s12] =	ssyncadd.s32 $0xFFFFFB10  }
0x2e: {  	[tilespmem:s13], [sflag:$0x3] =	stream.linear.gather [hbm4b:s7+s3], $0x5000, $0x38;
	[tilespmem:$0x10780] =	vst v63  }
0x2f: {  	_ =	swait.ge [sflag:s12], $0x5000  }
0x30: {  	[sflag:s12] =	ssyncset.done $0x0  }
0x31: {  	s0 =	simm.s32 $0x7780;
	[sflag:s12] =	ssyncadd.s32 $0xFFFFB000  }
0x32: {  	[tilespmem:s0], [sflag:$0x3] =	stream.linear.gather [hbm4b:s8+s3], $0x5000, $0x38;
	[tilespmem:$0x10780] =	vst v63  }
0x33: {  	_ =	swait.ge [sflag:s12], $0x5000  }
0x34: {  	[sflag:s12] =	ssyncset.done $0x0  }
0x35: {  	[sflag:s12] =	ssyncadd.s32 $0xFFFFB000  }
0x36: {  	[bflag:$0x0] =	sbarrier.arrive $0xFFFF  }
0x37: {  	[tilespmem:s16], [sflag:$0x1] =	stream.indirect.gather [hbm4b:s4+s15], $0x10, s13, s15, $0xb8;
	[tilespmem:$0x10780] =	vst v63  }
0x38: {  	s17 =	simm.s32 $0x2800  }
0x39: {  	[tilespmem:s18], [sflag:$0x1] =	stream.indirect.gather [hbm4b:s4+s15], $0x10, s17, s15, $0xb8;
	[tilespmem:$0x10780] =	vst v63  }
0x3a: {  	s19 =	simm.s32 $0x2880  }
0x3b: {  	[tilespmem:s20], [sflag:$0x1] =	stream.indirect.gather [hbm4b:s4+s15], $0x10, s19, s15, $0xb8;
	[tilespmem:$0x10780] =	vst v63  }
0x3c: {  	s31 =	simm.s32 $0x0  }
0x3d: {  	[tilespmem:s22], [sflag:$0x1] =	stream.indirect.gather [hbm4b:s4+s15], $0x10, s21, s15, $0xb8;
	[tilespmem:$0x10780] =	vst v63  }
.LBB2_2:
0x3e: {  	_ =	swait.ge [sflag:s23], $0x800  }
0x3f: {  	s1 =	sshra.s32 s31, $0x2;
	[sflag:s23] =	ssyncset.done $0x0  }
0x40: {  	p0 =	seq.s32 s31, $0x0;
	s0 =	sadd.s32 $0x7780, s1;
	[sflag:s23] =	ssyncadd.s32 $0xFFFFF800  }
0x41: {  	[spmem:s2] =	stream.indirect.scatter.add.f32 [tilespmem:s16], [sflag:$0x2], $0x10, s0, s15, $0xb8;
	[tilespmem:$0x10780] =	vst v63  }
0x42: {  	s0 =	simm.s32 @!p0 $0x2  }
0x43: {  	_ =	swait.ge @!p0 [sflag:s0], $0x800  }
0x44: {  	[sflag:s0] =	ssyncset.done @!p0 $0x0  }
0x45: {  	s14 =	sadd.s32 $0x2980, s1;
	[sflag:s0] =	ssyncadd.s32 @!p0 $0xFFFFF800  }
0x46: {  	[tilespmem:s24], [sflag:$0x1] =	stream.indirect.gather [hbm4b:s4+s15], $0x10, s14, s15, $0xb8;
	[tilespmem:$0x10780] =	vst v63  }
0x47: {  	_ =	swait.ge [sflag:s23], $0x800  }
0x48: {  	[sflag:s23] =	ssyncset.done $0x0  }
0x49: {  	s19 =	sadd.s32 $0x7800, s1;
	[sflag:s23] =	ssyncadd.s32 $0xFFFFF800  }
0x4a: {  	[spmem:s2] =	stream.indirect.scatter.add.f32 [tilespmem:s18], [sflag:$0x2], $0x10, s19, s15, $0xb8;
	[tilespmem:$0x10780] =	vst v63  }
0x4b: {  	_ =	swait.ge @!p0 [sflag:s0], $0x800  }
0x4c: {  	[sflag:s0] =	ssyncset.done @!p0 $0x0  }
0x4d: {  	s17 =	sadd.s32 $0x2A00, s1;
	[sflag:s0] =	ssyncadd.s32 @!p0 $0xFFFFF800  }
0x4e: {  	[tilespmem:s25], [sflag:$0x1] =	stream.indirect.gather [hbm4b:s4+s15], $0x10, s17, s15, $0xb8;
	[tilespmem:$0x10780] =	vst v63  }
0x4f: {  	_ =	swait.ge [sflag:s23], $0x800  }
0x50: {  	[sflag:s23] =	ssyncset.done $0x0  }
0x51: {  	s19 =	sadd.s32 $0x7880, s1;
	[sflag:s23] =	ssyncadd.s32 $0xFFFFF800  }
0x52: {  	[spmem:s2] =	stream.indirect.scatter.add.f32 [tilespmem:s20], [sflag:$0x2], $0x10, s19, s15, $0xb8;
	[tilespmem:$0x10780] =	vst v63  }
0x53: {  	_ =	swait.ge @!p0 [sflag:s0], $0x800  }
0x54: {  	[sflag:s0] =	ssyncset.done @!p0 $0x0  }
0x55: {  	s17 =	sadd.s32 $0x2A80, s1;
	[sflag:s0] =	ssyncadd.s32 @!p0 $0xFFFFF800  }
0x56: {  	[tilespmem:s26], [sflag:$0x1] =	stream.indirect.gather [hbm4b:s4+s15], $0x10, s17, s15, $0xb8;
	[tilespmem:$0x10780] =	vst v63  }
0x57: {  	_ =	swait.ge [sflag:s23], $0x800  }
0x58: {  	[sflag:s23] =	ssyncset.done $0x0  }
0x59: {  	s19 =	sadd.s32 $0x7900, s1;
	[sflag:s23] =	ssyncadd.s32 $0xFFFFF800  }
0x5a: {  	[spmem:s2] =	stream.indirect.scatter.add.f32 [tilespmem:s22], [sflag:$0x2], $0x10, s19, s15, $0xb8;
	[tilespmem:$0x10780] =	vst v63  }
0x5b: {  	_ =	swait.ge @!p0 [sflag:s0], $0x800  }
0x5c: {  	[sflag:s0] =	ssyncset.done @!p0 $0x0  }
0x5d: {  	s14 =	sadd.s32 $0x2B00, s1;
	[sflag:s0] =	ssyncadd.s32 @!p0 $0xFFFFF800  }
0x5e: {  	[tilespmem:s28], [sflag:$0x1] =	stream.indirect.gather [hbm4b:s4+s15], $0x10, s14, s15, $0xb8;
	[tilespmem:$0x10780] =	vst v63  }
0x5f: {  	_ =	swait.ge [sflag:s23], $0x800  }
0x60: {  	[sflag:s23] =	ssyncset.done $0x0  }
0x61: {  	s17 =	sadd.s32 $0x7980, s1;
	[sflag:s23] =	ssyncadd.s32 $0xFFFFF800  }
0x62: {  	[spmem:s2] =	stream.indirect.scatter.add.f32 [tilespmem:s24], [sflag:$0x2], $0x10, s17, s15, $0xb8;
	[tilespmem:$0x10780] =	vst v63  }
0x63: {  	_ =	swait.ge [sflag:s29], $0x800  }
0x64: {  	p0 =	seq.s32 s31, $0x13000;
	[sflag:s29] =	ssyncset.done $0x0  }
0x65: {  	s0 =	simm.s32 @p0 $0x1;
	[sflag:s29] =	ssyncadd.s32 $0xFFFFF800  }
0x66: {  	_ =	swait.ge @p0 [sflag:s0], $0x800  }
0x67: {  	[sflag:s0] =	ssyncset.done @p0 $0x0  }
0x68: {  	[sflag:s0] =	ssyncadd.s32 @p0 $0xFFFFF800;
	s0 =	sshra.s32 @p0 s31, $0x2  }
0x69: {  	s14 =	simm.s32 @p0 $0x80;
	s17 =	simm.s32 @p0 $0xEF80;
	s0 =	sadd.s32 @p0 $0x7A00, s0  }
0x6a: {  	[spmem:s2] =	stream.indirect.scatter.add.f32 @p0 [tilespmem:s17], [sflag:$0x2], $0x10, s0, s14, $0xb8;
	[tilespmem:$0x10780] =	vst v63  }
0x6b: {  	s0 =	simm.s32 @p0 $0x2  }
0x6c: {  	_ =	swait.ge @p0 [sflag:s0], $0x800  }
0x6d: {  	[sflag:s0] =	ssyncset.done @p0 $0x0  }
0x6e: {  	[sflag:s0] =	ssyncadd.s32 @p0 $0xFFFFF800;
	s0 =	sshra.s32 @!p0 s31, $0x2  }
0x6f: {  	s19 =	simm.s32 @!p0 $0xC780;
	s17 =	simm.s32 @!p0 $0x80;
	s14 =	sadd.s32 @!p0 $0x2B80, s0  }
0x70: {  	[tilespmem:s19], [sflag:$0x1] =	stream.indirect.gather @!p0 [hbm4b:s4+s17], $0x10, s14, s17, $0xb8;
	[tilespmem:$0x10780] =	vst v63  }
0x71: {  	s14 =	simm.s32 @!p0 $0x1  }
0x72: {  	_ =	swait.ge @!p0 [sflag:s14], $0x800  }
0x73: {  	[sflag:s14] =	ssyncset.done @!p0 $0x0  }
0x74: {  	s19 =	simm.s32 @!p0 $0xEF80;
	[sflag:s14] =	ssyncadd.s32 @!p0 $0xFFFFF800;
	s14 =	sadd.s32 @!p0 $0x7A00, s0  }
0x75: {  	[spmem:s2] =	stream.indirect.scatter.add.f32 @!p0 [tilespmem:s19], [sflag:$0x2], $0x10, s14, s17, $0xb8;
	[tilespmem:$0x10780] =	vst v63  }
0x76: {  	s14 =	simm.s32 @!p0 $0x2  }
0x77: {  	_ =	swait.ge @!p0 [sflag:s14], $0x800  }
0x78: {  	[sflag:s14] =	ssyncset.done @!p0 $0x0  }
0x79: {  	s0 =	sadd.s32 @!p0 $0x2C00, s0;
	[sflag:s14] =	ssyncadd.s32 @!p0 $0xFFFFF800;
	s14 =	simm.s32 @!p0 $0xCF80  }
0x7a: {  	[tilespmem:s14], [sflag:$0x1] =	stream.indirect.gather @!p0 [hbm4b:s4+s17], $0x10, s0, s17, $0xb8;
	[tilespmem:$0x10780] =	vst v63  }
0x7b: {  	_ =	swait.ge [sflag:s23], $0x800  }
0x7c: {  	[sflag:s23] =	ssyncset.done $0x0  }
.Ltmp2:
0x7d: {  	s19 =	sadd.s32 $0x7A80, s1;
	[sflag:s23] =	ssyncadd.s32 $0xFFFFF800;
	(pc) =	sbr.rel @p0 .LBB2_4-.Ltmp2, $4  }
0x7e: {  	[spmem:s2] =	stream.indirect.scatter.add.f32 [tilespmem:s26], [sflag:$0x2], $0x10, s19, s15, $0xb8;
	[tilespmem:$0x10780] =	vst v63  }
0x7f: {  	_ =	swait.ge [sflag:s29], $0x800  }
0x80: {  	[sflag:s29] =	ssyncset.done $0x0  }
0x81: {  	s0 =	sadd.s32 $0x7B00, s1;
	[sflag:s29] =	ssyncadd.s32 $0xFFFFF800  }
0x82: {  	s14 =	sadd.s32 $0x2C80, s1  }
0x83: {  	[tilespmem:s20], [sflag:$0x1] =	stream.indirect.gather [hbm4b:s4+s15], $0x10, s14, s15, $0xb8;
	[tilespmem:$0x10780] =	vst v63  }
0x84: {  	_ =	swait.ge [sflag:s23], $0x800  }
0x85: {  	[sflag:s23] =	ssyncset.done $0x0  }
0x86: {  	[sflag:s23] =	ssyncadd.s32 $0xFFFFF800  }
0x87: {  	[spmem:s2] =	stream.indirect.scatter.add.f32 [tilespmem:s28], [sflag:$0x2], $0x10, s0, s15, $0xb8;
	[tilespmem:$0x10780] =	vst v63  }
.Ltmp3:
0x88: {  	_ = 	snop;
	(pc) =	sbr.rel .LBB2_2-.Ltmp3, $4  }
0x89: {  	_ =	swait.ge [sflag:s29], $0x800  }
0x8a: {  	[sflag:s29] =	ssyncset.done $0x0  }
0x8b: {  	s19 =	sadd.s32 $0x2D00, s1;
	s31 =	sadd.s32 $0x1000, s31;
	[sflag:s29] =	ssyncadd.s32 $0xFFFFF800  }
0x8c: {  	[tilespmem:s22], [sflag:$0x1] =	stream.indirect.gather [hbm4b:s4+s15], $0x10, s19, s15, $0xb8;
	[tilespmem:$0x10780] =	vst v63  }
.LBB2_5:
0x8d: {  	_ =	sfence.sel $0x180000  }
0x8e: {  	[bflag:$0x0] =	sbarrier.arrive $0xFFFF  }
0x8f: {  	_ =	strace $0x90000050  }
0x90: {  	s0 =	stileid.u32;
	[bflag:$0x2] =	sbarrier.arrive $0xFFFF  }
0x91: {  	p0 =	sne.s32 s0, $0x0;
	s0 =	rddreg [dreg:$0x2]  }
0x92: {  	s0 =	sadd.s32 @!p0 $0x100000, s0  }
0x93: {  	[sflag:s0] =	ssyncadd.tile.s32 @!p0 $0x1;
	_ =	shalt  }
.Lfunc_end2:
_tile_overlayer_lowered:
.L_overlay_start_2:
0x94: {  	(tag) =	ssettag $0x2  }
0x95: {  	s0 =	rddreg [dreg:$0x0];
	s2 =	stileid.u32  }
0x96: {  	s1 =	rddreg [dreg:$0x1];
	p0 =	sne.s32 s2, $0x0  }
0x97: {  	s3 =	rddreg [dreg:$0x2];
	[bflag:$0x3] =	sbarrier.arrive $0xFFFF;
	s2 =	simm.s32 @!p0 $0x1C03  }
0x98: {  	[timem:s3], [sflag:s2] =	dma.local @!p0 [hbm:s0], s1  }
0x99: {  	s0 =	simm.s32 @!p0 $0x3  }
0x9a: {  	_ =	swait.ge @!p0 [sflag:s0], s1  }
0x9b: {  	s1 =	ssub.s32 @!p0 $0x0, s1;
	[sflag:s0] =	ssyncset.done @!p0 $0x0  }
0x9c: {  	[sflag:s0] =	ssyncadd.s32 @!p0 s1  }
0x9d: {  	[bflag:$0x3] =	sbarrier.arrive $0xFFFF  }
0x9e: {  	_ =	shalt  }

</sc_bundles>
